<compile_context>
chip_gen: v7x
topology: tpu7x:2x2x1
jax: 0.10.2.dev20260603
libtpu: 0.0.44.dev20260713+nightly
codegen_flags: <defaults>
</compile_context>

<pallas_src>
import functools

import jax
import jax.numpy as jnp
from jax import lax
from jax.experimental import pallas as pl
from jax.experimental.pallas import tpu as pltpu
from jax.experimental.pallas import tpu_sc as plsc

ROWS = 128
COLS = 32768
NW = 32
RT = 8
NRT = ROWS // RT
CT = COLS // 128
SC_CT = CT // 4
SC_COLS = SC_CT * 128
RPW = 4
CHT = 32
NCHUNK = SC_CT // CHT
NEG_INF = float("-inf")
I32_MAX = 2147483647

TC_BLK = 1024
TC_NBLK = (COLS - SC_COLS) // TC_BLK


def _combine(av, ai, bv, bi):
    take_b = (bv > av) | ((bv == av) & (bi < ai))
    return jnp.where(take_b, bv, av), jnp.where(take_b, bi, ai)


def _topk1_sc(x4):
    mesh = plsc.VectorSubcoreMesh(core_axis_name="c", subcore_axis_name="s")

    @functools.partial(
        pl.kernel,
        mesh=mesh,
        out_type=(
            jax.ShapeDtypeStruct((NW * 16,), jnp.float32),
            jax.ShapeDtypeStruct((NW * 16,), jnp.int32),
        ),
        scratch_types=[
            pltpu.VMEM((CHT, RPW, 128), jnp.float32),
            pltpu.VMEM((CHT, RPW, 128), jnp.float32),
            pltpu.VMEM((RPW, CHT, 1, 128), jnp.float32),
            pltpu.VMEM((16,), jnp.float32),
            pltpu.VMEM((16,), jnp.int32),
            pltpu.SemaphoreType.DMA,
            pltpu.SemaphoreType.DMA,
            pltpu.SemaphoreType.DMA,
        ],
        compiler_params=pltpu.CompilerParams(skip_device_barrier=True),
    )
    def k(x_hbm, outv_hbm, outi_hbm, buf0, buf1, pbuf, stg_v, stg_i,
          sem0, sem1, sem2):
        cid = lax.axis_index("c")
        sid = lax.axis_index("s")
        wid = cid * 16 + sid
        rt = wid // 2
        r0 = (wid % 2) * RPW
        lane = lax.iota(jnp.int32, 16)

        bufs = (buf0, buf1)
        sems = (sem0, sem1)

        def src(t):
            return x_hbm.at[rt, pl.ds(t * CHT, CHT), pl.ds(r0, RPW)]

        handles = [None] * NCHUNK
        handles[0] = pltpu.async_copy(src(0), bufs[0], sems[0])

        gval = [jnp.full((16,), NEG_INF, jnp.float32) for _ in range(8)]
        gch = [jnp.zeros((16,), jnp.int32) for _ in range(8)]

        for t in range(NCHUNK):
            if t + 1 < NCHUNK:
                s = (t + 1) % 2
                handles[t + 1] = pltpu.async_copy(src(t + 1), bufs[s], sems[s])
            handles[t].wait()
            buf = bufs[t % 2]

            def body(i, carry, buf=buf):
                acc = list(carry)
                for u in range(2):
                    for j in range(8):
                        for r in range(RPW):
                            q = r * 2 + (j % 2)
                            acc[q] = jnp.maximum(
                                acc[q], buf[i * 2 + u, r, pl.ds(j * 16, 16)])
                return tuple(acc)

            init = tuple(jnp.full((16,), NEG_INF, jnp.float32)
                         for _ in range(8))
            cacc = lax.fori_loop(0, CHT // 2, body, init)
            for q in range(8):
                m = cacc[q] > gval[q]
                gval[q] = jnp.where(m, cacc[q], gval[q])
                gch[q] = jnp.where(m, t, gch[q])

        mvecs, cvec_all = [], jnp.zeros((16,), jnp.int32)
        for r in range(RPW):
            v, c = _combine(gval[r * 2], gch[r * 2],
                            gval[r * 2 + 1], gch[r * 2 + 1])
            for dist in (1, 2, 4, 8):
                perm = lane ^ dist
                pv = v.at[perm].get(mode="promise_in_bounds")
                pc = c.at[perm].get(mode="promise_in_bounds")
                v, c = _combine(v, c, pv, pc)
            mvecs.append(v)
            cvec_all = jnp.where(lane == r, c, cvec_all)

        chunk_ids = [cvec_all[r] for r in range(RPW)]
        ph = []
        for r in range(RPW):
            cs = chunk_ids[r]
            ph.append(pltpu.async_copy(
                x_hbm.at[rt, pl.ds(cs * CHT, CHT), pl.ds(r0 + r, 1)],
                pbuf.at[r], sem2))

        res_v = jnp.zeros((16,), jnp.float32)
        res_i = jnp.zeros((16,), jnp.int32)
        for r in range(RPW):
            ph[r].wait()
            cs = chunk_ids[r]
            cur0 = lane + cs * (CHT * 128)

            def body2(i, carry, r=r, mv=mvecs[r]):
                cur, imin = carry
                for j in range(8):
                    v = pbuf[r, i, 0, pl.ds(j * 16, 16)]
                    eq = v == mv
                    cand = jnp.where(eq, cur + j * 16, I32_MAX)
                    imin = jnp.minimum(imin, cand)
                return (cur + 128, imin)

            _, imin = lax.fori_loop(
                0, CHT, body2, (cur0, jnp.full((16,), I32_MAX, jnp.int32)))
            for dist in (1, 2, 4, 8):
                pm = imin.at[lane ^ dist].get(mode="promise_in_bounds")
                imin = jnp.minimum(imin, pm)
            res_v = jnp.where(lane == r, mvecs[r], res_v)
            res_i = jnp.where(lane == r, imin, res_i)

        stg_v[...] = res_v
        stg_i[...] = res_i
        pltpu.sync_copy(stg_v, outv_hbm.at[pl.ds(wid * 16, 16)])
        pltpu.sync_copy(stg_i, outi_hbm.at[pl.ds(wid * 16, 16)])

    return k(x4)


def _tc_half_body(x_ref, outv_ref, outi_ref, acc_v, acc_t):
    t = pl.program_id(0)
    blk = x_ref[...]

    @pl.when(t == 0)
    def _():
        acc_v[...] = blk
        acc_t[...] = jnp.zeros((ROWS, TC_BLK), jnp.int32)

    @pl.when(t > 0)
    def _():
        m = blk > acc_v[...]
        acc_v[...] = jnp.where(m, blk, acc_v[...])
        acc_t[...] = jnp.where(m, t, acc_t[...])

    @pl.when(t == TC_NBLK - 1)
    def _():
        av = acc_v[...]
        rowmax = jnp.max(av, axis=1, keepdims=True)
        pos = jax.lax.broadcasted_iota(jnp.int32, (ROWS, TC_BLK), 1)
        cols = acc_t[...] * TC_BLK + pos + SC_COLS
        cand = jnp.where(av == rowmax, cols, I32_MAX)
        outv_ref[...] = rowmax
        outi_ref[...] = jnp.min(cand, axis=1, keepdims=True)


def _topk1_tc_half(x):
    return pl.pallas_call(
        _tc_half_body,
        grid=(TC_NBLK,),
        in_specs=[pl.BlockSpec((ROWS, TC_BLK),
                               lambda t: (0, (SC_COLS // TC_BLK) + t))],
        out_specs=(pl.BlockSpec((ROWS, 1), lambda t: (0, 0)),
                   pl.BlockSpec((ROWS, 1), lambda t: (0, 0))),
        out_shape=(jax.ShapeDtypeStruct((ROWS, 1), jnp.float32),
                   jax.ShapeDtypeStruct((ROWS, 1), jnp.int32)),
        scratch_shapes=[pltpu.VMEM((ROWS, TC_BLK), jnp.float32),
                        pltpu.VMEM((ROWS, TC_BLK), jnp.int32)],
    )(x)


def _merge_body(av_ref, ai_ref, bv_ref, bi_ref, outv_ref, outi_ref):
    mv, mi = _combine(av_ref[...], ai_ref[...], bv_ref[...], bi_ref[...])
    outv_ref[...] = mv
    outi_ref[...] = mi


def _merge(av, ai, bv, bi):
    return pl.pallas_call(
        _merge_body,
        out_shape=(jax.ShapeDtypeStruct((ROWS, 1), jnp.float32),
                   jax.ShapeDtypeStruct((ROWS, 1), jnp.int32)),
    )(av, ai, bv, bi)


def kernel(x):
    x4 = x.reshape(NRT, RT, CT, 128).swapaxes(1, 2)
    scv, sci = _topk1_sc(x4)
    tcv, tci = _topk1_tc_half(x)
    av = scv.reshape(NW, 16)[:, :RPW].reshape(ROWS, 1)
    ai = sci.reshape(NW, 16)[:, :RPW].reshape(ROWS, 1)
    vals, idxs = _merge(av, ai, tcv, tci)
    return vals, idxs

# --- scband reference (transcript-rebuilt; emitter-appended) ---
"""Pipeline reference for scband-topk-test-52149492908365 (READ-ONLY COPY).

The authoritative reference and input builder live on the scoring server;
editing this copy changes nothing except your own understanding.
"""

import jax, jax.numpy as jnp
import numpy as np


def setup_inputs(seed: int = 0) -> dict:
    key = jax.random.key(seed)
    x = jax.random.normal(key, (128, 32768), dtype=jnp.float32)
    return {"x": x}


def reference(x):
    # Faithful translation of torch.Tensor.topk(1, -1): returns (values, indices)
    values, indices = jax.lax.top_k(x, 1)
    return values, indices

if __name__ == "__main__":
    import jax
    _d = setup_inputs()
    print(jax.jit(kernel)(*tuple(_d.values())))

</pallas_src>

<mosaic_0001>
#map = affine_map<(d0, d1) -> (0, 0, 0, 0)>
#map1 = affine_map<(d0, d1) -> (0)>
module attributes {stable_mosaic.version = 14 : i64} {
  func.func @k(%arg0: i32, %arg1: i32, %arg2: memref<16x256x8x128xf32, #tpu.memory_space<hbm>>, %arg3: memref<512xf32, #tpu.memory_space<hbm>>, %arg4: memref<512xi32, #tpu.memory_space<hbm>>, %arg5: memref<32x4x128xf32, #tpu.memory_space<vmem>>, %arg6: memref<32x4x128xf32, #tpu.memory_space<vmem>>, %arg7: memref<4x32x1x128xf32, #tpu.memory_space<vmem>>, %arg8: memref<16xf32, #tpu.memory_space<vmem>>, %arg9: memref<16xi32, #tpu.memory_space<vmem>>, %arg10: memref<!tpu.dma_semaphore, #tpu.memory_space<semaphore_mem>>, %arg11: memref<!tpu.dma_semaphore, #tpu.memory_space<semaphore_mem>>, %arg12: memref<!tpu.dma_semaphore, #tpu.memory_space<semaphore_mem>>) attributes {dimension_semantics = [#tpu.dimension_semantics<core_parallel>, #tpu.dimension_semantics<subcore_parallel>], iteration_bounds = array<i64: 2, 16>, scalar_prefetch = 0 : i64, scratch_operands = 8 : i64, tpu.core_type = #tpu.core_type<sc_vector_subcore>, window_params = [{transform_indices = #map}, {transform_indices = #map1}, {transform_indices = #map1}]} {
    %mul3A = arith.constant 16 : i32
    %mul3A_0 = arith.muli %arg0, %mul3A : i32
    %add3A = arith.addi %mul3A_0, %arg1 : i32
    %jit3A = arith.constant 2 : i32
    %div3A = arith.divsi %add3A, %jit3A : i32
    %sign3A = arith.constant 0 : i32
    %sign3A_1 = arith.cmpi sgt, %add3A, %sign3A : i32
    %sign3A_2 = arith.extui %sign3A_1 : i1 to i32
    %sign3A_3 = arith.constant 0 : i32
    %sign3A_4 = arith.cmpi slt, %add3A, %sign3A_3 : i32
    %sign3A_5 = arith.extui %sign3A_4 : i1 to i32
    %sign3A_6 = arith.subi %sign3A_2, %sign3A_5 : i32
    %sign3A_7 = arith.constant 0 : i32
    %sign3A_8 = arith.cmpi sgt, %jit3A, %sign3A_7 : i32
    %sign3A_9 = arith.extui %sign3A_8 : i1 to i32
    %sign3A_10 = arith.constant 0 : i32
    %sign3A_11 = arith.cmpi slt, %jit3A, %sign3A_10 : i32
    %sign3A_12 = arith.extui %sign3A_11 : i1 to i32
    %sign3A_13 = arith.subi %sign3A_9, %sign3A_12 : i32
    %ne3A = arith.cmpi ne, %sign3A_6, %sign3A_13 : i32
    %rem3A = arith.remsi %add3A, %jit3A : i32
    %ne3A_14 = arith.constant 0 : i32
    %ne3A_15 = arith.cmpi ne, %rem3A, %ne3A_14 : i32
    %and3A = arith.andi %ne3A, %ne3A_15 : i1
    %sub3A = arith.constant 1 : i32
    %sub3A_16 = arith.subi %div3A, %sub3A : i32
    %select_n3A = arith.select %and3A, %sub3A_16, %div3A : i32
    %jit3A_17 = arith.constant 2 : i32
    %eq3A = arith.constant 0 : i32
    %eq3A_18 = arith.cmpi eq, %jit3A_17, %eq3A : i32
    %jit3A_19 = arith.constant 1 : i32
    %select_n3A_20 = arith.select %eq3A_18, %jit3A_19, %jit3A_17 : i32
    %rem3A_21 = arith.remsi %add3A, %select_n3A_20 : i32
    %ne3A_22 = arith.constant 0 : i32
    %ne3A_23 = arith.cmpi ne, %rem3A_21, %ne3A_22 : i32
    %lt3A = arith.constant 0 : i32
    %lt3A_24 = arith.cmpi slt, %rem3A_21, %lt3A : i32
    %lt3A_25 = arith.constant 0 : i32
    %lt3A_26 = arith.cmpi slt, %select_n3A_20, %lt3A_25 : i32
    %ne3A_27 = arith.xori %lt3A_24, %lt3A_26 : i1
    %and3A_28 = arith.andi %ne3A_27, %ne3A_23 : i1
    %add3A_29 = arith.addi %rem3A_21, %select_n3A_20 : i32
    %select_n3A_30 = arith.select %and3A_28, %add3A_29, %rem3A_21 : i32
    %mul3A_31 = arith.constant 4 : i32
    %mul3A_32 = arith.muli %select_n3A_30, %mul3A_31 : i32
    %iota3A = tpu.iota {dimensions = array<i32: 0>} : vector<16xi32>
    %dma_start3A = arith.constant 0 : i32
    %dma_start3A_33 = arith.constant 0 : i32
    %dma_start3A_34 = tpu.memref_slice %arg2[%select_n3A, %dma_start3A, %mul3A_32, %dma_start3A_33] : memref<16x256x8x128xf32, #tpu.memory_space<hbm>> -> memref<1x32x4x128xf32, #tpu.memory_space<hbm>>
    %dma_start3A_35 = tpu.memref_squeeze %dma_start3A_34 : memref<1x32x4x128xf32, #tpu.memory_space<hbm>> -> memref<32x4x128xf32, #tpu.memory_space<hbm>>
    %dma_start3A_36 = arith.constant 0 : i32
    %dma_start3A_37 = arith.constant 0 : i32
    %dma_start3A_38 = tpu.memref_slice %arg2[%select_n3A, %dma_start3A_36, %mul3A_32, %dma_start3A_37] : memref<16x256x8x128xf32, #tpu.memory_space<hbm>> -> memref<1x32x4x128xf32, #tpu.memory_space<hbm>>
    %dma_start3A_39 = tpu.memref_squeeze %dma_start3A_38 : memref<1x32x4x128xf32, #tpu.memory_space<hbm>> -> memref<32x4x128xf32, #tpu.memory_space<hbm>>
    tpu.enqueue_dma source(%dma_start3A_39 : memref<32x4x128xf32, #tpu.memory_space<hbm>>) target(%arg5 : memref<32x4x128xf32, #tpu.memory_space<vmem>>) target_semaphore(%arg10 : memref<!tpu.dma_semaphore, #tpu.memory_space<semaphore_mem>>)
    %broadcast_in_dim3A = arith.constant 0xFF800000 : f32
    %broadcast_in_dim3A_40 = vector.broadcast %broadcast_in_dim3A : f32 to vector<16xf32>
    %broadcast_in_dim3A_41 = arith.constant 0xFF800000 : f32
    %broadcast_in_dim3A_42 = vector.broadcast %broadcast_in_dim3A_41 : f32 to vector<16xf32>
    %broadcast_in_dim3A_43 = arith.constant 0xFF800000 : f32
    %broadcast_in_dim3A_44 = vector.broadcast %broadcast_in_dim3A_43 : f32 to vector<16xf32>
    %broadcast_in_dim3A_45 = arith.constant 0xFF800000 : f32
    %broadcast_in_dim3A_46 = vector.broadcast %broadcast_in_dim3A_45 : f32 to vector<16xf32>
    %broadcast_in_dim3A_47 = arith.constant 0xFF800000 : f32
    %broadcast_in_dim3A_48 = vector.broadcast %broadcast_in_dim3A_47 : f32 to vector<16xf32>
    %broadcast_in_dim3A_49 = arith.constant 0xFF800000 : f32
    %broadcast_in_dim3A_50 = vector.broadcast %broadcast_in_dim3A_49 : f32 to vector<16xf32>
    %broadcast_in_dim3A_51 = arith.constant 0xFF800000 : f32
    %broadcast_in_dim3A_52 = vector.broadcast %broadcast_in_dim3A_51 : f32 to vector<16xf32>
    %broadcast_in_dim3A_53 = arith.constant 0xFF800000 : f32
    %broadcast_in_dim3A_54 = vector.broadcast %broadcast_in_dim3A_53 : f32 to vector<16xf32>
    %broadcast_in_dim3A_55 = arith.constant 0 : i32
    %broadcast_in_dim3A_56 = vector.broadcast %broadcast_in_dim3A_55 : i32 to vector<16xi32>
    %broadcast_in_dim3A_57 = arith.constant 0 : i32
    %broadcast_in_dim3A_58 = vector.broadcast %broadcast_in_dim3A_57 : i32 to vector<16xi32>
    %broadcast_in_dim3A_59 = arith.constant 0 : i32
    %broadcast_in_dim3A_60 = vector.broadcast %broadcast_in_dim3A_59 : i32 to vector<16xi32>
    %broadcast_in_dim3A_61 = arith.constant 0 : i32
    %broadcast_in_dim3A_62 = vector.broadcast %broadcast_in_dim3A_61 : i32 to vector<16xi32>
    %broadcast_in_dim3A_63 = arith.constant 0 : i32
    %broadcast_in_dim3A_64 = vector.broadcast %broadcast_in_dim3A_63 : i32 to vector<16xi32>
    %broadcast_in_dim3A_65 = arith.constant 0 : i32
    %broadcast_in_dim3A_66 = vector.broadcast %broadcast_in_dim3A_65 : i32 to vector<16xi32>
    %broadcast_in_dim3A_67 = arith.constant 0 : i32
    %broadcast_in_dim3A_68 = vector.broadcast %broadcast_in_dim3A_67 : i32 to vector<16xi32>
    %broadcast_in_dim3A_69 = arith.constant 0 : i32
    %broadcast_in_dim3A_70 = vector.broadcast %broadcast_in_dim3A_69 : i32 to vector<16xi32>
    %dma_start3A_71 = arith.constant 32 : i32
    %dma_start3A_72 = arith.constant 0 : i32
    %dma_start3A_73 = tpu.memref_slice %arg2[%select_n3A, %dma_start3A_71, %mul3A_32, %dma_start3A_72] : memref<16x256x8x128xf32, #tpu.memory_space<hbm>> -> memref<1x32x4x128xf32, #tpu.memory_space<hbm>>
    %dma_start3A_74 = tpu.memref_squeeze %dma_start3A_73 : memref<1x32x4x128xf32, #tpu.memory_space<hbm>> -> memref<32x4x128xf32, #tpu.memory_space<hbm>>
    %dma_start3A_75 = arith.constant 32 : i32
    %dma_start3A_76 = arith.constant 0 : i32
    %dma_start3A_77 = tpu.memref_slice %arg2[%select_n3A, %dma_start3A_75, %mul3A_32, %dma_start3A_76] : memref<16x256x8x128xf32, #tpu.memory_space<hbm>> -> memref<1x32x4x128xf32, #tpu.memory_space<hbm>>
    %dma_start3A_78 = tpu.memref_squeeze %dma_start3A_77 : memref<1x32x4x128xf32, #tpu.memory_space<hbm>> -> memref<32x4x128xf32, #tpu.memory_space<hbm>>
    tpu.enqueue_dma source(%dma_start3A_78 : memref<32x4x128xf32, #tpu.memory_space<hbm>>) target(%arg6 : memref<32x4x128xf32, #tpu.memory_space<vmem>>) target_semaphore(%arg11 : memref<!tpu.dma_semaphore, #tpu.memory_space<semaphore_mem>>)
    %dma_wait3A = arith.constant 0 : i32
    %dma_wait3A_79 = arith.constant 0 : i32
    %dma_wait3A_80 = tpu.memref_slice %arg2[%select_n3A, %dma_wait3A, %mul3A_32, %dma_wait3A_79] : memref<16x256x8x128xf32, #tpu.memory_space<hbm>> -> memref<1x32x4x128xf32, #tpu.memory_space<hbm>>
    %dma_wait3A_81 = tpu.memref_squeeze %dma_wait3A_80 : memref<1x32x4x128xf32, #tpu.memory_space<hbm>> -> memref<32x4x128xf32, #tpu.memory_space<hbm>>
    %dma_wait3A_82 = arith.constant 0 : i32
    %dma_wait3A_83 = arith.constant 0 : i32
    %dma_wait3A_84 = tpu.memref_slice %arg2[%select_n3A, %dma_wait3A_82, %mul3A_32, %dma_wait3A_83] : memref<16x256x8x128xf32, #tpu.memory_space<hbm>> -> memref<1x32x4x128xf32, #tpu.memory_space<hbm>>
    %dma_wait3A_85 = tpu.memref_squeeze %dma_wait3A_84 : memref<1x32x4x128xf32, #tpu.memory_space<hbm>> -> memref<32x4x128xf32, #tpu.memory_space<hbm>>
    tpu.wait_dma2 semaphore(%arg10 : memref<!tpu.dma_semaphore, #tpu.memory_space<semaphore_mem>>) src(%dma_wait3A_85 : memref<32x4x128xf32, #tpu.memory_space<hbm>>) dst(%arg5 : memref<32x4x128xf32, #tpu.memory_space<vmem>>)
    %broadcast_in_dim3A_86 = arith.constant 0xFF800000 : f32
    %broadcast_in_dim3A_87 = vector.broadcast %broadcast_in_dim3A_86 : f32 to vector<16xf32>
    %broadcast_in_dim3A_88 = arith.constant 0xFF800000 : f32
    %broadcast_in_dim3A_89 = vector.broadcast %broadcast_in_dim3A_88 : f32 to vector<16xf32>
    %broadcast_in_dim3A_90 = arith.constant 0xFF800000 : f32
    %broadcast_in_dim3A_91 = vector.broadcast %broadcast_in_dim3A_90 : f32 to vector<16xf32>
    %broadcast_in_dim3A_92 = arith.constant 0xFF800000 : f32
    %broadcast_in_dim3A_93 = vector.broadcast %broadcast_in_dim3A_92 : f32 to vector<16xf32>
    %broadcast_in_dim3A_94 = arith.constant 0xFF800000 : f32
    %broadcast_in_dim3A_95 = vector.broadcast %broadcast_in_dim3A_94 : f32 to vector<16xf32>
    %broadcast_in_dim3A_96 = arith.constant 0xFF800000 : f32
    %broadcast_in_dim3A_97 = vector.broadcast %broadcast_in_dim3A_96 : f32 to vector<16xf32>
    %broadcast_in_dim3A_98 = arith.constant 0xFF800000 : f32
    %broadcast_in_dim3A_99 = vector.broadcast %broadcast_in_dim3A_98 : f32 to vector<16xf32>
    %broadcast_in_dim3A_100 = arith.constant 0xFF800000 : f32
    %broadcast_in_dim3A_101 = vector.broadcast %broadcast_in_dim3A_100 : f32 to vector<16xf32>
    %scan3A = arith.constant 0 : i32
    %scan3A_102 = arith.constant 16 : i32
    %scan3A_103 = arith.addi %scan3A, %scan3A_102 : i32
    %scan3A_104 = arith.constant 1 : i32
    %scan3A_105:8 = scf.for %scan3A_1215 = %scan3A to %scan3A_103 step %scan3A_104 iter_args(%scan3A_1216 = %broadcast_in_dim3A_87, %scan3A_1217 = %broadcast_in_dim3A_89, %scan3A_1218 = %broadcast_in_dim3A_91, %scan3A_1219 = %broadcast_in_dim3A_93, %scan3A_1220 = %broadcast_in_dim3A_95, %scan3A_1221 = %broadcast_in_dim3A_97, %scan3A_1222 = %broadcast_in_dim3A_99, %scan3A_1223 = %broadcast_in_dim3A_101) -> (vector<16xf32>, vector<16xf32>, vector<16xf32>, vector<16xf32>, vector<16xf32>, vector<16xf32>, vector<16xf32>, vector<16xf32>)  : i32 {
      %mul3A_1224 = arith.constant 2 : i32
      %mul3A_1225 = arith.muli %scan3A_1215, %mul3A_1224 : i32
      %add3A_1226 = arith.constant 0 : i32
      %add3A_1227 = arith.addi %mul3A_1225, %add3A_1226 : i32
      %get3A = arith.constant 0 : i32
      %get3A_1228 = arith.index_cast %add3A_1227 : i32 to index
      %get3A_1229 = arith.index_cast %get3A : i32 to index
      %get3A_1230 = arith.constant 0 : index
      %get3A_1231 = tpu.vector_load %arg5[%get3A_1228, %get3A_1229, %get3A_1230] {strides = array<i32>} : memref<32x4x128xf32, #tpu.memory_space<vmem>>, vector<1x1x16xf32>,
      %get3A_1232 = vector.shape_cast %get3A_1231 : vector<1x1x16xf32> to vector<16xf32>
      %max3A = arith.maximumf %scan3A_1216, %get3A_1232 : vector<16xf32>
      %mul3A_1233 = arith.constant 2 : i32
      %mul3A_1234 = arith.muli %scan3A_1215, %mul3A_1233 : i32
      %add3A_1235 = arith.constant 0 : i32
      %add3A_1236 = arith.addi %mul3A_1234, %add3A_1235 : i32
      %get3A_1237 = arith.constant 1 : i32
      %get3A_1238 = arith.index_cast %add3A_1236 : i32 to index
      %get3A_1239 = arith.index_cast %get3A_1237 : i32 to index
      %get3A_1240 = arith.constant 0 : index
      %get3A_1241 = tpu.vector_load %arg5[%get3A_1238, %get3A_1239, %get3A_1240] {strides = array<i32>} : memref<32x4x128xf32, #tpu.memory_space<vmem>>, vector<1x1x16xf32>,
      %get3A_1242 = vector.shape_cast %get3A_1241 : vector<1x1x16xf32> to vector<16xf32>
      %max3A_1243 = arith.maximumf %scan3A_1218, %get3A_1242 : vector<16xf32>
      %mul3A_1244 = arith.constant 2 : i32
      %mul3A_1245 = arith.muli %scan3A_1215, %mul3A_1244 : i32
      %add3A_1246 = arith.constant 0 : i32
      %add3A_1247 = arith.addi %mul3A_1245, %add3A_1246 : i32
      %get3A_1248 = arith.constant 2 : i32
      %get3A_1249 = arith.index_cast %add3A_1247 : i32 to index
      %get3A_1250 = arith.index_cast %get3A_1248 : i32 to index
      %get3A_1251 = arith.constant 0 : index
      %get3A_1252 = tpu.vector_load %arg5[%get3A_1249, %get3A_1250, %get3A_1251] {strides = array<i32>} : memref<32x4x128xf32, #tpu.memory_space<vmem>>, vector<1x1x16xf32>,
      %get3A_1253 = vector.shape_cast %get3A_1252 : vector<1x1x16xf32> to vector<16xf32>
      %max3A_1254 = arith.maximumf %scan3A_1220, %get3A_1253 : vector<16xf32>
      %mul3A_1255 = arith.constant 2 : i32
      %mul3A_1256 = arith.muli %scan3A_1215, %mul3A_1255 : i32
      %add3A_1257 = arith.constant 0 : i32
      %add3A_1258 = arith.addi %mul3A_1256, %add3A_1257 : i32
      %get3A_1259 = arith.constant 3 : i32
      %get3A_1260 = arith.index_cast %add3A_1258 : i32 to index
      %get3A_1261 = arith.index_cast %get3A_1259 : i32 to index
      %get3A_1262 = arith.constant 0 : index
      %get3A_1263 = tpu.vector_load %arg5[%get3A_1260, %get3A_1261, %get3A_1262] {strides = array<i32>} : memref<32x4x128xf32, #tpu.memory_space<vmem>>, vector<1x1x16xf32>,
      %get3A_1264 = vector.shape_cast %get3A_1263 : vector<1x1x16xf32> to vector<16xf32>
      %max3A_1265 = arith.maximumf %scan3A_1222, %get3A_1264 : vector<16xf32>
      %mul3A_1266 = arith.constant 2 : i32
      %mul3A_1267 = arith.muli %scan3A_1215, %mul3A_1266 : i32
      %add3A_1268 = arith.constant 0 : i32
      %add3A_1269 = arith.addi %mul3A_1267, %add3A_1268 : i32
      %get3A_1270 = arith.constant 0 : i32
      %get3A_1271 = arith.index_cast %add3A_1269 : i32 to index
      %get3A_1272 = arith.index_cast %get3A_1270 : i32 to index
      %get3A_1273 = arith.constant 16 : index
      %get3A_1274 = tpu.vector_load %arg5[%get3A_1271, %get3A_1272, %get3A_1273] {strides = array<i32>} : memref<32x4x128xf32, #tpu.memory_space<vmem>>, vector<1x1x16xf32>,
      %get3A_1275 = vector.shape_cast %get3A_1274 : vector<1x1x16xf32> to vector<16xf32>
      %max3A_1276 = arith.maximumf %scan3A_1217, %get3A_1275 : vector<16xf32>
      %mul3A_1277 = arith.constant 2 : i32
      %mul3A_1278 = arith.muli %scan3A_1215, %mul3A_1277 : i32
      %add3A_1279 = arith.constant 0 : i32
      %add3A_1280 = arith.addi %mul3A_1278, %add3A_1279 : i32
      %get3A_1281 = arith.constant 1 : i32
      %get3A_1282 = arith.index_cast %add3A_1280 : i32 to index
      %get3A_1283 = arith.index_cast %get3A_1281 : i32 to index
      %get3A_1284 = arith.constant 16 : index
      %get3A_1285 = tpu.vector_load %arg5[%get3A_1282, %get3A_1283, %get3A_1284] {strides = array<i32>} : memref<32x4x128xf32, #tpu.memory_space<vmem>>, vector<1x1x16xf32>,
      %get3A_1286 = vector.shape_cast %get3A_1285 : vector<1x1x16xf32> to vector<16xf32>
      %max3A_1287 = arith.maximumf %scan3A_1219, %get3A_1286 : vector<16xf32>
      %mul3A_1288 = arith.constant 2 : i32
      %mul3A_1289 = arith.muli %scan3A_1215, %mul3A_1288 : i32
      %add3A_1290 = arith.constant 0 : i32
      %add3A_1291 = arith.addi %mul3A_1289, %add3A_1290 : i32
      %get3A_1292 = arith.constant 2 : i32
      %get3A_1293 = arith.index_cast %add3A_1291 : i32 to index
      %get3A_1294 = arith.index_cast %get3A_1292 : i32 to index
      %get3A_1295 = arith.constant 16 : index
      %get3A_1296 = tpu.vector_load %arg5[%get3A_1293, %get3A_1294, %get3A_1295] {strides = array<i32>} : memref<32x4x128xf32, #tpu.memory_space<vmem>>, vector<1x1x16xf32>,
      %get3A_1297 = vector.shape_cast %get3A_1296 : vector<1x1x16xf32> to vector<16xf32>
      %max3A_1298 = arith.maximumf %scan3A_1221, %get3A_1297 : vector<16xf32>
      %mul3A_1299 = arith.constant 2 : i32
      %mul3A_1300 = arith.muli %scan3A_1215, %mul3A_1299 : i32
      %add3A_1301 = arith.constant 0 : i32
      %add3A_1302 = arith.addi %mul3A_1300, %add3A_1301 : i32
      %get3A_1303 = arith.constant 3 : i32
      %get3A_1304 = arith.index_cast %add3A_1302 : i32 to index
      %get3A_1305 = arith.index_cast %get3A_1303 : i32 to index
      %get3A_1306 = arith.constant 16 : index
      %get3A_1307 = tpu.vector_load %arg5[%get3A_1304, %get3A_1305, %get3A_1306] {strides = array<i32>} : memref<32x4x128xf32, #tpu.memory_space<vmem>>, vector<1x1x16xf32>,
      %get3A_1308 = vector.shape_cast %get3A_1307 : vector<1x1x16xf32> to vector<16xf32>
      %max3A_1309 = arith.maximumf %scan3A_1223, %get3A_1308 : vector<16xf32>
      %mul3A_1310 = arith.constant 2 : i32
      %mul3A_1311 = arith.muli %scan3A_1215, %mul3A_1310 : i32
      %add3A_1312 = arith.constant 0 : i32
      %add3A_1313 = arith.addi %mul3A_1311, %add3A_1312 : i32
      %get3A_1314 = arith.constant 0 : i32
      %get3A_1315 = arith.index_cast %add3A_1313 : i32 to index
      %get3A_1316 = arith.index_cast %get3A_1314 : i32 to index
      %get3A_1317 = arith.constant 32 : index
      %get3A_1318 = tpu.vector_load %arg5[%get3A_1315, %get3A_1316, %get3A_1317] {strides = array<i32>} : memref<32x4x128xf32, #tpu.memory_space<vmem>>, vector<1x1x16xf32>,
      %get3A_1319 = vector.shape_cast %get3A_1318 : vector<1x1x16xf32> to vector<16xf32>
      %max3A_1320 = arith.maximumf %max3A, %get3A_1319 : vector<16xf32>
      %mul3A_1321 = arith.constant 2 : i32
      %mul3A_1322 = arith.muli %scan3A_1215, %mul3A_1321 : i32
      %add3A_1323 = arith.constant 0 : i32
      %add3A_1324 = arith.addi %mul3A_1322, %add3A_1323 : i32
      %get3A_1325 = arith.constant 1 : i32
      %get3A_1326 = arith.index_cast %add3A_1324 : i32 to index
      %get3A_1327 = arith.index_cast %get3A_1325 : i32 to index
      %get3A_1328 = arith.constant 32 : index
      %get3A_1329 = tpu.vector_load %arg5[%get3A_1326, %get3A_1327, %get3A_1328] {strides = array<i32>} : memref<32x4x128xf32, #tpu.memory_space<vmem>>, vector<1x1x16xf32>,
      %get3A_1330 = vector.shape_cast %get3A_1329 : vector<1x1x16xf32> to vector<16xf32>
      %max3A_1331 = arith.maximumf %max3A_1243, %get3A_1330 : vector<16xf32>
      %mul3A_1332 = arith.constant 2 : i32
      %mul3A_1333 = arith.muli %scan3A_1215, %mul3A_1332 : i32
      %add3A_1334 = arith.constant 0 : i32
      %add3A_1335 = arith.addi %mul3A_1333, %add3A_1334 : i32
      %get3A_1336 = arith.constant 2 : i32
      %get3A_1337 = arith.index_cast %add3A_1335 : i32 to index
      %get3A_1338 = arith.index_cast %get3A_1336 : i32 to index
      %get3A_1339 = arith.constant 32 : index
      %get3A_1340 = tpu.vector_load %arg5[%get3A_1337, %get3A_1338, %get3A_1339] {strides = array<i32>} : memref<32x4x128xf32, #tpu.memory_space<vmem>>, vector<1x1x16xf32>,
      %get3A_1341 = vector.shape_cast %get3A_1340 : vector<1x1x16xf32> to vector<16xf32>
      %max3A_1342 = arith.maximumf %max3A_1254, %get3A_1341 : vector<16xf32>
      %mul3A_1343 = arith.constant 2 : i32
      %mul3A_1344 = arith.muli %scan3A_1215, %mul3A_1343 : i32
      %add3A_1345 = arith.constant 0 : i32
      %add3A_1346 = arith.addi %mul3A_1344, %add3A_1345 : i32
      %get3A_1347 = arith.constant 3 : i32
      %get3A_1348 = arith.index_cast %add3A_1346 : i32 to index
      %get3A_1349 = arith.index_cast %get3A_1347 : i32 to index
      %get3A_1350 = arith.constant 32 : index
      %get3A_1351 = tpu.vector_load %arg5[%get3A_1348, %get3A_1349, %get3A_1350] {strides = array<i32>} : memref<32x4x128xf32, #tpu.memory_space<vmem>>, vector<1x1x16xf32>,
      %get3A_1352 = vector.shape_cast %get3A_1351 : vector<1x1x16xf32> to vector<16xf32>
      %max3A_1353 = arith.maximumf %max3A_1265, %get3A_1352 : vector<16xf32>
      %mul3A_1354 = arith.constant 2 : i32
      %mul3A_1355 = arith.muli %scan3A_1215, %mul3A_1354 : i32
      %add3A_1356 = arith.constant 0 : i32
      %add3A_1357 = arith.addi %mul3A_1355, %add3A_1356 : i32
      %get3A_1358 = arith.constant 0 : i32
      %get3A_1359 = arith.index_cast %add3A_1357 : i32 to index
      %get3A_1360 = arith.index_cast %get3A_1358 : i32 to index
      %get3A_1361 = arith.constant 48 : index
      %get3A_1362 = tpu.vector_load %arg5[%get3A_1359, %get3A_1360, %get3A_1361] {strides = array<i32>} : memref<32x4x128xf32, #tpu.memory_space<vmem>>, vector<1x1x16xf32>,
      %get3A_1363 = vector.shape_cast %get3A_1362 : vector<1x1x16xf32> to vector<16xf32>
      %max3A_1364 = arith.maximumf %max3A_1276, %get3A_1363 : vector<16xf32>
      %mul3A_1365 = arith.constant 2 : i32
      %mul3A_1366 = arith.muli %scan3A_1215, %mul3A_1365 : i32
      %add3A_1367 = arith.constant 0 : i32
      %add3A_1368 = arith.addi %mul3A_1366, %add3A_1367 : i32
      %get3A_1369 = arith.constant 1 : i32
      %get3A_1370 = arith.index_cast %add3A_1368 : i32 to index
      %get3A_1371 = arith.index_cast %get3A_1369 : i32 to index
      %get3A_1372 = arith.constant 48 : index
      %get3A_1373 = tpu.vector_load %arg5[%get3A_1370, %get3A_1371, %get3A_1372] {strides = array<i32>} : memref<32x4x128xf32, #tpu.memory_space<vmem>>, vector<1x1x16xf32>,
      %get3A_1374 = vector.shape_cast %get3A_1373 : vector<1x1x16xf32> to vector<16xf32>
      %max3A_1375 = arith.maximumf %max3A_1287, %get3A_1374 : vector<16xf32>
      %mul3A_1376 = arith.constant 2 : i32
      %mul3A_1377 = arith.muli %scan3A_1215, %mul3A_1376 : i32
      %add3A_1378 = arith.constant 0 : i32
      %add3A_1379 = arith.addi %mul3A_1377, %add3A_1378 : i32
      %get3A_1380 = arith.constant 2 : i32
      %get3A_1381 = arith.index_cast %add3A_1379 : i32 to index
      %get3A_1382 = arith.index_cast %get3A_1380 : i32 to index
      %get3A_1383 = arith.constant 48 : index
      %get3A_1384 = tpu.vector_load %arg5[%get3A_1381, %get3A_1382, %get3A_1383] {strides = array<i32>} : memref<32x4x128xf32, #tpu.memory_space<vmem>>, vector<1x1x16xf32>,
      %get3A_1385 = vector.shape_cast %get3A_1384 : vector<1x1x16xf32> to vector<16xf32>
      %max3A_1386 = arith.maximumf %max3A_1298, %get3A_1385 : vector<16xf32>
      %mul3A_1387 = arith.constant 2 : i32
      %mul3A_1388 = arith.muli %scan3A_1215, %mul3A_1387 : i32
      %add3A_1389 = arith.constant 0 : i32
      %add3A_1390 = arith.addi %mul3A_1388, %add3A_1389 : i32
      %get3A_1391 = arith.constant 3 : i32
      %get3A_1392 = arith.index_cast %add3A_1390 : i32 to index
      %get3A_1393 = arith.index_cast %get3A_1391 : i32 to index
      %get3A_1394 = arith.constant 48 : index
      %get3A_1395 = tpu.vector_load %arg5[%get3A_1392, %get3A_1393, %get3A_1394] {strides = array<i32>} : memref<32x4x128xf32, #tpu.memory_space<vmem>>, vector<1x1x16xf32>,
      %get3A_1396 = vector.shape_cast %get3A_1395 : vector<1x1x16xf32> to vector<16xf32>
      %max3A_1397 = arith.maximumf %max3A_1309, %get3A_1396 : vector<16xf32>
      %mul3A_1398 = arith.constant 2 : i32
      %mul3A_1399 = arith.muli %scan3A_1215, %mul3A_1398 : i32
      %add3A_1400 = arith.constant 0 : i32
      %add3A_1401 = arith.addi %mul3A_1399, %add3A_1400 : i32
      %get3A_1402 = arith.constant 0 : i32
      %get3A_1403 = arith.index_cast %add3A_1401 : i32 to index
      %get3A_1404 = arith.index_cast %get3A_1402 : i32 to index
      %get3A_1405 = arith.constant 64 : index
      %get3A_1406 = tpu.vector_load %arg5[%get3A_1403, %get3A_1404, %get3A_1405] {strides = array<i32>} : memref<32x4x128xf32, #tpu.memory_space<vmem>>, vector<1x1x16xf32>,
      %get3A_1407 = vector.shape_cast %get3A_1406 : vector<1x1x16xf32> to vector<16xf32>
      %max3A_1408 = arith.maximumf %max3A_1320, %get3A_1407 : vector<16xf32>
      %mul3A_1409 = arith.constant 2 : i32
      %mul3A_1410 = arith.muli %scan3A_1215, %mul3A_1409 : i32
      %add3A_1411 = arith.constant 0 : i32
      %add3A_1412 = arith.addi %mul3A_1410, %add3A_1411 : i32
      %get3A_1413 = arith.constant 1 : i32
      %get3A_1414 = arith.index_cast %add3A_1412 : i32 to index
      %get3A_1415 = arith.index_cast %get3A_1413 : i32 to index
      %get3A_1416 = arith.constant 64 : index
      %get3A_1417 = tpu.vector_load %arg5[%get3A_1414, %get3A_1415, %get3A_1416] {strides = array<i32>} : memref<32x4x128xf32, #tpu.memory_space<vmem>>, vector<1x1x16xf32>,
      %get3A_1418 = vector.shape_cast %get3A_1417 : vector<1x1x16xf32> to vector<16xf32>
      %max3A_1419 = arith.maximumf %max3A_1331, %get3A_1418 : vector<16xf32>
      %mul3A_1420 = arith.constant 2 : i32
      %mul3A_1421 = arith.muli %scan3A_1215, %mul3A_1420 : i32
      %add3A_1422 = arith.constant 0 : i32
      %add3A_1423 = arith.addi %mul3A_1421, %add3A_1422 : i32
      %get3A_1424 = arith.constant 2 : i32
      %get3A_1425 = arith.index_cast %add3A_1423 : i32 to index
      %get3A_1426 = arith.index_cast %get3A_1424 : i32 to index
      %get3A_1427 = arith.constant 64 : index
      %get3A_1428 = tpu.vector_load %arg5[%get3A_1425, %get3A_1426, %get3A_1427] {strides = array<i32>} : memref<32x4x128xf32, #tpu.memory_space<vmem>>, vector<1x1x16xf32>,
      %get3A_1429 = vector.shape_cast %get3A_1428 : vector<1x1x16xf32> to vector<16xf32>
      %max3A_1430 = arith.maximumf %max3A_1342, %get3A_1429 : vector<16xf32>
      %mul3A_1431 = arith.constant 2 : i32
      %mul3A_1432 = arith.muli %scan3A_1215, %mul3A_1431 : i32
      %add3A_1433 = arith.constant 0 : i32
      %add3A_1434 = arith.addi %mul3A_1432, %add3A_1433 : i32
      %get3A_1435 = arith.constant 3 : i32
      %get3A_1436 = arith.index_cast %add3A_1434 : i32 to index
      %get3A_1437 = arith.index_cast %get3A_1435 : i32 to index
      %get3A_1438 = arith.constant 64 : index
      %get3A_1439 = tpu.vector_load %arg5[%get3A_1436, %get3A_1437, %get3A_1438] {strides = array<i32>} : memref<32x4x128xf32, #tpu.memory_space<vmem>>, vector<1x1x16xf32>,
      %get3A_1440 = vector.shape_cast %get3A_1439 : vector<1x1x16xf32> to vector<16xf32>
      %max3A_1441 = arith.maximumf %max3A_1353, %get3A_1440 : vector<16xf32>
      %mul3A_1442 = arith.constant 2 : i32
      %mul3A_1443 = arith.muli %scan3A_1215, %mul3A_1442 : i32
      %add3A_1444 = arith.constant 0 : i32
      %add3A_1445 = arith.addi %mul3A_1443, %add3A_1444 : i32
      %get3A_1446 = arith.constant 0 : i32
      %get3A_1447 = arith.index_cast %add3A_1445 : i32 to index
      %get3A_1448 = arith.index_cast %get3A_1446 : i32 to index
      %get3A_1449 = arith.constant 80 : index
      %get3A_1450 = tpu.vector_load %arg5[%get3A_1447, %get3A_1448, %get3A_1449] {strides = array<i32>} : memref<32x4x128xf32, #tpu.memory_space<vmem>>, vector<1x1x16xf32>,
      %get3A_1451 = vector.shape_cast %get3A_1450 : vector<1x1x16xf32> to vector<16xf32>
      %max3A_1452 = arith.maximumf %max3A_1364, %get3A_1451 : vector<16xf32>
      %mul3A_1453 = arith.constant 2 : i32
      %mul3A_1454 = arith.muli %scan3A_1215, %mul3A_1453 : i32
      %add3A_1455 = arith.constant 0 : i32
      %add3A_1456 = arith.addi %mul3A_1454, %add3A_1455 : i32
      %get3A_1457 = arith.constant 1 : i32
      %get3A_1458 = arith.index_cast %add3A_1456 : i32 to index
      %get3A_1459 = arith.index_cast %get3A_1457 : i32 to index
      %get3A_1460 = arith.constant 80 : index
      %get3A_1461 = tpu.vector_load %arg5[%get3A_1458, %get3A_1459, %get3A_1460] {strides = array<i32>} : memref<32x4x128xf32, #tpu.memory_space<vmem>>, vector<1x1x16xf32>,
      %get3A_1462 = vector.shape_cast %get3A_1461 : vector<1x1x16xf32> to vector<16xf32>
      %max3A_1463 = arith.maximumf %max3A_1375, %get3A_1462 : vector<16xf32>
      %mul3A_1464 = arith.constant 2 : i32
      %mul3A_1465 = arith.muli %scan3A_1215, %mul3A_1464 : i32
      %add3A_1466 = arith.constant 0 : i32
      %add3A_1467 = arith.addi %mul3A_1465, %add3A_1466 : i32
      %get3A_1468 = arith.constant 2 : i32
      %get3A_1469 = arith.index_cast %add3A_1467 : i32 to index
      %get3A_1470 = arith.index_cast %get3A_1468 : i32 to index
      %get3A_1471 = arith.constant 80 : index
      %get3A_1472 = tpu.vector_load %arg5[%get3A_1469, %get3A_1470, %get3A_1471] {strides = array<i32>} : memref<32x4x128xf32, #tpu.memory_space<vmem>>, vector<1x1x16xf32>,
      %get3A_1473 = vector.shape_cast %get3A_1472 : vector<1x1x16xf32> to vector<16xf32>
      %max3A_1474 = arith.maximumf %max3A_1386, %get3A_1473 : vector<16xf32>
      %mul3A_1475 = arith.constant 2 : i32
      %mul3A_1476 = arith.muli %scan3A_1215, %mul3A_1475 : i32
      %add3A_1477 = arith.constant 0 : i32
      %add3A_1478 = arith.addi %mul3A_1476, %add3A_1477 : i32
      %get3A_1479 = arith.constant 3 : i32
      %get3A_1480 = arith.index_cast %add3A_1478 : i32 to index
      %get3A_1481 = arith.index_cast %get3A_1479 : i32 to index
      %get3A_1482 = arith.constant 80 : index
      %get3A_1483 = tpu.vector_load %arg5[%get3A_1480, %get3A_1481, %get3A_1482] {strides = array<i32>} : memref<32x4x128xf32, #tpu.memory_space<vmem>>, vector<1x1x16xf32>,
      %get3A_1484 = vector.shape_cast %get3A_1483 : vector<1x1x16xf32> to vector<16xf32>
      %max3A_1485 = arith.maximumf %max3A_1397, %get3A_1484 : vector<16xf32>
      %mul3A_1486 = arith.constant 2 : i32
      %mul3A_1487 = arith.muli %scan3A_1215, %mul3A_1486 : i32
      %add3A_1488 = arith.constant 0 : i32
      %add3A_1489 = arith.addi %mul3A_1487, %add3A_1488 : i32
      %get3A_1490 = arith.constant 0 : i32
      %get3A_1491 = arith.index_cast %add3A_1489 : i32 to index
      %get3A_1492 = arith.index_cast %get3A_1490 : i32 to index
      %get3A_1493 = arith.constant 96 : index
      %get3A_1494 = tpu.vector_load %arg5[%get3A_1491, %get3A_1492, %get3A_1493] {strides = array<i32>} : memref<32x4x128xf32, #tpu.memory_space<vmem>>, vector<1x1x16xf32>,
      %get3A_1495 = vector.shape_cast %get3A_1494 : vector<1x1x16xf32> to vector<16xf32>
      %max3A_1496 = arith.maximumf %max3A_1408, %get3A_1495 : vector<16xf32>
      %mul3A_1497 = arith.constant 2 : i32
      %mul3A_1498 = arith.muli %scan3A_1215, %mul3A_1497 : i32
      %add3A_1499 = arith.constant 0 : i32
      %add3A_1500 = arith.addi %mul3A_1498, %add3A_1499 : i32
      %get3A_1501 = arith.constant 1 : i32
      %get3A_1502 = arith.index_cast %add3A_1500 : i32 to index
      %get3A_1503 = arith.index_cast %get3A_1501 : i32 to index
      %get3A_1504 = arith.constant 96 : index
      %get3A_1505 = tpu.vector_load %arg5[%get3A_1502, %get3A_1503, %get3A_1504] {strides = array<i32>} : memref<32x4x128xf32, #tpu.memory_space<vmem>>, vector<1x1x16xf32>,
      %get3A_1506 = vector.shape_cast %get3A_1505 : vector<1x1x16xf32> to vector<16xf32>
      %max3A_1507 = arith.maximumf %max3A_1419, %get3A_1506 : vector<16xf32>
      %mul3A_1508 = arith.constant 2 : i32
      %mul3A_1509 = arith.muli %scan3A_1215, %mul3A_1508 : i32
      %add3A_1510 = arith.constant 0 : i32
      %add3A_1511 = arith.addi %mul3A_1509, %add3A_1510 : i32
      %get3A_1512 = arith.constant 2 : i32
      %get3A_1513 = arith.index_cast %add3A_1511 : i32 to index
      %get3A_1514 = arith.index_cast %get3A_1512 : i32 to index
      %get3A_1515 = arith.constant 96 : index
      %get3A_1516 = tpu.vector_load %arg5[%get3A_1513, %get3A_1514, %get3A_1515] {strides = array<i32>} : memref<32x4x128xf32, #tpu.memory_space<vmem>>, vector<1x1x16xf32>,
      %get3A_1517 = vector.shape_cast %get3A_1516 : vector<1x1x16xf32> to vector<16xf32>
      %max3A_1518 = arith.maximumf %max3A_1430, %get3A_1517 : vector<16xf32>
      %mul3A_1519 = arith.constant 2 : i32
      %mul3A_1520 = arith.muli %scan3A_1215, %mul3A_1519 : i32
      %add3A_1521 = arith.constant 0 : i32
      %add3A_1522 = arith.addi %mul3A_1520, %add3A_1521 : i32
      %get3A_1523 = arith.constant 3 : i32
      %get3A_1524 = arith.index_cast %add3A_1522 : i32 to index
      %get3A_1525 = arith.index_cast %get3A_1523 : i32 to index
      %get3A_1526 = arith.constant 96 : index
      %get3A_1527 = tpu.vector_load %arg5[%get3A_1524, %get3A_1525, %get3A_1526] {strides = array<i32>} : memref<32x4x128xf32, #tpu.memory_space<vmem>>, vector<1x1x16xf32>,
      %get3A_1528 = vector.shape_cast %get3A_1527 : vector<1x1x16xf32> to vector<16xf32>
      %max3A_1529 = arith.maximumf %max3A_1441, %get3A_1528 : vector<16xf32>
      %mul3A_1530 = arith.constant 2 : i32
      %mul3A_1531 = arith.muli %scan3A_1215, %mul3A_1530 : i32
      %add3A_1532 = arith.constant 0 : i32
      %add3A_1533 = arith.addi %mul3A_1531, %add3A_1532 : i32
      %get3A_1534 = arith.constant 0 : i32
      %get3A_1535 = arith.index_cast %add3A_1533 : i32 to index
      %get3A_1536 = arith.index_cast %get3A_1534 : i32 to index
      %get3A_1537 = arith.constant 112 : index
      %get3A_1538 = tpu.vector_load %arg5[%get3A_1535, %get3A_1536, %get3A_1537] {strides = array<i32>} : memref<32x4x128xf32, #tpu.memory_space<vmem>>, vector<1x1x16xf32>,
      %get3A_1539 = vector.shape_cast %get3A_1538 : vector<1x1x16xf32> to vector<16xf32>
      %max3A_1540 = arith.maximumf %max3A_1452, %get3A_1539 : vector<16xf32>
      %mul3A_1541 = arith.constant 2 : i32
      %mul3A_1542 = arith.muli %scan3A_1215, %mul3A_1541 : i32
      %add3A_1543 = arith.constant 0 : i32
      %add3A_1544 = arith.addi %mul3A_1542, %add3A_1543 : i32
      %get3A_1545 = arith.constant 1 : i32
      %get3A_1546 = arith.index_cast %add3A_1544 : i32 to index
      %get3A_1547 = arith.index_cast %get3A_1545 : i32 to index
      %get3A_1548 = arith.constant 112 : index
      %get3A_1549 = tpu.vector_load %arg5[%get3A_1546, %get3A_1547, %get3A_1548] {strides = array<i32>} : memref<32x4x128xf32, #tpu.memory_space<vmem>>, vector<1x1x16xf32>,
      %get3A_1550 = vector.shape_cast %get3A_1549 : vector<1x1x16xf32> to vector<16xf32>
      %max3A_1551 = arith.maximumf %max3A_1463, %get3A_1550 : vector<16xf32>
      %mul3A_1552 = arith.constant 2 : i32
      %mul3A_1553 = arith.muli %scan3A_1215, %mul3A_1552 : i32
      %add3A_1554 = arith.constant 0 : i32
      %add3A_1555 = arith.addi %mul3A_1553, %add3A_1554 : i32
      %get3A_1556 = arith.constant 2 : i32
      %get3A_1557 = arith.index_cast %add3A_1555 : i32 to index
      %get3A_1558 = arith.index_cast %get3A_1556 : i32 to index
      %get3A_1559 = arith.constant 112 : index
      %get3A_1560 = tpu.vector_load %arg5[%get3A_1557, %get3A_1558, %get3A_1559] {strides = array<i32>} : memref<32x4x128xf32, #tpu.memory_space<vmem>>, vector<1x1x16xf32>,
      %get3A_1561 = vector.shape_cast %get3A_1560 : vector<1x1x16xf32> to vector<16xf32>
      %max3A_1562 = arith.maximumf %max3A_1474, %get3A_1561 : vector<16xf32>
      %mul3A_1563 = arith.constant 2 : i32
      %mul3A_1564 = arith.muli %scan3A_1215, %mul3A_1563 : i32
      %add3A_1565 = arith.constant 0 : i32
      %add3A_1566 = arith.addi %mul3A_1564, %add3A_1565 : i32
      %get3A_1567 = arith.constant 3 : i32
      %get3A_1568 = arith.index_cast %add3A_1566 : i32 to index
      %get3A_1569 = arith.index_cast %get3A_1567 : i32 to index
      %get3A_1570 = arith.constant 112 : index
      %get3A_1571 = tpu.vector_load %arg5[%get3A_1568, %get3A_1569, %get3A_1570] {strides = array<i32>} : memref<32x4x128xf32, #tpu.memory_space<vmem>>, vector<1x1x16xf32>,
      %get3A_1572 = vector.shape_cast %get3A_1571 : vector<1x1x16xf32> to vector<16xf32>
      %max3A_1573 = arith.maximumf %max3A_1485, %get3A_1572 : vector<16xf32>
      %mul3A_1574 = arith.constant 2 : i32
      %mul3A_1575 = arith.muli %scan3A_1215, %mul3A_1574 : i32
      %add3A_1576 = arith.constant 1 : i32
      %add3A_1577 = arith.addi %mul3A_1575, %add3A_1576 : i32
      %get3A_1578 = arith.constant 0 : i32
      %get3A_1579 = arith.index_cast %add3A_1577 : i32 to index
      %get3A_1580 = arith.index_cast %get3A_1578 : i32 to index
      %get3A_1581 = arith.constant 0 : index
      %get3A_1582 = tpu.vector_load %arg5[%get3A_1579, %get3A_1580, %get3A_1581] {strides = array<i32>} : memref<32x4x128xf32, #tpu.memory_space<vmem>>, vector<1x1x16xf32>,
      %get3A_1583 = vector.shape_cast %get3A_1582 : vector<1x1x16xf32> to vector<16xf32>
      %max3A_1584 = arith.maximumf %max3A_1496, %get3A_1583 : vector<16xf32>
      %mul3A_1585 = arith.constant 2 : i32
      %mul3A_1586 = arith.muli %scan3A_1215, %mul3A_1585 : i32
      %add3A_1587 = arith.constant 1 : i32
      %add3A_1588 = arith.addi %mul3A_1586, %add3A_1587 : i32
      %get3A_1589 = arith.constant 1 : i32
      %get3A_1590 = arith.index_cast %add3A_1588 : i32 to index
      %get3A_1591 = arith.index_cast %get3A_1589 : i32 to index
      %get3A_1592 = arith.constant 0 : index
      %get3A_1593 = tpu.vector_load %arg5[%get3A_1590, %get3A_1591, %get3A_1592] {strides = array<i32>} : memref<32x4x128xf32, #tpu.memory_space<vmem>>, vector<1x1x16xf32>,
      %get3A_1594 = vector.shape_cast %get3A_1593 : vector<1x1x16xf32> to vector<16xf32>
      %max3A_1595 = arith.maximumf %max3A_1507, %get3A_1594 : vector<16xf32>
      %mul3A_1596 = arith.constant 2 : i32
      %mul3A_1597 = arith.muli %scan3A_1215, %mul3A_1596 : i32
      %add3A_1598 = arith.constant 1 : i32
      %add3A_1599 = arith.addi %mul3A_1597, %add3A_1598 : i32
      %get3A_1600 = arith.constant 2 : i32
      %get3A_1601 = arith.index_cast %add3A_1599 : i32 to index
      %get3A_1602 = arith.index_cast %get3A_1600 : i32 to index
      %get3A_1603 = arith.constant 0 : index
      %get3A_1604 = tpu.vector_load %arg5[%get3A_1601, %get3A_1602, %get3A_1603] {strides = array<i32>} : memref<32x4x128xf32, #tpu.memory_space<vmem>>, vector<1x1x16xf32>,
      %get3A_1605 = vector.shape_cast %get3A_1604 : vector<1x1x16xf32> to vector<16xf32>
      %max3A_1606 = arith.maximumf %max3A_1518, %get3A_1605 : vector<16xf32>
      %mul3A_1607 = arith.constant 2 : i32
      %mul3A_1608 = arith.muli %scan3A_1215, %mul3A_1607 : i32
      %add3A_1609 = arith.constant 1 : i32
      %add3A_1610 = arith.addi %mul3A_1608, %add3A_1609 : i32
      %get3A_1611 = arith.constant 3 : i32
      %get3A_1612 = arith.index_cast %add3A_1610 : i32 to index
      %get3A_1613 = arith.index_cast %get3A_1611 : i32 to index
      %get3A_1614 = arith.constant 0 : index
      %get3A_1615 = tpu.vector_load %arg5[%get3A_1612, %get3A_1613, %get3A_1614] {strides = array<i32>} : memref<32x4x128xf32, #tpu.memory_space<vmem>>, vector<1x1x16xf32>,
      %get3A_1616 = vector.shape_cast %get3A_1615 : vector<1x1x16xf32> to vector<16xf32>
      %max3A_1617 = arith.maximumf %max3A_1529, %get3A_1616 : vector<16xf32>
      %mul3A_1618 = arith.constant 2 : i32
      %mul3A_1619 = arith.muli %scan3A_1215, %mul3A_1618 : i32
      %add3A_1620 = arith.constant 1 : i32
      %add3A_1621 = arith.addi %mul3A_1619, %add3A_1620 : i32
      %get3A_1622 = arith.constant 0 : i32
      %get3A_1623 = arith.index_cast %add3A_1621 : i32 to index
      %get3A_1624 = arith.index_cast %get3A_1622 : i32 to index
      %get3A_1625 = arith.constant 16 : index
      %get3A_1626 = tpu.vector_load %arg5[%get3A_1623, %get3A_1624, %get3A_1625] {strides = array<i32>} : memref<32x4x128xf32, #tpu.memory_space<vmem>>, vector<1x1x16xf32>,
      %get3A_1627 = vector.shape_cast %get3A_1626 : vector<1x1x16xf32> to vector<16xf32>
      %max3A_1628 = arith.maximumf %max3A_1540, %get3A_1627 : vector<16xf32>
      %mul3A_1629 = arith.constant 2 : i32
      %mul3A_1630 = arith.muli %scan3A_1215, %mul3A_1629 : i32
      %add3A_1631 = arith.constant 1 : i32
      %add3A_1632 = arith.addi %mul3A_1630, %add3A_1631 : i32
      %get3A_1633 = arith.constant 1 : i32
      %get3A_1634 = arith.index_cast %add3A_1632 : i32 to index
      %get3A_1635 = arith.index_cast %get3A_1633 : i32 to index
      %get3A_1636 = arith.constant 16 : index
      %get3A_1637 = tpu.vector_load %arg5[%get3A_1634, %get3A_1635, %get3A_1636] {strides = array<i32>} : memref<32x4x128xf32, #tpu.memory_space<vmem>>, vector<1x1x16xf32>,
      %get3A_1638 = vector.shape_cast %get3A_1637 : vector<1x1x16xf32> to vector<16xf32>
      %max3A_1639 = arith.maximumf %max3A_1551, %get3A_1638 : vector<16xf32>
      %mul3A_1640 = arith.constant 2 : i32
      %mul3A_1641 = arith.muli %scan3A_1215, %mul3A_1640 : i32
      %add3A_1642 = arith.constant 1 : i32
      %add3A_1643 = arith.addi %mul3A_1641, %add3A_1642 : i32
      %get3A_1644 = arith.constant 2 : i32
      %get3A_1645 = arith.index_cast %add3A_1643 : i32 to index
      %get3A_1646 = arith.index_cast %get3A_1644 : i32 to index
      %get3A_1647 = arith.constant 16 : index
      %get3A_1648 = tpu.vector_load %arg5[%get3A_1645, %get3A_1646, %get3A_1647] {strides = array<i32>} : memref<32x4x128xf32, #tpu.memory_space<vmem>>, vector<1x1x16xf32>,
      %get3A_1649 = vector.shape_cast %get3A_1648 : vector<1x1x16xf32> to vector<16xf32>
      %max3A_1650 = arith.maximumf %max3A_1562, %get3A_1649 : vector<16xf32>
      %mul3A_1651 = arith.constant 2 : i32
      %mul3A_1652 = arith.muli %scan3A_1215, %mul3A_1651 : i32
      %add3A_1653 = arith.constant 1 : i32
      %add3A_1654 = arith.addi %mul3A_1652, %add3A_1653 : i32
      %get3A_1655 = arith.constant 3 : i32
      %get3A_1656 = arith.index_cast %add3A_1654 : i32 to index
      %get3A_1657 = arith.index_cast %get3A_1655 : i32 to index
      %get3A_1658 = arith.constant 16 : index
      %get3A_1659 = tpu.vector_load %arg5[%get3A_1656, %get3A_1657, %get3A_1658] {strides = array<i32>} : memref<32x4x128xf32, #tpu.memory_space<vmem>>, vector<1x1x16xf32>,
      %get3A_1660 = vector.shape_cast %get3A_1659 : vector<1x1x16xf32> to vector<16xf32>
      %max3A_1661 = arith.maximumf %max3A_1573, %get3A_1660 : vector<16xf32>
      %mul3A_1662 = arith.constant 2 : i32
      %mul3A_1663 = arith.muli %scan3A_1215, %mul3A_1662 : i32
      %add3A_1664 = arith.constant 1 : i32
      %add3A_1665 = arith.addi %mul3A_1663, %add3A_1664 : i32
      %get3A_1666 = arith.constant 0 : i32
      %get3A_1667 = arith.index_cast %add3A_1665 : i32 to index
      %get3A_1668 = arith.index_cast %get3A_1666 : i32 to index
      %get3A_1669 = arith.constant 32 : index
      %get3A_1670 = tpu.vector_load %arg5[%get3A_1667, %get3A_1668, %get3A_1669] {strides = array<i32>} : memref<32x4x128xf32, #tpu.memory_space<vmem>>, vector<1x1x16xf32>,
      %get3A_1671 = vector.shape_cast %get3A_1670 : vector<1x1x16xf32> to vector<16xf32>
      %max3A_1672 = arith.maximumf %max3A_1584, %get3A_1671 : vector<16xf32>
      %mul3A_1673 = arith.constant 2 : i32
      %mul3A_1674 = arith.muli %scan3A_1215, %mul3A_1673 : i32
      %add3A_1675 = arith.constant 1 : i32
      %add3A_1676 = arith.addi %mul3A_1674, %add3A_1675 : i32
      %get3A_1677 = arith.constant 1 : i32
      %get3A_1678 = arith.index_cast %add3A_1676 : i32 to index
      %get3A_1679 = arith.index_cast %get3A_1677 : i32 to index
      %get3A_1680 = arith.constant 32 : index
      %get3A_1681 = tpu.vector_load %arg5[%get3A_1678, %get3A_1679, %get3A_1680] {strides = array<i32>} : memref<32x4x128xf32, #tpu.memory_space<vmem>>, vector<1x1x16xf32>,
      %get3A_1682 = vector.shape_cast %get3A_1681 : vector<1x1x16xf32> to vector<16xf32>
      %max3A_1683 = arith.maximumf %max3A_1595, %get3A_1682 : vector<16xf32>
      %mul3A_1684 = arith.constant 2 : i32
      %mul3A_1685 = arith.muli %scan3A_1215, %mul3A_1684 : i32
      %add3A_1686 = arith.constant 1 : i32
      %add3A_1687 = arith.addi %mul3A_1685, %add3A_1686 : i32
      %get3A_1688 = arith.constant 2 : i32
      %get3A_1689 = arith.index_cast %add3A_1687 : i32 to index
      %get3A_1690 = arith.index_cast %get3A_1688 : i32 to index
      %get3A_1691 = arith.constant 32 : index
      %get3A_1692 = tpu.vector_load %arg5[%get3A_1689, %get3A_1690, %get3A_1691] {strides = array<i32>} : memref<32x4x128xf32, #tpu.memory_space<vmem>>, vector<1x1x16xf32>,
      %get3A_1693 = vector.shape_cast %get3A_1692 : vector<1x1x16xf32> to vector<16xf32>
      %max3A_1694 = arith.maximumf %max3A_1606, %get3A_1693 : vector<16xf32>
      %mul3A_1695 = arith.constant 2 : i32
      %mul3A_1696 = arith.muli %scan3A_1215, %mul3A_1695 : i32
      %add3A_1697 = arith.constant 1 : i32
      %add3A_1698 = arith.addi %mul3A_1696, %add3A_1697 : i32
      %get3A_1699 = arith.constant 3 : i32
      %get3A_1700 = arith.index_cast %add3A_1698 : i32 to index
      %get3A_1701 = arith.index_cast %get3A_1699 : i32 to index
      %get3A_1702 = arith.constant 32 : index
      %get3A_1703 = tpu.vector_load %arg5[%get3A_1700, %get3A_1701, %get3A_1702] {strides = array<i32>} : memref<32x4x128xf32, #tpu.memory_space<vmem>>, vector<1x1x16xf32>,
      %get3A_1704 = vector.shape_cast %get3A_1703 : vector<1x1x16xf32> to vector<16xf32>
      %max3A_1705 = arith.maximumf %max3A_1617, %get3A_1704 : vector<16xf32>
      %mul3A_1706 = arith.constant 2 : i32
      %mul3A_1707 = arith.muli %scan3A_1215, %mul3A_1706 : i32
      %add3A_1708 = arith.constant 1 : i32
      %add3A_1709 = arith.addi %mul3A_1707, %add3A_1708 : i32
      %get3A_1710 = arith.constant 0 : i32
      %get3A_1711 = arith.index_cast %add3A_1709 : i32 to index
      %get3A_1712 = arith.index_cast %get3A_1710 : i32 to index
      %get3A_1713 = arith.constant 48 : index
      %get3A_1714 = tpu.vector_load %arg5[%get3A_1711, %get3A_1712, %get3A_1713] {strides = array<i32>} : memref<32x4x128xf32, #tpu.memory_space<vmem>>, vector<1x1x16xf32>,
      %get3A_1715 = vector.shape_cast %get3A_1714 : vector<1x1x16xf32> to vector<16xf32>
      %max3A_1716 = arith.maximumf %max3A_1628, %get3A_1715 : vector<16xf32>
      %mul3A_1717 = arith.constant 2 : i32
      %mul3A_1718 = arith.muli %scan3A_1215, %mul3A_1717 : i32
      %add3A_1719 = arith.constant 1 : i32
      %add3A_1720 = arith.addi %mul3A_1718, %add3A_1719 : i32
      %get3A_1721 = arith.constant 1 : i32
      %get3A_1722 = arith.index_cast %add3A_1720 : i32 to index
      %get3A_1723 = arith.index_cast %get3A_1721 : i32 to index
      %get3A_1724 = arith.constant 48 : index
      %get3A_1725 = tpu.vector_load %arg5[%get3A_1722, %get3A_1723, %get3A_1724] {strides = array<i32>} : memref<32x4x128xf32, #tpu.memory_space<vmem>>, vector<1x1x16xf32>,
      %get3A_1726 = vector.shape_cast %get3A_1725 : vector<1x1x16xf32> to vector<16xf32>
      %max3A_1727 = arith.maximumf %max3A_1639, %get3A_1726 : vector<16xf32>
      %mul3A_1728 = arith.constant 2 : i32
      %mul3A_1729 = arith.muli %scan3A_1215, %mul3A_1728 : i32
      %add3A_1730 = arith.constant 1 : i32
      %add3A_1731 = arith.addi %mul3A_1729, %add3A_1730 : i32
      %get3A_1732 = arith.constant 2 : i32
      %get3A_1733 = arith.index_cast %add3A_1731 : i32 to index
      %get3A_1734 = arith.index_cast %get3A_1732 : i32 to index
      %get3A_1735 = arith.constant 48 : index
      %get3A_1736 = tpu.vector_load %arg5[%get3A_1733, %get3A_1734, %get3A_1735] {strides = array<i32>} : memref<32x4x128xf32, #tpu.memory_space<vmem>>, vector<1x1x16xf32>,
      %get3A_1737 = vector.shape_cast %get3A_1736 : vector<1x1x16xf32> to vector<16xf32>
      %max3A_1738 = arith.maximumf %max3A_1650, %get3A_1737 : vector<16xf32>
      %mul3A_1739 = arith.constant 2 : i32
      %mul3A_1740 = arith.muli %scan3A_1215, %mul3A_1739 : i32
      %add3A_1741 = arith.constant 1 : i32
      %add3A_1742 = arith.addi %mul3A_1740, %add3A_1741 : i32
      %get3A_1743 = arith.constant 3 : i32
      %get3A_1744 = arith.index_cast %add3A_1742 : i32 to index
      %get3A_1745 = arith.index_cast %get3A_1743 : i32 to index
      %get3A_1746 = arith.constant 48 : index
      %get3A_1747 = tpu.vector_load %arg5[%get3A_1744, %get3A_1745, %get3A_1746] {strides = array<i32>} : memref<32x4x128xf32, #tpu.memory_space<vmem>>, vector<1x1x16xf32>,
      %get3A_1748 = vector.shape_cast %get3A_1747 : vector<1x1x16xf32> to vector<16xf32>
      %max3A_1749 = arith.maximumf %max3A_1661, %get3A_1748 : vector<16xf32>
      %mul3A_1750 = arith.constant 2 : i32
      %mul3A_1751 = arith.muli %scan3A_1215, %mul3A_1750 : i32
      %add3A_1752 = arith.constant 1 : i32
      %add3A_1753 = arith.addi %mul3A_1751, %add3A_1752 : i32
      %get3A_1754 = arith.constant 0 : i32
      %get3A_1755 = arith.index_cast %add3A_1753 : i32 to index
      %get3A_1756 = arith.index_cast %get3A_1754 : i32 to index
      %get3A_1757 = arith.constant 64 : index
      %get3A_1758 = tpu.vector_load %arg5[%get3A_1755, %get3A_1756, %get3A_1757] {strides = array<i32>} : memref<32x4x128xf32, #tpu.memory_space<vmem>>, vector<1x1x16xf32>,
      %get3A_1759 = vector.shape_cast %get3A_1758 : vector<1x1x16xf32> to vector<16xf32>
      %max3A_1760 = arith.maximumf %max3A_1672, %get3A_1759 : vector<16xf32>
      %mul3A_1761 = arith.constant 2 : i32
      %mul3A_1762 = arith.muli %scan3A_1215, %mul3A_1761 : i32
      %add3A_1763 = arith.constant 1 : i32
      %add3A_1764 = arith.addi %mul3A_1762, %add3A_1763 : i32
      %get3A_1765 = arith.constant 1 : i32
      %get3A_1766 = arith.index_cast %add3A_1764 : i32 to index
      %get3A_1767 = arith.index_cast %get3A_1765 : i32 to index
      %get3A_1768 = arith.constant 64 : index
      %get3A_1769 = tpu.vector_load %arg5[%get3A_1766, %get3A_1767, %get3A_1768] {strides = array<i32>} : memref<32x4x128xf32, #tpu.memory_space<vmem>>, vector<1x1x16xf32>,
      %get3A_1770 = vector.shape_cast %get3A_1769 : vector<1x1x16xf32> to vector<16xf32>
      %max3A_1771 = arith.maximumf %max3A_1683, %get3A_1770 : vector<16xf32>
      %mul3A_1772 = arith.constant 2 : i32
      %mul3A_1773 = arith.muli %scan3A_1215, %mul3A_1772 : i32
      %add3A_1774 = arith.constant 1 : i32
      %add3A_1775 = arith.addi %mul3A_1773, %add3A_1774 : i32
      %get3A_1776 = arith.constant 2 : i32
      %get3A_1777 = arith.index_cast %add3A_1775 : i32 to index
      %get3A_1778 = arith.index_cast %get3A_1776 : i32 to index
      %get3A_1779 = arith.constant 64 : index
      %get3A_1780 = tpu.vector_load %arg5[%get3A_1777, %get3A_1778, %get3A_1779] {strides = array<i32>} : memref<32x4x128xf32, #tpu.memory_space<vmem>>, vector<1x1x16xf32>,
      %get3A_1781 = vector.shape_cast %get3A_1780 : vector<1x1x16xf32> to vector<16xf32>
      %max3A_1782 = arith.maximumf %max3A_1694, %get3A_1781 : vector<16xf32>
      %mul3A_1783 = arith.constant 2 : i32
      %mul3A_1784 = arith.muli %scan3A_1215, %mul3A_1783 : i32
      %add3A_1785 = arith.constant 1 : i32
      %add3A_1786 = arith.addi %mul3A_1784, %add3A_1785 : i32
      %get3A_1787 = arith.constant 3 : i32
      %get3A_1788 = arith.index_cast %add3A_1786 : i32 to index
      %get3A_1789 = arith.index_cast %get3A_1787 : i32 to index
      %get3A_1790 = arith.constant 64 : index
      %get3A_1791 = tpu.vector_load %arg5[%get3A_1788, %get3A_1789, %get3A_1790] {strides = array<i32>} : memref<32x4x128xf32, #tpu.memory_space<vmem>>, vector<1x1x16xf32>,
      %get3A_1792 = vector.shape_cast %get3A_1791 : vector<1x1x16xf32> to vector<16xf32>
      %max3A_1793 = arith.maximumf %max3A_1705, %get3A_1792 : vector<16xf32>
      %mul3A_1794 = arith.constant 2 : i32
      %mul3A_1795 = arith.muli %scan3A_1215, %mul3A_1794 : i32
      %add3A_1796 = arith.constant 1 : i32
      %add3A_1797 = arith.addi %mul3A_1795, %add3A_1796 : i32
      %get3A_1798 = arith.constant 0 : i32
      %get3A_1799 = arith.index_cast %add3A_1797 : i32 to index
      %get3A_1800 = arith.index_cast %get3A_1798 : i32 to index
      %get3A_1801 = arith.constant 80 : index
      %get3A_1802 = tpu.vector_load %arg5[%get3A_1799, %get3A_1800, %get3A_1801] {strides = array<i32>} : memref<32x4x128xf32, #tpu.memory_space<vmem>>, vector<1x1x16xf32>,
      %get3A_1803 = vector.shape_cast %get3A_1802 : vector<1x1x16xf32> to vector<16xf32>
      %max3A_1804 = arith.maximumf %max3A_1716, %get3A_1803 : vector<16xf32>
      %mul3A_1805 = arith.constant 2 : i32
      %mul3A_1806 = arith.muli %scan3A_1215, %mul3A_1805 : i32
      %add3A_1807 = arith.constant 1 : i32
      %add3A_1808 = arith.addi %mul3A_1806, %add3A_1807 : i32
      %get3A_1809 = arith.constant 1 : i32
      %get3A_1810 = arith.index_cast %add3A_1808 : i32 to index
      %get3A_1811 = arith.index_cast %get3A_1809 : i32 to index
      %get3A_1812 = arith.constant 80 : index
      %get3A_1813 = tpu.vector_load %arg5[%get3A_1810, %get3A_1811, %get3A_1812] {strides = array<i32>} : memref<32x4x128xf32, #tpu.memory_space<vmem>>, vector<1x1x16xf32>,
      %get3A_1814 = vector.shape_cast %get3A_1813 : vector<1x1x16xf32> to vector<16xf32>
      %max3A_1815 = arith.maximumf %max3A_1727, %get3A_1814 : vector<16xf32>
      %mul3A_1816 = arith.constant 2 : i32
      %mul3A_1817 = arith.muli %scan3A_1215, %mul3A_1816 : i32
      %add3A_1818 = arith.constant 1 : i32
      %add3A_1819 = arith.addi %mul3A_1817, %add3A_1818 : i32
      %get3A_1820 = arith.constant 2 : i32
      %get3A_1821 = arith.index_cast %add3A_1819 : i32 to index
      %get3A_1822 = arith.index_cast %get3A_1820 : i32 to index
      %get3A_1823 = arith.constant 80 : index
      %get3A_1824 = tpu.vector_load %arg5[%get3A_1821, %get3A_1822, %get3A_1823] {strides = array<i32>} : memref<32x4x128xf32, #tpu.memory_space<vmem>>, vector<1x1x16xf32>,
      %get3A_1825 = vector.shape_cast %get3A_1824 : vector<1x1x16xf32> to vector<16xf32>
      %max3A_1826 = arith.maximumf %max3A_1738, %get3A_1825 : vector<16xf32>
      %mul3A_1827 = arith.constant 2 : i32
      %mul3A_1828 = arith.muli %scan3A_1215, %mul3A_1827 : i32
      %add3A_1829 = arith.constant 1 : i32
      %add3A_1830 = arith.addi %mul3A_1828, %add3A_1829 : i32
      %get3A_1831 = arith.constant 3 : i32
      %get3A_1832 = arith.index_cast %add3A_1830 : i32 to index
      %get3A_1833 = arith.index_cast %get3A_1831 : i32 to index
      %get3A_1834 = arith.constant 80 : index
      %get3A_1835 = tpu.vector_load %arg5[%get3A_1832, %get3A_1833, %get3A_1834] {strides = array<i32>} : memref<32x4x128xf32, #tpu.memory_space<vmem>>, vector<1x1x16xf32>,
      %get3A_1836 = vector.shape_cast %get3A_1835 : vector<1x1x16xf32> to vector<16xf32>
      %max3A_1837 = arith.maximumf %max3A_1749, %get3A_1836 : vector<16xf32>
      %mul3A_1838 = arith.constant 2 : i32
      %mul3A_1839 = arith.muli %scan3A_1215, %mul3A_1838 : i32
      %add3A_1840 = arith.constant 1 : i32
      %add3A_1841 = arith.addi %mul3A_1839, %add3A_1840 : i32
      %get3A_1842 = arith.constant 0 : i32
      %get3A_1843 = arith.index_cast %add3A_1841 : i32 to index
      %get3A_1844 = arith.index_cast %get3A_1842 : i32 to index
      %get3A_1845 = arith.constant 96 : index
      %get3A_1846 = tpu.vector_load %arg5[%get3A_1843, %get3A_1844, %get3A_1845] {strides = array<i32>} : memref<32x4x128xf32, #tpu.memory_space<vmem>>, vector<1x1x16xf32>,
      %get3A_1847 = vector.shape_cast %get3A_1846 : vector<1x1x16xf32> to vector<16xf32>
      %max3A_1848 = arith.maximumf %max3A_1760, %get3A_1847 : vector<16xf32>
      %mul3A_1849 = arith.constant 2 : i32
      %mul3A_1850 = arith.muli %scan3A_1215, %mul3A_1849 : i32
      %add3A_1851 = arith.constant 1 : i32
      %add3A_1852 = arith.addi %mul3A_1850, %add3A_1851 : i32
      %get3A_1853 = arith.constant 1 : i32
      %get3A_1854 = arith.index_cast %add3A_1852 : i32 to index
      %get3A_1855 = arith.index_cast %get3A_1853 : i32 to index
      %get3A_1856 = arith.constant 96 : index
      %get3A_1857 = tpu.vector_load %arg5[%get3A_1854, %get3A_1855, %get3A_1856] {strides = array<i32>} : memref<32x4x128xf32, #tpu.memory_space<vmem>>, vector<1x1x16xf32>,
      %get3A_1858 = vector.shape_cast %get3A_1857 : vector<1x1x16xf32> to vector<16xf32>
      %max3A_1859 = arith.maximumf %max3A_1771, %get3A_1858 : vector<16xf32>
      %mul3A_1860 = arith.constant 2 : i32
      %mul3A_1861 = arith.muli %scan3A_1215, %mul3A_1860 : i32
      %add3A_1862 = arith.constant 1 : i32
      %add3A_1863 = arith.addi %mul3A_1861, %add3A_1862 : i32
      %get3A_1864 = arith.constant 2 : i32
      %get3A_1865 = arith.index_cast %add3A_1863 : i32 to index
      %get3A_1866 = arith.index_cast %get3A_1864 : i32 to index
      %get3A_1867 = arith.constant 96 : index
      %get3A_1868 = tpu.vector_load %arg5[%get3A_1865, %get3A_1866, %get3A_1867] {strides = array<i32>} : memref<32x4x128xf32, #tpu.memory_space<vmem>>, vector<1x1x16xf32>,
      %get3A_1869 = vector.shape_cast %get3A_1868 : vector<1x1x16xf32> to vector<16xf32>
      %max3A_1870 = arith.maximumf %max3A_1782, %get3A_1869 : vector<16xf32>
      %mul3A_1871 = arith.constant 2 : i32
      %mul3A_1872 = arith.muli %scan3A_1215, %mul3A_1871 : i32
      %add3A_1873 = arith.constant 1 : i32
      %add3A_1874 = arith.addi %mul3A_1872, %add3A_1873 : i32
      %get3A_1875 = arith.constant 3 : i32
      %get3A_1876 = arith.index_cast %add3A_1874 : i32 to index
      %get3A_1877 = arith.index_cast %get3A_1875 : i32 to index
      %get3A_1878 = arith.constant 96 : index
      %get3A_1879 = tpu.vector_load %arg5[%get3A_1876, %get3A_1877, %get3A_1878] {strides = array<i32>} : memref<32x4x128xf32, #tpu.memory_space<vmem>>, vector<1x1x16xf32>,
      %get3A_1880 = vector.shape_cast %get3A_1879 : vector<1x1x16xf32> to vector<16xf32>
      %max3A_1881 = arith.maximumf %max3A_1793, %get3A_1880 : vector<16xf32>
      %mul3A_1882 = arith.constant 2 : i32
      %mul3A_1883 = arith.muli %scan3A_1215, %mul3A_1882 : i32
      %add3A_1884 = arith.constant 1 : i32
      %add3A_1885 = arith.addi %mul3A_1883, %add3A_1884 : i32
      %get3A_1886 = arith.constant 0 : i32
      %get3A_1887 = arith.index_cast %add3A_1885 : i32 to index
      %get3A_1888 = arith.index_cast %get3A_1886 : i32 to index
      %get3A_1889 = arith.constant 112 : index
      %get3A_1890 = tpu.vector_load %arg5[%get3A_1887, %get3A_1888, %get3A_1889] {strides = array<i32>} : memref<32x4x128xf32, #tpu.memory_space<vmem>>, vector<1x1x16xf32>,
      %get3A_1891 = vector.shape_cast %get3A_1890 : vector<1x1x16xf32> to vector<16xf32>
      %max3A_1892 = arith.maximumf %max3A_1804, %get3A_1891 : vector<16xf32>
      %mul3A_1893 = arith.constant 2 : i32
      %mul3A_1894 = arith.muli %scan3A_1215, %mul3A_1893 : i32
      %add3A_1895 = arith.constant 1 : i32
      %add3A_1896 = arith.addi %mul3A_1894, %add3A_1895 : i32
      %get3A_1897 = arith.constant 1 : i32
      %get3A_1898 = arith.index_cast %add3A_1896 : i32 to index
      %get3A_1899 = arith.index_cast %get3A_1897 : i32 to index
      %get3A_1900 = arith.constant 112 : index
      %get3A_1901 = tpu.vector_load %arg5[%get3A_1898, %get3A_1899, %get3A_1900] {strides = array<i32>} : memref<32x4x128xf32, #tpu.memory_space<vmem>>, vector<1x1x16xf32>,
      %get3A_1902 = vector.shape_cast %get3A_1901 : vector<1x1x16xf32> to vector<16xf32>
      %max3A_1903 = arith.maximumf %max3A_1815, %get3A_1902 : vector<16xf32>
      %mul3A_1904 = arith.constant 2 : i32
      %mul3A_1905 = arith.muli %scan3A_1215, %mul3A_1904 : i32
      %add3A_1906 = arith.constant 1 : i32
      %add3A_1907 = arith.addi %mul3A_1905, %add3A_1906 : i32
      %get3A_1908 = arith.constant 2 : i32
      %get3A_1909 = arith.index_cast %add3A_1907 : i32 to index
      %get3A_1910 = arith.index_cast %get3A_1908 : i32 to index
      %get3A_1911 = arith.constant 112 : index
      %get3A_1912 = tpu.vector_load %arg5[%get3A_1909, %get3A_1910, %get3A_1911] {strides = array<i32>} : memref<32x4x128xf32, #tpu.memory_space<vmem>>, vector<1x1x16xf32>,
      %get3A_1913 = vector.shape_cast %get3A_1912 : vector<1x1x16xf32> to vector<16xf32>
      %max3A_1914 = arith.maximumf %max3A_1826, %get3A_1913 : vector<16xf32>
      %mul3A_1915 = arith.constant 2 : i32
      %mul3A_1916 = arith.muli %scan3A_1215, %mul3A_1915 : i32
      %add3A_1917 = arith.constant 1 : i32
      %add3A_1918 = arith.addi %mul3A_1916, %add3A_1917 : i32
      %get3A_1919 = arith.constant 3 : i32
      %get3A_1920 = arith.index_cast %add3A_1918 : i32 to index
      %get3A_1921 = arith.index_cast %get3A_1919 : i32 to index
      %get3A_1922 = arith.constant 112 : index
      %get3A_1923 = tpu.vector_load %arg5[%get3A_1920, %get3A_1921, %get3A_1922] {strides = array<i32>} : memref<32x4x128xf32, #tpu.memory_space<vmem>>, vector<1x1x16xf32>,
      %get3A_1924 = vector.shape_cast %get3A_1923 : vector<1x1x16xf32> to vector<16xf32>
      %max3A_1925 = arith.maximumf %max3A_1837, %get3A_1924 : vector<16xf32>
      scf.yield %max3A_1848, %max3A_1892, %max3A_1859, %max3A_1903, %max3A_1870, %max3A_1914, %max3A_1881, %max3A_1925 : vector<16xf32>, vector<16xf32>, vector<16xf32>, vector<16xf32>, vector<16xf32>, vector<16xf32>, vector<16xf32>, vector<16xf32>
    }
    %scan3A_106 = arith.constant 16 : i32
    %gt3A = arith.cmpf ogt, %scan3A_105#0, %broadcast_in_dim3A_40 : vector<16xf32>
    %select_n3A_107 = arith.select %gt3A, %scan3A_105#0, %broadcast_in_dim3A_40 : vector<16xi1>, vector<16xf32>
    %jit3A_108 = arith.constant 0 : i32
    %broadcast_in_dim3A_109 = vector.broadcast %jit3A_108 : i32 to vector<16xi32>
    %select_n3A_110 = arith.select %gt3A, %broadcast_in_dim3A_109, %broadcast_in_dim3A_56 : vector<16xi1>, vector<16xi32>
    %gt3A_111 = arith.cmpf ogt, %scan3A_105#1, %broadcast_in_dim3A_42 : vector<16xf32>
    %select_n3A_112 = arith.select %gt3A_111, %scan3A_105#1, %broadcast_in_dim3A_42 : vector<16xi1>, vector<16xf32>
    %jit3A_113 = arith.constant 0 : i32
    %broadcast_in_dim3A_114 = vector.broadcast %jit3A_113 : i32 to vector<16xi32>
    %select_n3A_115 = arith.select %gt3A_111, %broadcast_in_dim3A_114, %broadcast_in_dim3A_58 : vector<16xi1>, vector<16xi32>
    %gt3A_116 = arith.cmpf ogt, %scan3A_105#2, %broadcast_in_dim3A_44 : vector<16xf32>
    %select_n3A_117 = arith.select %gt3A_116, %scan3A_105#2, %broadcast_in_dim3A_44 : vector<16xi1>, vector<16xf32>
    %jit3A_118 = arith.constant 0 : i32
    %broadcast_in_dim3A_119 = vector.broadcast %jit3A_118 : i32 to vector<16xi32>
    %select_n3A_120 = arith.select %gt3A_116, %broadcast_in_dim3A_119, %broadcast_in_dim3A_60 : vector<16xi1>, vector<16xi32>
    %gt3A_121 = arith.cmpf ogt, %scan3A_105#3, %broadcast_in_dim3A_46 : vector<16xf32>
    %select_n3A_122 = arith.select %gt3A_121, %scan3A_105#3, %broadcast_in_dim3A_46 : vector<16xi1>, vector<16xf32>
    %jit3A_123 = arith.constant 0 : i32
    %broadcast_in_dim3A_124 = vector.broadcast %jit3A_123 : i32 to vector<16xi32>
    %select_n3A_125 = arith.select %gt3A_121, %broadcast_in_dim3A_124, %broadcast_in_dim3A_62 : vector<16xi1>, vector<16xi32>
    %gt3A_126 = arith.cmpf ogt, %scan3A_105#4, %broadcast_in_dim3A_48 : vector<16xf32>
    %select_n3A_127 = arith.select %gt3A_126, %scan3A_105#4, %broadcast_in_dim3A_48 : vector<16xi1>, vector<16xf32>
    %jit3A_128 = arith.constant 0 : i32
    %broadcast_in_dim3A_129 = vector.broadcast %jit3A_128 : i32 to vector<16xi32>
    %select_n3A_130 = arith.select %gt3A_126, %broadcast_in_dim3A_129, %broadcast_in_dim3A_64 : vector<16xi1>, vector<16xi32>
    %gt3A_131 = arith.cmpf ogt, %scan3A_105#5, %broadcast_in_dim3A_50 : vector<16xf32>
    %select_n3A_132 = arith.select %gt3A_131, %scan3A_105#5, %broadcast_in_dim3A_50 : vector<16xi1>, vector<16xf32>
    %jit3A_133 = arith.constant 0 : i32
    %broadcast_in_dim3A_134 = vector.broadcast %jit3A_133 : i32 to vector<16xi32>
    %select_n3A_135 = arith.select %gt3A_131, %broadcast_in_dim3A_134, %broadcast_in_dim3A_66 : vector<16xi1>, vector<16xi32>
    %gt3A_136 = arith.cmpf ogt, %scan3A_105#6, %broadcast_in_dim3A_52 : vector<16xf32>
    %select_n3A_137 = arith.select %gt3A_136, %scan3A_105#6, %broadcast_in_dim3A_52 : vector<16xi1>, vector<16xf32>
    %jit3A_138 = arith.constant 0 : i32
    %broadcast_in_dim3A_139 = vector.broadcast %jit3A_138 : i32 to vector<16xi32>
    %select_n3A_140 = arith.select %gt3A_136, %broadcast_in_dim3A_139, %broadcast_in_dim3A_68 : vector<16xi1>, vector<16xi32>
    %gt3A_141 = arith.cmpf ogt, %scan3A_105#7, %broadcast_in_dim3A_54 : vector<16xf32>
    %select_n3A_142 = arith.select %gt3A_141, %scan3A_105#7, %broadcast_in_dim3A_54 : vector<16xi1>, vector<16xf32>
    %jit3A_143 = arith.constant 0 : i32
    %broadcast_in_dim3A_144 = vector.broadcast %jit3A_143 : i32 to vector<16xi32>
    %select_n3A_145 = arith.select %gt3A_141, %broadcast_in_dim3A_144, %broadcast_in_dim3A_70 : vector<16xi1>, vector<16xi32>
    %dma_wait3A_146 = arith.constant 32 : i32
    %dma_wait3A_147 = arith.constant 0 : i32
    %dma_wait3A_148 = tpu.memref_slice %arg2[%select_n3A, %dma_wait3A_146, %mul3A_32, %dma_wait3A_147] : memref<16x256x8x128xf32, #tpu.memory_space<hbm>> -> memref<1x32x4x128xf32, #tpu.memory_space<hbm>>
    %dma_wait3A_149 = tpu.memref_squeeze %dma_wait3A_148 : memref<1x32x4x128xf32, #tpu.memory_space<hbm>> -> memref<32x4x128xf32, #tpu.memory_space<hbm>>
    %dma_wait3A_150 = arith.constant 32 : i32
    %dma_wait3A_151 = arith.constant 0 : i32
    %dma_wait3A_152 = tpu.memref_slice %arg2[%select_n3A, %dma_wait3A_150, %mul3A_32, %dma_wait3A_151] : memref<16x256x8x128xf32, #tpu.memory_space<hbm>> -> memref<1x32x4x128xf32, #tpu.memory_space<hbm>>
    %dma_wait3A_153 = tpu.memref_squeeze %dma_wait3A_152 : memref<1x32x4x128xf32, #tpu.memory_space<hbm>> -> memref<32x4x128xf32, #tpu.memory_space<hbm>>
    tpu.wait_dma2 semaphore(%arg11 : memref<!tpu.dma_semaphore, #tpu.memory_space<semaphore_mem>>) src(%dma_wait3A_153 : memref<32x4x128xf32, #tpu.memory_space<hbm>>) dst(%arg6 : memref<32x4x128xf32, #tpu.memory_space<vmem>>)
    %broadcast_in_dim3A_154 = arith.constant 0xFF800000 : f32
    %broadcast_in_dim3A_155 = vector.broadcast %broadcast_in_dim3A_154 : f32 to vector<16xf32>
    %broadcast_in_dim3A_156 = arith.constant 0xFF800000 : f32
    %broadcast_in_dim3A_157 = vector.broadcast %broadcast_in_dim3A_156 : f32 to vector<16xf32>
    %broadcast_in_dim3A_158 = arith.constant 0xFF800000 : f32
    %broadcast_in_dim3A_159 = vector.broadcast %broadcast_in_dim3A_158 : f32 to vector<16xf32>
    %broadcast_in_dim3A_160 = arith.constant 0xFF800000 : f32
    %broadcast_in_dim3A_161 = vector.broadcast %broadcast_in_dim3A_160 : f32 to vector<16xf32>
    %broadcast_in_dim3A_162 = arith.constant 0xFF800000 : f32
    %broadcast_in_dim3A_163 = vector.broadcast %broadcast_in_dim3A_162 : f32 to vector<16xf32>
    %broadcast_in_dim3A_164 = arith.constant 0xFF800000 : f32
    %broadcast_in_dim3A_165 = vector.broadcast %broadcast_in_dim3A_164 : f32 to vector<16xf32>
    %broadcast_in_dim3A_166 = arith.constant 0xFF800000 : f32
    %broadcast_in_dim3A_167 = vector.broadcast %broadcast_in_dim3A_166 : f32 to vector<16xf32>
    %broadcast_in_dim3A_168 = arith.constant 0xFF800000 : f32
    %broadcast_in_dim3A_169 = vector.broadcast %broadcast_in_dim3A_168 : f32 to vector<16xf32>
    %scan3A_170 = arith.constant 0 : i32
    %scan3A_171 = arith.constant 16 : i32
    %scan3A_172 = arith.addi %scan3A_170, %scan3A_171 : i32
    %scan3A_173 = arith.constant 1 : i32
    %scan3A_174:8 = scf.for %scan3A_1215 = %scan3A_170 to %scan3A_172 step %scan3A_173 iter_args(%scan3A_1216 = %broadcast_in_dim3A_155, %scan3A_1217 = %broadcast_in_dim3A_157, %scan3A_1218 = %broadcast_in_dim3A_159, %scan3A_1219 = %broadcast_in_dim3A_161, %scan3A_1220 = %broadcast_in_dim3A_163, %scan3A_1221 = %broadcast_in_dim3A_165, %scan3A_1222 = %broadcast_in_dim3A_167, %scan3A_1223 = %broadcast_in_dim3A_169) -> (vector<16xf32>, vector<16xf32>, vector<16xf32>, vector<16xf32>, vector<16xf32>, vector<16xf32>, vector<16xf32>, vector<16xf32>)  : i32 {
      %mul3A_1224 = arith.constant 2 : i32
      %mul3A_1225 = arith.muli %scan3A_1215, %mul3A_1224 : i32
      %add3A_1226 = arith.constant 0 : i32
      %add3A_1227 = arith.addi %mul3A_1225, %add3A_1226 : i32
      %get3A = arith.constant 0 : i32
      %get3A_1228 = arith.index_cast %add3A_1227 : i32 to index
      %get3A_1229 = arith.index_cast %get3A : i32 to index
      %get3A_1230 = arith.constant 0 : index
      %get3A_1231 = tpu.vector_load %arg6[%get3A_1228, %get3A_1229, %get3A_1230] {strides = array<i32>} : memref<32x4x128xf32, #tpu.memory_space<vmem>>, vector<1x1x16xf32>,
      %get3A_1232 = vector.shape_cast %get3A_1231 : vector<1x1x16xf32> to vector<16xf32>
      %max3A = arith.maximumf %scan3A_1216, %get3A_1232 : vector<16xf32>
      %mul3A_1233 = arith.constant 2 : i32
      %mul3A_1234 = arith.muli %scan3A_1215, %mul3A_1233 : i32
      %add3A_1235 = arith.constant 0 : i32
      %add3A_1236 = arith.addi %mul3A_1234, %add3A_1235 : i32
      %get3A_1237 = arith.constant 1 : i32
      %get3A_1238 = arith.index_cast %add3A_1236 : i32 to index
      %get3A_1239 = arith.index_cast %get3A_1237 : i32 to index
      %get3A_1240 = arith.constant 0 : index
      %get3A_1241 = tpu.vector_load %arg6[%get3A_1238, %get3A_1239, %get3A_1240] {strides = array<i32>} : memref<32x4x128xf32, #tpu.memory_space<vmem>>, vector<1x1x16xf32>,
      %get3A_1242 = vector.shape_cast %get3A_1241 : vector<1x1x16xf32> to vector<16xf32>
      %max3A_1243 = arith.maximumf %scan3A_1218, %get3A_1242 : vector<16xf32>
      %mul3A_1244 = arith.constant 2 : i32
      %mul3A_1245 = arith.muli %scan3A_1215, %mul3A_1244 : i32
      %add3A_1246 = arith.constant 0 : i32
      %add3A_1247 = arith.addi %mul3A_1245, %add3A_1246 : i32
      %get3A_1248 = arith.constant 2 : i32
      %get3A_1249 = arith.index_cast %add3A_1247 : i32 to index
      %get3A_1250 = arith.index_cast %get3A_1248 : i32 to index
      %get3A_1251 = arith.constant 0 : index
      %get3A_1252 = tpu.vector_load %arg6[%get3A_1249, %get3A_1250, %get3A_1251] {strides = array<i32>} : memref<32x4x128xf32, #tpu.memory_space<vmem>>, vector<1x1x16xf32>,
      %get3A_1253 = vector.shape_cast %get3A_1252 : vector<1x1x16xf32> to vector<16xf32>
      %max3A_1254 = arith.maximumf %scan3A_1220, %get3A_1253 : vector<16xf32>
      %mul3A_1255 = arith.constant 2 : i32
      %mul3A_1256 = arith.muli %scan3A_1215, %mul3A_1255 : i32
      %add3A_1257 = arith.constant 0 : i32
      %add3A_1258 = arith.addi %mul3A_1256, %add3A_1257 : i32
      %get3A_1259 = arith.constant 3 : i32
      %get3A_1260 = arith.index_cast %add3A_1258 : i32 to index
      %get3A_1261 = arith.index_cast %get3A_1259 : i32 to index
      %get3A_1262 = arith.constant 0 : index
      %get3A_1263 = tpu.vector_load %arg6[%get3A_1260, %get3A_1261, %get3A_1262] {strides = array<i32>} : memref<32x4x128xf32, #tpu.memory_space<vmem>>, vector<1x1x16xf32>,
      %get3A_1264 = vector.shape_cast %get3A_1263 : vector<1x1x16xf32> to vector<16xf32>
      %max3A_1265 = arith.maximumf %scan3A_1222, %get3A_1264 : vector<16xf32>
      %mul3A_1266 = arith.constant 2 : i32
      %mul3A_1267 = arith.muli %scan3A_1215, %mul3A_1266 : i32
      %add3A_1268 = arith.constant 0 : i32
      %add3A_1269 = arith.addi %mul3A_1267, %add3A_1268 : i32
      %get3A_1270 = arith.constant 0 : i32
      %get3A_1271 = arith.index_cast %add3A_1269 : i32 to index
      %get3A_1272 = arith.index_cast %get3A_1270 : i32 to index
      %get3A_1273 = arith.constant 16 : index
      %get3A_1274 = tpu.vector_load %arg6[%get3A_1271, %get3A_1272, %get3A_1273] {strides = array<i32>} : memref<32x4x128xf32, #tpu.memory_space<vmem>>, vector<1x1x16xf32>,
      %get3A_1275 = vector.shape_cast %get3A_1274 : vector<1x1x16xf32> to vector<16xf32>
      %max3A_1276 = arith.maximumf %scan3A_1217, %get3A_1275 : vector<16xf32>
      %mul3A_1277 = arith.constant 2 : i32
      %mul3A_1278 = arith.muli %scan3A_1215, %mul3A_1277 : i32
      %add3A_1279 = arith.constant 0 : i32
      %add3A_1280 = arith.addi %mul3A_1278, %add3A_1279 : i32
      %get3A_1281 = arith.constant 1 : i32
      %get3A_1282 = arith.index_cast %add3A_1280 : i32 to index
      %get3A_1283 = arith.index_cast %get3A_1281 : i32 to index
      %get3A_1284 = arith.constant 16 : index
      %get3A_1285 = tpu.vector_load %arg6[%get3A_1282, %get3A_1283, %get3A_1284] {strides = array<i32>} : memref<32x4x128xf32, #tpu.memory_space<vmem>>, vector<1x1x16xf32>,
      %get3A_1286 = vector.shape_cast %get3A_1285 : vector<1x1x16xf32> to vector<16xf32>
      %max3A_1287 = arith.maximumf %scan3A_1219, %get3A_1286 : vector<16xf32>
      %mul3A_1288 = arith.constant 2 : i32
      %mul3A_1289 = arith.muli %scan3A_1215, %mul3A_1288 : i32
      %add3A_1290 = arith.constant 0 : i32
      %add3A_1291 = arith.addi %mul3A_1289, %add3A_1290 : i32
      %get3A_1292 = arith.constant 2 : i32
      %get3A_1293 = arith.index_cast %add3A_1291 : i32 to index
      %get3A_1294 = arith.index_cast %get3A_1292 : i32 to index
      %get3A_1295 = arith.constant 16 : index
      %get3A_1296 = tpu.vector_load %arg6[%get3A_1293, %get3A_1294, %get3A_1295] {strides = array<i32>} : memref<32x4x128xf32, #tpu.memory_space<vmem>>, vector<1x1x16xf32>,
      %get3A_1297 = vector.shape_cast %get3A_1296 : vector<1x1x16xf32> to vector<16xf32>
      %max3A_1298 = arith.maximumf %scan3A_1221, %get3A_1297 : vector<16xf32>
      %mul3A_1299 = arith.constant 2 : i32
      %mul3A_1300 = arith.muli %scan3A_1215, %mul3A_1299 : i32
      %add3A_1301 = arith.constant 0 : i32
      %add3A_1302 = arith.addi %mul3A_1300, %add3A_1301 : i32
      %get3A_1303 = arith.constant 3 : i32
      %get3A_1304 = arith.index_cast %add3A_1302 : i32 to index
      %get3A_1305 = arith.index_cast %get3A_1303 : i32 to index
      %get3A_1306 = arith.constant 16 : index
      %get3A_1307 = tpu.vector_load %arg6[%get3A_1304, %get3A_1305, %get3A_1306] {strides = array<i32>} : memref<32x4x128xf32, #tpu.memory_space<vmem>>, vector<1x1x16xf32>,
      %get3A_1308 = vector.shape_cast %get3A_1307 : vector<1x1x16xf32> to vector<16xf32>
      %max3A_1309 = arith.maximumf %scan3A_1223, %get3A_1308 : vector<16xf32>
      %mul3A_1310 = arith.constant 2 : i32
      %mul3A_1311 = arith.muli %scan3A_1215, %mul3A_1310 : i32
      %add3A_1312 = arith.constant 0 : i32
      %add3A_1313 = arith.addi %mul3A_1311, %add3A_1312 : i32
      %get3A_1314 = arith.constant 0 : i32
      %get3A_1315 = arith.index_cast %add3A_1313 : i32 to index
      %get3A_1316 = arith.index_cast %get3A_1314 : i32 to index
      %get3A_1317 = arith.constant 32 : index
      %get3A_1318 = tpu.vector_load %arg6[%get3A_1315, %get3A_1316, %get3A_1317] {strides = array<i32>} : memref<32x4x128xf32, #tpu.memory_space<vmem>>, vector<1x1x16xf32>,
      %get3A_1319 = vector.shape_cast %get3A_1318 : vector<1x1x16xf32> to vector<16xf32>
      %max3A_1320 = arith.maximumf %max3A, %get3A_1319 : vector<16xf32>
      %mul3A_1321 = arith.constant 2 : i32
      %mul3A_1322 = arith.muli %scan3A_1215, %mul3A_1321 : i32
      %add3A_1323 = arith.constant 0 : i32
      %add3A_1324 = arith.addi %mul3A_1322, %add3A_1323 : i32
      %get3A_1325 = arith.constant 1 : i32
      %get3A_1326 = arith.index_cast %add3A_1324 : i32 to index
      %get3A_1327 = arith.index_cast %get3A_1325 : i32 to index
      %get3A_1328 = arith.constant 32 : index
      %get3A_1329 = tpu.vector_load %arg6[%get3A_1326, %get3A_1327, %get3A_1328] {strides = array<i32>} : memref<32x4x128xf32, #tpu.memory_space<vmem>>, vector<1x1x16xf32>,
      %get3A_1330 = vector.shape_cast %get3A_1329 : vector<1x1x16xf32> to vector<16xf32>
      %max3A_1331 = arith.maximumf %max3A_1243, %get3A_1330 : vector<16xf32>
      %mul3A_1332 = arith.constant 2 : i32
      %mul3A_1333 = arith.muli %scan3A_1215, %mul3A_1332 : i32
      %add3A_1334 = arith.constant 0 : i32
      %add3A_1335 = arith.addi %mul3A_1333, %add3A_1334 : i32
      %get3A_1336 = arith.constant 2 : i32
      %get3A_1337 = arith.index_cast %add3A_1335 : i32 to index
      %get3A_1338 = arith.index_cast %get3A_1336 : i32 to index
      %get3A_1339 = arith.constant 32 : index
      %get3A_1340 = tpu.vector_load %arg6[%get3A_1337, %get3A_1338, %get3A_1339] {strides = array<i32>} : memref<32x4x128xf32, #tpu.memory_space<vmem>>, vector<1x1x16xf32>,
      %get3A_1341 = vector.shape_cast %get3A_1340 : vector<1x1x16xf32> to vector<16xf32>
      %max3A_1342 = arith.maximumf %max3A_1254, %get3A_1341 : vector<16xf32>
      %mul3A_1343 = arith.constant 2 : i32
      %mul3A_1344 = arith.muli %scan3A_1215, %mul3A_1343 : i32
      %add3A_1345 = arith.constant 0 : i32
      %add3A_1346 = arith.addi %mul3A_1344, %add3A_1345 : i32
      %get3A_1347 = arith.constant 3 : i32
      %get3A_1348 = arith.index_cast %add3A_1346 : i32 to index
      %get3A_1349 = arith.index_cast %get3A_1347 : i32 to index
      %get3A_1350 = arith.constant 32 : index
      %get3A_1351 = tpu.vector_load %arg6[%get3A_1348, %get3A_1349, %get3A_1350] {strides = array<i32>} : memref<32x4x128xf32, #tpu.memory_space<vmem>>, vector<1x1x16xf32>,
      %get3A_1352 = vector.shape_cast %get3A_1351 : vector<1x1x16xf32> to vector<16xf32>
      %max3A_1353 = arith.maximumf %max3A_1265, %get3A_1352 : vector<16xf32>
      %mul3A_1354 = arith.constant 2 : i32
      %mul3A_1355 = arith.muli %scan3A_1215, %mul3A_1354 : i32
      %add3A_1356 = arith.constant 0 : i32
      %add3A_1357 = arith.addi %mul3A_1355, %add3A_1356 : i32
      %get3A_1358 = arith.constant 0 : i32
      %get3A_1359 = arith.index_cast %add3A_1357 : i32 to index
      %get3A_1360 = arith.index_cast %get3A_1358 : i32 to index
      %get3A_1361 = arith.constant 48 : index
      %get3A_1362 = tpu.vector_load %arg6[%get3A_1359, %get3A_1360, %get3A_1361] {strides = array<i32>} : memref<32x4x128xf32, #tpu.memory_space<vmem>>, vector<1x1x16xf32>,
      %get3A_1363 = vector.shape_cast %get3A_1362 : vector<1x1x16xf32> to vector<16xf32>
      %max3A_1364 = arith.maximumf %max3A_1276, %get3A_1363 : vector<16xf32>
      %mul3A_1365 = arith.constant 2 : i32
      %mul3A_1366 = arith.muli %scan3A_1215, %mul3A_1365 : i32
      %add3A_1367 = arith.constant 0 : i32
      %add3A_1368 = arith.addi %mul3A_1366, %add3A_1367 : i32
      %get3A_1369 = arith.constant 1 : i32
      %get3A_1370 = arith.index_cast %add3A_1368 : i32 to index
      %get3A_1371 = arith.index_cast %get3A_1369 : i32 to index
      %get3A_1372 = arith.constant 48 : index
      %get3A_1373 = tpu.vector_load %arg6[%get3A_1370, %get3A_1371, %get3A_1372] {strides = array<i32>} : memref<32x4x128xf32, #tpu.memory_space<vmem>>, vector<1x1x16xf32>,
      %get3A_1374 = vector.shape_cast %get3A_1373 : vector<1x1x16xf32> to vector<16xf32>
      %max3A_1375 = arith.maximumf %max3A_1287, %get3A_1374 : vector<16xf32>
      %mul3A_1376 = arith.constant 2 : i32
      %mul3A_1377 = arith.muli %scan3A_1215, %mul3A_1376 : i32
      %add3A_1378 = arith.constant 0 : i32
      %add3A_1379 = arith.addi %mul3A_1377, %add3A_1378 : i32
      %get3A_1380 = arith.constant 2 : i32
      %get3A_1381 = arith.index_cast %add3A_1379 : i32 to index
      %get3A_1382 = arith.index_cast %get3A_1380 : i32 to index
      %get3A_1383 = arith.constant 48 : index
      %get3A_1384 = tpu.vector_load %arg6[%get3A_1381, %get3A_1382, %get3A_1383] {strides = array<i32>} : memref<32x4x128xf32, #tpu.memory_space<vmem>>, vector<1x1x16xf32>,
      %get3A_1385 = vector.shape_cast %get3A_1384 : vector<1x1x16xf32> to vector<16xf32>
      %max3A_1386 = arith.maximumf %max3A_1298, %get3A_1385 : vector<16xf32>
      %mul3A_1387 = arith.constant 2 : i32
      %mul3A_1388 = arith.muli %scan3A_1215, %mul3A_1387 : i32
      %add3A_1389 = arith.constant 0 : i32
      %add3A_1390 = arith.addi %mul3A_1388, %add3A_1389 : i32
      %get3A_1391 = arith.constant 3 : i32
      %get3A_1392 = arith.index_cast %add3A_1390 : i32 to index
      %get3A_1393 = arith.index_cast %get3A_1391 : i32 to index
      %get3A_1394 = arith.constant 48 : index
      %get3A_1395 = tpu.vector_load %arg6[%get3A_1392, %get3A_1393, %get3A_1394] {strides = array<i32>} : memref<32x4x128xf32, #tpu.memory_space<vmem>>, vector<1x1x16xf32>,
      %get3A_1396 = vector.shape_cast %get3A_1395 : vector<1x1x16xf32> to vector<16xf32>
      %max3A_1397 = arith.maximumf %max3A_1309, %get3A_1396 : vector<16xf32>
      %mul3A_1398 = arith.constant 2 : i32
      %mul3A_1399 = arith.muli %scan3A_1215, %mul3A_1398 : i32
      %add3A_1400 = arith.constant 0 : i32
      %add3A_1401 = arith.addi %mul3A_1399, %add3A_1400 : i32
      %get3A_1402 = arith.constant 0 : i32
      %get3A_1403 = arith.index_cast %add3A_1401 : i32 to index
      %get3A_1404 = arith.index_cast %get3A_1402 : i32 to index
      %get3A_1405 = arith.constant 64 : index
      %get3A_1406 = tpu.vector_load %arg6[%get3A_1403, %get3A_1404, %get3A_1405] {strides = array<i32>} : memref<32x4x128xf32, #tpu.memory_space<vmem>>, vector<1x1x16xf32>,
      %get3A_1407 = vector.shape_cast %get3A_1406 : vector<1x1x16xf32> to vector<16xf32>
      %max3A_1408 = arith.maximumf %max3A_1320, %get3A_1407 : vector<16xf32>
      %mul3A_1409 = arith.constant 2 : i32
      %mul3A_1410 = arith.muli %scan3A_1215, %mul3A_1409 : i32
      %add3A_1411 = arith.constant 0 : i32
      %add3A_1412 = arith.addi %mul3A_1410, %add3A_1411 : i32
      %get3A_1413 = arith.constant 1 : i32
      %get3A_1414 = arith.index_cast %add3A_1412 : i32 to index
      %get3A_1415 = arith.index_cast %get3A_1413 : i32 to index
      %get3A_1416 = arith.constant 64 : index
      %get3A_1417 = tpu.vector_load %arg6[%get3A_1414, %get3A_1415, %get3A_1416] {strides = array<i32>} : memref<32x4x128xf32, #tpu.memory_space<vmem>>, vector<1x1x16xf32>,
      %get3A_1418 = vector.shape_cast %get3A_1417 : vector<1x1x16xf32> to vector<16xf32>
      %max3A_1419 = arith.maximumf %max3A_1331, %get3A_1418 : vector<16xf32>
      %mul3A_1420 = arith.constant 2 : i32
      %mul3A_1421 = arith.muli %scan3A_1215, %mul3A_1420 : i32
      %add3A_1422 = arith.constant 0 : i32
      %add3A_1423 = arith.addi %mul3A_1421, %add3A_1422 : i32
      %get3A_1424 = arith.constant 2 : i32
      %get3A_1425 = arith.index_cast %add3A_1423 : i32 to index
      %get3A_1426 = arith.index_cast %get3A_1424 : i32 to index
      %get3A_1427 = arith.constant 64 : index
      %get3A_1428 = tpu.vector_load %arg6[%get3A_1425, %get3A_1426, %get3A_1427] {strides = array<i32>} : memref<32x4x128xf32, #tpu.memory_space<vmem>>, vector<1x1x16xf32>,
      %get3A_1429 = vector.shape_cast %get3A_1428 : vector<1x1x16xf32> to vector<16xf32>
      %max3A_1430 = arith.maximumf %max3A_1342, %get3A_1429 : vector<16xf32>
      %mul3A_1431 = arith.constant 2 : i32
      %mul3A_1432 = arith.muli %scan3A_1215, %mul3A_1431 : i32
      %add3A_1433 = arith.constant 0 : i32
      %add3A_1434 = arith.addi %mul3A_1432, %add3A_1433 : i32
      %get3A_1435 = arith.constant 3 : i32
      %get3A_1436 = arith.index_cast %add3A_1434 : i32 to index
      %get3A_1437 = arith.index_cast %get3A_1435 : i32 to index
      %get3A_1438 = arith.constant 64 : index
      %get3A_1439 = tpu.vector_load %arg6[%get3A_1436, %get3A_1437, %get3A_1438] {strides = array<i32>} : memref<32x4x128xf32, #tpu.memory_space<vmem>>, vector<1x1x16xf32>,
      %get3A_1440 = vector.shape_cast %get3A_1439 : vector<1x1x16xf32> to vector<16xf32>
      %max3A_1441 = arith.maximumf %max3A_1353, %get3A_1440 : vector<16xf32>
      %mul3A_1442 = arith.constant 2 : i32
      %mul3A_1443 = arith.muli %scan3A_1215, %mul3A_1442 : i32
      %add3A_1444 = arith.constant 0 : i32
      %add3A_1445 = arith.addi %mul3A_1443, %add3A_1444 : i32
      %get3A_1446 = arith.constant 0 : i32
      %get3A_1447 = arith.index_cast %add3A_1445 : i32 to index
      %get3A_1448 = arith.index_cast %get3A_1446 : i32 to index
      %get3A_1449 = arith.constant 80 : index
      %get3A_1450 = tpu.vector_load %arg6[%get3A_1447, %get3A_1448, %get3A_1449] {strides = array<i32>} : memref<32x4x128xf32, #tpu.memory_space<vmem>>, vector<1x1x16xf32>,
      %get3A_1451 = vector.shape_cast %get3A_1450 : vector<1x1x16xf32> to vector<16xf32>
      %max3A_1452 = arith.maximumf %max3A_1364, %get3A_1451 : vector<16xf32>
      %mul3A_1453 = arith.constant 2 : i32
      %mul3A_1454 = arith.muli %scan3A_1215, %mul3A_1453 : i32
      %add3A_1455 = arith.constant 0 : i32
      %add3A_1456 = arith.addi %mul3A_1454, %add3A_1455 : i32
      %get3A_1457 = arith.constant 1 : i32
      %get3A_1458 = arith.index_cast %add3A_1456 : i32 to index
      %get3A_1459 = arith.index_cast %get3A_1457 : i32 to index
      %get3A_1460 = arith.constant 80 : index
      %get3A_1461 = tpu.vector_load %arg6[%get3A_1458, %get3A_1459, %get3A_1460] {strides = array<i32>} : memref<32x4x128xf32, #tpu.memory_space<vmem>>, vector<1x1x16xf32>,
      %get3A_1462 = vector.shape_cast %get3A_1461 : vector<1x1x16xf32> to vector<16xf32>
      %max3A_1463 = arith.maximumf %max3A_1375, %get3A_1462 : vector<16xf32>
      %mul3A_1464 = arith.constant 2 : i32
      %mul3A_1465 = arith.muli %scan3A_1215, %mul3A_1464 : i32
      %add3A_1466 = arith.constant 0 : i32
      %add3A_1467 = arith.addi %mul3A_1465, %add3A_1466 : i32
      %get3A_1468 = arith.constant 2 : i32
      %get3A_1469 = arith.index_cast %add3A_1467 : i32 to index
      %get3A_1470 = arith.index_cast %get3A_1468 : i32 to index
      %get3A_1471 = arith.constant 80 : index
      %get3A_1472 = tpu.vector_load %arg6[%get3A_1469, %get3A_1470, %get3A_1471] {strides = array<i32>} : memref<32x4x128xf32, #tpu.memory_space<vmem>>, vector<1x1x16xf32>,
      %get3A_1473 = vector.shape_cast %get3A_1472 : vector<1x1x16xf32> to vector<16xf32>
      %max3A_1474 = arith.maximumf %max3A_1386, %get3A_1473 : vector<16xf32>
      %mul3A_1475 = arith.constant 2 : i32
      %mul3A_1476 = arith.muli %scan3A_1215, %mul3A_1475 : i32
      %add3A_1477 = arith.constant 0 : i32
      %add3A_1478 = arith.addi %mul3A_1476, %add3A_1477 : i32
      %get3A_1479 = arith.constant 3 : i32
      %get3A_1480 = arith.index_cast %add3A_1478 : i32 to index
      %get3A_1481 = arith.index_cast %get3A_1479 : i32 to index
      %get3A_1482 = arith.constant 80 : index
      %get3A_1483 = tpu.vector_load %arg6[%get3A_1480, %get3A_1481, %get3A_1482] {strides = array<i32>} : memref<32x4x128xf32, #tpu.memory_space<vmem>>, vector<1x1x16xf32>,
      %get3A_1484 = vector.shape_cast %get3A_1483 : vector<1x1x16xf32> to vector<16xf32>
      %max3A_1485 = arith.maximumf %max3A_1397, %get3A_1484 : vector<16xf32>
      %mul3A_1486 = arith.constant 2 : i32
      %mul3A_1487 = arith.muli %scan3A_1215, %mul3A_1486 : i32
      %add3A_1488 = arith.constant 0 : i32
      %add3A_1489 = arith.addi %mul3A_1487, %add3A_1488 : i32
      %get3A_1490 = arith.constant 0 : i32
      %get3A_1491 = arith.index_cast %add3A_1489 : i32 to index
      %get3A_1492 = arith.index_cast %get3A_1490 : i32 to index
      %get3A_1493 = arith.constant 96 : index
      %get3A_1494 = tpu.vector_load %arg6[%get3A_1491, %get3A_1492, %get3A_1493] {strides = array<i32>} : memref<32x4x128xf32, #tpu.memory_space<vmem>>, vector<1x1x16xf32>,
      %get3A_1495 = vector.shape_cast %get3A_1494 : vector<1x1x16xf32> to vector<16xf32>
      %max3A_1496 = arith.maximumf %max3A_1408, %get3A_1495 : vector<16xf32>
      %mul3A_1497 = arith.constant 2 : i32
      %mul3A_1498 = arith.muli %scan3A_1215, %mul3A_1497 : i32
      %add3A_1499 = arith.constant 0 : i32
      %add3A_1500 = arith.addi %mul3A_1498, %add3A_1499 : i32
      %get3A_1501 = arith.constant 1 : i32
      %get3A_1502 = arith.index_cast %add3A_1500 : i32 to index
      %get3A_1503 = arith.index_cast %get3A_1501 : i32 to index
      %get3A_1504 = arith.constant 96 : index
      %get3A_1505 = tpu.vector_load %arg6[%get3A_1502, %get3A_1503, %get3A_1504] {strides = array<i32>} : memref<32x4x128xf32, #tpu.memory_space<vmem>>, vector<1x1x16xf32>,
      %get3A_1506 = vector.shape_cast %get3A_1505 : vector<1x1x16xf32> to vector<16xf32>
      %max3A_1507 = arith.maximumf %max3A_1419, %get3A_1506 : vector<16xf32>
      %mul3A_1508 = arith.constant 2 : i32
      %mul3A_1509 = arith.muli %scan3A_1215, %mul3A_1508 : i32
      %add3A_1510 = arith.constant 0 : i32
      %add3A_1511 = arith.addi %mul3A_1509, %add3A_1510 : i32
      %get3A_1512 = arith.constant 2 : i32
      %get3A_1513 = arith.index_cast %add3A_1511 : i32 to index
      %get3A_1514 = arith.index_cast %get3A_1512 : i32 to index
      %get3A_1515 = arith.constant 96 : index
      %get3A_1516 = tpu.vector_load %arg6[%get3A_1513, %get3A_1514, %get3A_1515] {strides = array<i32>} : memref<32x4x128xf32, #tpu.memory_space<vmem>>, vector<1x1x16xf32>,
      %get3A_1517 = vector.shape_cast %get3A_1516 : vector<1x1x16xf32> to vector<16xf32>
      %max3A_1518 = arith.maximumf %max3A_1430, %get3A_1517 : vector<16xf32>
      %mul3A_1519 = arith.constant 2 : i32
      %mul3A_1520 = arith.muli %scan3A_1215, %mul3A_1519 : i32
      %add3A_1521 = arith.constant 0 : i32
      %add3A_1522 = arith.addi %mul3A_1520, %add3A_1521 : i32
      %get3A_1523 = arith.constant 3 : i32
      %get3A_1524 = arith.index_cast %add3A_1522 : i32 to index
      %get3A_1525 = arith.index_cast %get3A_1523 : i32 to index
      %get3A_1526 = arith.constant 96 : index
      %get3A_1527 = tpu.vector_load %arg6[%get3A_1524, %get3A_1525, %get3A_1526] {strides = array<i32>} : memref<32x4x128xf32, #tpu.memory_space<vmem>>, vector<1x1x16xf32>,
      %get3A_1528 = vector.shape_cast %get3A_1527 : vector<1x1x16xf32> to vector<16xf32>
      %max3A_1529 = arith.maximumf %max3A_1441, %get3A_1528 : vector<16xf32>
      %mul3A_1530 = arith.constant 2 : i32
      %mul3A_1531 = arith.muli %scan3A_1215, %mul3A_1530 : i32
      %add3A_1532 = arith.constant 0 : i32
      %add3A_1533 = arith.addi %mul3A_1531, %add3A_1532 : i32
      %get3A_1534 = arith.constant 0 : i32
      %get3A_1535 = arith.index_cast %add3A_1533 : i32 to index
      %get3A_1536 = arith.index_cast %get3A_1534 : i32 to index
      %get3A_1537 = arith.constant 112 : index
      %get3A_1538 = tpu.vector_load %arg6[%get3A_1535, %get3A_1536, %get3A_1537] {strides = array<i32>} : memref<32x4x128xf32, #tpu.memory_space<vmem>>, vector<1x1x16xf32>,
      %get3A_1539 = vector.shape_cast %get3A_1538 : vector<1x1x16xf32> to vector<16xf32>
      %max3A_1540 = arith.maximumf %max3A_1452, %get3A_1539 : vector<16xf32>
      %mul3A_1541 = arith.constant 2 : i32
      %mul3A_1542 = arith.muli %scan3A_1215, %mul3A_1541 : i32
      %add3A_1543 = arith.constant 0 : i32
      %add3A_1544 = arith.addi %mul3A_1542, %add3A_1543 : i32
      %get3A_1545 = arith.constant 1 : i32
      %get3A_1546 = arith.index_cast %add3A_1544 : i32 to index
      %get3A_1547 = arith.index_cast %get3A_1545 : i32 to index
      %get3A_1548 = arith.constant 112 : index
      %get3A_1549 = tpu.vector_load %arg6[%get3A_1546, %get3A_1547, %get3A_1548] {strides = array<i32>} : memref<32x4x128xf32, #tpu.memory_space<vmem>>, vector<1x1x16xf32>,
      %get3A_1550 = vector.shape_cast %get3A_1549 : vector<1x1x16xf32> to vector<16xf32>
      %max3A_1551 = arith.maximumf %max3A_1463, %get3A_1550 : vector<16xf32>
      %mul3A_1552 = arith.constant 2 : i32
      %mul3A_1553 = arith.muli %scan3A_1215, %mul3A_1552 : i32
      %add3A_1554 = arith.constant 0 : i32
      %add3A_1555 = arith.addi %mul3A_1553, %add3A_1554 : i32
      %get3A_1556 = arith.constant 2 : i32
      %get3A_1557 = arith.index_cast %add3A_1555 : i32 to index
      %get3A_1558 = arith.index_cast %get3A_1556 : i32 to index
      %get3A_1559 = arith.constant 112 : index
      %get3A_1560 = tpu.vector_load %arg6[%get3A_1557, %get3A_1558, %get3A_1559] {strides = array<i32>} : memref<32x4x128xf32, #tpu.memory_space<vmem>>, vector<1x1x16xf32>,
      %get3A_1561 = vector.shape_cast %get3A_1560 : vector<1x1x16xf32> to vector<16xf32>
      %max3A_1562 = arith.maximumf %max3A_1474, %get3A_1561 : vector<16xf32>
      %mul3A_1563 = arith.constant 2 : i32
      %mul3A_1564 = arith.muli %scan3A_1215, %mul3A_1563 : i32
      %add3A_1565 = arith.constant 0 : i32
      %add3A_1566 = arith.addi %mul3A_1564, %add3A_1565 : i32
      %get3A_1567 = arith.constant 3 : i32
      %get3A_1568 = arith.index_cast %add3A_1566 : i32 to index
      %get3A_1569 = arith.index_cast %get3A_1567 : i32 to index
      %get3A_1570 = arith.constant 112 : index
      %get3A_1571 = tpu.vector_load %arg6[%get3A_1568, %get3A_1569, %get3A_1570] {strides = array<i32>} : memref<32x4x128xf32, #tpu.memory_space<vmem>>, vector<1x1x16xf32>,
      %get3A_1572 = vector.shape_cast %get3A_1571 : vector<1x1x16xf32> to vector<16xf32>
      %max3A_1573 = arith.maximumf %max3A_1485, %get3A_1572 : vector<16xf32>
      %mul3A_1574 = arith.constant 2 : i32
      %mul3A_1575 = arith.muli %scan3A_1215, %mul3A_1574 : i32
      %add3A_1576 = arith.constant 1 : i32
      %add3A_1577 = arith.addi %mul3A_1575, %add3A_1576 : i32
      %get3A_1578 = arith.constant 0 : i32
      %get3A_1579 = arith.index_cast %add3A_1577 : i32 to index
      %get3A_1580 = arith.index_cast %get3A_1578 : i32 to index
      %get3A_1581 = arith.constant 0 : index
      %get3A_1582 = tpu.vector_load %arg6[%get3A_1579, %get3A_1580, %get3A_1581] {strides = array<i32>} : memref<32x4x128xf32, #tpu.memory_space<vmem>>, vector<1x1x16xf32>,
      %get3A_1583 = vector.shape_cast %get3A_1582 : vector<1x1x16xf32> to vector<16xf32>
      %max3A_1584 = arith.maximumf %max3A_1496, %get3A_1583 : vector<16xf32>
      %mul3A_1585 = arith.constant 2 : i32
      %mul3A_1586 = arith.muli %scan3A_1215, %mul3A_1585 : i32
      %add3A_1587 = arith.constant 1 : i32
      %add3A_1588 = arith.addi %mul3A_1586, %add3A_1587 : i32
      %get3A_1589 = arith.constant 1 : i32
      %get3A_1590 = arith.index_cast %add3A_1588 : i32 to index
      %get3A_1591 = arith.index_cast %get3A_1589 : i32 to index
      %get3A_1592 = arith.constant 0 : index
      %get3A_1593 = tpu.vector_load %arg6[%get3A_1590, %get3A_1591, %get3A_1592] {strides = array<i32>} : memref<32x4x128xf32, #tpu.memory_space<vmem>>, vector<1x1x16xf32>,
      %get3A_1594 = vector.shape_cast %get3A_1593 : vector<1x1x16xf32> to vector<16xf32>
      %max3A_1595 = arith.maximumf %max3A_1507, %get3A_1594 : vector<16xf32>
      %mul3A_1596 = arith.constant 2 : i32
      %mul3A_1597 = arith.muli %scan3A_1215, %mul3A_1596 : i32
      %add3A_1598 = arith.constant 1 : i32
      %add3A_1599 = arith.addi %mul3A_1597, %add3A_1598 : i32
      %get3A_1600 = arith.constant 2 : i32
      %get3A_1601 = arith.index_cast %add3A_1599 : i32 to index
      %get3A_1602 = arith.index_cast %get3A_1600 : i32 to index
      %get3A_1603 = arith.constant 0 : index
      %get3A_1604 = tpu.vector_load %arg6[%get3A_1601, %get3A_1602, %get3A_1603] {strides = array<i32>} : memref<32x4x128xf32, #tpu.memory_space<vmem>>, vector<1x1x16xf32>,
      %get3A_1605 = vector.shape_cast %get3A_1604 : vector<1x1x16xf32> to vector<16xf32>
      %max3A_1606 = arith.maximumf %max3A_1518, %get3A_1605 : vector<16xf32>
      %mul3A_1607 = arith.constant 2 : i32
      %mul3A_1608 = arith.muli %scan3A_1215, %mul3A_1607 : i32
      %add3A_1609 = arith.constant 1 : i32
      %add3A_1610 = arith.addi %mul3A_1608, %add3A_1609 : i32
      %get3A_1611 = arith.constant 3 : i32
      %get3A_1612 = arith.index_cast %add3A_1610 : i32 to index
      %get3A_1613 = arith.index_cast %get3A_1611 : i32 to index
      %get3A_1614 = arith.constant 0 : index
      %get3A_1615 = tpu.vector_load %arg6[%get3A_1612, %get3A_1613, %get3A_1614] {strides = array<i32>} : memref<32x4x128xf32, #tpu.memory_space<vmem>>, vector<1x1x16xf32>,
      %get3A_1616 = vector.shape_cast %get3A_1615 : vector<1x1x16xf32> to vector<16xf32>
      %max3A_1617 = arith.maximumf %max3A_1529, %get3A_1616 : vector<16xf32>
      %mul3A_1618 = arith.constant 2 : i32
      %mul3A_1619 = arith.muli %scan3A_1215, %mul3A_1618 : i32
      %add3A_1620 = arith.constant 1 : i32
      %add3A_1621 = arith.addi %mul3A_1619, %add3A_1620 : i32
      %get3A_1622 = arith.constant 0 : i32
      %get3A_1623 = arith.index_cast %add3A_1621 : i32 to index
      %get3A_1624 = arith.index_cast %get3A_1622 : i32 to index
      %get3A_1625 = arith.constant 16 : index
      %get3A_1626 = tpu.vector_load %arg6[%get3A_1623, %get3A_1624, %get3A_1625] {strides = array<i32>} : memref<32x4x128xf32, #tpu.memory_space<vmem>>, vector<1x1x16xf32>,
      %get3A_1627 = vector.shape_cast %get3A_1626 : vector<1x1x16xf32> to vector<16xf32>
      %max3A_1628 = arith.maximumf %max3A_1540, %get3A_1627 : vector<16xf32>
      %mul3A_1629 = arith.constant 2 : i32
      %mul3A_1630 = arith.muli %scan3A_1215, %mul3A_1629 : i32
      %add3A_1631 = arith.constant 1 : i32
      %add3A_1632 = arith.addi %mul3A_1630, %add3A_1631 : i32
      %get3A_1633 = arith.constant 1 : i32
      %get3A_1634 = arith.index_cast %add3A_1632 : i32 to index
      %get3A_1635 = arith.index_cast %get3A_1633 : i32 to index
      %get3A_1636 = arith.constant 16 : index
      %get3A_1637 = tpu.vector_load %arg6[%get3A_1634, %get3A_1635, %get3A_1636] {strides = array<i32>} : memref<32x4x128xf32, #tpu.memory_space<vmem>>, vector<1x1x16xf32>,
      %get3A_1638 = vector.shape_cast %get3A_1637 : vector<1x1x16xf32> to vector<16xf32>
      %max3A_1639 = arith.maximumf %max3A_1551, %get3A_1638 : vector<16xf32>
      %mul3A_1640 = arith.constant 2 : i32
      %mul3A_1641 = arith.muli %scan3A_1215, %mul3A_1640 : i32
      %add3A_1642 = arith.constant 1 : i32
      %add3A_1643 = arith.addi %mul3A_1641, %add3A_1642 : i32
      %get3A_1644 = arith.constant 2 : i32
      %get3A_1645 = arith.index_cast %add3A_1643 : i32 to index
      %get3A_1646 = arith.index_cast %get3A_1644 : i32 to index
      %get3A_1647 = arith.constant 16 : index
      %get3A_1648 = tpu.vector_load %arg6[%get3A_1645, %get3A_1646, %get3A_1647] {strides = array<i32>} : memref<32x4x128xf32, #tpu.memory_space<vmem>>, vector<1x1x16xf32>,
      %get3A_1649 = vector.shape_cast %get3A_1648 : vector<1x1x16xf32> to vector<16xf32>
      %max3A_1650 = arith.maximumf %max3A_1562, %get3A_1649 : vector<16xf32>
      %mul3A_1651 = arith.constant 2 : i32
      %mul3A_1652 = arith.muli %scan3A_1215, %mul3A_1651 : i32
      %add3A_1653 = arith.constant 1 : i32
      %add3A_1654 = arith.addi %mul3A_1652, %add3A_1653 : i32
      %get3A_1655 = arith.constant 3 : i32
      %get3A_1656 = arith.index_cast %add3A_1654 : i32 to index
      %get3A_1657 = arith.index_cast %get3A_1655 : i32 to index
      %get3A_1658 = arith.constant 16 : index
      %get3A_1659 = tpu.vector_load %arg6[%get3A_1656, %get3A_1657, %get3A_1658] {strides = array<i32>} : memref<32x4x128xf32, #tpu.memory_space<vmem>>, vector<1x1x16xf32>,
      %get3A_1660 = vector.shape_cast %get3A_1659 : vector<1x1x16xf32> to vector<16xf32>
      %max3A_1661 = arith.maximumf %max3A_1573, %get3A_1660 : vector<16xf32>
      %mul3A_1662 = arith.constant 2 : i32
      %mul3A_1663 = arith.muli %scan3A_1215, %mul3A_1662 : i32
      %add3A_1664 = arith.constant 1 : i32
      %add3A_1665 = arith.addi %mul3A_1663, %add3A_1664 : i32
      %get3A_1666 = arith.constant 0 : i32
      %get3A_1667 = arith.index_cast %add3A_1665 : i32 to index
      %get3A_1668 = arith.index_cast %get3A_1666 : i32 to index
      %get3A_1669 = arith.constant 32 : index
      %get3A_1670 = tpu.vector_load %arg6[%get3A_1667, %get3A_1668, %get3A_1669] {strides = array<i32>} : memref<32x4x128xf32, #tpu.memory_space<vmem>>, vector<1x1x16xf32>,
      %get3A_1671 = vector.shape_cast %get3A_1670 : vector<1x1x16xf32> to vector<16xf32>
      %max3A_1672 = arith.maximumf %max3A_1584, %get3A_1671 : vector<16xf32>
      %mul3A_1673 = arith.constant 2 : i32
      %mul3A_1674 = arith.muli %scan3A_1215, %mul3A_1673 : i32
      %add3A_1675 = arith.constant 1 : i32
      %add3A_1676 = arith.addi %mul3A_1674, %add3A_1675 : i32
      %get3A_1677 = arith.constant 1 : i32
      %get3A_1678 = arith.index_cast %add3A_1676 : i32 to index
      %get3A_1679 = arith.index_cast %get3A_1677 : i32 to index
      %get3A_1680 = arith.constant 32 : index
      %get3A_1681 = tpu.vector_load %arg6[%get3A_1678, %get3A_1679, %get3A_1680] {strides = array<i32>} : memref<32x4x128xf32, #tpu.memory_space<vmem>>, vector<1x1x16xf32>,
      %get3A_1682 = vector.shape_cast %get3A_1681 : vector<1x1x16xf32> to vector<16xf32>
      %max3A_1683 = arith.maximumf %max3A_1595, %get3A_1682 : vector<16xf32>
      %mul3A_1684 = arith.constant 2 : i32
      %mul3A_1685 = arith.muli %scan3A_1215, %mul3A_1684 : i32
      %add3A_1686 = arith.constant 1 : i32
      %add3A_1687 = arith.addi %mul3A_1685, %add3A_1686 : i32
      %get3A_1688 = arith.constant 2 : i32
      %get3A_1689 = arith.index_cast %add3A_1687 : i32 to index
      %get3A_1690 = arith.index_cast %get3A_1688 : i32 to index
      %get3A_1691 = arith.constant 32 : index
      %get3A_1692 = tpu.vector_load %arg6[%get3A_1689, %get3A_1690, %get3A_1691] {strides = array<i32>} : memref<32x4x128xf32, #tpu.memory_space<vmem>>, vector<1x1x16xf32>,
      %get3A_1693 = vector.shape_cast %get3A_1692 : vector<1x1x16xf32> to vector<16xf32>
      %max3A_1694 = arith.maximumf %max3A_1606, %get3A_1693 : vector<16xf32>
      %mul3A_1695 = arith.constant 2 : i32
      %mul3A_1696 = arith.muli %scan3A_1215, %mul3A_1695 : i32
      %add3A_1697 = arith.constant 1 : i32
      %add3A_1698 = arith.addi %mul3A_1696, %add3A_1697 : i32
      %get3A_1699 = arith.constant 3 : i32
      %get3A_1700 = arith.index_cast %add3A_1698 : i32 to index
      %get3A_1701 = arith.index_cast %get3A_1699 : i32 to index
      %get3A_1702 = arith.constant 32 : index
      %get3A_1703 = tpu.vector_load %arg6[%get3A_1700, %get3A_1701, %get3A_1702] {strides = array<i32>} : memref<32x4x128xf32, #tpu.memory_space<vmem>>, vector<1x1x16xf32>,
      %get3A_1704 = vector.shape_cast %get3A_1703 : vector<1x1x16xf32> to vector<16xf32>
      %max3A_1705 = arith.maximumf %max3A_1617, %get3A_1704 : vector<16xf32>
      %mul3A_1706 = arith.constant 2 : i32
      %mul3A_1707 = arith.muli %scan3A_1215, %mul3A_1706 : i32
      %add3A_1708 = arith.constant 1 : i32
      %add3A_1709 = arith.addi %mul3A_1707, %add3A_1708 : i32
      %get3A_1710 = arith.constant 0 : i32
      %get3A_1711 = arith.index_cast %add3A_1709 : i32 to index
      %get3A_1712 = arith.index_cast %get3A_1710 : i32 to index
      %get3A_1713 = arith.constant 48 : index
      %get3A_1714 = tpu.vector_load %arg6[%get3A_1711, %get3A_1712, %get3A_1713] {strides = array<i32>} : memref<32x4x128xf32, #tpu.memory_space<vmem>>, vector<1x1x16xf32>,
      %get3A_1715 = vector.shape_cast %get3A_1714 : vector<1x1x16xf32> to vector<16xf32>
      %max3A_1716 = arith.maximumf %max3A_1628, %get3A_1715 : vector<16xf32>
      %mul3A_1717 = arith.constant 2 : i32
      %mul3A_1718 = arith.muli %scan3A_1215, %mul3A_1717 : i32
      %add3A_1719 = arith.constant 1 : i32
      %add3A_1720 = arith.addi %mul3A_1718, %add3A_1719 : i32
      %get3A_1721 = arith.constant 1 : i32
      %get3A_1722 = arith.index_cast %add3A_1720 : i32 to index
      %get3A_1723 = arith.index_cast %get3A_1721 : i32 to index
      %get3A_1724 = arith.constant 48 : index
      %get3A_1725 = tpu.vector_load %arg6[%get3A_1722, %get3A_1723, %get3A_1724] {strides = array<i32>} : memref<32x4x128xf32, #tpu.memory_space<vmem>>, vector<1x1x16xf32>,
      %get3A_1726 = vector.shape_cast %get3A_1725 : vector<1x1x16xf32> to vector<16xf32>
      %max3A_1727 = arith.maximumf %max3A_1639, %get3A_1726 : vector<16xf32>
      %mul3A_1728 = arith.constant 2 : i32
      %mul3A_1729 = arith.muli %scan3A_1215, %mul3A_1728 : i32
      %add3A_1730 = arith.constant 1 : i32
      %add3A_1731 = arith.addi %mul3A_1729, %add3A_1730 : i32
      %get3A_1732 = arith.constant 2 : i32
      %get3A_1733 = arith.index_cast %add3A_1731 : i32 to index
      %get3A_1734 = arith.index_cast %get3A_1732 : i32 to index
      %get3A_1735 = arith.constant 48 : index
      %get3A_1736 = tpu.vector_load %arg6[%get3A_1733, %get3A_1734, %get3A_1735] {strides = array<i32>} : memref<32x4x128xf32, #tpu.memory_space<vmem>>, vector<1x1x16xf32>,
      %get3A_1737 = vector.shape_cast %get3A_1736 : vector<1x1x16xf32> to vector<16xf32>
      %max3A_1738 = arith.maximumf %max3A_1650, %get3A_1737 : vector<16xf32>
      %mul3A_1739 = arith.constant 2 : i32
      %mul3A_1740 = arith.muli %scan3A_1215, %mul3A_1739 : i32
      %add3A_1741 = arith.constant 1 : i32
      %add3A_1742 = arith.addi %mul3A_1740, %add3A_1741 : i32
      %get3A_1743 = arith.constant 3 : i32
      %get3A_1744 = arith.index_cast %add3A_1742 : i32 to index
      %get3A_1745 = arith.index_cast %get3A_1743 : i32 to index
      %get3A_1746 = arith.constant 48 : index
      %get3A_1747 = tpu.vector_load %arg6[%get3A_1744, %get3A_1745, %get3A_1746] {strides = array<i32>} : memref<32x4x128xf32, #tpu.memory_space<vmem>>, vector<1x1x16xf32>,
      %get3A_1748 = vector.shape_cast %get3A_1747 : vector<1x1x16xf32> to vector<16xf32>
      %max3A_1749 = arith.maximumf %max3A_1661, %get3A_1748 : vector<16xf32>
      %mul3A_1750 = arith.constant 2 : i32
      %mul3A_1751 = arith.muli %scan3A_1215, %mul3A_1750 : i32
      %add3A_1752 = arith.constant 1 : i32
      %add3A_1753 = arith.addi %mul3A_1751, %add3A_1752 : i32
      %get3A_1754 = arith.constant 0 : i32
      %get3A_1755 = arith.index_cast %add3A_1753 : i32 to index
      %get3A_1756 = arith.index_cast %get3A_1754 : i32 to index
      %get3A_1757 = arith.constant 64 : index
      %get3A_1758 = tpu.vector_load %arg6[%get3A_1755, %get3A_1756, %get3A_1757] {strides = array<i32>} : memref<32x4x128xf32, #tpu.memory_space<vmem>>, vector<1x1x16xf32>,
      %get3A_1759 = vector.shape_cast %get3A_1758 : vector<1x1x16xf32> to vector<16xf32>
      %max3A_1760 = arith.maximumf %max3A_1672, %get3A_1759 : vector<16xf32>
      %mul3A_1761 = arith.constant 2 : i32
      %mul3A_1762 = arith.muli %scan3A_1215, %mul3A_1761 : i32
      %add3A_1763 = arith.constant 1 : i32
      %add3A_1764 = arith.addi %mul3A_1762, %add3A_1763 : i32
      %get3A_1765 = arith.constant 1 : i32
      %get3A_1766 = arith.index_cast %add3A_1764 : i32 to index
      %get3A_1767 = arith.index_cast %get3A_1765 : i32 to index
      %get3A_1768 = arith.constant 64 : index
      %get3A_1769 = tpu.vector_load %arg6[%get3A_1766, %get3A_1767, %get3A_1768] {strides = array<i32>} : memref<32x4x128xf32, #tpu.memory_space<vmem>>, vector<1x1x16xf32>,
      %get3A_1770 = vector.shape_cast %get3A_1769 : vector<1x1x16xf32> to vector<16xf32>
      %max3A_1771 = arith.maximumf %max3A_1683, %get3A_1770 : vector<16xf32>
      %mul3A_1772 = arith.constant 2 : i32
      %mul3A_1773 = arith.muli %scan3A_1215, %mul3A_1772 : i32
      %add3A_1774 = arith.constant 1 : i32
      %add3A_1775 = arith.addi %mul3A_1773, %add3A_1774 : i32
      %get3A_1776 = arith.constant 2 : i32
      %get3A_1777 = arith.index_cast %add3A_1775 : i32 to index
      %get3A_1778 = arith.index_cast %get3A_1776 : i32 to index
      %get3A_1779 = arith.constant 64 : index
      %get3A_1780 = tpu.vector_load %arg6[%get3A_1777, %get3A_1778, %get3A_1779] {strides = array<i32>} : memref<32x4x128xf32, #tpu.memory_space<vmem>>, vector<1x1x16xf32>,
      %get3A_1781 = vector.shape_cast %get3A_1780 : vector<1x1x16xf32> to vector<16xf32>
      %max3A_1782 = arith.maximumf %max3A_1694, %get3A_1781 : vector<16xf32>
      %mul3A_1783 = arith.constant 2 : i32
      %mul3A_1784 = arith.muli %scan3A_1215, %mul3A_1783 : i32
      %add3A_1785 = arith.constant 1 : i32
      %add3A_1786 = arith.addi %mul3A_1784, %add3A_1785 : i32
      %get3A_1787 = arith.constant 3 : i32
      %get3A_1788 = arith.index_cast %add3A_1786 : i32 to index
      %get3A_1789 = arith.index_cast %get3A_1787 : i32 to index
      %get3A_1790 = arith.constant 64 : index
      %get3A_1791 = tpu.vector_load %arg6[%get3A_1788, %get3A_1789, %get3A_1790] {strides = array<i32>} : memref<32x4x128xf32, #tpu.memory_space<vmem>>, vector<1x1x16xf32>,
      %get3A_1792 = vector.shape_cast %get3A_1791 : vector<1x1x16xf32> to vector<16xf32>
      %max3A_1793 = arith.maximumf %max3A_1705, %get3A_1792 : vector<16xf32>
      %mul3A_1794 = arith.constant 2 : i32
      %mul3A_1795 = arith.muli %scan3A_1215, %mul3A_1794 : i32
      %add3A_1796 = arith.constant 1 : i32
      %add3A_1797 = arith.addi %mul3A_1795, %add3A_1796 : i32
      %get3A_1798 = arith.constant 0 : i32
      %get3A_1799 = arith.index_cast %add3A_1797 : i32 to index
      %get3A_1800 = arith.index_cast %get3A_1798 : i32 to index
      %get3A_1801 = arith.constant 80 : index
      %get3A_1802 = tpu.vector_load %arg6[%get3A_1799, %get3A_1800, %get3A_1801] {strides = array<i32>} : memref<32x4x128xf32, #tpu.memory_space<vmem>>, vector<1x1x16xf32>,
      %get3A_1803 = vector.shape_cast %get3A_1802 : vector<1x1x16xf32> to vector<16xf32>
      %max3A_1804 = arith.maximumf %max3A_1716, %get3A_1803 : vector<16xf32>
      %mul3A_1805 = arith.constant 2 : i32
      %mul3A_1806 = arith.muli %scan3A_1215, %mul3A_1805 : i32
      %add3A_1807 = arith.constant 1 : i32
      %add3A_1808 = arith.addi %mul3A_1806, %add3A_1807 : i32
      %get3A_1809 = arith.constant 1 : i32
      %get3A_1810 = arith.index_cast %add3A_1808 : i32 to index
      %get3A_1811 = arith.index_cast %get3A_1809 : i32 to index
      %get3A_1812 = arith.constant 80 : index
      %get3A_1813 = tpu.vector_load %arg6[%get3A_1810, %get3A_1811, %get3A_1812] {strides = array<i32>} : memref<32x4x128xf32, #tpu.memory_space<vmem>>, vector<1x1x16xf32>,
      %get3A_1814 = vector.shape_cast %get3A_1813 : vector<1x1x16xf32> to vector<16xf32>
      %max3A_1815 = arith.maximumf %max3A_1727, %get3A_1814 : vector<16xf32>
      %mul3A_1816 = arith.constant 2 : i32
      %mul3A_1817 = arith.muli %scan3A_1215, %mul3A_1816 : i32
      %add3A_1818 = arith.constant 1 : i32
      %add3A_1819 = arith.addi %mul3A_1817, %add3A_1818 : i32
      %get3A_1820 = arith.constant 2 : i32
      %get3A_1821 = arith.index_cast %add3A_1819 : i32 to index
      %get3A_1822 = arith.index_cast %get3A_1820 : i32 to index
      %get3A_1823 = arith.constant 80 : index
      %get3A_1824 = tpu.vector_load %arg6[%get3A_1821, %get3A_1822, %get3A_1823] {strides = array<i32>} : memref<32x4x128xf32, #tpu.memory_space<vmem>>, vector<1x1x16xf32>,
      %get3A_1825 = vector.shape_cast %get3A_1824 : vector<1x1x16xf32> to vector<16xf32>
      %max3A_1826 = arith.maximumf %max3A_1738, %get3A_1825 : vector<16xf32>
      %mul3A_1827 = arith.constant 2 : i32
      %mul3A_1828 = arith.muli %scan3A_1215, %mul3A_1827 : i32
      %add3A_1829 = arith.constant 1 : i32
      %add3A_1830 = arith.addi %mul3A_1828, %add3A_1829 : i32
      %get3A_1831 = arith.constant 3 : i32
      %get3A_1832 = arith.index_cast %add3A_1830 : i32 to index
      %get3A_1833 = arith.index_cast %get3A_1831 : i32 to index
      %get3A_1834 = arith.constant 80 : index
      %get3A_1835 = tpu.vector_load %arg6[%get3A_1832, %get3A_1833, %get3A_1834] {strides = array<i32>} : memref<32x4x128xf32, #tpu.memory_space<vmem>>, vector<1x1x16xf32>,
      %get3A_1836 = vector.shape_cast %get3A_1835 : vector<1x1x16xf32> to vector<16xf32>
      %max3A_1837 = arith.maximumf %max3A_1749, %get3A_1836 : vector<16xf32>
      %mul3A_1838 = arith.constant 2 : i32
      %mul3A_1839 = arith.muli %scan3A_1215, %mul3A_1838 : i32
      %add3A_1840 = arith.constant 1 : i32
      %add3A_1841 = arith.addi %mul3A_1839, %add3A_1840 : i32
      %get3A_1842 = arith.constant 0 : i32
      %get3A_1843 = arith.index_cast %add3A_1841 : i32 to index
      %get3A_1844 = arith.index_cast %get3A_1842 : i32 to index
      %get3A_1845 = arith.constant 96 : index
      %get3A_1846 = tpu.vector_load %arg6[%get3A_1843, %get3A_1844, %get3A_1845] {strides = array<i32>} : memref<32x4x128xf32, #tpu.memory_space<vmem>>, vector<1x1x16xf32>,
      %get3A_1847 = vector.shape_cast %get3A_1846 : vector<1x1x16xf32> to vector<16xf32>
      %max3A_1848 = arith.maximumf %max3A_1760, %get3A_1847 : vector<16xf32>
      %mul3A_1849 = arith.constant 2 : i32
      %mul3A_1850 = arith.muli %scan3A_1215, %mul3A_1849 : i32
      %add3A_1851 = arith.constant 1 : i32
      %add3A_1852 = arith.addi %mul3A_1850, %add3A_1851 : i32
      %get3A_1853 = arith.constant 1 : i32
      %get3A_1854 = arith.index_cast %add3A_1852 : i32 to index
      %get3A_1855 = arith.index_cast %get3A_1853 : i32 to index
      %get3A_1856 = arith.constant 96 : index
      %get3A_1857 = tpu.vector_load %arg6[%get3A_1854, %get3A_1855, %get3A_1856] {strides = array<i32>} : memref<32x4x128xf32, #tpu.memory_space<vmem>>, vector<1x1x16xf32>,
      %get3A_1858 = vector.shape_cast %get3A_1857 : vector<1x1x16xf32> to vector<16xf32>
      %max3A_1859 = arith.maximumf %max3A_1771, %get3A_1858 : vector<16xf32>
      %mul3A_1860 = arith.constant 2 : i32
      %mul3A_1861 = arith.muli %scan3A_1215, %mul3A_1860 : i32
      %add3A_1862 = arith.constant 1 : i32
      %add3A_1863 = arith.addi %mul3A_1861, %add3A_1862 : i32
      %get3A_1864 = arith.constant 2 : i32
      %get3A_1865 = arith.index_cast %add3A_1863 : i32 to index
      %get3A_1866 = arith.index_cast %get3A_1864 : i32 to index
      %get3A_1867 = arith.constant 96 : index
      %get3A_1868 = tpu.vector_load %arg6[%get3A_1865, %get3A_1866, %get3A_1867] {strides = array<i32>} : memref<32x4x128xf32, #tpu.memory_space<vmem>>, vector<1x1x16xf32>,
      %get3A_1869 = vector.shape_cast %get3A_1868 : vector<1x1x16xf32> to vector<16xf32>
      %max3A_1870 = arith.maximumf %max3A_1782, %get3A_1869 : vector<16xf32>
      %mul3A_1871 = arith.constant 2 : i32
      %mul3A_1872 = arith.muli %scan3A_1215, %mul3A_1871 : i32
      %add3A_1873 = arith.constant 1 : i32
      %add3A_1874 = arith.addi %mul3A_1872, %add3A_1873 : i32
      %get3A_1875 = arith.constant 3 : i32
      %get3A_1876 = arith.index_cast %add3A_1874 : i32 to index
      %get3A_1877 = arith.index_cast %get3A_1875 : i32 to index
      %get3A_1878 = arith.constant 96 : index
      %get3A_1879 = tpu.vector_load %arg6[%get3A_1876, %get3A_1877, %get3A_1878] {strides = array<i32>} : memref<32x4x128xf32, #tpu.memory_space<vmem>>, vector<1x1x16xf32>,
      %get3A_1880 = vector.shape_cast %get3A_1879 : vector<1x1x16xf32> to vector<16xf32>
      %max3A_1881 = arith.maximumf %max3A_1793, %get3A_1880 : vector<16xf32>
      %mul3A_1882 = arith.constant 2 : i32
      %mul3A_1883 = arith.muli %scan3A_1215, %mul3A_1882 : i32
      %add3A_1884 = arith.constant 1 : i32
      %add3A_1885 = arith.addi %mul3A_1883, %add3A_1884 : i32
      %get3A_1886 = arith.constant 0 : i32
      %get3A_1887 = arith.index_cast %add3A_1885 : i32 to index
      %get3A_1888 = arith.index_cast %get3A_1886 : i32 to index
      %get3A_1889 = arith.constant 112 : index
      %get3A_1890 = tpu.vector_load %arg6[%get3A_1887, %get3A_1888, %get3A_1889] {strides = array<i32>} : memref<32x4x128xf32, #tpu.memory_space<vmem>>, vector<1x1x16xf32>,
      %get3A_1891 = vector.shape_cast %get3A_1890 : vector<1x1x16xf32> to vector<16xf32>
      %max3A_1892 = arith.maximumf %max3A_1804, %get3A_1891 : vector<16xf32>
      %mul3A_1893 = arith.constant 2 : i32
      %mul3A_1894 = arith.muli %scan3A_1215, %mul3A_1893 : i32
      %add3A_1895 = arith.constant 1 : i32
      %add3A_1896 = arith.addi %mul3A_1894, %add3A_1895 : i32
      %get3A_1897 = arith.constant 1 : i32
      %get3A_1898 = arith.index_cast %add3A_1896 : i32 to index
      %get3A_1899 = arith.index_cast %get3A_1897 : i32 to index
      %get3A_1900 = arith.constant 112 : index
      %get3A_1901 = tpu.vector_load %arg6[%get3A_1898, %get3A_1899, %get3A_1900] {strides = array<i32>} : memref<32x4x128xf32, #tpu.memory_space<vmem>>, vector<1x1x16xf32>,
      %get3A_1902 = vector.shape_cast %get3A_1901 : vector<1x1x16xf32> to vector<16xf32>
      %max3A_1903 = arith.maximumf %max3A_1815, %get3A_1902 : vector<16xf32>
      %mul3A_1904 = arith.constant 2 : i32
      %mul3A_1905 = arith.muli %scan3A_1215, %mul3A_1904 : i32
      %add3A_1906 = arith.constant 1 : i32
      %add3A_1907 = arith.addi %mul3A_1905, %add3A_1906 : i32
      %get3A_1908 = arith.constant 2 : i32
      %get3A_1909 = arith.index_cast %add3A_1907 : i32 to index
      %get3A_1910 = arith.index_cast %get3A_1908 : i32 to index
      %get3A_1911 = arith.constant 112 : index
      %get3A_1912 = tpu.vector_load %arg6[%get3A_1909, %get3A_1910, %get3A_1911] {strides = array<i32>} : memref<32x4x128xf32, #tpu.memory_space<vmem>>, vector<1x1x16xf32>,
      %get3A_1913 = vector.shape_cast %get3A_1912 : vector<1x1x16xf32> to vector<16xf32>
      %max3A_1914 = arith.maximumf %max3A_1826, %get3A_1913 : vector<16xf32>
      %mul3A_1915 = arith.constant 2 : i32
      %mul3A_1916 = arith.muli %scan3A_1215, %mul3A_1915 : i32
      %add3A_1917 = arith.constant 1 : i32
      %add3A_1918 = arith.addi %mul3A_1916, %add3A_1917 : i32
      %get3A_1919 = arith.constant 3 : i32
      %get3A_1920 = arith.index_cast %add3A_1918 : i32 to index
      %get3A_1921 = arith.index_cast %get3A_1919 : i32 to index
      %get3A_1922 = arith.constant 112 : index
      %get3A_1923 = tpu.vector_load %arg6[%get3A_1920, %get3A_1921, %get3A_1922] {strides = array<i32>} : memref<32x4x128xf32, #tpu.memory_space<vmem>>, vector<1x1x16xf32>,
      %get3A_1924 = vector.shape_cast %get3A_1923 : vector<1x1x16xf32> to vector<16xf32>
      %max3A_1925 = arith.maximumf %max3A_1837, %get3A_1924 : vector<16xf32>
      scf.yield %max3A_1848, %max3A_1892, %max3A_1859, %max3A_1903, %max3A_1870, %max3A_1914, %max3A_1881, %max3A_1925 : vector<16xf32>, vector<16xf32>, vector<16xf32>, vector<16xf32>, vector<16xf32>, vector<16xf32>, vector<16xf32>, vector<16xf32>
    }
    %scan3A_175 = arith.constant 16 : i32
    %gt3A_176 = arith.cmpf ogt, %scan3A_174#0, %select_n3A_107 : vector<16xf32>
    %select_n3A_177 = arith.select %gt3A_176, %scan3A_174#0, %select_n3A_107 : vector<16xi1>, vector<16xf32>
    %jit3A_178 = arith.constant 1 : i32
    %broadcast_in_dim3A_179 = vector.broadcast %jit3A_178 : i32 to vector<16xi32>
    %select_n3A_180 = arith.select %gt3A_176, %broadcast_in_dim3A_179, %select_n3A_110 : vector<16xi1>, vector<16xi32>
    %gt3A_181 = arith.cmpf ogt, %scan3A_174#1, %select_n3A_112 : vector<16xf32>
    %select_n3A_182 = arith.select %gt3A_181, %scan3A_174#1, %select_n3A_112 : vector<16xi1>, vector<16xf32>
    %jit3A_183 = arith.constant 1 : i32
    %broadcast_in_dim3A_184 = vector.broadcast %jit3A_183 : i32 to vector<16xi32>
    %select_n3A_185 = arith.select %gt3A_181, %broadcast_in_dim3A_184, %select_n3A_115 : vector<16xi1>, vector<16xi32>
    %gt3A_186 = arith.cmpf ogt, %scan3A_174#2, %select_n3A_117 : vector<16xf32>
    %select_n3A_187 = arith.select %gt3A_186, %scan3A_174#2, %select_n3A_117 : vector<16xi1>, vector<16xf32>
    %jit3A_188 = arith.constant 1 : i32
    %broadcast_in_dim3A_189 = vector.broadcast %jit3A_188 : i32 to vector<16xi32>
    %select_n3A_190 = arith.select %gt3A_186, %broadcast_in_dim3A_189, %select_n3A_120 : vector<16xi1>, vector<16xi32>
    %gt3A_191 = arith.cmpf ogt, %scan3A_174#3, %select_n3A_122 : vector<16xf32>
    %select_n3A_192 = arith.select %gt3A_191, %scan3A_174#3, %select_n3A_122 : vector<16xi1>, vector<16xf32>
    %jit3A_193 = arith.constant 1 : i32
    %broadcast_in_dim3A_194 = vector.broadcast %jit3A_193 : i32 to vector<16xi32>
    %select_n3A_195 = arith.select %gt3A_191, %broadcast_in_dim3A_194, %select_n3A_125 : vector<16xi1>, vector<16xi32>
    %gt3A_196 = arith.cmpf ogt, %scan3A_174#4, %select_n3A_127 : vector<16xf32>
    %select_n3A_197 = arith.select %gt3A_196, %scan3A_174#4, %select_n3A_127 : vector<16xi1>, vector<16xf32>
    %jit3A_198 = arith.constant 1 : i32
    %broadcast_in_dim3A_199 = vector.broadcast %jit3A_198 : i32 to vector<16xi32>
    %select_n3A_200 = arith.select %gt3A_196, %broadcast_in_dim3A_199, %select_n3A_130 : vector<16xi1>, vector<16xi32>
    %gt3A_201 = arith.cmpf ogt, %scan3A_174#5, %select_n3A_132 : vector<16xf32>
    %select_n3A_202 = arith.select %gt3A_201, %scan3A_174#5, %select_n3A_132 : vector<16xi1>, vector<16xf32>
    %jit3A_203 = arith.constant 1 : i32
    %broadcast_in_dim3A_204 = vector.broadcast %jit3A_203 : i32 to vector<16xi32>
    %select_n3A_205 = arith.select %gt3A_201, %broadcast_in_dim3A_204, %select_n3A_135 : vector<16xi1>, vector<16xi32>
    %gt3A_206 = arith.cmpf ogt, %scan3A_174#6, %select_n3A_137 : vector<16xf32>
    %select_n3A_207 = arith.select %gt3A_206, %scan3A_174#6, %select_n3A_137 : vector<16xi1>, vector<16xf32>
    %jit3A_208 = arith.constant 1 : i32
    %broadcast_in_dim3A_209 = vector.broadcast %jit3A_208 : i32 to vector<16xi32>
    %select_n3A_210 = arith.select %gt3A_206, %broadcast_in_dim3A_209, %select_n3A_140 : vector<16xi1>, vector<16xi32>
    %gt3A_211 = arith.cmpf ogt, %scan3A_174#7, %select_n3A_142 : vector<16xf32>
    %select_n3A_212 = arith.select %gt3A_211, %scan3A_174#7, %select_n3A_142 : vector<16xi1>, vector<16xf32>
    %jit3A_213 = arith.constant 1 : i32
    %broadcast_in_dim3A_214 = vector.broadcast %jit3A_213 : i32 to vector<16xi32>
    %select_n3A_215 = arith.select %gt3A_211, %broadcast_in_dim3A_214, %select_n3A_145 : vector<16xi1>, vector<16xi32>
    %broadcast_in_dim3A_216 = arith.constant 0 : i32
    %broadcast_in_dim3A_217 = vector.broadcast %broadcast_in_dim3A_216 : i32 to vector<16xi32>
    %gt3A_218 = arith.cmpf ogt, %select_n3A_182, %select_n3A_177 : vector<16xf32>
    %eq3A_219 = arith.cmpf oeq, %select_n3A_182, %select_n3A_177 : vector<16xf32>
    %lt3A_220 = arith.cmpi slt, %select_n3A_185, %select_n3A_180 : vector<16xi32>
    %and3A_221 = arith.andi %eq3A_219, %lt3A_220 : vector<16xi1>
    %or3A = arith.ori %gt3A_218, %and3A_221 : vector<16xi1>
    %select_n3A_222 = arith.select %or3A, %select_n3A_182, %select_n3A_177 : vector<16xi1>, vector<16xf32>
    %select_n3A_223 = arith.select %or3A, %select_n3A_185, %select_n3A_180 : vector<16xi1>, vector<16xi32>
    %xor3A = arith.constant 1 : i32
    %xor3A_224 = vector.broadcast %xor3A : i32 to vector<16xi32>
    %xor3A_225 = arith.xori %iota3A, %xor3A_224 : vector<16xi32>
    %lt3A_226 = arith.constant 0 : i32
    %lt3A_227 = vector.broadcast %lt3A_226 : i32 to vector<16xi32>
    %lt3A_228 = arith.cmpi slt, %xor3A_225, %lt3A_227 : vector<16xi32>
    %add3A_229 = arith.constant 16 : i32
    %add3A_230 = vector.broadcast %add3A_229 : i32 to vector<16xi32>
    %add3A_231 = arith.addi %xor3A_225, %add3A_230 : vector<16xi32>
    %select_n3A_232 = arith.select %lt3A_228, %add3A_231, %xor3A_225 : vector<16xi1>, vector<16xi32>
    %broadcast_in_dim3A_233 = vector.shape_cast %select_n3A_232 : vector<16xi32> to vector<16x1xi32>
    %gather3A = vector.shape_cast %broadcast_in_dim3A_233 : vector<16x1xi32> to vector<16xi32>
    %gather3A_234 = tpu.dynamic_gather %select_n3A_222[%gather3A] in [0] : vector<16xf32>, vector<16xi32> -> vector<16xf32>
    %lt3A_235 = arith.constant 0 : i32
    %lt3A_236 = vector.broadcast %lt3A_235 : i32 to vector<16xi32>
    %lt3A_237 = arith.cmpi slt, %xor3A_225, %lt3A_236 : vector<16xi32>
    %add3A_238 = arith.constant 16 : i32
    %add3A_239 = vector.broadcast %add3A_238 : i32 to vector<16xi32>
    %add3A_240 = arith.addi %xor3A_225, %add3A_239 : vector<16xi32>
    %select_n3A_241 = arith.select %lt3A_237, %add3A_240, %xor3A_225 : vector<16xi1>, vector<16xi32>
    %broadcast_in_dim3A_242 = vector.shape_cast %select_n3A_241 : vector<16xi32> to vector<16x1xi32>
    %gather3A_243 = vector.shape_cast %broadcast_in_dim3A_242 : vector<16x1xi32> to vector<16xi32>
    %gather3A_244 = tpu.dynamic_gather %select_n3A_223[%gather3A_243] in [0] : vector<16xi32>, vector<16xi32> -> vector<16xi32>
    %gt3A_245 = arith.cmpf ogt, %gather3A_234, %select_n3A_222 : vector<16xf32>
    %eq3A_246 = arith.cmpf oeq, %gather3A_234, %select_n3A_222 : vector<16xf32>
    %lt3A_247 = arith.cmpi slt, %gather3A_244, %select_n3A_223 : vector<16xi32>
    %and3A_248 = arith.andi %eq3A_246, %lt3A_247 : vector<16xi1>
    %or3A_249 = arith.ori %gt3A_245, %and3A_248 : vector<16xi1>
    %select_n3A_250 = arith.select %or3A_249, %gather3A_234, %select_n3A_222 : vector<16xi1>, vector<16xf32>
    %select_n3A_251 = arith.select %or3A_249, %gather3A_244, %select_n3A_223 : vector<16xi1>, vector<16xi32>
    %xor3A_252 = arith.constant 2 : i32
    %xor3A_253 = vector.broadcast %xor3A_252 : i32 to vector<16xi32>
    %xor3A_254 = arith.xori %iota3A, %xor3A_253 : vector<16xi32>
    %lt3A_255 = arith.constant 0 : i32
    %lt3A_256 = vector.broadcast %lt3A_255 : i32 to vector<16xi32>
    %lt3A_257 = arith.cmpi slt, %xor3A_254, %lt3A_256 : vector<16xi32>
    %add3A_258 = arith.constant 16 : i32
    %add3A_259 = vector.broadcast %add3A_258 : i32 to vector<16xi32>
    %add3A_260 = arith.addi %xor3A_254, %add3A_259 : vector<16xi32>
    %select_n3A_261 = arith.select %lt3A_257, %add3A_260, %xor3A_254 : vector<16xi1>, vector<16xi32>
    %broadcast_in_dim3A_262 = vector.shape_cast %select_n3A_261 : vector<16xi32> to vector<16x1xi32>
    %gather3A_263 = vector.shape_cast %broadcast_in_dim3A_262 : vector<16x1xi32> to vector<16xi32>
    %gather3A_264 = tpu.dynamic_gather %select_n3A_250[%gather3A_263] in [0] : vector<16xf32>, vector<16xi32> -> vector<16xf32>
    %lt3A_265 = arith.constant 0 : i32
    %lt3A_266 = vector.broadcast %lt3A_265 : i32 to vector<16xi32>
    %lt3A_267 = arith.cmpi slt, %xor3A_254, %lt3A_266 : vector<16xi32>
    %add3A_268 = arith.constant 16 : i32
    %add3A_269 = vector.broadcast %add3A_268 : i32 to vector<16xi32>
    %add3A_270 = arith.addi %xor3A_254, %add3A_269 : vector<16xi32>
    %select_n3A_271 = arith.select %lt3A_267, %add3A_270, %xor3A_254 : vector<16xi1>, vector<16xi32>
    %broadcast_in_dim3A_272 = vector.shape_cast %select_n3A_271 : vector<16xi32> to vector<16x1xi32>
    %gather3A_273 = vector.shape_cast %broadcast_in_dim3A_272 : vector<16x1xi32> to vector<16xi32>
    %gather3A_274 = tpu.dynamic_gather %select_n3A_251[%gather3A_273] in [0] : vector<16xi32>, vector<16xi32> -> vector<16xi32>
    %gt3A_275 = arith.cmpf ogt, %gather3A_264, %select_n3A_250 : vector<16xf32>
    %eq3A_276 = arith.cmpf oeq, %gather3A_264, %select_n3A_250 : vector<16xf32>
    %lt3A_277 = arith.cmpi slt, %gather3A_274, %select_n3A_251 : vector<16xi32>
    %and3A_278 = arith.andi %eq3A_276, %lt3A_277 : vector<16xi1>
    %or3A_279 = arith.ori %gt3A_275, %and3A_278 : vector<16xi1>
    %select_n3A_280 = arith.select %or3A_279, %gather3A_264, %select_n3A_250 : vector<16xi1>, vector<16xf32>
    %select_n3A_281 = arith.select %or3A_279, %gather3A_274, %select_n3A_251 : vector<16xi1>, vector<16xi32>
    %xor3A_282 = arith.constant 4 : i32
    %xor3A_283 = vector.broadcast %xor3A_282 : i32 to vector<16xi32>
    %xor3A_284 = arith.xori %iota3A, %xor3A_283 : vector<16xi32>
    %lt3A_285 = arith.constant 0 : i32
    %lt3A_286 = vector.broadcast %lt3A_285 : i32 to vector<16xi32>
    %lt3A_287 = arith.cmpi slt, %xor3A_284, %lt3A_286 : vector<16xi32>
    %add3A_288 = arith.constant 16 : i32
    %add3A_289 = vector.broadcast %add3A_288 : i32 to vector<16xi32>
    %add3A_290 = arith.addi %xor3A_284, %add3A_289 : vector<16xi32>
    %select_n3A_291 = arith.select %lt3A_287, %add3A_290, %xor3A_284 : vector<16xi1>, vector<16xi32>
    %broadcast_in_dim3A_292 = vector.shape_cast %select_n3A_291 : vector<16xi32> to vector<16x1xi32>
    %gather3A_293 = vector.shape_cast %broadcast_in_dim3A_292 : vector<16x1xi32> to vector<16xi32>
    %gather3A_294 = tpu.dynamic_gather %select_n3A_280[%gather3A_293] in [0] : vector<16xf32>, vector<16xi32> -> vector<16xf32>
    %lt3A_295 = arith.constant 0 : i32
    %lt3A_296 = vector.broadcast %lt3A_295 : i32 to vector<16xi32>
    %lt3A_297 = arith.cmpi slt, %xor3A_284, %lt3A_296 : vector<16xi32>
    %add3A_298 = arith.constant 16 : i32
    %add3A_299 = vector.broadcast %add3A_298 : i32 to vector<16xi32>
    %add3A_300 = arith.addi %xor3A_284, %add3A_299 : vector<16xi32>
    %select_n3A_301 = arith.select %lt3A_297, %add3A_300, %xor3A_284 : vector<16xi1>, vector<16xi32>
    %broadcast_in_dim3A_302 = vector.shape_cast %select_n3A_301 : vector<16xi32> to vector<16x1xi32>
    %gather3A_303 = vector.shape_cast %broadcast_in_dim3A_302 : vector<16x1xi32> to vector<16xi32>
    %gather3A_304 = tpu.dynamic_gather %select_n3A_281[%gather3A_303] in [0] : vector<16xi32>, vector<16xi32> -> vector<16xi32>
    %gt3A_305 = arith.cmpf ogt, %gather3A_294, %select_n3A_280 : vector<16xf32>
    %eq3A_306 = arith.cmpf oeq, %gather3A_294, %select_n3A_280 : vector<16xf32>
    %lt3A_307 = arith.cmpi slt, %gather3A_304, %select_n3A_281 : vector<16xi32>
    %and3A_308 = arith.andi %eq3A_306, %lt3A_307 : vector<16xi1>
    %or3A_309 = arith.ori %gt3A_305, %and3A_308 : vector<16xi1>
    %select_n3A_310 = arith.select %or3A_309, %gather3A_294, %select_n3A_280 : vector<16xi1>, vector<16xf32>
    %select_n3A_311 = arith.select %or3A_309, %gather3A_304, %select_n3A_281 : vector<16xi1>, vector<16xi32>
    %xor3A_312 = arith.constant 8 : i32
    %xor3A_313 = vector.broadcast %xor3A_312 : i32 to vector<16xi32>
    %xor3A_314 = arith.xori %iota3A, %xor3A_313 : vector<16xi32>
    %lt3A_315 = arith.constant 0 : i32
    %lt3A_316 = vector.broadcast %lt3A_315 : i32 to vector<16xi32>
    %lt3A_317 = arith.cmpi slt, %xor3A_314, %lt3A_316 : vector<16xi32>
    %add3A_318 = arith.constant 16 : i32
    %add3A_319 = vector.broadcast %add3A_318 : i32 to vector<16xi32>
    %add3A_320 = arith.addi %xor3A_314, %add3A_319 : vector<16xi32>
    %select_n3A_321 = arith.select %lt3A_317, %add3A_320, %xor3A_314 : vector<16xi1>, vector<16xi32>
    %broadcast_in_dim3A_322 = vector.shape_cast %select_n3A_321 : vector<16xi32> to vector<16x1xi32>
    %gather3A_323 = vector.shape_cast %broadcast_in_dim3A_322 : vector<16x1xi32> to vector<16xi32>
    %gather3A_324 = tpu.dynamic_gather %select_n3A_310[%gather3A_323] in [0] : vector<16xf32>, vector<16xi32> -> vector<16xf32>
    %lt3A_325 = arith.constant 0 : i32
    %lt3A_326 = vector.broadcast %lt3A_325 : i32 to vector<16xi32>
    %lt3A_327 = arith.cmpi slt, %xor3A_314, %lt3A_326 : vector<16xi32>
    %add3A_328 = arith.constant 16 : i32
    %add3A_329 = vector.broadcast %add3A_328 : i32 to vector<16xi32>
    %add3A_330 = arith.addi %xor3A_314, %add3A_329 : vector<16xi32>
    %select_n3A_331 = arith.select %lt3A_327, %add3A_330, %xor3A_314 : vector<16xi1>, vector<16xi32>
    %broadcast_in_dim3A_332 = vector.shape_cast %select_n3A_331 : vector<16xi32> to vector<16x1xi32>
    %gather3A_333 = vector.shape_cast %broadcast_in_dim3A_332 : vector<16x1xi32> to vector<16xi32>
    %gather3A_334 = tpu.dynamic_gather %select_n3A_311[%gather3A_333] in [0] : vector<16xi32>, vector<16xi32> -> vector<16xi32>
    %gt3A_335 = arith.cmpf ogt, %gather3A_324, %select_n3A_310 : vector<16xf32>
    %eq3A_336 = arith.cmpf oeq, %gather3A_324, %select_n3A_310 : vector<16xf32>
    %lt3A_337 = arith.cmpi slt, %gather3A_334, %select_n3A_311 : vector<16xi32>
    %and3A_338 = arith.andi %eq3A_336, %lt3A_337 : vector<16xi1>
    %or3A_339 = arith.ori %gt3A_335, %and3A_338 : vector<16xi1>
    %select_n3A_340 = arith.select %or3A_339, %gather3A_324, %select_n3A_310 : vector<16xi1>, vector<16xf32>
    %select_n3A_341 = arith.select %or3A_339, %gather3A_334, %select_n3A_311 : vector<16xi1>, vector<16xi32>
    %eq3A_342 = arith.constant 0 : i32
    %eq3A_343 = vector.broadcast %eq3A_342 : i32 to vector<16xi32>
    %eq3A_344 = arith.cmpi eq, %iota3A, %eq3A_343 : vector<16xi32>
    %select_n3A_345 = arith.select %eq3A_344, %select_n3A_341, %broadcast_in_dim3A_217 : vector<16xi1>, vector<16xi32>
    %gt3A_346 = arith.cmpf ogt, %select_n3A_192, %select_n3A_187 : vector<16xf32>
    %eq3A_347 = arith.cmpf oeq, %select_n3A_192, %select_n3A_187 : vector<16xf32>
    %lt3A_348 = arith.cmpi slt, %select_n3A_195, %select_n3A_190 : vector<16xi32>
    %and3A_349 = arith.andi %eq3A_347, %lt3A_348 : vector<16xi1>
    %or3A_350 = arith.ori %gt3A_346, %and3A_349 : vector<16xi1>
    %select_n3A_351 = arith.select %or3A_350, %select_n3A_192, %select_n3A_187 : vector<16xi1>, vector<16xf32>
    %select_n3A_352 = arith.select %or3A_350, %select_n3A_195, %select_n3A_190 : vector<16xi1>, vector<16xi32>
    %xor3A_353 = arith.constant 1 : i32
    %xor3A_354 = vector.broadcast %xor3A_353 : i32 to vector<16xi32>
    %xor3A_355 = arith.xori %iota3A, %xor3A_354 : vector<16xi32>
    %lt3A_356 = arith.constant 0 : i32
    %lt3A_357 = vector.broadcast %lt3A_356 : i32 to vector<16xi32>
    %lt3A_358 = arith.cmpi slt, %xor3A_355, %lt3A_357 : vector<16xi32>
    %add3A_359 = arith.constant 16 : i32
    %add3A_360 = vector.broadcast %add3A_359 : i32 to vector<16xi32>
    %add3A_361 = arith.addi %xor3A_355, %add3A_360 : vector<16xi32>
    %select_n3A_362 = arith.select %lt3A_358, %add3A_361, %xor3A_355 : vector<16xi1>, vector<16xi32>
    %broadcast_in_dim3A_363 = vector.shape_cast %select_n3A_362 : vector<16xi32> to vector<16x1xi32>
    %gather3A_364 = vector.shape_cast %broadcast_in_dim3A_363 : vector<16x1xi32> to vector<16xi32>
    %gather3A_365 = tpu.dynamic_gather %select_n3A_351[%gather3A_364] in [0] : vector<16xf32>, vector<16xi32> -> vector<16xf32>
    %lt3A_366 = arith.constant 0 : i32
    %lt3A_367 = vector.broadcast %lt3A_366 : i32 to vector<16xi32>
    %lt3A_368 = arith.cmpi slt, %xor3A_355, %lt3A_367 : vector<16xi32>
    %add3A_369 = arith.constant 16 : i32
    %add3A_370 = vector.broadcast %add3A_369 : i32 to vector<16xi32>
    %add3A_371 = arith.addi %xor3A_355, %add3A_370 : vector<16xi32>
    %select_n3A_372 = arith.select %lt3A_368, %add3A_371, %xor3A_355 : vector<16xi1>, vector<16xi32>
    %broadcast_in_dim3A_373 = vector.shape_cast %select_n3A_372 : vector<16xi32> to vector<16x1xi32>
    %gather3A_374 = vector.shape_cast %broadcast_in_dim3A_373 : vector<16x1xi32> to vector<16xi32>
    %gather3A_375 = tpu.dynamic_gather %select_n3A_352[%gather3A_374] in [0] : vector<16xi32>, vector<16xi32> -> vector<16xi32>
    %gt3A_376 = arith.cmpf ogt, %gather3A_365, %select_n3A_351 : vector<16xf32>
    %eq3A_377 = arith.cmpf oeq, %gather3A_365, %select_n3A_351 : vector<16xf32>
    %lt3A_378 = arith.cmpi slt, %gather3A_375, %select_n3A_352 : vector<16xi32>
    %and3A_379 = arith.andi %eq3A_377, %lt3A_378 : vector<16xi1>
    %or3A_380 = arith.ori %gt3A_376, %and3A_379 : vector<16xi1>
    %select_n3A_381 = arith.select %or3A_380, %gather3A_365, %select_n3A_351 : vector<16xi1>, vector<16xf32>
    %select_n3A_382 = arith.select %or3A_380, %gather3A_375, %select_n3A_352 : vector<16xi1>, vector<16xi32>
    %xor3A_383 = arith.constant 2 : i32
    %xor3A_384 = vector.broadcast %xor3A_383 : i32 to vector<16xi32>
    %xor3A_385 = arith.xori %iota3A, %xor3A_384 : vector<16xi32>
    %lt3A_386 = arith.constant 0 : i32
    %lt3A_387 = vector.broadcast %lt3A_386 : i32 to vector<16xi32>
    %lt3A_388 = arith.cmpi slt, %xor3A_385, %lt3A_387 : vector<16xi32>
    %add3A_389 = arith.constant 16 : i32
    %add3A_390 = vector.broadcast %add3A_389 : i32 to vector<16xi32>
    %add3A_391 = arith.addi %xor3A_385, %add3A_390 : vector<16xi32>
    %select_n3A_392 = arith.select %lt3A_388, %add3A_391, %xor3A_385 : vector<16xi1>, vector<16xi32>
    %broadcast_in_dim3A_393 = vector.shape_cast %select_n3A_392 : vector<16xi32> to vector<16x1xi32>
    %gather3A_394 = vector.shape_cast %broadcast_in_dim3A_393 : vector<16x1xi32> to vector<16xi32>
    %gather3A_395 = tpu.dynamic_gather %select_n3A_381[%gather3A_394] in [0] : vector<16xf32>, vector<16xi32> -> vector<16xf32>
    %lt3A_396 = arith.constant 0 : i32
    %lt3A_397 = vector.broadcast %lt3A_396 : i32 to vector<16xi32>
    %lt3A_398 = arith.cmpi slt, %xor3A_385, %lt3A_397 : vector<16xi32>
    %add3A_399 = arith.constant 16 : i32
    %add3A_400 = vector.broadcast %add3A_399 : i32 to vector<16xi32>
    %add3A_401 = arith.addi %xor3A_385, %add3A_400 : vector<16xi32>
    %select_n3A_402 = arith.select %lt3A_398, %add3A_401, %xor3A_385 : vector<16xi1>, vector<16xi32>
    %broadcast_in_dim3A_403 = vector.shape_cast %select_n3A_402 : vector<16xi32> to vector<16x1xi32>
    %gather3A_404 = vector.shape_cast %broadcast_in_dim3A_403 : vector<16x1xi32> to vector<16xi32>
    %gather3A_405 = tpu.dynamic_gather %select_n3A_382[%gather3A_404] in [0] : vector<16xi32>, vector<16xi32> -> vector<16xi32>
    %gt3A_406 = arith.cmpf ogt, %gather3A_395, %select_n3A_381 : vector<16xf32>
    %eq3A_407 = arith.cmpf oeq, %gather3A_395, %select_n3A_381 : vector<16xf32>
    %lt3A_408 = arith.cmpi slt, %gather3A_405, %select_n3A_382 : vector<16xi32>
    %and3A_409 = arith.andi %eq3A_407, %lt3A_408 : vector<16xi1>
    %or3A_410 = arith.ori %gt3A_406, %and3A_409 : vector<16xi1>
    %select_n3A_411 = arith.select %or3A_410, %gather3A_395, %select_n3A_381 : vector<16xi1>, vector<16xf32>
    %select_n3A_412 = arith.select %or3A_410, %gather3A_405, %select_n3A_382 : vector<16xi1>, vector<16xi32>
    %xor3A_413 = arith.constant 4 : i32
    %xor3A_414 = vector.broadcast %xor3A_413 : i32 to vector<16xi32>
    %xor3A_415 = arith.xori %iota3A, %xor3A_414 : vector<16xi32>
    %lt3A_416 = arith.constant 0 : i32
    %lt3A_417 = vector.broadcast %lt3A_416 : i32 to vector<16xi32>
    %lt3A_418 = arith.cmpi slt, %xor3A_415, %lt3A_417 : vector<16xi32>
    %add3A_419 = arith.constant 16 : i32
    %add3A_420 = vector.broadcast %add3A_419 : i32 to vector<16xi32>
    %add3A_421 = arith.addi %xor3A_415, %add3A_420 : vector<16xi32>
    %select_n3A_422 = arith.select %lt3A_418, %add3A_421, %xor3A_415 : vector<16xi1>, vector<16xi32>
    %broadcast_in_dim3A_423 = vector.shape_cast %select_n3A_422 : vector<16xi32> to vector<16x1xi32>
    %gather3A_424 = vector.shape_cast %broadcast_in_dim3A_423 : vector<16x1xi32> to vector<16xi32>
    %gather3A_425 = tpu.dynamic_gather %select_n3A_411[%gather3A_424] in [0] : vector<16xf32>, vector<16xi32> -> vector<16xf32>
    %lt3A_426 = arith.constant 0 : i32
    %lt3A_427 = vector.broadcast %lt3A_426 : i32 to vector<16xi32>
    %lt3A_428 = arith.cmpi slt, %xor3A_415, %lt3A_427 : vector<16xi32>
    %add3A_429 = arith.constant 16 : i32
    %add3A_430 = vector.broadcast %add3A_429 : i32 to vector<16xi32>
    %add3A_431 = arith.addi %xor3A_415, %add3A_430 : vector<16xi32>
    %select_n3A_432 = arith.select %lt3A_428, %add3A_431, %xor3A_415 : vector<16xi1>, vector<16xi32>
    %broadcast_in_dim3A_433 = vector.shape_cast %select_n3A_432 : vector<16xi32> to vector<16x1xi32>
    %gather3A_434 = vector.shape_cast %broadcast_in_dim3A_433 : vector<16x1xi32> to vector<16xi32>
    %gather3A_435 = tpu.dynamic_gather %select_n3A_412[%gather3A_434] in [0] : vector<16xi32>, vector<16xi32> -> vector<16xi32>
    %gt3A_436 = arith.cmpf ogt, %gather3A_425, %select_n3A_411 : vector<16xf32>
    %eq3A_437 = arith.cmpf oeq, %gather3A_425, %select_n3A_411 : vector<16xf32>
    %lt3A_438 = arith.cmpi slt, %gather3A_435, %select_n3A_412 : vector<16xi32>
    %and3A_439 = arith.andi %eq3A_437, %lt3A_438 : vector<16xi1>
    %or3A_440 = arith.ori %gt3A_436, %and3A_439 : vector<16xi1>
    %select_n3A_441 = arith.select %or3A_440, %gather3A_425, %select_n3A_411 : vector<16xi1>, vector<16xf32>
    %select_n3A_442 = arith.select %or3A_440, %gather3A_435, %select_n3A_412 : vector<16xi1>, vector<16xi32>
    %xor3A_443 = arith.constant 8 : i32
    %xor3A_444 = vector.broadcast %xor3A_443 : i32 to vector<16xi32>
    %xor3A_445 = arith.xori %iota3A, %xor3A_444 : vector<16xi32>
    %lt3A_446 = arith.constant 0 : i32
    %lt3A_447 = vector.broadcast %lt3A_446 : i32 to vector<16xi32>
    %lt3A_448 = arith.cmpi slt, %xor3A_445, %lt3A_447 : vector<16xi32>
    %add3A_449 = arith.constant 16 : i32
    %add3A_450 = vector.broadcast %add3A_449 : i32 to vector<16xi32>
    %add3A_451 = arith.addi %xor3A_445, %add3A_450 : vector<16xi32>
    %select_n3A_452 = arith.select %lt3A_448, %add3A_451, %xor3A_445 : vector<16xi1>, vector<16xi32>
    %broadcast_in_dim3A_453 = vector.shape_cast %select_n3A_452 : vector<16xi32> to vector<16x1xi32>
    %gather3A_454 = vector.shape_cast %broadcast_in_dim3A_453 : vector<16x1xi32> to vector<16xi32>
    %gather3A_455 = tpu.dynamic_gather %select_n3A_441[%gather3A_454] in [0] : vector<16xf32>, vector<16xi32> -> vector<16xf32>
    %lt3A_456 = arith.constant 0 : i32
    %lt3A_457 = vector.broadcast %lt3A_456 : i32 to vector<16xi32>
    %lt3A_458 = arith.cmpi slt, %xor3A_445, %lt3A_457 : vector<16xi32>
    %add3A_459 = arith.constant 16 : i32
    %add3A_460 = vector.broadcast %add3A_459 : i32 to vector<16xi32>
    %add3A_461 = arith.addi %xor3A_445, %add3A_460 : vector<16xi32>
    %select_n3A_462 = arith.select %lt3A_458, %add3A_461, %xor3A_445 : vector<16xi1>, vector<16xi32>
    %broadcast_in_dim3A_463 = vector.shape_cast %select_n3A_462 : vector<16xi32> to vector<16x1xi32>
    %gather3A_464 = vector.shape_cast %broadcast_in_dim3A_463 : vector<16x1xi32> to vector<16xi32>
    %gather3A_465 = tpu.dynamic_gather %select_n3A_442[%gather3A_464] in [0] : vector<16xi32>, vector<16xi32> -> vector<16xi32>
    %gt3A_466 = arith.cmpf ogt, %gather3A_455, %select_n3A_441 : vector<16xf32>
    %eq3A_467 = arith.cmpf oeq, %gather3A_455, %select_n3A_441 : vector<16xf32>
    %lt3A_468 = arith.cmpi slt, %gather3A_465, %select_n3A_442 : vector<16xi32>
    %and3A_469 = arith.andi %eq3A_467, %lt3A_468 : vector<16xi1>
    %or3A_470 = arith.ori %gt3A_466, %and3A_469 : vector<16xi1>
    %select_n3A_471 = arith.select %or3A_470, %gather3A_455, %select_n3A_441 : vector<16xi1>, vector<16xf32>
    %select_n3A_472 = arith.select %or3A_470, %gather3A_465, %select_n3A_442 : vector<16xi1>, vector<16xi32>
    %eq3A_473 = arith.constant 1 : i32
    %eq3A_474 = vector.broadcast %eq3A_473 : i32 to vector<16xi32>
    %eq3A_475 = arith.cmpi eq, %iota3A, %eq3A_474 : vector<16xi32>
    %select_n3A_476 = arith.select %eq3A_475, %select_n3A_472, %select_n3A_345 : vector<16xi1>, vector<16xi32>
    %gt3A_477 = arith.cmpf ogt, %select_n3A_202, %select_n3A_197 : vector<16xf32>
    %eq3A_478 = arith.cmpf oeq, %select_n3A_202, %select_n3A_197 : vector<16xf32>
    %lt3A_479 = arith.cmpi slt, %select_n3A_205, %select_n3A_200 : vector<16xi32>
    %and3A_480 = arith.andi %eq3A_478, %lt3A_479 : vector<16xi1>
    %or3A_481 = arith.ori %gt3A_477, %and3A_480 : vector<16xi1>
    %select_n3A_482 = arith.select %or3A_481, %select_n3A_202, %select_n3A_197 : vector<16xi1>, vector<16xf32>
    %select_n3A_483 = arith.select %or3A_481, %select_n3A_205, %select_n3A_200 : vector<16xi1>, vector<16xi32>
    %xor3A_484 = arith.constant 1 : i32
    %xor3A_485 = vector.broadcast %xor3A_484 : i32 to vector<16xi32>
    %xor3A_486 = arith.xori %iota3A, %xor3A_485 : vector<16xi32>
    %lt3A_487 = arith.constant 0 : i32
    %lt3A_488 = vector.broadcast %lt3A_487 : i32 to vector<16xi32>
    %lt3A_489 = arith.cmpi slt, %xor3A_486, %lt3A_488 : vector<16xi32>
    %add3A_490 = arith.constant 16 : i32
    %add3A_491 = vector.broadcast %add3A_490 : i32 to vector<16xi32>
    %add3A_492 = arith.addi %xor3A_486, %add3A_491 : vector<16xi32>
    %select_n3A_493 = arith.select %lt3A_489, %add3A_492, %xor3A_486 : vector<16xi1>, vector<16xi32>
    %broadcast_in_dim3A_494 = vector.shape_cast %select_n3A_493 : vector<16xi32> to vector<16x1xi32>
    %gather3A_495 = vector.shape_cast %broadcast_in_dim3A_494 : vector<16x1xi32> to vector<16xi32>
    %gather3A_496 = tpu.dynamic_gather %select_n3A_482[%gather3A_495] in [0] : vector<16xf32>, vector<16xi32> -> vector<16xf32>
    %lt3A_497 = arith.constant 0 : i32
    %lt3A_498 = vector.broadcast %lt3A_497 : i32 to vector<16xi32>
    %lt3A_499 = arith.cmpi slt, %xor3A_486, %lt3A_498 : vector<16xi32>
    %add3A_500 = arith.constant 16 : i32
    %add3A_501 = vector.broadcast %add3A_500 : i32 to vector<16xi32>
    %add3A_502 = arith.addi %xor3A_486, %add3A_501 : vector<16xi32>
    %select_n3A_503 = arith.select %lt3A_499, %add3A_502, %xor3A_486 : vector<16xi1>, vector<16xi32>
    %broadcast_in_dim3A_504 = vector.shape_cast %select_n3A_503 : vector<16xi32> to vector<16x1xi32>
    %gather3A_505 = vector.shape_cast %broadcast_in_dim3A_504 : vector<16x1xi32> to vector<16xi32>
    %gather3A_506 = tpu.dynamic_gather %select_n3A_483[%gather3A_505] in [0] : vector<16xi32>, vector<16xi32> -> vector<16xi32>
    %gt3A_507 = arith.cmpf ogt, %gather3A_496, %select_n3A_482 : vector<16xf32>
    %eq3A_508 = arith.cmpf oeq, %gather3A_496, %select_n3A_482 : vector<16xf32>
    %lt3A_509 = arith.cmpi slt, %gather3A_506, %select_n3A_483 : vector<16xi32>
    %and3A_510 = arith.andi %eq3A_508, %lt3A_509 : vector<16xi1>
    %or3A_511 = arith.ori %gt3A_507, %and3A_510 : vector<16xi1>
    %select_n3A_512 = arith.select %or3A_511, %gather3A_496, %select_n3A_482 : vector<16xi1>, vector<16xf32>
    %select_n3A_513 = arith.select %or3A_511, %gather3A_506, %select_n3A_483 : vector<16xi1>, vector<16xi32>
    %xor3A_514 = arith.constant 2 : i32
    %xor3A_515 = vector.broadcast %xor3A_514 : i32 to vector<16xi32>
    %xor3A_516 = arith.xori %iota3A, %xor3A_515 : vector<16xi32>
    %lt3A_517 = arith.constant 0 : i32
    %lt3A_518 = vector.broadcast %lt3A_517 : i32 to vector<16xi32>
    %lt3A_519 = arith.cmpi slt, %xor3A_516, %lt3A_518 : vector<16xi32>
    %add3A_520 = arith.constant 16 : i32
    %add3A_521 = vector.broadcast %add3A_520 : i32 to vector<16xi32>
    %add3A_522 = arith.addi %xor3A_516, %add3A_521 : vector<16xi32>
    %select_n3A_523 = arith.select %lt3A_519, %add3A_522, %xor3A_516 : vector<16xi1>, vector<16xi32>
    %broadcast_in_dim3A_524 = vector.shape_cast %select_n3A_523 : vector<16xi32> to vector<16x1xi32>
    %gather3A_525 = vector.shape_cast %broadcast_in_dim3A_524 : vector<16x1xi32> to vector<16xi32>
    %gather3A_526 = tpu.dynamic_gather %select_n3A_512[%gather3A_525] in [0] : vector<16xf32>, vector<16xi32> -> vector<16xf32>
    %lt3A_527 = arith.constant 0 : i32
    %lt3A_528 = vector.broadcast %lt3A_527 : i32 to vector<16xi32>
    %lt3A_529 = arith.cmpi slt, %xor3A_516, %lt3A_528 : vector<16xi32>
    %add3A_530 = arith.constant 16 : i32
    %add3A_531 = vector.broadcast %add3A_530 : i32 to vector<16xi32>
    %add3A_532 = arith.addi %xor3A_516, %add3A_531 : vector<16xi32>
    %select_n3A_533 = arith.select %lt3A_529, %add3A_532, %xor3A_516 : vector<16xi1>, vector<16xi32>
    %broadcast_in_dim3A_534 = vector.shape_cast %select_n3A_533 : vector<16xi32> to vector<16x1xi32>
    %gather3A_535 = vector.shape_cast %broadcast_in_dim3A_534 : vector<16x1xi32> to vector<16xi32>
    %gather3A_536 = tpu.dynamic_gather %select_n3A_513[%gather3A_535] in [0] : vector<16xi32>, vector<16xi32> -> vector<16xi32>
    %gt3A_537 = arith.cmpf ogt, %gather3A_526, %select_n3A_512 : vector<16xf32>
    %eq3A_538 = arith.cmpf oeq, %gather3A_526, %select_n3A_512 : vector<16xf32>
    %lt3A_539 = arith.cmpi slt, %gather3A_536, %select_n3A_513 : vector<16xi32>
    %and3A_540 = arith.andi %eq3A_538, %lt3A_539 : vector<16xi1>
    %or3A_541 = arith.ori %gt3A_537, %and3A_540 : vector<16xi1>
    %select_n3A_542 = arith.select %or3A_541, %gather3A_526, %select_n3A_512 : vector<16xi1>, vector<16xf32>
    %select_n3A_543 = arith.select %or3A_541, %gather3A_536, %select_n3A_513 : vector<16xi1>, vector<16xi32>
    %xor3A_544 = arith.constant 4 : i32
    %xor3A_545 = vector.broadcast %xor3A_544 : i32 to vector<16xi32>
    %xor3A_546 = arith.xori %iota3A, %xor3A_545 : vector<16xi32>
    %lt3A_547 = arith.constant 0 : i32
    %lt3A_548 = vector.broadcast %lt3A_547 : i32 to vector<16xi32>
    %lt3A_549 = arith.cmpi slt, %xor3A_546, %lt3A_548 : vector<16xi32>
    %add3A_550 = arith.constant 16 : i32
    %add3A_551 = vector.broadcast %add3A_550 : i32 to vector<16xi32>
    %add3A_552 = arith.addi %xor3A_546, %add3A_551 : vector<16xi32>
    %select_n3A_553 = arith.select %lt3A_549, %add3A_552, %xor3A_546 : vector<16xi1>, vector<16xi32>
    %broadcast_in_dim3A_554 = vector.shape_cast %select_n3A_553 : vector<16xi32> to vector<16x1xi32>
    %gather3A_555 = vector.shape_cast %broadcast_in_dim3A_554 : vector<16x1xi32> to vector<16xi32>
    %gather3A_556 = tpu.dynamic_gather %select_n3A_542[%gather3A_555] in [0] : vector<16xf32>, vector<16xi32> -> vector<16xf32>
    %lt3A_557 = arith.constant 0 : i32
    %lt3A_558 = vector.broadcast %lt3A_557 : i32 to vector<16xi32>
    %lt3A_559 = arith.cmpi slt, %xor3A_546, %lt3A_558 : vector<16xi32>
    %add3A_560 = arith.constant 16 : i32
    %add3A_561 = vector.broadcast %add3A_560 : i32 to vector<16xi32>
    %add3A_562 = arith.addi %xor3A_546, %add3A_561 : vector<16xi32>
    %select_n3A_563 = arith.select %lt3A_559, %add3A_562, %xor3A_546 : vector<16xi1>, vector<16xi32>
    %broadcast_in_dim3A_564 = vector.shape_cast %select_n3A_563 : vector<16xi32> to vector<16x1xi32>
    %gather3A_565 = vector.shape_cast %broadcast_in_dim3A_564 : vector<16x1xi32> to vector<16xi32>
    %gather3A_566 = tpu.dynamic_gather %select_n3A_543[%gather3A_565] in [0] : vector<16xi32>, vector<16xi32> -> vector<16xi32>
    %gt3A_567 = arith.cmpf ogt, %gather3A_556, %select_n3A_542 : vector<16xf32>
    %eq3A_568 = arith.cmpf oeq, %gather3A_556, %select_n3A_542 : vector<16xf32>
    %lt3A_569 = arith.cmpi slt, %gather3A_566, %select_n3A_543 : vector<16xi32>
    %and3A_570 = arith.andi %eq3A_568, %lt3A_569 : vector<16xi1>
    %or3A_571 = arith.ori %gt3A_567, %and3A_570 : vector<16xi1>
    %select_n3A_572 = arith.select %or3A_571, %gather3A_556, %select_n3A_542 : vector<16xi1>, vector<16xf32>
    %select_n3A_573 = arith.select %or3A_571, %gather3A_566, %select_n3A_543 : vector<16xi1>, vector<16xi32>
    %xor3A_574 = arith.constant 8 : i32
    %xor3A_575 = vector.broadcast %xor3A_574 : i32 to vector<16xi32>
    %xor3A_576 = arith.xori %iota3A, %xor3A_575 : vector<16xi32>
    %lt3A_577 = arith.constant 0 : i32
    %lt3A_578 = vector.broadcast %lt3A_577 : i32 to vector<16xi32>
    %lt3A_579 = arith.cmpi slt, %xor3A_576, %lt3A_578 : vector<16xi32>
    %add3A_580 = arith.constant 16 : i32
    %add3A_581 = vector.broadcast %add3A_580 : i32 to vector<16xi32>
    %add3A_582 = arith.addi %xor3A_576, %add3A_581 : vector<16xi32>
    %select_n3A_583 = arith.select %lt3A_579, %add3A_582, %xor3A_576 : vector<16xi1>, vector<16xi32>
    %broadcast_in_dim3A_584 = vector.shape_cast %select_n3A_583 : vector<16xi32> to vector<16x1xi32>
    %gather3A_585 = vector.shape_cast %broadcast_in_dim3A_584 : vector<16x1xi32> to vector<16xi32>
    %gather3A_586 = tpu.dynamic_gather %select_n3A_572[%gather3A_585] in [0] : vector<16xf32>, vector<16xi32> -> vector<16xf32>
    %lt3A_587 = arith.constant 0 : i32
    %lt3A_588 = vector.broadcast %lt3A_587 : i32 to vector<16xi32>
    %lt3A_589 = arith.cmpi slt, %xor3A_576, %lt3A_588 : vector<16xi32>
    %add3A_590 = arith.constant 16 : i32
    %add3A_591 = vector.broadcast %add3A_590 : i32 to vector<16xi32>
    %add3A_592 = arith.addi %xor3A_576, %add3A_591 : vector<16xi32>
    %select_n3A_593 = arith.select %lt3A_589, %add3A_592, %xor3A_576 : vector<16xi1>, vector<16xi32>
    %broadcast_in_dim3A_594 = vector.shape_cast %select_n3A_593 : vector<16xi32> to vector<16x1xi32>
    %gather3A_595 = vector.shape_cast %broadcast_in_dim3A_594 : vector<16x1xi32> to vector<16xi32>
    %gather3A_596 = tpu.dynamic_gather %select_n3A_573[%gather3A_595] in [0] : vector<16xi32>, vector<16xi32> -> vector<16xi32>
    %gt3A_597 = arith.cmpf ogt, %gather3A_586, %select_n3A_572 : vector<16xf32>
    %eq3A_598 = arith.cmpf oeq, %gather3A_586, %select_n3A_572 : vector<16xf32>
    %lt3A_599 = arith.cmpi slt, %gather3A_596, %select_n3A_573 : vector<16xi32>
    %and3A_600 = arith.andi %eq3A_598, %lt3A_599 : vector<16xi1>
    %or3A_601 = arith.ori %gt3A_597, %and3A_600 : vector<16xi1>
    %select_n3A_602 = arith.select %or3A_601, %gather3A_586, %select_n3A_572 : vector<16xi1>, vector<16xf32>
    %select_n3A_603 = arith.select %or3A_601, %gather3A_596, %select_n3A_573 : vector<16xi1>, vector<16xi32>
    %eq3A_604 = arith.constant 2 : i32
    %eq3A_605 = vector.broadcast %eq3A_604 : i32 to vector<16xi32>
    %eq3A_606 = arith.cmpi eq, %iota3A, %eq3A_605 : vector<16xi32>
    %select_n3A_607 = arith.select %eq3A_606, %select_n3A_603, %select_n3A_476 : vector<16xi1>, vector<16xi32>
    %gt3A_608 = arith.cmpf ogt, %select_n3A_212, %select_n3A_207 : vector<16xf32>
    %eq3A_609 = arith.cmpf oeq, %select_n3A_212, %select_n3A_207 : vector<16xf32>
    %lt3A_610 = arith.cmpi slt, %select_n3A_215, %select_n3A_210 : vector<16xi32>
    %and3A_611 = arith.andi %eq3A_609, %lt3A_610 : vector<16xi1>
    %or3A_612 = arith.ori %gt3A_608, %and3A_611 : vector<16xi1>
    %select_n3A_613 = arith.select %or3A_612, %select_n3A_212, %select_n3A_207 : vector<16xi1>, vector<16xf32>
    %select_n3A_614 = arith.select %or3A_612, %select_n3A_215, %select_n3A_210 : vector<16xi1>, vector<16xi32>
    %xor3A_615 = arith.constant 1 : i32
    %xor3A_616 = vector.broadcast %xor3A_615 : i32 to vector<16xi32>
    %xor3A_617 = arith.xori %iota3A, %xor3A_616 : vector<16xi32>
    %lt3A_618 = arith.constant 0 : i32
    %lt3A_619 = vector.broadcast %lt3A_618 : i32 to vector<16xi32>
    %lt3A_620 = arith.cmpi slt, %xor3A_617, %lt3A_619 : vector<16xi32>
    %add3A_621 = arith.constant 16 : i32
    %add3A_622 = vector.broadcast %add3A_621 : i32 to vector<16xi32>
    %add3A_623 = arith.addi %xor3A_617, %add3A_622 : vector<16xi32>
    %select_n3A_624 = arith.select %lt3A_620, %add3A_623, %xor3A_617 : vector<16xi1>, vector<16xi32>
    %broadcast_in_dim3A_625 = vector.shape_cast %select_n3A_624 : vector<16xi32> to vector<16x1xi32>
    %gather3A_626 = vector.shape_cast %broadcast_in_dim3A_625 : vector<16x1xi32> to vector<16xi32>
    %gather3A_627 = tpu.dynamic_gather %select_n3A_613[%gather3A_626] in [0] : vector<16xf32>, vector<16xi32> -> vector<16xf32>
    %lt3A_628 = arith.constant 0 : i32
    %lt3A_629 = vector.broadcast %lt3A_628 : i32 to vector<16xi32>
    %lt3A_630 = arith.cmpi slt, %xor3A_617, %lt3A_629 : vector<16xi32>
    %add3A_631 = arith.constant 16 : i32
    %add3A_632 = vector.broadcast %add3A_631 : i32 to vector<16xi32>
    %add3A_633 = arith.addi %xor3A_617, %add3A_632 : vector<16xi32>
    %select_n3A_634 = arith.select %lt3A_630, %add3A_633, %xor3A_617 : vector<16xi1>, vector<16xi32>
    %broadcast_in_dim3A_635 = vector.shape_cast %select_n3A_634 : vector<16xi32> to vector<16x1xi32>
    %gather3A_636 = vector.shape_cast %broadcast_in_dim3A_635 : vector<16x1xi32> to vector<16xi32>
    %gather3A_637 = tpu.dynamic_gather %select_n3A_614[%gather3A_636] in [0] : vector<16xi32>, vector<16xi32> -> vector<16xi32>
    %gt3A_638 = arith.cmpf ogt, %gather3A_627, %select_n3A_613 : vector<16xf32>
    %eq3A_639 = arith.cmpf oeq, %gather3A_627, %select_n3A_613 : vector<16xf32>
    %lt3A_640 = arith.cmpi slt, %gather3A_637, %select_n3A_614 : vector<16xi32>
    %and3A_641 = arith.andi %eq3A_639, %lt3A_640 : vector<16xi1>
    %or3A_642 = arith.ori %gt3A_638, %and3A_641 : vector<16xi1>
    %select_n3A_643 = arith.select %or3A_642, %gather3A_627, %select_n3A_613 : vector<16xi1>, vector<16xf32>
    %select_n3A_644 = arith.select %or3A_642, %gather3A_637, %select_n3A_614 : vector<16xi1>, vector<16xi32>
    %xor3A_645 = arith.constant 2 : i32
    %xor3A_646 = vector.broadcast %xor3A_645 : i32 to vector<16xi32>
    %xor3A_647 = arith.xori %iota3A, %xor3A_646 : vector<16xi32>
    %lt3A_648 = arith.constant 0 : i32
    %lt3A_649 = vector.broadcast %lt3A_648 : i32 to vector<16xi32>
    %lt3A_650 = arith.cmpi slt, %xor3A_647, %lt3A_649 : vector<16xi32>
    %add3A_651 = arith.constant 16 : i32
    %add3A_652 = vector.broadcast %add3A_651 : i32 to vector<16xi32>
    %add3A_653 = arith.addi %xor3A_647, %add3A_652 : vector<16xi32>
    %select_n3A_654 = arith.select %lt3A_650, %add3A_653, %xor3A_647 : vector<16xi1>, vector<16xi32>
    %broadcast_in_dim3A_655 = vector.shape_cast %select_n3A_654 : vector<16xi32> to vector<16x1xi32>
    %gather3A_656 = vector.shape_cast %broadcast_in_dim3A_655 : vector<16x1xi32> to vector<16xi32>
    %gather3A_657 = tpu.dynamic_gather %select_n3A_643[%gather3A_656] in [0] : vector<16xf32>, vector<16xi32> -> vector<16xf32>
    %lt3A_658 = arith.constant 0 : i32
    %lt3A_659 = vector.broadcast %lt3A_658 : i32 to vector<16xi32>
    %lt3A_660 = arith.cmpi slt, %xor3A_647, %lt3A_659 : vector<16xi32>
    %add3A_661 = arith.constant 16 : i32
    %add3A_662 = vector.broadcast %add3A_661 : i32 to vector<16xi32>
    %add3A_663 = arith.addi %xor3A_647, %add3A_662 : vector<16xi32>
    %select_n3A_664 = arith.select %lt3A_660, %add3A_663, %xor3A_647 : vector<16xi1>, vector<16xi32>
    %broadcast_in_dim3A_665 = vector.shape_cast %select_n3A_664 : vector<16xi32> to vector<16x1xi32>
    %gather3A_666 = vector.shape_cast %broadcast_in_dim3A_665 : vector<16x1xi32> to vector<16xi32>
    %gather3A_667 = tpu.dynamic_gather %select_n3A_644[%gather3A_666] in [0] : vector<16xi32>, vector<16xi32> -> vector<16xi32>
    %gt3A_668 = arith.cmpf ogt, %gather3A_657, %select_n3A_643 : vector<16xf32>
    %eq3A_669 = arith.cmpf oeq, %gather3A_657, %select_n3A_643 : vector<16xf32>
    %lt3A_670 = arith.cmpi slt, %gather3A_667, %select_n3A_644 : vector<16xi32>
    %and3A_671 = arith.andi %eq3A_669, %lt3A_670 : vector<16xi1>
    %or3A_672 = arith.ori %gt3A_668, %and3A_671 : vector<16xi1>
    %select_n3A_673 = arith.select %or3A_672, %gather3A_657, %select_n3A_643 : vector<16xi1>, vector<16xf32>
    %select_n3A_674 = arith.select %or3A_672, %gather3A_667, %select_n3A_644 : vector<16xi1>, vector<16xi32>
    %xor3A_675 = arith.constant 4 : i32
    %xor3A_676 = vector.broadcast %xor3A_675 : i32 to vector<16xi32>
    %xor3A_677 = arith.xori %iota3A, %xor3A_676 : vector<16xi32>
    %lt3A_678 = arith.constant 0 : i32
    %lt3A_679 = vector.broadcast %lt3A_678 : i32 to vector<16xi32>
    %lt3A_680 = arith.cmpi slt, %xor3A_677, %lt3A_679 : vector<16xi32>
    %add3A_681 = arith.constant 16 : i32
    %add3A_682 = vector.broadcast %add3A_681 : i32 to vector<16xi32>
    %add3A_683 = arith.addi %xor3A_677, %add3A_682 : vector<16xi32>
    %select_n3A_684 = arith.select %lt3A_680, %add3A_683, %xor3A_677 : vector<16xi1>, vector<16xi32>
    %broadcast_in_dim3A_685 = vector.shape_cast %select_n3A_684 : vector<16xi32> to vector<16x1xi32>
    %gather3A_686 = vector.shape_cast %broadcast_in_dim3A_685 : vector<16x1xi32> to vector<16xi32>
    %gather3A_687 = tpu.dynamic_gather %select_n3A_673[%gather3A_686] in [0] : vector<16xf32>, vector<16xi32> -> vector<16xf32>
    %lt3A_688 = arith.constant 0 : i32
    %lt3A_689 = vector.broadcast %lt3A_688 : i32 to vector<16xi32>
    %lt3A_690 = arith.cmpi slt, %xor3A_677, %lt3A_689 : vector<16xi32>
    %add3A_691 = arith.constant 16 : i32
    %add3A_692 = vector.broadcast %add3A_691 : i32 to vector<16xi32>
    %add3A_693 = arith.addi %xor3A_677, %add3A_692 : vector<16xi32>
    %select_n3A_694 = arith.select %lt3A_690, %add3A_693, %xor3A_677 : vector<16xi1>, vector<16xi32>
    %broadcast_in_dim3A_695 = vector.shape_cast %select_n3A_694 : vector<16xi32> to vector<16x1xi32>
    %gather3A_696 = vector.shape_cast %broadcast_in_dim3A_695 : vector<16x1xi32> to vector<16xi32>
    %gather3A_697 = tpu.dynamic_gather %select_n3A_674[%gather3A_696] in [0] : vector<16xi32>, vector<16xi32> -> vector<16xi32>
    %gt3A_698 = arith.cmpf ogt, %gather3A_687, %select_n3A_673 : vector<16xf32>
    %eq3A_699 = arith.cmpf oeq, %gather3A_687, %select_n3A_673 : vector<16xf32>
    %lt3A_700 = arith.cmpi slt, %gather3A_697, %select_n3A_674 : vector<16xi32>
    %and3A_701 = arith.andi %eq3A_699, %lt3A_700 : vector<16xi1>
    %or3A_702 = arith.ori %gt3A_698, %and3A_701 : vector<16xi1>
    %select_n3A_703 = arith.select %or3A_702, %gather3A_687, %select_n3A_673 : vector<16xi1>, vector<16xf32>
    %select_n3A_704 = arith.select %or3A_702, %gather3A_697, %select_n3A_674 : vector<16xi1>, vector<16xi32>
    %xor3A_705 = arith.constant 8 : i32
    %xor3A_706 = vector.broadcast %xor3A_705 : i32 to vector<16xi32>
    %xor3A_707 = arith.xori %iota3A, %xor3A_706 : vector<16xi32>
    %lt3A_708 = arith.constant 0 : i32
    %lt3A_709 = vector.broadcast %lt3A_708 : i32 to vector<16xi32>
    %lt3A_710 = arith.cmpi slt, %xor3A_707, %lt3A_709 : vector<16xi32>
    %add3A_711 = arith.constant 16 : i32
    %add3A_712 = vector.broadcast %add3A_711 : i32 to vector<16xi32>
    %add3A_713 = arith.addi %xor3A_707, %add3A_712 : vector<16xi32>
    %select_n3A_714 = arith.select %lt3A_710, %add3A_713, %xor3A_707 : vector<16xi1>, vector<16xi32>
    %broadcast_in_dim3A_715 = vector.shape_cast %select_n3A_714 : vector<16xi32> to vector<16x1xi32>
    %gather3A_716 = vector.shape_cast %broadcast_in_dim3A_715 : vector<16x1xi32> to vector<16xi32>
    %gather3A_717 = tpu.dynamic_gather %select_n3A_703[%gather3A_716] in [0] : vector<16xf32>, vector<16xi32> -> vector<16xf32>
    %lt3A_718 = arith.constant 0 : i32
    %lt3A_719 = vector.broadcast %lt3A_718 : i32 to vector<16xi32>
    %lt3A_720 = arith.cmpi slt, %xor3A_707, %lt3A_719 : vector<16xi32>
    %add3A_721 = arith.constant 16 : i32
    %add3A_722 = vector.broadcast %add3A_721 : i32 to vector<16xi32>
    %add3A_723 = arith.addi %xor3A_707, %add3A_722 : vector<16xi32>
    %select_n3A_724 = arith.select %lt3A_720, %add3A_723, %xor3A_707 : vector<16xi1>, vector<16xi32>
    %broadcast_in_dim3A_725 = vector.shape_cast %select_n3A_724 : vector<16xi32> to vector<16x1xi32>
    %gather3A_726 = vector.shape_cast %broadcast_in_dim3A_725 : vector<16x1xi32> to vector<16xi32>
    %gather3A_727 = tpu.dynamic_gather %select_n3A_704[%gather3A_726] in [0] : vector<16xi32>, vector<16xi32> -> vector<16xi32>
    %gt3A_728 = arith.cmpf ogt, %gather3A_717, %select_n3A_703 : vector<16xf32>
    %eq3A_729 = arith.cmpf oeq, %gather3A_717, %select_n3A_703 : vector<16xf32>
    %lt3A_730 = arith.cmpi slt, %gather3A_727, %select_n3A_704 : vector<16xi32>
    %and3A_731 = arith.andi %eq3A_729, %lt3A_730 : vector<16xi1>
    %or3A_732 = arith.ori %gt3A_728, %and3A_731 : vector<16xi1>
    %select_n3A_733 = arith.select %or3A_732, %gather3A_717, %select_n3A_703 : vector<16xi1>, vector<16xf32>
    %select_n3A_734 = arith.select %or3A_732, %gather3A_727, %select_n3A_704 : vector<16xi1>, vector<16xi32>
    %eq3A_735 = arith.constant 3 : i32
    %eq3A_736 = vector.broadcast %eq3A_735 : i32 to vector<16xi32>
    %eq3A_737 = arith.cmpi eq, %iota3A, %eq3A_736 : vector<16xi32>
    %select_n3A_738 = arith.select %eq3A_737, %select_n3A_734, %select_n3A_607 : vector<16xi1>, vector<16xi32>
    %slice3A = vector.extract_strided_slice %select_n3A_738 {offsets = [0], sizes = [1], strides = [1]} : vector<16xi32> to vector<1xi32>
    %squeeze3A = vector.extract %slice3A[0] : i32 from vector<1xi32>
    %slice3A_739 = vector.extract_strided_slice %select_n3A_738 {offsets = [1], sizes = [1], strides = [1]} : vector<16xi32> to vector<1xi32>
    %squeeze3A_740 = vector.extract %slice3A_739[0] : i32 from vector<1xi32>
    %slice3A_741 = vector.extract_strided_slice %select_n3A_738 {offsets = [2], sizes = [1], strides = [1]} : vector<16xi32> to vector<1xi32>
    %squeeze3A_742 = vector.extract %slice3A_741[0] : i32 from vector<1xi32>
    %slice3A_743 = vector.extract_strided_slice %select_n3A_738 {offsets = [3], sizes = [1], strides = [1]} : vector<16xi32> to vector<1xi32>
    %squeeze3A_744 = vector.extract %slice3A_743[0] : i32 from vector<1xi32>
    %mul3A_745 = arith.constant 32 : i32
    %mul3A_746 = arith.muli %squeeze3A, %mul3A_745 : i32
    %add3A_747 = arith.constant 0 : i32
    %add3A_748 = arith.addi %mul3A_32, %add3A_747 : i32
    %dma_start3A_749 = arith.constant 0 : i32
    %dma_start3A_750 = arith.constant 0 : i32
    %dma_start3A_751 = arith.constant 0 : i32
    %dma_start3A_752 = arith.constant 0 : i32
    %dma_start3A_753 = tpu.memref_slice %arg7[%dma_start3A_749, %dma_start3A_750, %dma_start3A_751, %dma_start3A_752] : memref<4x32x1x128xf32, #tpu.memory_space<vmem>> -> memref<1x32x1x128xf32, #tpu.memory_space<vmem>>
    %dma_start3A_754 = tpu.memref_squeeze %dma_start3A_753 : memref<1x32x1x128xf32, #tpu.memory_space<vmem>> -> memref<32x1x128xf32, #tpu.memory_space<vmem>>
    %dma_start3A_755 = arith.constant 0 : i32
    %dma_start3A_756 = tpu.memref_slice %arg2[%select_n3A, %mul3A_746, %add3A_748, %dma_start3A_755] : memref<16x256x8x128xf32, #tpu.memory_space<hbm>> -> memref<1x32x1x128xf32, #tpu.memory_space<hbm>>
    %dma_start3A_757 = tpu.memref_squeeze %dma_start3A_756 : memref<1x32x1x128xf32, #tpu.memory_space<hbm>> -> memref<32x1x128xf32, #tpu.memory_space<hbm>>
    %dma_start3A_758 = arith.constant 0 : i32
    %dma_start3A_759 = arith.constant 0 : i32
    %dma_start3A_760 = arith.constant 0 : i32
    %dma_start3A_761 = tpu.memref_slice %arg7[%dma_start3A_749, %dma_start3A_758, %dma_start3A_759, %dma_start3A_760] : memref<4x32x1x128xf32, #tpu.memory_space<vmem>> -> memref<1x32x1x128xf32, #tpu.memory_space<vmem>>
    %dma_start3A_762 = tpu.memref_squeeze %dma_start3A_761 : memref<1x32x1x128xf32, #tpu.memory_space<vmem>> -> memref<32x1x128xf32, #tpu.memory_space<vmem>>
    %dma_start3A_763 = arith.constant 0 : i32
    %dma_start3A_764 = tpu.memref_slice %arg2[%select_n3A, %mul3A_746, %add3A_748, %dma_start3A_763] : memref<16x256x8x128xf32, #tpu.memory_space<hbm>> -> memref<1x32x1x128xf32, #tpu.memory_space<hbm>>
    %dma_start3A_765 = tpu.memref_squeeze %dma_start3A_764 : memref<1x32x1x128xf32, #tpu.memory_space<hbm>> -> memref<32x1x128xf32, #tpu.memory_space<hbm>>
    tpu.enqueue_dma source(%dma_start3A_765 : memref<32x1x128xf32, #tpu.memory_space<hbm>>) target(%dma_start3A_762 : memref<32x1x128xf32, #tpu.memory_space<vmem>>) target_semaphore(%arg12 : memref<!tpu.dma_semaphore, #tpu.memory_space<semaphore_mem>>)
    %mul3A_766 = arith.constant 32 : i32
    %mul3A_767 = arith.muli %squeeze3A_740, %mul3A_766 : i32
    %add3A_768 = arith.constant 1 : i32
    %add3A_769 = arith.addi %mul3A_32, %add3A_768 : i32
    %dma_start3A_770 = arith.constant 1 : i32
    %dma_start3A_771 = arith.constant 0 : i32
    %dma_start3A_772 = arith.constant 0 : i32
    %dma_start3A_773 = arith.constant 0 : i32
    %dma_start3A_774 = tpu.memref_slice %arg7[%dma_start3A_770, %dma_start3A_771, %dma_start3A_772, %dma_start3A_773] : memref<4x32x1x128xf32, #tpu.memory_space<vmem>> -> memref<1x32x1x128xf32, #tpu.memory_space<vmem>>
    %dma_start3A_775 = tpu.memref_squeeze %dma_start3A_774 : memref<1x32x1x128xf32, #tpu.memory_space<vmem>> -> memref<32x1x128xf32, #tpu.memory_space<vmem>>
    %dma_start3A_776 = arith.constant 0 : i32
    %dma_start3A_777 = tpu.memref_slice %arg2[%select_n3A, %mul3A_767, %add3A_769, %dma_start3A_776] : memref<16x256x8x128xf32, #tpu.memory_space<hbm>> -> memref<1x32x1x128xf32, #tpu.memory_space<hbm>>
    %dma_start3A_778 = tpu.memref_squeeze %dma_start3A_777 : memref<1x32x1x128xf32, #tpu.memory_space<hbm>> -> memref<32x1x128xf32, #tpu.memory_space<hbm>>
    %dma_start3A_779 = arith.constant 0 : i32
    %dma_start3A_780 = arith.constant 0 : i32
    %dma_start3A_781 = arith.constant 0 : i32
    %dma_start3A_782 = tpu.memref_slice %arg7[%dma_start3A_770, %dma_start3A_779, %dma_start3A_780, %dma_start3A_781] : memref<4x32x1x128xf32, #tpu.memory_space<vmem>> -> memref<1x32x1x128xf32, #tpu.memory_space<vmem>>
    %dma_start3A_783 = tpu.memref_squeeze %dma_start3A_782 : memref<1x32x1x128xf32, #tpu.memory_space<vmem>> -> memref<32x1x128xf32, #tpu.memory_space<vmem>>
    %dma_start3A_784 = arith.constant 0 : i32
    %dma_start3A_785 = tpu.memref_slice %arg2[%select_n3A, %mul3A_767, %add3A_769, %dma_start3A_784] : memref<16x256x8x128xf32, #tpu.memory_space<hbm>> -> memref<1x32x1x128xf32, #tpu.memory_space<hbm>>
    %dma_start3A_786 = tpu.memref_squeeze %dma_start3A_785 : memref<1x32x1x128xf32, #tpu.memory_space<hbm>> -> memref<32x1x128xf32, #tpu.memory_space<hbm>>
    tpu.enqueue_dma source(%dma_start3A_786 : memref<32x1x128xf32, #tpu.memory_space<hbm>>) target(%dma_start3A_783 : memref<32x1x128xf32, #tpu.memory_space<vmem>>) target_semaphore(%arg12 : memref<!tpu.dma_semaphore, #tpu.memory_space<semaphore_mem>>)
    %mul3A_787 = arith.constant 32 : i32
    %mul3A_788 = arith.muli %squeeze3A_742, %mul3A_787 : i32
    %add3A_789 = arith.constant 2 : i32
    %add3A_790 = arith.addi %mul3A_32, %add3A_789 : i32
    %dma_start3A_791 = arith.constant 2 : i32
    %dma_start3A_792 = arith.constant 0 : i32
    %dma_start3A_793 = arith.constant 0 : i32
    %dma_start3A_794 = arith.constant 0 : i32
    %dma_start3A_795 = tpu.memref_slice %arg7[%dma_start3A_791, %dma_start3A_792, %dma_start3A_793, %dma_start3A_794] : memref<4x32x1x128xf32, #tpu.memory_space<vmem>> -> memref<1x32x1x128xf32, #tpu.memory_space<vmem>>
    %dma_start3A_796 = tpu.memref_squeeze %dma_start3A_795 : memref<1x32x1x128xf32, #tpu.memory_space<vmem>> -> memref<32x1x128xf32, #tpu.memory_space<vmem>>
    %dma_start3A_797 = arith.constant 0 : i32
    %dma_start3A_798 = tpu.memref_slice %arg2[%select_n3A, %mul3A_788, %add3A_790, %dma_start3A_797] : memref<16x256x8x128xf32, #tpu.memory_space<hbm>> -> memref<1x32x1x128xf32, #tpu.memory_space<hbm>>
    %dma_start3A_799 = tpu.memref_squeeze %dma_start3A_798 : memref<1x32x1x128xf32, #tpu.memory_space<hbm>> -> memref<32x1x128xf32, #tpu.memory_space<hbm>>
    %dma_start3A_800 = arith.constant 0 : i32
    %dma_start3A_801 = arith.constant 0 : i32
    %dma_start3A_802 = arith.constant 0 : i32
    %dma_start3A_803 = tpu.memref_slice %arg7[%dma_start3A_791, %dma_start3A_800, %dma_start3A_801, %dma_start3A_802] : memref<4x32x1x128xf32, #tpu.memory_space<vmem>> -> memref<1x32x1x128xf32, #tpu.memory_space<vmem>>
    %dma_start3A_804 = tpu.memref_squeeze %dma_start3A_803 : memref<1x32x1x128xf32, #tpu.memory_space<vmem>> -> memref<32x1x128xf32, #tpu.memory_space<vmem>>
    %dma_start3A_805 = arith.constant 0 : i32
    %dma_start3A_806 = tpu.memref_slice %arg2[%select_n3A, %mul3A_788, %add3A_790, %dma_start3A_805] : memref<16x256x8x128xf32, #tpu.memory_space<hbm>> -> memref<1x32x1x128xf32, #tpu.memory_space<hbm>>
    %dma_start3A_807 = tpu.memref_squeeze %dma_start3A_806 : memref<1x32x1x128xf32, #tpu.memory_space<hbm>> -> memref<32x1x128xf32, #tpu.memory_space<hbm>>
    tpu.enqueue_dma source(%dma_start3A_807 : memref<32x1x128xf32, #tpu.memory_space<hbm>>) target(%dma_start3A_804 : memref<32x1x128xf32, #tpu.memory_space<vmem>>) target_semaphore(%arg12 : memref<!tpu.dma_semaphore, #tpu.memory_space<semaphore_mem>>)
    %mul3A_808 = arith.constant 32 : i32
    %mul3A_809 = arith.muli %squeeze3A_744, %mul3A_808 : i32
    %add3A_810 = arith.constant 3 : i32
    %add3A_811 = arith.addi %mul3A_32, %add3A_810 : i32
    %dma_start3A_812 = arith.constant 3 : i32
    %dma_start3A_813 = arith.constant 0 : i32
    %dma_start3A_814 = arith.constant 0 : i32
    %dma_start3A_815 = arith.constant 0 : i32
    %dma_start3A_816 = tpu.memref_slice %arg7[%dma_start3A_812, %dma_start3A_813, %dma_start3A_814, %dma_start3A_815] : memref<4x32x1x128xf32, #tpu.memory_space<vmem>> -> memref<1x32x1x128xf32, #tpu.memory_space<vmem>>
    %dma_start3A_817 = tpu.memref_squeeze %dma_start3A_816 : memref<1x32x1x128xf32, #tpu.memory_space<vmem>> -> memref<32x1x128xf32, #tpu.memory_space<vmem>>
    %dma_start3A_818 = arith.constant 0 : i32
    %dma_start3A_819 = tpu.memref_slice %arg2[%select_n3A, %mul3A_809, %add3A_811, %dma_start3A_818] : memref<16x256x8x128xf32, #tpu.memory_space<hbm>> -> memref<1x32x1x128xf32, #tpu.memory_space<hbm>>
    %dma_start3A_820 = tpu.memref_squeeze %dma_start3A_819 : memref<1x32x1x128xf32, #tpu.memory_space<hbm>> -> memref<32x1x128xf32, #tpu.memory_space<hbm>>
    %dma_start3A_821 = arith.constant 0 : i32
    %dma_start3A_822 = arith.constant 0 : i32
    %dma_start3A_823 = arith.constant 0 : i32
    %dma_start3A_824 = tpu.memref_slice %arg7[%dma_start3A_812, %dma_start3A_821, %dma_start3A_822, %dma_start3A_823] : memref<4x32x1x128xf32, #tpu.memory_space<vmem>> -> memref<1x32x1x128xf32, #tpu.memory_space<vmem>>
    %dma_start3A_825 = tpu.memref_squeeze %dma_start3A_824 : memref<1x32x1x128xf32, #tpu.memory_space<vmem>> -> memref<32x1x128xf32, #tpu.memory_space<vmem>>
    %dma_start3A_826 = arith.constant 0 : i32
    %dma_start3A_827 = tpu.memref_slice %arg2[%select_n3A, %mul3A_809, %add3A_811, %dma_start3A_826] : memref<16x256x8x128xf32, #tpu.memory_space<hbm>> -> memref<1x32x1x128xf32, #tpu.memory_space<hbm>>
    %dma_start3A_828 = tpu.memref_squeeze %dma_start3A_827 : memref<1x32x1x128xf32, #tpu.memory_space<hbm>> -> memref<32x1x128xf32, #tpu.memory_space<hbm>>
    tpu.enqueue_dma source(%dma_start3A_828 : memref<32x1x128xf32, #tpu.memory_space<hbm>>) target(%dma_start3A_825 : memref<32x1x128xf32, #tpu.memory_space<vmem>>) target_semaphore(%arg12 : memref<!tpu.dma_semaphore, #tpu.memory_space<semaphore_mem>>)
    %broadcast_in_dim3A_829 = arith.constant 0.000000e+00 : f32
    %broadcast_in_dim3A_830 = vector.broadcast %broadcast_in_dim3A_829 : f32 to vector<16xf32>
    %broadcast_in_dim3A_831 = arith.constant 0 : i32
    %broadcast_in_dim3A_832 = vector.broadcast %broadcast_in_dim3A_831 : i32 to vector<16xi32>
    %dma_wait3A_833 = arith.constant 0 : i32
    %dma_wait3A_834 = arith.constant 0 : i32
    %dma_wait3A_835 = arith.constant 0 : i32
    %dma_wait3A_836 = arith.constant 0 : i32
    %dma_wait3A_837 = tpu.memref_slice %arg7[%dma_wait3A_833, %dma_wait3A_834, %dma_wait3A_835, %dma_wait3A_836] : memref<4x32x1x128xf32, #tpu.memory_space<vmem>> -> memref<1x32x1x128xf32, #tpu.memory_space<vmem>>
    %dma_wait3A_838 = tpu.memref_squeeze %dma_wait3A_837 : memref<1x32x1x128xf32, #tpu.memory_space<vmem>> -> memref<32x1x128xf32, #tpu.memory_space<vmem>>
    %dma_wait3A_839 = arith.constant 0 : i32
    %dma_wait3A_840 = tpu.memref_slice %arg2[%select_n3A, %mul3A_746, %add3A_748, %dma_wait3A_839] : memref<16x256x8x128xf32, #tpu.memory_space<hbm>> -> memref<1x32x1x128xf32, #tpu.memory_space<hbm>>
    %dma_wait3A_841 = tpu.memref_squeeze %dma_wait3A_840 : memref<1x32x1x128xf32, #tpu.memory_space<hbm>> -> memref<32x1x128xf32, #tpu.memory_space<hbm>>
    %dma_wait3A_842 = arith.constant 0 : i32
    %dma_wait3A_843 = arith.constant 0 : i32
    %dma_wait3A_844 = arith.constant 0 : i32
    %dma_wait3A_845 = tpu.memref_slice %arg7[%dma_wait3A_833, %dma_wait3A_842, %dma_wait3A_843, %dma_wait3A_844] : memref<4x32x1x128xf32, #tpu.memory_space<vmem>> -> memref<1x32x1x128xf32, #tpu.memory_space<vmem>>
    %dma_wait3A_846 = tpu.memref_squeeze %dma_wait3A_845 : memref<1x32x1x128xf32, #tpu.memory_space<vmem>> -> memref<32x1x128xf32, #tpu.memory_space<vmem>>
    %dma_wait3A_847 = arith.constant 0 : i32
    %dma_wait3A_848 = tpu.memref_slice %arg2[%select_n3A, %mul3A_746, %add3A_748, %dma_wait3A_847] : memref<16x256x8x128xf32, #tpu.memory_space<hbm>> -> memref<1x32x1x128xf32, #tpu.memory_space<hbm>>
    %dma_wait3A_849 = tpu.memref_squeeze %dma_wait3A_848 : memref<1x32x1x128xf32, #tpu.memory_space<hbm>> -> memref<32x1x128xf32, #tpu.memory_space<hbm>>
    tpu.wait_dma2 semaphore(%arg12 : memref<!tpu.dma_semaphore, #tpu.memory_space<semaphore_mem>>) src(%dma_wait3A_849 : memref<32x1x128xf32, #tpu.memory_space<hbm>>) dst(%dma_wait3A_846 : memref<32x1x128xf32, #tpu.memory_space<vmem>>)
    %mul3A_850 = arith.constant 4096 : i32
    %mul3A_851 = arith.muli %squeeze3A, %mul3A_850 : i32
    %add3A_852 = vector.broadcast %mul3A_851 : i32 to vector<16xi32>
    %add3A_853 = arith.addi %iota3A, %add3A_852 : vector<16xi32>
    %broadcast_in_dim3A_854 = arith.constant 2147483647 : i32
    %broadcast_in_dim3A_855 = vector.broadcast %broadcast_in_dim3A_854 : i32 to vector<16xi32>
    %scan3A_856 = arith.constant 0 : i32
    %scan3A_857 = arith.constant 32 : i32
    %scan3A_858 = arith.addi %scan3A_856, %scan3A_857 : i32
    %scan3A_859 = arith.constant 1 : i32
    %scan3A_860:2 = scf.for %scan3A_1215 = %scan3A_856 to %scan3A_858 step %scan3A_859 iter_args(%scan3A_1216 = %add3A_853, %scan3A_1217 = %broadcast_in_dim3A_855) -> (vector<16xi32>, vector<16xi32>)  : i32 {
      %get3A = arith.constant 0 : i32
      %get3A_1218 = arith.constant 0 : i32
      %get3A_1219 = arith.index_cast %get3A : i32 to index
      %get3A_1220 = arith.index_cast %scan3A_1215 : i32 to index
      %get3A_1221 = arith.index_cast %get3A_1218 : i32 to index
      %get3A_1222 = arith.constant 0 : index
      %get3A_1223 = tpu.vector_load %arg7[%get3A_1219, %get3A_1220, %get3A_1221, %get3A_1222] {strides = array<i32>} : memref<4x32x1x128xf32, #tpu.memory_space<vmem>>, vector<1x1x1x16xf32>,
      %get3A_1224 = vector.shape_cast %get3A_1223 : vector<1x1x1x16xf32> to vector<16xf32>
      %eq3A_1225 = arith.cmpf oeq, %get3A_1224, %select_n3A_340 : vector<16xf32>
      %add3A_1226 = arith.constant 0 : i32
      %add3A_1227 = vector.broadcast %add3A_1226 : i32 to vector<16xi32>
      %add3A_1228 = arith.addi %scan3A_1216, %add3A_1227 : vector<16xi32>
      %jit3A_1229 = arith.constant 2147483647 : i32
      %broadcast_in_dim3A_1230 = vector.broadcast %jit3A_1229 : i32 to vector<16xi32>
      %select_n3A_1231 = arith.select %eq3A_1225, %add3A_1228, %broadcast_in_dim3A_1230 : vector<16xi1>, vector<16xi32>
      %min3A_1232 = arith.minsi %scan3A_1217, %select_n3A_1231 : vector<16xi32>
      %get3A_1233 = arith.constant 0 : i32
      %get3A_1234 = arith.constant 0 : i32
      %get3A_1235 = arith.index_cast %get3A_1233 : i32 to index
      %get3A_1236 = arith.index_cast %scan3A_1215 : i32 to index
      %get3A_1237 = arith.index_cast %get3A_1234 : i32 to index
      %get3A_1238 = arith.constant 16 : index
      %get3A_1239 = tpu.vector_load %arg7[%get3A_1235, %get3A_1236, %get3A_1237, %get3A_1238] {strides = array<i32>} : memref<4x32x1x128xf32, #tpu.memory_space<vmem>>, vector<1x1x1x16xf32>,
      %get3A_1240 = vector.shape_cast %get3A_1239 : vector<1x1x1x16xf32> to vector<16xf32>
      %eq3A_1241 = arith.cmpf oeq, %get3A_1240, %select_n3A_340 : vector<16xf32>
      %add3A_1242 = arith.constant 16 : i32
      %add3A_1243 = vector.broadcast %add3A_1242 : i32 to vector<16xi32>
      %add3A_1244 = arith.addi %scan3A_1216, %add3A_1243 : vector<16xi32>
      %jit3A_1245 = arith.constant 2147483647 : i32
      %broadcast_in_dim3A_1246 = vector.broadcast %jit3A_1245 : i32 to vector<16xi32>
      %select_n3A_1247 = arith.select %eq3A_1241, %add3A_1244, %broadcast_in_dim3A_1246 : vector<16xi1>, vector<16xi32>
      %min3A_1248 = arith.minsi %min3A_1232, %select_n3A_1247 : vector<16xi32>
      %get3A_1249 = arith.constant 0 : i32
      %get3A_1250 = arith.constant 0 : i32
      %get3A_1251 = arith.index_cast %get3A_1249 : i32 to index
      %get3A_1252 = arith.index_cast %scan3A_1215 : i32 to index
      %get3A_1253 = arith.index_cast %get3A_1250 : i32 to index
      %get3A_1254 = arith.constant 32 : index
      %get3A_1255 = tpu.vector_load %arg7[%get3A_1251, %get3A_1252, %get3A_1253, %get3A_1254] {strides = array<i32>} : memref<4x32x1x128xf32, #tpu.memory_space<vmem>>, vector<1x1x1x16xf32>,
      %get3A_1256 = vector.shape_cast %get3A_1255 : vector<1x1x1x16xf32> to vector<16xf32>
      %eq3A_1257 = arith.cmpf oeq, %get3A_1256, %select_n3A_340 : vector<16xf32>
      %add3A_1258 = arith.constant 32 : i32
      %add3A_1259 = vector.broadcast %add3A_1258 : i32 to vector<16xi32>
      %add3A_1260 = arith.addi %scan3A_1216, %add3A_1259 : vector<16xi32>
      %jit3A_1261 = arith.constant 2147483647 : i32
      %broadcast_in_dim3A_1262 = vector.broadcast %jit3A_1261 : i32 to vector<16xi32>
      %select_n3A_1263 = arith.select %eq3A_1257, %add3A_1260, %broadcast_in_dim3A_1262 : vector<16xi1>, vector<16xi32>
      %min3A_1264 = arith.minsi %min3A_1248, %select_n3A_1263 : vector<16xi32>
      %get3A_1265 = arith.constant 0 : i32
      %get3A_1266 = arith.constant 0 : i32
      %get3A_1267 = arith.index_cast %get3A_1265 : i32 to index
      %get3A_1268 = arith.index_cast %scan3A_1215 : i32 to index
      %get3A_1269 = arith.index_cast %get3A_1266 : i32 to index
      %get3A_1270 = arith.constant 48 : index
      %get3A_1271 = tpu.vector_load %arg7[%get3A_1267, %get3A_1268, %get3A_1269, %get3A_1270] {strides = array<i32>} : memref<4x32x1x128xf32, #tpu.memory_space<vmem>>, vector<1x1x1x16xf32>,
      %get3A_1272 = vector.shape_cast %get3A_1271 : vector<1x1x1x16xf32> to vector<16xf32>
      %eq3A_1273 = arith.cmpf oeq, %get3A_1272, %select_n3A_340 : vector<16xf32>
      %add3A_1274 = arith.constant 48 : i32
      %add3A_1275 = vector.broadcast %add3A_1274 : i32 to vector<16xi32>
      %add3A_1276 = arith.addi %scan3A_1216, %add3A_1275 : vector<16xi32>
      %jit3A_1277 = arith.constant 2147483647 : i32
      %broadcast_in_dim3A_1278 = vector.broadcast %jit3A_1277 : i32 to vector<16xi32>
      %select_n3A_1279 = arith.select %eq3A_1273, %add3A_1276, %broadcast_in_dim3A_1278 : vector<16xi1>, vector<16xi32>
      %min3A_1280 = arith.minsi %min3A_1264, %select_n3A_1279 : vector<16xi32>
      %get3A_1281 = arith.constant 0 : i32
      %get3A_1282 = arith.constant 0 : i32
      %get3A_1283 = arith.index_cast %get3A_1281 : i32 to index
      %get3A_1284 = arith.index_cast %scan3A_1215 : i32 to index
      %get3A_1285 = arith.index_cast %get3A_1282 : i32 to index
      %get3A_1286 = arith.constant 64 : index
      %get3A_1287 = tpu.vector_load %arg7[%get3A_1283, %get3A_1284, %get3A_1285, %get3A_1286] {strides = array<i32>} : memref<4x32x1x128xf32, #tpu.memory_space<vmem>>, vector<1x1x1x16xf32>,
      %get3A_1288 = vector.shape_cast %get3A_1287 : vector<1x1x1x16xf32> to vector<16xf32>
      %eq3A_1289 = arith.cmpf oeq, %get3A_1288, %select_n3A_340 : vector<16xf32>
      %add3A_1290 = arith.constant 64 : i32
      %add3A_1291 = vector.broadcast %add3A_1290 : i32 to vector<16xi32>
      %add3A_1292 = arith.addi %scan3A_1216, %add3A_1291 : vector<16xi32>
      %jit3A_1293 = arith.constant 2147483647 : i32
      %broadcast_in_dim3A_1294 = vector.broadcast %jit3A_1293 : i32 to vector<16xi32>
      %select_n3A_1295 = arith.select %eq3A_1289, %add3A_1292, %broadcast_in_dim3A_1294 : vector<16xi1>, vector<16xi32>
      %min3A_1296 = arith.minsi %min3A_1280, %select_n3A_1295 : vector<16xi32>
      %get3A_1297 = arith.constant 0 : i32
      %get3A_1298 = arith.constant 0 : i32
      %get3A_1299 = arith.index_cast %get3A_1297 : i32 to index
      %get3A_1300 = arith.index_cast %scan3A_1215 : i32 to index
      %get3A_1301 = arith.index_cast %get3A_1298 : i32 to index
      %get3A_1302 = arith.constant 80 : index
      %get3A_1303 = tpu.vector_load %arg7[%get3A_1299, %get3A_1300, %get3A_1301, %get3A_1302] {strides = array<i32>} : memref<4x32x1x128xf32, #tpu.memory_space<vmem>>, vector<1x1x1x16xf32>,
      %get3A_1304 = vector.shape_cast %get3A_1303 : vector<1x1x1x16xf32> to vector<16xf32>
      %eq3A_1305 = arith.cmpf oeq, %get3A_1304, %select_n3A_340 : vector<16xf32>
      %add3A_1306 = arith.constant 80 : i32
      %add3A_1307 = vector.broadcast %add3A_1306 : i32 to vector<16xi32>
      %add3A_1308 = arith.addi %scan3A_1216, %add3A_1307 : vector<16xi32>
      %jit3A_1309 = arith.constant 2147483647 : i32
      %broadcast_in_dim3A_1310 = vector.broadcast %jit3A_1309 : i32 to vector<16xi32>
      %select_n3A_1311 = arith.select %eq3A_1305, %add3A_1308, %broadcast_in_dim3A_1310 : vector<16xi1>, vector<16xi32>
      %min3A_1312 = arith.minsi %min3A_1296, %select_n3A_1311 : vector<16xi32>
      %get3A_1313 = arith.constant 0 : i32
      %get3A_1314 = arith.constant 0 : i32
      %get3A_1315 = arith.index_cast %get3A_1313 : i32 to index
      %get3A_1316 = arith.index_cast %scan3A_1215 : i32 to index
      %get3A_1317 = arith.index_cast %get3A_1314 : i32 to index
      %get3A_1318 = arith.constant 96 : index
      %get3A_1319 = tpu.vector_load %arg7[%get3A_1315, %get3A_1316, %get3A_1317, %get3A_1318] {strides = array<i32>} : memref<4x32x1x128xf32, #tpu.memory_space<vmem>>, vector<1x1x1x16xf32>,
      %get3A_1320 = vector.shape_cast %get3A_1319 : vector<1x1x1x16xf32> to vector<16xf32>
      %eq3A_1321 = arith.cmpf oeq, %get3A_1320, %select_n3A_340 : vector<16xf32>
      %add3A_1322 = arith.constant 96 : i32
      %add3A_1323 = vector.broadcast %add3A_1322 : i32 to vector<16xi32>
      %add3A_1324 = arith.addi %scan3A_1216, %add3A_1323 : vector<16xi32>
      %jit3A_1325 = arith.constant 2147483647 : i32
      %broadcast_in_dim3A_1326 = vector.broadcast %jit3A_1325 : i32 to vector<16xi32>
      %select_n3A_1327 = arith.select %eq3A_1321, %add3A_1324, %broadcast_in_dim3A_1326 : vector<16xi1>, vector<16xi32>
      %min3A_1328 = arith.minsi %min3A_1312, %select_n3A_1327 : vector<16xi32>
      %get3A_1329 = arith.constant 0 : i32
      %get3A_1330 = arith.constant 0 : i32
      %get3A_1331 = arith.index_cast %get3A_1329 : i32 to index
      %get3A_1332 = arith.index_cast %scan3A_1215 : i32 to index
      %get3A_1333 = arith.index_cast %get3A_1330 : i32 to index
      %get3A_1334 = arith.constant 112 : index
      %get3A_1335 = tpu.vector_load %arg7[%get3A_1331, %get3A_1332, %get3A_1333, %get3A_1334] {strides = array<i32>} : memref<4x32x1x128xf32, #tpu.memory_space<vmem>>, vector<1x1x1x16xf32>,
      %get3A_1336 = vector.shape_cast %get3A_1335 : vector<1x1x1x16xf32> to vector<16xf32>
      %eq3A_1337 = arith.cmpf oeq, %get3A_1336, %select_n3A_340 : vector<16xf32>
      %add3A_1338 = arith.constant 112 : i32
      %add3A_1339 = vector.broadcast %add3A_1338 : i32 to vector<16xi32>
      %add3A_1340 = arith.addi %scan3A_1216, %add3A_1339 : vector<16xi32>
      %jit3A_1341 = arith.constant 2147483647 : i32
      %broadcast_in_dim3A_1342 = vector.broadcast %jit3A_1341 : i32 to vector<16xi32>
      %select_n3A_1343 = arith.select %eq3A_1337, %add3A_1340, %broadcast_in_dim3A_1342 : vector<16xi1>, vector<16xi32>
      %min3A_1344 = arith.minsi %min3A_1328, %select_n3A_1343 : vector<16xi32>
      %add3A_1345 = arith.constant 128 : i32
      %add3A_1346 = vector.broadcast %add3A_1345 : i32 to vector<16xi32>
      %add3A_1347 = arith.addi %scan3A_1216, %add3A_1346 : vector<16xi32>
      scf.yield %add3A_1347, %min3A_1344 : vector<16xi32>, vector<16xi32>
    }
    %scan3A_861 = arith.constant 32 : i32
    %xor3A_862 = arith.constant 1 : i32
    %xor3A_863 = vector.broadcast %xor3A_862 : i32 to vector<16xi32>
    %xor3A_864 = arith.xori %iota3A, %xor3A_863 : vector<16xi32>
    %lt3A_865 = arith.constant 0 : i32
    %lt3A_866 = vector.broadcast %lt3A_865 : i32 to vector<16xi32>
    %lt3A_867 = arith.cmpi slt, %xor3A_864, %lt3A_866 : vector<16xi32>
    %add3A_868 = arith.constant 16 : i32
    %add3A_869 = vector.broadcast %add3A_868 : i32 to vector<16xi32>
    %add3A_870 = arith.addi %xor3A_864, %add3A_869 : vector<16xi32>
    %select_n3A_871 = arith.select %lt3A_867, %add3A_870, %xor3A_864 : vector<16xi1>, vector<16xi32>
    %broadcast_in_dim3A_872 = vector.shape_cast %select_n3A_871 : vector<16xi32> to vector<16x1xi32>
    %gather3A_873 = vector.shape_cast %broadcast_in_dim3A_872 : vector<16x1xi32> to vector<16xi32>
    %gather3A_874 = tpu.dynamic_gather %scan3A_860#1[%gather3A_873] in [0] : vector<16xi32>, vector<16xi32> -> vector<16xi32>
    %min3A = arith.minsi %scan3A_860#1, %gather3A_874 : vector<16xi32>
    %xor3A_875 = arith.constant 2 : i32
    %xor3A_876 = vector.broadcast %xor3A_875 : i32 to vector<16xi32>
    %xor3A_877 = arith.xori %iota3A, %xor3A_876 : vector<16xi32>
    %lt3A_878 = arith.constant 0 : i32
    %lt3A_879 = vector.broadcast %lt3A_878 : i32 to vector<16xi32>
    %lt3A_880 = arith.cmpi slt, %xor3A_877, %lt3A_879 : vector<16xi32>
    %add3A_881 = arith.constant 16 : i32
    %add3A_882 = vector.broadcast %add3A_881 : i32 to vector<16xi32>
    %add3A_883 = arith.addi %xor3A_877, %add3A_882 : vector<16xi32>
    %select_n3A_884 = arith.select %lt3A_880, %add3A_883, %xor3A_877 : vector<16xi1>, vector<16xi32>
    %broadcast_in_dim3A_885 = vector.shape_cast %select_n3A_884 : vector<16xi32> to vector<16x1xi32>
    %gather3A_886 = vector.shape_cast %broadcast_in_dim3A_885 : vector<16x1xi32> to vector<16xi32>
    %gather3A_887 = tpu.dynamic_gather %min3A[%gather3A_886] in [0] : vector<16xi32>, vector<16xi32> -> vector<16xi32>
    %min3A_888 = arith.minsi %min3A, %gather3A_887 : vector<16xi32>
    %xor3A_889 = arith.constant 4 : i32
    %xor3A_890 = vector.broadcast %xor3A_889 : i32 to vector<16xi32>
    %xor3A_891 = arith.xori %iota3A, %xor3A_890 : vector<16xi32>
    %lt3A_892 = arith.constant 0 : i32
    %lt3A_893 = vector.broadcast %lt3A_892 : i32 to vector<16xi32>
    %lt3A_894 = arith.cmpi slt, %xor3A_891, %lt3A_893 : vector<16xi32>
    %add3A_895 = arith.constant 16 : i32
    %add3A_896 = vector.broadcast %add3A_895 : i32 to vector<16xi32>
    %add3A_897 = arith.addi %xor3A_891, %add3A_896 : vector<16xi32>
    %select_n3A_898 = arith.select %lt3A_894, %add3A_897, %xor3A_891 : vector<16xi1>, vector<16xi32>
    %broadcast_in_dim3A_899 = vector.shape_cast %select_n3A_898 : vector<16xi32> to vector<16x1xi32>
    %gather3A_900 = vector.shape_cast %broadcast_in_dim3A_899 : vector<16x1xi32> to vector<16xi32>
    %gather3A_901 = tpu.dynamic_gather %min3A_888[%gather3A_900] in [0] : vector<16xi32>, vector<16xi32> -> vector<16xi32>
    %min3A_902 = arith.minsi %min3A_888, %gather3A_901 : vector<16xi32>
    %xor3A_903 = arith.constant 8 : i32
    %xor3A_904 = vector.broadcast %xor3A_903 : i32 to vector<16xi32>
    %xor3A_905 = arith.xori %iota3A, %xor3A_904 : vector<16xi32>
    %lt3A_906 = arith.constant 0 : i32
    %lt3A_907 = vector.broadcast %lt3A_906 : i32 to vector<16xi32>
    %lt3A_908 = arith.cmpi slt, %xor3A_905, %lt3A_907 : vector<16xi32>
    %add3A_909 = arith.constant 16 : i32
    %add3A_910 = vector.broadcast %add3A_909 : i32 to vector<16xi32>
    %add3A_911 = arith.addi %xor3A_905, %add3A_910 : vector<16xi32>
    %select_n3A_912 = arith.select %lt3A_908, %add3A_911, %xor3A_905 : vector<16xi1>, vector<16xi32>
    %broadcast_in_dim3A_913 = vector.shape_cast %select_n3A_912 : vector<16xi32> to vector<16x1xi32>
    %gather3A_914 = vector.shape_cast %broadcast_in_dim3A_913 : vector<16x1xi32> to vector<16xi32>
    %gather3A_915 = tpu.dynamic_gather %min3A_902[%gather3A_914] in [0] : vector<16xi32>, vector<16xi32> -> vector<16xi32>
    %min3A_916 = arith.minsi %min3A_902, %gather3A_915 : vector<16xi32>
    %eq3A_917 = arith.constant 0 : i32
    %eq3A_918 = vector.broadcast %eq3A_917 : i32 to vector<16xi32>
    %eq3A_919 = arith.cmpi eq, %iota3A, %eq3A_918 : vector<16xi32>
    %select_n3A_920 = arith.select %eq3A_919, %select_n3A_340, %broadcast_in_dim3A_830 : vector<16xi1>, vector<16xf32>
    %eq3A_921 = arith.constant 0 : i32
    %eq3A_922 = vector.broadcast %eq3A_921 : i32 to vector<16xi32>
    %eq3A_923 = arith.cmpi eq, %iota3A, %eq3A_922 : vector<16xi32>
    %select_n3A_924 = arith.select %eq3A_923, %min3A_916, %broadcast_in_dim3A_832 : vector<16xi1>, vector<16xi32>
    %dma_wait3A_925 = arith.constant 1 : i32
    %dma_wait3A_926 = arith.constant 0 : i32
    %dma_wait3A_927 = arith.constant 0 : i32
    %dma_wait3A_928 = arith.constant 0 : i32
    %dma_wait3A_929 = tpu.memref_slice %arg7[%dma_wait3A_925, %dma_wait3A_926, %dma_wait3A_927, %dma_wait3A_928] : memref<4x32x1x128xf32, #tpu.memory_space<vmem>> -> memref<1x32x1x128xf32, #tpu.memory_space<vmem>>
    %dma_wait3A_930 = tpu.memref_squeeze %dma_wait3A_929 : memref<1x32x1x128xf32, #tpu.memory_space<vmem>> -> memref<32x1x128xf32, #tpu.memory_space<vmem>>
    %dma_wait3A_931 = arith.constant 0 : i32
    %dma_wait3A_932 = tpu.memref_slice %arg2[%select_n3A, %mul3A_767, %add3A_769, %dma_wait3A_931] : memref<16x256x8x128xf32, #tpu.memory_space<hbm>> -> memref<1x32x1x128xf32, #tpu.memory_space<hbm>>
    %dma_wait3A_933 = tpu.memref_squeeze %dma_wait3A_932 : memref<1x32x1x128xf32, #tpu.memory_space<hbm>> -> memref<32x1x128xf32, #tpu.memory_space<hbm>>
    %dma_wait3A_934 = arith.constant 0 : i32
    %dma_wait3A_935 = arith.constant 0 : i32
    %dma_wait3A_936 = arith.constant 0 : i32
    %dma_wait3A_937 = tpu.memref_slice %arg7[%dma_wait3A_925, %dma_wait3A_934, %dma_wait3A_935, %dma_wait3A_936] : memref<4x32x1x128xf32, #tpu.memory_space<vmem>> -> memref<1x32x1x128xf32, #tpu.memory_space<vmem>>
    %dma_wait3A_938 = tpu.memref_squeeze %dma_wait3A_937 : memref<1x32x1x128xf32, #tpu.memory_space<vmem>> -> memref<32x1x128xf32, #tpu.memory_space<vmem>>
    %dma_wait3A_939 = arith.constant 0 : i32
    %dma_wait3A_940 = tpu.memref_slice %arg2[%select_n3A, %mul3A_767, %add3A_769, %dma_wait3A_939] : memref<16x256x8x128xf32, #tpu.memory_space<hbm>> -> memref<1x32x1x128xf32, #tpu.memory_space<hbm>>
    %dma_wait3A_941 = tpu.memref_squeeze %dma_wait3A_940 : memref<1x32x1x128xf32, #tpu.memory_space<hbm>> -> memref<32x1x128xf32, #tpu.memory_space<hbm>>
    tpu.wait_dma2 semaphore(%arg12 : memref<!tpu.dma_semaphore, #tpu.memory_space<semaphore_mem>>) src(%dma_wait3A_941 : memref<32x1x128xf32, #tpu.memory_space<hbm>>) dst(%dma_wait3A_938 : memref<32x1x128xf32, #tpu.memory_space<vmem>>)
    %mul3A_942 = arith.constant 4096 : i32
    %mul3A_943 = arith.muli %squeeze3A_740, %mul3A_942 : i32
    %add3A_944 = vector.broadcast %mul3A_943 : i32 to vector<16xi32>
    %add3A_945 = arith.addi %iota3A, %add3A_944 : vector<16xi32>
    %broadcast_in_dim3A_946 = arith.constant 2147483647 : i32
    %broadcast_in_dim3A_947 = vector.broadcast %broadcast_in_dim3A_946 : i32 to vector<16xi32>
    %scan3A_948 = arith.constant 0 : i32
    %scan3A_949 = arith.constant 32 : i32
    %scan3A_950 = arith.addi %scan3A_948, %scan3A_949 : i32
    %scan3A_951 = arith.constant 1 : i32
    %scan3A_952:2 = scf.for %scan3A_1215 = %scan3A_948 to %scan3A_950 step %scan3A_951 iter_args(%scan3A_1216 = %add3A_945, %scan3A_1217 = %broadcast_in_dim3A_947) -> (vector<16xi32>, vector<16xi32>)  : i32 {
      %get3A = arith.constant 1 : i32
      %get3A_1218 = arith.constant 0 : i32
      %get3A_1219 = arith.index_cast %get3A : i32 to index
      %get3A_1220 = arith.index_cast %scan3A_1215 : i32 to index
      %get3A_1221 = arith.index_cast %get3A_1218 : i32 to index
      %get3A_1222 = arith.constant 0 : index
      %get3A_1223 = tpu.vector_load %arg7[%get3A_1219, %get3A_1220, %get3A_1221, %get3A_1222] {strides = array<i32>} : memref<4x32x1x128xf32, #tpu.memory_space<vmem>>, vector<1x1x1x16xf32>,
      %get3A_1224 = vector.shape_cast %get3A_1223 : vector<1x1x1x16xf32> to vector<16xf32>
      %eq3A_1225 = arith.cmpf oeq, %get3A_1224, %select_n3A_471 : vector<16xf32>
      %add3A_1226 = arith.constant 0 : i32
      %add3A_1227 = vector.broadcast %add3A_1226 : i32 to vector<16xi32>
      %add3A_1228 = arith.addi %scan3A_1216, %add3A_1227 : vector<16xi32>
      %jit3A_1229 = arith.constant 2147483647 : i32
      %broadcast_in_dim3A_1230 = vector.broadcast %jit3A_1229 : i32 to vector<16xi32>
      %select_n3A_1231 = arith.select %eq3A_1225, %add3A_1228, %broadcast_in_dim3A_1230 : vector<16xi1>, vector<16xi32>
      %min3A_1232 = arith.minsi %scan3A_1217, %select_n3A_1231 : vector<16xi32>
      %get3A_1233 = arith.constant 1 : i32
      %get3A_1234 = arith.constant 0 : i32
      %get3A_1235 = arith.index_cast %get3A_1233 : i32 to index
      %get3A_1236 = arith.index_cast %scan3A_1215 : i32 to index
      %get3A_1237 = arith.index_cast %get3A_1234 : i32 to index
      %get3A_1238 = arith.constant 16 : index
      %get3A_1239 = tpu.vector_load %arg7[%get3A_1235, %get3A_1236, %get3A_1237, %get3A_1238] {strides = array<i32>} : memref<4x32x1x128xf32, #tpu.memory_space<vmem>>, vector<1x1x1x16xf32>,
      %get3A_1240 = vector.shape_cast %get3A_1239 : vector<1x1x1x16xf32> to vector<16xf32>
      %eq3A_1241 = arith.cmpf oeq, %get3A_1240, %select_n3A_471 : vector<16xf32>
      %add3A_1242 = arith.constant 16 : i32
      %add3A_1243 = vector.broadcast %add3A_1242 : i32 to vector<16xi32>
      %add3A_1244 = arith.addi %scan3A_1216, %add3A_1243 : vector<16xi32>
      %jit3A_1245 = arith.constant 2147483647 : i32
      %broadcast_in_dim3A_1246 = vector.broadcast %jit3A_1245 : i32 to vector<16xi32>
      %select_n3A_1247 = arith.select %eq3A_1241, %add3A_1244, %broadcast_in_dim3A_1246 : vector<16xi1>, vector<16xi32>
      %min3A_1248 = arith.minsi %min3A_1232, %select_n3A_1247 : vector<16xi32>
      %get3A_1249 = arith.constant 1 : i32
      %get3A_1250 = arith.constant 0 : i32
      %get3A_1251 = arith.index_cast %get3A_1249 : i32 to index
      %get3A_1252 = arith.index_cast %scan3A_1215 : i32 to index
      %get3A_1253 = arith.index_cast %get3A_1250 : i32 to index
      %get3A_1254 = arith.constant 32 : index
      %get3A_1255 = tpu.vector_load %arg7[%get3A_1251, %get3A_1252, %get3A_1253, %get3A_1254] {strides = array<i32>} : memref<4x32x1x128xf32, #tpu.memory_space<vmem>>, vector<1x1x1x16xf32>,
      %get3A_1256 = vector.shape_cast %get3A_1255 : vector<1x1x1x16xf32> to vector<16xf32>
      %eq3A_1257 = arith.cmpf oeq, %get3A_1256, %select_n3A_471 : vector<16xf32>
      %add3A_1258 = arith.constant 32 : i32
      %add3A_1259 = vector.broadcast %add3A_1258 : i32 to vector<16xi32>
      %add3A_1260 = arith.addi %scan3A_1216, %add3A_1259 : vector<16xi32>
      %jit3A_1261 = arith.constant 2147483647 : i32
      %broadcast_in_dim3A_1262 = vector.broadcast %jit3A_1261 : i32 to vector<16xi32>
      %select_n3A_1263 = arith.select %eq3A_1257, %add3A_1260, %broadcast_in_dim3A_1262 : vector<16xi1>, vector<16xi32>
      %min3A_1264 = arith.minsi %min3A_1248, %select_n3A_1263 : vector<16xi32>
      %get3A_1265 = arith.constant 1 : i32
      %get3A_1266 = arith.constant 0 : i32
      %get3A_1267 = arith.index_cast %get3A_1265 : i32 to index
      %get3A_1268 = arith.index_cast %scan3A_1215 : i32 to index
      %get3A_1269 = arith.index_cast %get3A_1266 : i32 to index
      %get3A_1270 = arith.constant 48 : index
      %get3A_1271 = tpu.vector_load %arg7[%get3A_1267, %get3A_1268, %get3A_1269, %get3A_1270] {strides = array<i32>} : memref<4x32x1x128xf32, #tpu.memory_space<vmem>>, vector<1x1x1x16xf32>,
      %get3A_1272 = vector.shape_cast %get3A_1271 : vector<1x1x1x16xf32> to vector<16xf32>
      %eq3A_1273 = arith.cmpf oeq, %get3A_1272, %select_n3A_471 : vector<16xf32>
      %add3A_1274 = arith.constant 48 : i32
      %add3A_1275 = vector.broadcast %add3A_1274 : i32 to vector<16xi32>
      %add3A_1276 = arith.addi %scan3A_1216, %add3A_1275 : vector<16xi32>
      %jit3A_1277 = arith.constant 2147483647 : i32
      %broadcast_in_dim3A_1278 = vector.broadcast %jit3A_1277 : i32 to vector<16xi32>
      %select_n3A_1279 = arith.select %eq3A_1273, %add3A_1276, %broadcast_in_dim3A_1278 : vector<16xi1>, vector<16xi32>
      %min3A_1280 = arith.minsi %min3A_1264, %select_n3A_1279 : vector<16xi32>
      %get3A_1281 = arith.constant 1 : i32
      %get3A_1282 = arith.constant 0 : i32
      %get3A_1283 = arith.index_cast %get3A_1281 : i32 to index
      %get3A_1284 = arith.index_cast %scan3A_1215 : i32 to index
      %get3A_1285 = arith.index_cast %get3A_1282 : i32 to index
      %get3A_1286 = arith.constant 64 : index
      %get3A_1287 = tpu.vector_load %arg7[%get3A_1283, %get3A_1284, %get3A_1285, %get3A_1286] {strides = array<i32>} : memref<4x32x1x128xf32, #tpu.memory_space<vmem>>, vector<1x1x1x16xf32>,
      %get3A_1288 = vector.shape_cast %get3A_1287 : vector<1x1x1x16xf32> to vector<16xf32>
      %eq3A_1289 = arith.cmpf oeq, %get3A_1288, %select_n3A_471 : vector<16xf32>
      %add3A_1290 = arith.constant 64 : i32
      %add3A_1291 = vector.broadcast %add3A_1290 : i32 to vector<16xi32>
      %add3A_1292 = arith.addi %scan3A_1216, %add3A_1291 : vector<16xi32>
      %jit3A_1293 = arith.constant 2147483647 : i32
      %broadcast_in_dim3A_1294 = vector.broadcast %jit3A_1293 : i32 to vector<16xi32>
      %select_n3A_1295 = arith.select %eq3A_1289, %add3A_1292, %broadcast_in_dim3A_1294 : vector<16xi1>, vector<16xi32>
      %min3A_1296 = arith.minsi %min3A_1280, %select_n3A_1295 : vector<16xi32>
      %get3A_1297 = arith.constant 1 : i32
      %get3A_1298 = arith.constant 0 : i32
      %get3A_1299 = arith.index_cast %get3A_1297 : i32 to index
      %get3A_1300 = arith.index_cast %scan3A_1215 : i32 to index
      %get3A_1301 = arith.index_cast %get3A_1298 : i32 to index
      %get3A_1302 = arith.constant 80 : index
      %get3A_1303 = tpu.vector_load %arg7[%get3A_1299, %get3A_1300, %get3A_1301, %get3A_1302] {strides = array<i32>} : memref<4x32x1x128xf32, #tpu.memory_space<vmem>>, vector<1x1x1x16xf32>,
      %get3A_1304 = vector.shape_cast %get3A_1303 : vector<1x1x1x16xf32> to vector<16xf32>
      %eq3A_1305 = arith.cmpf oeq, %get3A_1304, %select_n3A_471 : vector<16xf32>
      %add3A_1306 = arith.constant 80 : i32
      %add3A_1307 = vector.broadcast %add3A_1306 : i32 to vector<16xi32>
      %add3A_1308 = arith.addi %scan3A_1216, %add3A_1307 : vector<16xi32>
      %jit3A_1309 = arith.constant 2147483647 : i32
      %broadcast_in_dim3A_1310 = vector.broadcast %jit3A_1309 : i32 to vector<16xi32>
      %select_n3A_1311 = arith.select %eq3A_1305, %add3A_1308, %broadcast_in_dim3A_1310 : vector<16xi1>, vector<16xi32>
      %min3A_1312 = arith.minsi %min3A_1296, %select_n3A_1311 : vector<16xi32>
      %get3A_1313 = arith.constant 1 : i32
      %get3A_1314 = arith.constant 0 : i32
      %get3A_1315 = arith.index_cast %get3A_1313 : i32 to index
      %get3A_1316 = arith.index_cast %scan3A_1215 : i32 to index
      %get3A_1317 = arith.index_cast %get3A_1314 : i32 to index
      %get3A_1318 = arith.constant 96 : index
      %get3A_1319 = tpu.vector_load %arg7[%get3A_1315, %get3A_1316, %get3A_1317, %get3A_1318] {strides = array<i32>} : memref<4x32x1x128xf32, #tpu.memory_space<vmem>>, vector<1x1x1x16xf32>,
      %get3A_1320 = vector.shape_cast %get3A_1319 : vector<1x1x1x16xf32> to vector<16xf32>
      %eq3A_1321 = arith.cmpf oeq, %get3A_1320, %select_n3A_471 : vector<16xf32>
      %add3A_1322 = arith.constant 96 : i32
      %add3A_1323 = vector.broadcast %add3A_1322 : i32 to vector<16xi32>
      %add3A_1324 = arith.addi %scan3A_1216, %add3A_1323 : vector<16xi32>
      %jit3A_1325 = arith.constant 2147483647 : i32
      %broadcast_in_dim3A_1326 = vector.broadcast %jit3A_1325 : i32 to vector<16xi32>
      %select_n3A_1327 = arith.select %eq3A_1321, %add3A_1324, %broadcast_in_dim3A_1326 : vector<16xi1>, vector<16xi32>
      %min3A_1328 = arith.minsi %min3A_1312, %select_n3A_1327 : vector<16xi32>
      %get3A_1329 = arith.constant 1 : i32
      %get3A_1330 = arith.constant 0 : i32
      %get3A_1331 = arith.index_cast %get3A_1329 : i32 to index
      %get3A_1332 = arith.index_cast %scan3A_1215 : i32 to index
      %get3A_1333 = arith.index_cast %get3A_1330 : i32 to index
      %get3A_1334 = arith.constant 112 : index
      %get3A_1335 = tpu.vector_load %arg7[%get3A_1331, %get3A_1332, %get3A_1333, %get3A_1334] {strides = array<i32>} : memref<4x32x1x128xf32, #tpu.memory_space<vmem>>, vector<1x1x1x16xf32>,
      %get3A_1336 = vector.shape_cast %get3A_1335 : vector<1x1x1x16xf32> to vector<16xf32>
      %eq3A_1337 = arith.cmpf oeq, %get3A_1336, %select_n3A_471 : vector<16xf32>
      %add3A_1338 = arith.constant 112 : i32
      %add3A_1339 = vector.broadcast %add3A_1338 : i32 to vector<16xi32>
      %add3A_1340 = arith.addi %scan3A_1216, %add3A_1339 : vector<16xi32>
      %jit3A_1341 = arith.constant 2147483647 : i32
      %broadcast_in_dim3A_1342 = vector.broadcast %jit3A_1341 : i32 to vector<16xi32>
      %select_n3A_1343 = arith.select %eq3A_1337, %add3A_1340, %broadcast_in_dim3A_1342 : vector<16xi1>, vector<16xi32>
      %min3A_1344 = arith.minsi %min3A_1328, %select_n3A_1343 : vector<16xi32>
      %add3A_1345 = arith.constant 128 : i32
      %add3A_1346 = vector.broadcast %add3A_1345 : i32 to vector<16xi32>
      %add3A_1347 = arith.addi %scan3A_1216, %add3A_1346 : vector<16xi32>
      scf.yield %add3A_1347, %min3A_1344 : vector<16xi32>, vector<16xi32>
    }
    %scan3A_953 = arith.constant 32 : i32
    %xor3A_954 = arith.constant 1 : i32
    %xor3A_955 = vector.broadcast %xor3A_954 : i32 to vector<16xi32>
    %xor3A_956 = arith.xori %iota3A, %xor3A_955 : vector<16xi32>
    %lt3A_957 = arith.constant 0 : i32
    %lt3A_958 = vector.broadcast %lt3A_957 : i32 to vector<16xi32>
    %lt3A_959 = arith.cmpi slt, %xor3A_956, %lt3A_958 : vector<16xi32>
    %add3A_960 = arith.constant 16 : i32
    %add3A_961 = vector.broadcast %add3A_960 : i32 to vector<16xi32>
    %add3A_962 = arith.addi %xor3A_956, %add3A_961 : vector<16xi32>
    %select_n3A_963 = arith.select %lt3A_959, %add3A_962, %xor3A_956 : vector<16xi1>, vector<16xi32>
    %broadcast_in_dim3A_964 = vector.shape_cast %select_n3A_963 : vector<16xi32> to vector<16x1xi32>
    %gather3A_965 = vector.shape_cast %broadcast_in_dim3A_964 : vector<16x1xi32> to vector<16xi32>
    %gather3A_966 = tpu.dynamic_gather %scan3A_952#1[%gather3A_965] in [0] : vector<16xi32>, vector<16xi32> -> vector<16xi32>
    %min3A_967 = arith.minsi %scan3A_952#1, %gather3A_966 : vector<16xi32>
    %xor3A_968 = arith.constant 2 : i32
    %xor3A_969 = vector.broadcast %xor3A_968 : i32 to vector<16xi32>
    %xor3A_970 = arith.xori %iota3A, %xor3A_969 : vector<16xi32>
    %lt3A_971 = arith.constant 0 : i32
    %lt3A_972 = vector.broadcast %lt3A_971 : i32 to vector<16xi32>
    %lt3A_973 = arith.cmpi slt, %xor3A_970, %lt3A_972 : vector<16xi32>
    %add3A_974 = arith.constant 16 : i32
    %add3A_975 = vector.broadcast %add3A_974 : i32 to vector<16xi32>
    %add3A_976 = arith.addi %xor3A_970, %add3A_975 : vector<16xi32>
    %select_n3A_977 = arith.select %lt3A_973, %add3A_976, %xor3A_970 : vector<16xi1>, vector<16xi32>
    %broadcast_in_dim3A_978 = vector.shape_cast %select_n3A_977 : vector<16xi32> to vector<16x1xi32>
    %gather3A_979 = vector.shape_cast %broadcast_in_dim3A_978 : vector<16x1xi32> to vector<16xi32>
    %gather3A_980 = tpu.dynamic_gather %min3A_967[%gather3A_979] in [0] : vector<16xi32>, vector<16xi32> -> vector<16xi32>
    %min3A_981 = arith.minsi %min3A_967, %gather3A_980 : vector<16xi32>
    %xor3A_982 = arith.constant 4 : i32
    %xor3A_983 = vector.broadcast %xor3A_982 : i32 to vector<16xi32>
    %xor3A_984 = arith.xori %iota3A, %xor3A_983 : vector<16xi32>
    %lt3A_985 = arith.constant 0 : i32
    %lt3A_986 = vector.broadcast %lt3A_985 : i32 to vector<16xi32>
    %lt3A_987 = arith.cmpi slt, %xor3A_984, %lt3A_986 : vector<16xi32>
    %add3A_988 = arith.constant 16 : i32
    %add3A_989 = vector.broadcast %add3A_988 : i32 to vector<16xi32>
    %add3A_990 = arith.addi %xor3A_984, %add3A_989 : vector<16xi32>
    %select_n3A_991 = arith.select %lt3A_987, %add3A_990, %xor3A_984 : vector<16xi1>, vector<16xi32>
    %broadcast_in_dim3A_992 = vector.shape_cast %select_n3A_991 : vector<16xi32> to vector<16x1xi32>
    %gather3A_993 = vector.shape_cast %broadcast_in_dim3A_992 : vector<16x1xi32> to vector<16xi32>
    %gather3A_994 = tpu.dynamic_gather %min3A_981[%gather3A_993] in [0] : vector<16xi32>, vector<16xi32> -> vector<16xi32>
    %min3A_995 = arith.minsi %min3A_981, %gather3A_994 : vector<16xi32>
    %xor3A_996 = arith.constant 8 : i32
    %xor3A_997 = vector.broadcast %xor3A_996 : i32 to vector<16xi32>
    %xor3A_998 = arith.xori %iota3A, %xor3A_997 : vector<16xi32>
    %lt3A_999 = arith.constant 0 : i32
    %lt3A_1000 = vector.broadcast %lt3A_999 : i32 to vector<16xi32>
    %lt3A_1001 = arith.cmpi slt, %xor3A_998, %lt3A_1000 : vector<16xi32>
    %add3A_1002 = arith.constant 16 : i32
    %add3A_1003 = vector.broadcast %add3A_1002 : i32 to vector<16xi32>
    %add3A_1004 = arith.addi %xor3A_998, %add3A_1003 : vector<16xi32>
    %select_n3A_1005 = arith.select %lt3A_1001, %add3A_1004, %xor3A_998 : vector<16xi1>, vector<16xi32>
    %broadcast_in_dim3A_1006 = vector.shape_cast %select_n3A_1005 : vector<16xi32> to vector<16x1xi32>
    %gather3A_1007 = vector.shape_cast %broadcast_in_dim3A_1006 : vector<16x1xi32> to vector<16xi32>
    %gather3A_1008 = tpu.dynamic_gather %min3A_995[%gather3A_1007] in [0] : vector<16xi32>, vector<16xi32> -> vector<16xi32>
    %min3A_1009 = arith.minsi %min3A_995, %gather3A_1008 : vector<16xi32>
    %eq3A_1010 = arith.constant 1 : i32
    %eq3A_1011 = vector.broadcast %eq3A_1010 : i32 to vector<16xi32>
    %eq3A_1012 = arith.cmpi eq, %iota3A, %eq3A_1011 : vector<16xi32>
    %select_n3A_1013 = arith.select %eq3A_1012, %select_n3A_471, %select_n3A_920 : vector<16xi1>, vector<16xf32>
    %eq3A_1014 = arith.constant 1 : i32
    %eq3A_1015 = vector.broadcast %eq3A_1014 : i32 to vector<16xi32>
    %eq3A_1016 = arith.cmpi eq, %iota3A, %eq3A_1015 : vector<16xi32>
    %select_n3A_1017 = arith.select %eq3A_1016, %min3A_1009, %select_n3A_924 : vector<16xi1>, vector<16xi32>
    %dma_wait3A_1018 = arith.constant 2 : i32
    %dma_wait3A_1019 = arith.constant 0 : i32
    %dma_wait3A_1020 = arith.constant 0 : i32
    %dma_wait3A_1021 = arith.constant 0 : i32
    %dma_wait3A_1022 = tpu.memref_slice %arg7[%dma_wait3A_1018, %dma_wait3A_1019, %dma_wait3A_1020, %dma_wait3A_1021] : memref<4x32x1x128xf32, #tpu.memory_space<vmem>> -> memref<1x32x1x128xf32, #tpu.memory_space<vmem>>
    %dma_wait3A_1023 = tpu.memref_squeeze %dma_wait3A_1022 : memref<1x32x1x128xf32, #tpu.memory_space<vmem>> -> memref<32x1x128xf32, #tpu.memory_space<vmem>>
    %dma_wait3A_1024 = arith.constant 0 : i32
    %dma_wait3A_1025 = tpu.memref_slice %arg2[%select_n3A, %mul3A_788, %add3A_790, %dma_wait3A_1024] : memref<16x256x8x128xf32, #tpu.memory_space<hbm>> -> memref<1x32x1x128xf32, #tpu.memory_space<hbm>>
    %dma_wait3A_1026 = tpu.memref_squeeze %dma_wait3A_1025 : memref<1x32x1x128xf32, #tpu.memory_space<hbm>> -> memref<32x1x128xf32, #tpu.memory_space<hbm>>
    %dma_wait3A_1027 = arith.constant 0 : i32
    %dma_wait3A_1028 = arith.constant 0 : i32
    %dma_wait3A_1029 = arith.constant 0 : i32
    %dma_wait3A_1030 = tpu.memref_slice %arg7[%dma_wait3A_1018, %dma_wait3A_1027, %dma_wait3A_1028, %dma_wait3A_1029] : memref<4x32x1x128xf32, #tpu.memory_space<vmem>> -> memref<1x32x1x128xf32, #tpu.memory_space<vmem>>
    %dma_wait3A_1031 = tpu.memref_squeeze %dma_wait3A_1030 : memref<1x32x1x128xf32, #tpu.memory_space<vmem>> -> memref<32x1x128xf32, #tpu.memory_space<vmem>>
    %dma_wait3A_1032 = arith.constant 0 : i32
    %dma_wait3A_1033 = tpu.memref_slice %arg2[%select_n3A, %mul3A_788, %add3A_790, %dma_wait3A_1032] : memref<16x256x8x128xf32, #tpu.memory_space<hbm>> -> memref<1x32x1x128xf32, #tpu.memory_space<hbm>>
    %dma_wait3A_1034 = tpu.memref_squeeze %dma_wait3A_1033 : memref<1x32x1x128xf32, #tpu.memory_space<hbm>> -> memref<32x1x128xf32, #tpu.memory_space<hbm>>
    tpu.wait_dma2 semaphore(%arg12 : memref<!tpu.dma_semaphore, #tpu.memory_space<semaphore_mem>>) src(%dma_wait3A_1034 : memref<32x1x128xf32, #tpu.memory_space<hbm>>) dst(%dma_wait3A_1031 : memref<32x1x128xf32, #tpu.memory_space<vmem>>)
    %mul3A_1035 = arith.constant 4096 : i32
    %mul3A_1036 = arith.muli %squeeze3A_742, %mul3A_1035 : i32
    %add3A_1037 = vector.broadcast %mul3A_1036 : i32 to vector<16xi32>
    %add3A_1038 = arith.addi %iota3A, %add3A_1037 : vector<16xi32>
    %broadcast_in_dim3A_1039 = arith.constant 2147483647 : i32
    %broadcast_in_dim3A_1040 = vector.broadcast %broadcast_in_dim3A_1039 : i32 to vector<16xi32>
    %scan3A_1041 = arith.constant 0 : i32
    %scan3A_1042 = arith.constant 32 : i32
    %scan3A_1043 = arith.addi %scan3A_1041, %scan3A_1042 : i32
    %scan3A_1044 = arith.constant 1 : i32
    %scan3A_1045:2 = scf.for %scan3A_1215 = %scan3A_1041 to %scan3A_1043 step %scan3A_1044 iter_args(%scan3A_1216 = %add3A_1038, %scan3A_1217 = %broadcast_in_dim3A_1040) -> (vector<16xi32>, vector<16xi32>)  : i32 {
      %get3A = arith.constant 2 : i32
      %get3A_1218 = arith.constant 0 : i32
      %get3A_1219 = arith.index_cast %get3A : i32 to index
      %get3A_1220 = arith.index_cast %scan3A_1215 : i32 to index
      %get3A_1221 = arith.index_cast %get3A_1218 : i32 to index
      %get3A_1222 = arith.constant 0 : index
      %get3A_1223 = tpu.vector_load %arg7[%get3A_1219, %get3A_1220, %get3A_1221, %get3A_1222] {strides = array<i32>} : memref<4x32x1x128xf32, #tpu.memory_space<vmem>>, vector<1x1x1x16xf32>,
      %get3A_1224 = vector.shape_cast %get3A_1223 : vector<1x1x1x16xf32> to vector<16xf32>
      %eq3A_1225 = arith.cmpf oeq, %get3A_1224, %select_n3A_602 : vector<16xf32>
      %add3A_1226 = arith.constant 0 : i32
      %add3A_1227 = vector.broadcast %add3A_1226 : i32 to vector<16xi32>
      %add3A_1228 = arith.addi %scan3A_1216, %add3A_1227 : vector<16xi32>
      %jit3A_1229 = arith.constant 2147483647 : i32
      %broadcast_in_dim3A_1230 = vector.broadcast %jit3A_1229 : i32 to vector<16xi32>
      %select_n3A_1231 = arith.select %eq3A_1225, %add3A_1228, %broadcast_in_dim3A_1230 : vector<16xi1>, vector<16xi32>
      %min3A_1232 = arith.minsi %scan3A_1217, %select_n3A_1231 : vector<16xi32>
      %get3A_1233 = arith.constant 2 : i32
      %get3A_1234 = arith.constant 0 : i32
      %get3A_1235 = arith.index_cast %get3A_1233 : i32 to index
      %get3A_1236 = arith.index_cast %scan3A_1215 : i32 to index
      %get3A_1237 = arith.index_cast %get3A_1234 : i32 to index
      %get3A_1238 = arith.constant 16 : index
      %get3A_1239 = tpu.vector_load %arg7[%get3A_1235, %get3A_1236, %get3A_1237, %get3A_1238] {strides = array<i32>} : memref<4x32x1x128xf32, #tpu.memory_space<vmem>>, vector<1x1x1x16xf32>,
      %get3A_1240 = vector.shape_cast %get3A_1239 : vector<1x1x1x16xf32> to vector<16xf32>
      %eq3A_1241 = arith.cmpf oeq, %get3A_1240, %select_n3A_602 : vector<16xf32>
      %add3A_1242 = arith.constant 16 : i32
      %add3A_1243 = vector.broadcast %add3A_1242 : i32 to vector<16xi32>
      %add3A_1244 = arith.addi %scan3A_1216, %add3A_1243 : vector<16xi32>
      %jit3A_1245 = arith.constant 2147483647 : i32
      %broadcast_in_dim3A_1246 = vector.broadcast %jit3A_1245 : i32 to vector<16xi32>
      %select_n3A_1247 = arith.select %eq3A_1241, %add3A_1244, %broadcast_in_dim3A_1246 : vector<16xi1>, vector<16xi32>
      %min3A_1248 = arith.minsi %min3A_1232, %select_n3A_1247 : vector<16xi32>
      %get3A_1249 = arith.constant 2 : i32
      %get3A_1250 = arith.constant 0 : i32
      %get3A_1251 = arith.index_cast %get3A_1249 : i32 to index
      %get3A_1252 = arith.index_cast %scan3A_1215 : i32 to index
      %get3A_1253 = arith.index_cast %get3A_1250 : i32 to index
      %get3A_1254 = arith.constant 32 : index
      %get3A_1255 = tpu.vector_load %arg7[%get3A_1251, %get3A_1252, %get3A_1253, %get3A_1254] {strides = array<i32>} : memref<4x32x1x128xf32, #tpu.memory_space<vmem>>, vector<1x1x1x16xf32>,
      %get3A_1256 = vector.shape_cast %get3A_1255 : vector<1x1x1x16xf32> to vector<16xf32>
      %eq3A_1257 = arith.cmpf oeq, %get3A_1256, %select_n3A_602 : vector<16xf32>
      %add3A_1258 = arith.constant 32 : i32
      %add3A_1259 = vector.broadcast %add3A_1258 : i32 to vector<16xi32>
      %add3A_1260 = arith.addi %scan3A_1216, %add3A_1259 : vector<16xi32>
      %jit3A_1261 = arith.constant 2147483647 : i32
      %broadcast_in_dim3A_1262 = vector.broadcast %jit3A_1261 : i32 to vector<16xi32>
      %select_n3A_1263 = arith.select %eq3A_1257, %add3A_1260, %broadcast_in_dim3A_1262 : vector<16xi1>, vector<16xi32>
      %min3A_1264 = arith.minsi %min3A_1248, %select_n3A_1263 : vector<16xi32>
      %get3A_1265 = arith.constant 2 : i32
      %get3A_1266 = arith.constant 0 : i32
      %get3A_1267 = arith.index_cast %get3A_1265 : i32 to index
      %get3A_1268 = arith.index_cast %scan3A_1215 : i32 to index
      %get3A_1269 = arith.index_cast %get3A_1266 : i32 to index
      %get3A_1270 = arith.constant 48 : index
      %get3A_1271 = tpu.vector_load %arg7[%get3A_1267, %get3A_1268, %get3A_1269, %get3A_1270] {strides = array<i32>} : memref<4x32x1x128xf32, #tpu.memory_space<vmem>>, vector<1x1x1x16xf32>,
      %get3A_1272 = vector.shape_cast %get3A_1271 : vector<1x1x1x16xf32> to vector<16xf32>
      %eq3A_1273 = arith.cmpf oeq, %get3A_1272, %select_n3A_602 : vector<16xf32>
      %add3A_1274 = arith.constant 48 : i32
      %add3A_1275 = vector.broadcast %add3A_1274 : i32 to vector<16xi32>
      %add3A_1276 = arith.addi %scan3A_1216, %add3A_1275 : vector<16xi32>
      %jit3A_1277 = arith.constant 2147483647 : i32
      %broadcast_in_dim3A_1278 = vector.broadcast %jit3A_1277 : i32 to vector<16xi32>
      %select_n3A_1279 = arith.select %eq3A_1273, %add3A_1276, %broadcast_in_dim3A_1278 : vector<16xi1>, vector<16xi32>
      %min3A_1280 = arith.minsi %min3A_1264, %select_n3A_1279 : vector<16xi32>
      %get3A_1281 = arith.constant 2 : i32
      %get3A_1282 = arith.constant 0 : i32
      %get3A_1283 = arith.index_cast %get3A_1281 : i32 to index
      %get3A_1284 = arith.index_cast %scan3A_1215 : i32 to index
      %get3A_1285 = arith.index_cast %get3A_1282 : i32 to index
      %get3A_1286 = arith.constant 64 : index
      %get3A_1287 = tpu.vector_load %arg7[%get3A_1283, %get3A_1284, %get3A_1285, %get3A_1286] {strides = array<i32>} : memref<4x32x1x128xf32, #tpu.memory_space<vmem>>, vector<1x1x1x16xf32>,
      %get3A_1288 = vector.shape_cast %get3A_1287 : vector<1x1x1x16xf32> to vector<16xf32>
      %eq3A_1289 = arith.cmpf oeq, %get3A_1288, %select_n3A_602 : vector<16xf32>
      %add3A_1290 = arith.constant 64 : i32
      %add3A_1291 = vector.broadcast %add3A_1290 : i32 to vector<16xi32>
      %add3A_1292 = arith.addi %scan3A_1216, %add3A_1291 : vector<16xi32>
      %jit3A_1293 = arith.constant 2147483647 : i32
      %broadcast_in_dim3A_1294 = vector.broadcast %jit3A_1293 : i32 to vector<16xi32>
      %select_n3A_1295 = arith.select %eq3A_1289, %add3A_1292, %broadcast_in_dim3A_1294 : vector<16xi1>, vector<16xi32>
      %min3A_1296 = arith.minsi %min3A_1280, %select_n3A_1295 : vector<16xi32>
      %get3A_1297 = arith.constant 2 : i32
      %get3A_1298 = arith.constant 0 : i32
      %get3A_1299 = arith.index_cast %get3A_1297 : i32 to index
      %get3A_1300 = arith.index_cast %scan3A_1215 : i32 to index
      %get3A_1301 = arith.index_cast %get3A_1298 : i32 to index
      %get3A_1302 = arith.constant 80 : index
      %get3A_1303 = tpu.vector_load %arg7[%get3A_1299, %get3A_1300, %get3A_1301, %get3A_1302] {strides = array<i32>} : memref<4x32x1x128xf32, #tpu.memory_space<vmem>>, vector<1x1x1x16xf32>,
      %get3A_1304 = vector.shape_cast %get3A_1303 : vector<1x1x1x16xf32> to vector<16xf32>
      %eq3A_1305 = arith.cmpf oeq, %get3A_1304, %select_n3A_602 : vector<16xf32>
      %add3A_1306 = arith.constant 80 : i32
      %add3A_1307 = vector.broadcast %add3A_1306 : i32 to vector<16xi32>
      %add3A_1308 = arith.addi %scan3A_1216, %add3A_1307 : vector<16xi32>
      %jit3A_1309 = arith.constant 2147483647 : i32
      %broadcast_in_dim3A_1310 = vector.broadcast %jit3A_1309 : i32 to vector<16xi32>
      %select_n3A_1311 = arith.select %eq3A_1305, %add3A_1308, %broadcast_in_dim3A_1310 : vector<16xi1>, vector<16xi32>
      %min3A_1312 = arith.minsi %min3A_1296, %select_n3A_1311 : vector<16xi32>
      %get3A_1313 = arith.constant 2 : i32
      %get3A_1314 = arith.constant 0 : i32
      %get3A_1315 = arith.index_cast %get3A_1313 : i32 to index
      %get3A_1316 = arith.index_cast %scan3A_1215 : i32 to index
      %get3A_1317 = arith.index_cast %get3A_1314 : i32 to index
      %get3A_1318 = arith.constant 96 : index
      %get3A_1319 = tpu.vector_load %arg7[%get3A_1315, %get3A_1316, %get3A_1317, %get3A_1318] {strides = array<i32>} : memref<4x32x1x128xf32, #tpu.memory_space<vmem>>, vector<1x1x1x16xf32>,
      %get3A_1320 = vector.shape_cast %get3A_1319 : vector<1x1x1x16xf32> to vector<16xf32>
      %eq3A_1321 = arith.cmpf oeq, %get3A_1320, %select_n3A_602 : vector<16xf32>
      %add3A_1322 = arith.constant 96 : i32
      %add3A_1323 = vector.broadcast %add3A_1322 : i32 to vector<16xi32>
      %add3A_1324 = arith.addi %scan3A_1216, %add3A_1323 : vector<16xi32>
      %jit3A_1325 = arith.constant 2147483647 : i32
      %broadcast_in_dim3A_1326 = vector.broadcast %jit3A_1325 : i32 to vector<16xi32>
      %select_n3A_1327 = arith.select %eq3A_1321, %add3A_1324, %broadcast_in_dim3A_1326 : vector<16xi1>, vector<16xi32>
      %min3A_1328 = arith.minsi %min3A_1312, %select_n3A_1327 : vector<16xi32>
      %get3A_1329 = arith.constant 2 : i32
      %get3A_1330 = arith.constant 0 : i32
      %get3A_1331 = arith.index_cast %get3A_1329 : i32 to index
      %get3A_1332 = arith.index_cast %scan3A_1215 : i32 to index
      %get3A_1333 = arith.index_cast %get3A_1330 : i32 to index
      %get3A_1334 = arith.constant 112 : index
      %get3A_1335 = tpu.vector_load %arg7[%get3A_1331, %get3A_1332, %get3A_1333, %get3A_1334] {strides = array<i32>} : memref<4x32x1x128xf32, #tpu.memory_space<vmem>>, vector<1x1x1x16xf32>,
      %get3A_1336 = vector.shape_cast %get3A_1335 : vector<1x1x1x16xf32> to vector<16xf32>
      %eq3A_1337 = arith.cmpf oeq, %get3A_1336, %select_n3A_602 : vector<16xf32>
      %add3A_1338 = arith.constant 112 : i32
      %add3A_1339 = vector.broadcast %add3A_1338 : i32 to vector<16xi32>
      %add3A_1340 = arith.addi %scan3A_1216, %add3A_1339 : vector<16xi32>
      %jit3A_1341 = arith.constant 2147483647 : i32
      %broadcast_in_dim3A_1342 = vector.broadcast %jit3A_1341 : i32 to vector<16xi32>
      %select_n3A_1343 = arith.select %eq3A_1337, %add3A_1340, %broadcast_in_dim3A_1342 : vector<16xi1>, vector<16xi32>
      %min3A_1344 = arith.minsi %min3A_1328, %select_n3A_1343 : vector<16xi32>
      %add3A_1345 = arith.constant 128 : i32
      %add3A_1346 = vector.broadcast %add3A_1345 : i32 to vector<16xi32>
      %add3A_1347 = arith.addi %scan3A_1216, %add3A_1346 : vector<16xi32>
      scf.yield %add3A_1347, %min3A_1344 : vector<16xi32>, vector<16xi32>
    }
    %scan3A_1046 = arith.constant 32 : i32
    %xor3A_1047 = arith.constant 1 : i32
    %xor3A_1048 = vector.broadcast %xor3A_1047 : i32 to vector<16xi32>
    %xor3A_1049 = arith.xori %iota3A, %xor3A_1048 : vector<16xi32>
    %lt3A_1050 = arith.constant 0 : i32
    %lt3A_1051 = vector.broadcast %lt3A_1050 : i32 to vector<16xi32>
    %lt3A_1052 = arith.cmpi slt, %xor3A_1049, %lt3A_1051 : vector<16xi32>
    %add3A_1053 = arith.constant 16 : i32
    %add3A_1054 = vector.broadcast %add3A_1053 : i32 to vector<16xi32>
    %add3A_1055 = arith.addi %xor3A_1049, %add3A_1054 : vector<16xi32>
    %select_n3A_1056 = arith.select %lt3A_1052, %add3A_1055, %xor3A_1049 : vector<16xi1>, vector<16xi32>
    %broadcast_in_dim3A_1057 = vector.shape_cast %select_n3A_1056 : vector<16xi32> to vector<16x1xi32>
    %gather3A_1058 = vector.shape_cast %broadcast_in_dim3A_1057 : vector<16x1xi32> to vector<16xi32>
    %gather3A_1059 = tpu.dynamic_gather %scan3A_1045#1[%gather3A_1058] in [0] : vector<16xi32>, vector<16xi32> -> vector<16xi32>
    %min3A_1060 = arith.minsi %scan3A_1045#1, %gather3A_1059 : vector<16xi32>
    %xor3A_1061 = arith.constant 2 : i32
    %xor3A_1062 = vector.broadcast %xor3A_1061 : i32 to vector<16xi32>
    %xor3A_1063 = arith.xori %iota3A, %xor3A_1062 : vector<16xi32>
    %lt3A_1064 = arith.constant 0 : i32
    %lt3A_1065 = vector.broadcast %lt3A_1064 : i32 to vector<16xi32>
    %lt3A_1066 = arith.cmpi slt, %xor3A_1063, %lt3A_1065 : vector<16xi32>
    %add3A_1067 = arith.constant 16 : i32
    %add3A_1068 = vector.broadcast %add3A_1067 : i32 to vector<16xi32>
    %add3A_1069 = arith.addi %xor3A_1063, %add3A_1068 : vector<16xi32>
    %select_n3A_1070 = arith.select %lt3A_1066, %add3A_1069, %xor3A_1063 : vector<16xi1>, vector<16xi32>
    %broadcast_in_dim3A_1071 = vector.shape_cast %select_n3A_1070 : vector<16xi32> to vector<16x1xi32>
    %gather3A_1072 = vector.shape_cast %broadcast_in_dim3A_1071 : vector<16x1xi32> to vector<16xi32>
    %gather3A_1073 = tpu.dynamic_gather %min3A_1060[%gather3A_1072] in [0] : vector<16xi32>, vector<16xi32> -> vector<16xi32>
    %min3A_1074 = arith.minsi %min3A_1060, %gather3A_1073 : vector<16xi32>
    %xor3A_1075 = arith.constant 4 : i32
    %xor3A_1076 = vector.broadcast %xor3A_1075 : i32 to vector<16xi32>
    %xor3A_1077 = arith.xori %iota3A, %xor3A_1076 : vector<16xi32>
    %lt3A_1078 = arith.constant 0 : i32
    %lt3A_1079 = vector.broadcast %lt3A_1078 : i32 to vector<16xi32>
    %lt3A_1080 = arith.cmpi slt, %xor3A_1077, %lt3A_1079 : vector<16xi32>
    %add3A_1081 = arith.constant 16 : i32
    %add3A_1082 = vector.broadcast %add3A_1081 : i32 to vector<16xi32>
    %add3A_1083 = arith.addi %xor3A_1077, %add3A_1082 : vector<16xi32>
    %select_n3A_1084 = arith.select %lt3A_1080, %add3A_1083, %xor3A_1077 : vector<16xi1>, vector<16xi32>
    %broadcast_in_dim3A_1085 = vector.shape_cast %select_n3A_1084 : vector<16xi32> to vector<16x1xi32>
    %gather3A_1086 = vector.shape_cast %broadcast_in_dim3A_1085 : vector<16x1xi32> to vector<16xi32>
    %gather3A_1087 = tpu.dynamic_gather %min3A_1074[%gather3A_1086] in [0] : vector<16xi32>, vector<16xi32> -> vector<16xi32>
    %min3A_1088 = arith.minsi %min3A_1074, %gather3A_1087 : vector<16xi32>
    %xor3A_1089 = arith.constant 8 : i32
    %xor3A_1090 = vector.broadcast %xor3A_1089 : i32 to vector<16xi32>
    %xor3A_1091 = arith.xori %iota3A, %xor3A_1090 : vector<16xi32>
    %lt3A_1092 = arith.constant 0 : i32
    %lt3A_1093 = vector.broadcast %lt3A_1092 : i32 to vector<16xi32>
    %lt3A_1094 = arith.cmpi slt, %xor3A_1091, %lt3A_1093 : vector<16xi32>
    %add3A_1095 = arith.constant 16 : i32
    %add3A_1096 = vector.broadcast %add3A_1095 : i32 to vector<16xi32>
    %add3A_1097 = arith.addi %xor3A_1091, %add3A_1096 : vector<16xi32>
    %select_n3A_1098 = arith.select %lt3A_1094, %add3A_1097, %xor3A_1091 : vector<16xi1>, vector<16xi32>
    %broadcast_in_dim3A_1099 = vector.shape_cast %select_n3A_1098 : vector<16xi32> to vector<16x1xi32>
    %gather3A_1100 = vector.shape_cast %broadcast_in_dim3A_1099 : vector<16x1xi32> to vector<16xi32>
    %gather3A_1101 = tpu.dynamic_gather %min3A_1088[%gather3A_1100] in [0] : vector<16xi32>, vector<16xi32> -> vector<16xi32>
    %min3A_1102 = arith.minsi %min3A_1088, %gather3A_1101 : vector<16xi32>
    %eq3A_1103 = arith.constant 2 : i32
    %eq3A_1104 = vector.broadcast %eq3A_1103 : i32 to vector<16xi32>
    %eq3A_1105 = arith.cmpi eq, %iota3A, %eq3A_1104 : vector<16xi32>
    %select_n3A_1106 = arith.select %eq3A_1105, %select_n3A_602, %select_n3A_1013 : vector<16xi1>, vector<16xf32>
    %eq3A_1107 = arith.constant 2 : i32
    %eq3A_1108 = vector.broadcast %eq3A_1107 : i32 to vector<16xi32>
    %eq3A_1109 = arith.cmpi eq, %iota3A, %eq3A_1108 : vector<16xi32>
    %select_n3A_1110 = arith.select %eq3A_1109, %min3A_1102, %select_n3A_1017 : vector<16xi1>, vector<16xi32>
    %dma_wait3A_1111 = arith.constant 3 : i32
    %dma_wait3A_1112 = arith.constant 0 : i32
    %dma_wait3A_1113 = arith.constant 0 : i32
    %dma_wait3A_1114 = arith.constant 0 : i32
    %dma_wait3A_1115 = tpu.memref_slice %arg7[%dma_wait3A_1111, %dma_wait3A_1112, %dma_wait3A_1113, %dma_wait3A_1114] : memref<4x32x1x128xf32, #tpu.memory_space<vmem>> -> memref<1x32x1x128xf32, #tpu.memory_space<vmem>>
    %dma_wait3A_1116 = tpu.memref_squeeze %dma_wait3A_1115 : memref<1x32x1x128xf32, #tpu.memory_space<vmem>> -> memref<32x1x128xf32, #tpu.memory_space<vmem>>
    %dma_wait3A_1117 = arith.constant 0 : i32
    %dma_wait3A_1118 = tpu.memref_slice %arg2[%select_n3A, %mul3A_809, %add3A_811, %dma_wait3A_1117] : memref<16x256x8x128xf32, #tpu.memory_space<hbm>> -> memref<1x32x1x128xf32, #tpu.memory_space<hbm>>
    %dma_wait3A_1119 = tpu.memref_squeeze %dma_wait3A_1118 : memref<1x32x1x128xf32, #tpu.memory_space<hbm>> -> memref<32x1x128xf32, #tpu.memory_space<hbm>>
    %dma_wait3A_1120 = arith.constant 0 : i32
    %dma_wait3A_1121 = arith.constant 0 : i32
    %dma_wait3A_1122 = arith.constant 0 : i32
    %dma_wait3A_1123 = tpu.memref_slice %arg7[%dma_wait3A_1111, %dma_wait3A_1120, %dma_wait3A_1121, %dma_wait3A_1122] : memref<4x32x1x128xf32, #tpu.memory_space<vmem>> -> memref<1x32x1x128xf32, #tpu.memory_space<vmem>>
    %dma_wait3A_1124 = tpu.memref_squeeze %dma_wait3A_1123 : memref<1x32x1x128xf32, #tpu.memory_space<vmem>> -> memref<32x1x128xf32, #tpu.memory_space<vmem>>
    %dma_wait3A_1125 = arith.constant 0 : i32
    %dma_wait3A_1126 = tpu.memref_slice %arg2[%select_n3A, %mul3A_809, %add3A_811, %dma_wait3A_1125] : memref<16x256x8x128xf32, #tpu.memory_space<hbm>> -> memref<1x32x1x128xf32, #tpu.memory_space<hbm>>
    %dma_wait3A_1127 = tpu.memref_squeeze %dma_wait3A_1126 : memref<1x32x1x128xf32, #tpu.memory_space<hbm>> -> memref<32x1x128xf32, #tpu.memory_space<hbm>>
    tpu.wait_dma2 semaphore(%arg12 : memref<!tpu.dma_semaphore, #tpu.memory_space<semaphore_mem>>) src(%dma_wait3A_1127 : memref<32x1x128xf32, #tpu.memory_space<hbm>>) dst(%dma_wait3A_1124 : memref<32x1x128xf32, #tpu.memory_space<vmem>>)
    %mul3A_1128 = arith.constant 4096 : i32
    %mul3A_1129 = arith.muli %squeeze3A_744, %mul3A_1128 : i32
    %add3A_1130 = vector.broadcast %mul3A_1129 : i32 to vector<16xi32>
    %add3A_1131 = arith.addi %iota3A, %add3A_1130 : vector<16xi32>
    %broadcast_in_dim3A_1132 = arith.constant 2147483647 : i32
    %broadcast_in_dim3A_1133 = vector.broadcast %broadcast_in_dim3A_1132 : i32 to vector<16xi32>
    %scan3A_1134 = arith.constant 0 : i32
    %scan3A_1135 = arith.constant 32 : i32
    %scan3A_1136 = arith.addi %scan3A_1134, %scan3A_1135 : i32
    %scan3A_1137 = arith.constant 1 : i32
    %scan3A_1138:2 = scf.for %scan3A_1215 = %scan3A_1134 to %scan3A_1136 step %scan3A_1137 iter_args(%scan3A_1216 = %add3A_1131, %scan3A_1217 = %broadcast_in_dim3A_1133) -> (vector<16xi32>, vector<16xi32>)  : i32 {
      %get3A = arith.constant 3 : i32
      %get3A_1218 = arith.constant 0 : i32
      %get3A_1219 = arith.index_cast %get3A : i32 to index
      %get3A_1220 = arith.index_cast %scan3A_1215 : i32 to index
      %get3A_1221 = arith.index_cast %get3A_1218 : i32 to index
      %get3A_1222 = arith.constant 0 : index
      %get3A_1223 = tpu.vector_load %arg7[%get3A_1219, %get3A_1220, %get3A_1221, %get3A_1222] {strides = array<i32>} : memref<4x32x1x128xf32, #tpu.memory_space<vmem>>, vector<1x1x1x16xf32>,
      %get3A_1224 = vector.shape_cast %get3A_1223 : vector<1x1x1x16xf32> to vector<16xf32>
      %eq3A_1225 = arith.cmpf oeq, %get3A_1224, %select_n3A_733 : vector<16xf32>
      %add3A_1226 = arith.constant 0 : i32
      %add3A_1227 = vector.broadcast %add3A_1226 : i32 to vector<16xi32>
      %add3A_1228 = arith.addi %scan3A_1216, %add3A_1227 : vector<16xi32>
      %jit3A_1229 = arith.constant 2147483647 : i32
      %broadcast_in_dim3A_1230 = vector.broadcast %jit3A_1229 : i32 to vector<16xi32>
      %select_n3A_1231 = arith.select %eq3A_1225, %add3A_1228, %broadcast_in_dim3A_1230 : vector<16xi1>, vector<16xi32>
      %min3A_1232 = arith.minsi %scan3A_1217, %select_n3A_1231 : vector<16xi32>
      %get3A_1233 = arith.constant 3 : i32
      %get3A_1234 = arith.constant 0 : i32
      %get3A_1235 = arith.index_cast %get3A_1233 : i32 to index
      %get3A_1236 = arith.index_cast %scan3A_1215 : i32 to index
      %get3A_1237 = arith.index_cast %get3A_1234 : i32 to index
      %get3A_1238 = arith.constant 16 : index
      %get3A_1239 = tpu.vector_load %arg7[%get3A_1235, %get3A_1236, %get3A_1237, %get3A_1238] {strides = array<i32>} : memref<4x32x1x128xf32, #tpu.memory_space<vmem>>, vector<1x1x1x16xf32>,
      %get3A_1240 = vector.shape_cast %get3A_1239 : vector<1x1x1x16xf32> to vector<16xf32>
      %eq3A_1241 = arith.cmpf oeq, %get3A_1240, %select_n3A_733 : vector<16xf32>
      %add3A_1242 = arith.constant 16 : i32
      %add3A_1243 = vector.broadcast %add3A_1242 : i32 to vector<16xi32>
      %add3A_1244 = arith.addi %scan3A_1216, %add3A_1243 : vector<16xi32>
      %jit3A_1245 = arith.constant 2147483647 : i32
      %broadcast_in_dim3A_1246 = vector.broadcast %jit3A_1245 : i32 to vector<16xi32>
      %select_n3A_1247 = arith.select %eq3A_1241, %add3A_1244, %broadcast_in_dim3A_1246 : vector<16xi1>, vector<16xi32>
      %min3A_1248 = arith.minsi %min3A_1232, %select_n3A_1247 : vector<16xi32>
      %get3A_1249 = arith.constant 3 : i32
      %get3A_1250 = arith.constant 0 : i32
      %get3A_1251 = arith.index_cast %get3A_1249 : i32 to index
      %get3A_1252 = arith.index_cast %scan3A_1215 : i32 to index
      %get3A_1253 = arith.index_cast %get3A_1250 : i32 to index
      %get3A_1254 = arith.constant 32 : index
      %get3A_1255 = tpu.vector_load %arg7[%get3A_1251, %get3A_1252, %get3A_1253, %get3A_1254] {strides = array<i32>} : memref<4x32x1x128xf32, #tpu.memory_space<vmem>>, vector<1x1x1x16xf32>,
      %get3A_1256 = vector.shape_cast %get3A_1255 : vector<1x1x1x16xf32> to vector<16xf32>
      %eq3A_1257 = arith.cmpf oeq, %get3A_1256, %select_n3A_733 : vector<16xf32>
      %add3A_1258 = arith.constant 32 : i32
      %add3A_1259 = vector.broadcast %add3A_1258 : i32 to vector<16xi32>
      %add3A_1260 = arith.addi %scan3A_1216, %add3A_1259 : vector<16xi32>
      %jit3A_1261 = arith.constant 2147483647 : i32
      %broadcast_in_dim3A_1262 = vector.broadcast %jit3A_1261 : i32 to vector<16xi32>
      %select_n3A_1263 = arith.select %eq3A_1257, %add3A_1260, %broadcast_in_dim3A_1262 : vector<16xi1>, vector<16xi32>
      %min3A_1264 = arith.minsi %min3A_1248, %select_n3A_1263 : vector<16xi32>
      %get3A_1265 = arith.constant 3 : i32
      %get3A_1266 = arith.constant 0 : i32
      %get3A_1267 = arith.index_cast %get3A_1265 : i32 to index
      %get3A_1268 = arith.index_cast %scan3A_1215 : i32 to index
      %get3A_1269 = arith.index_cast %get3A_1266 : i32 to index
      %get3A_1270 = arith.constant 48 : index
      %get3A_1271 = tpu.vector_load %arg7[%get3A_1267, %get3A_1268, %get3A_1269, %get3A_1270] {strides = array<i32>} : memref<4x32x1x128xf32, #tpu.memory_space<vmem>>, vector<1x1x1x16xf32>,
      %get3A_1272 = vector.shape_cast %get3A_1271 : vector<1x1x1x16xf32> to vector<16xf32>
      %eq3A_1273 = arith.cmpf oeq, %get3A_1272, %select_n3A_733 : vector<16xf32>
      %add3A_1274 = arith.constant 48 : i32
      %add3A_1275 = vector.broadcast %add3A_1274 : i32 to vector<16xi32>
      %add3A_1276 = arith.addi %scan3A_1216, %add3A_1275 : vector<16xi32>
      %jit3A_1277 = arith.constant 2147483647 : i32
      %broadcast_in_dim3A_1278 = vector.broadcast %jit3A_1277 : i32 to vector<16xi32>
      %select_n3A_1279 = arith.select %eq3A_1273, %add3A_1276, %broadcast_in_dim3A_1278 : vector<16xi1>, vector<16xi32>
      %min3A_1280 = arith.minsi %min3A_1264, %select_n3A_1279 : vector<16xi32>
      %get3A_1281 = arith.constant 3 : i32
      %get3A_1282 = arith.constant 0 : i32
      %get3A_1283 = arith.index_cast %get3A_1281 : i32 to index
      %get3A_1284 = arith.index_cast %scan3A_1215 : i32 to index
      %get3A_1285 = arith.index_cast %get3A_1282 : i32 to index
      %get3A_1286 = arith.constant 64 : index
      %get3A_1287 = tpu.vector_load %arg7[%get3A_1283, %get3A_1284, %get3A_1285, %get3A_1286] {strides = array<i32>} : memref<4x32x1x128xf32, #tpu.memory_space<vmem>>, vector<1x1x1x16xf32>,
      %get3A_1288 = vector.shape_cast %get3A_1287 : vector<1x1x1x16xf32> to vector<16xf32>
      %eq3A_1289 = arith.cmpf oeq, %get3A_1288, %select_n3A_733 : vector<16xf32>
      %add3A_1290 = arith.constant 64 : i32
      %add3A_1291 = vector.broadcast %add3A_1290 : i32 to vector<16xi32>
      %add3A_1292 = arith.addi %scan3A_1216, %add3A_1291 : vector<16xi32>
      %jit3A_1293 = arith.constant 2147483647 : i32
      %broadcast_in_dim3A_1294 = vector.broadcast %jit3A_1293 : i32 to vector<16xi32>
      %select_n3A_1295 = arith.select %eq3A_1289, %add3A_1292, %broadcast_in_dim3A_1294 : vector<16xi1>, vector<16xi32>
      %min3A_1296 = arith.minsi %min3A_1280, %select_n3A_1295 : vector<16xi32>
      %get3A_1297 = arith.constant 3 : i32
      %get3A_1298 = arith.constant 0 : i32
      %get3A_1299 = arith.index_cast %get3A_1297 : i32 to index
      %get3A_1300 = arith.index_cast %scan3A_1215 : i32 to index
      %get3A_1301 = arith.index_cast %get3A_1298 : i32 to index
      %get3A_1302 = arith.constant 80 : index
      %get3A_1303 = tpu.vector_load %arg7[%get3A_1299, %get3A_1300, %get3A_1301, %get3A_1302] {strides = array<i32>} : memref<4x32x1x128xf32, #tpu.memory_space<vmem>>, vector<1x1x1x16xf32>,
      %get3A_1304 = vector.shape_cast %get3A_1303 : vector<1x1x1x16xf32> to vector<16xf32>
      %eq3A_1305 = arith.cmpf oeq, %get3A_1304, %select_n3A_733 : vector<16xf32>
      %add3A_1306 = arith.constant 80 : i32
      %add3A_1307 = vector.broadcast %add3A_1306 : i32 to vector<16xi32>
      %add3A_1308 = arith.addi %scan3A_1216, %add3A_1307 : vector<16xi32>
      %jit3A_1309 = arith.constant 2147483647 : i32
      %broadcast_in_dim3A_1310 = vector.broadcast %jit3A_1309 : i32 to vector<16xi32>
      %select_n3A_1311 = arith.select %eq3A_1305, %add3A_1308, %broadcast_in_dim3A_1310 : vector<16xi1>, vector<16xi32>
      %min3A_1312 = arith.minsi %min3A_1296, %select_n3A_1311 : vector<16xi32>
      %get3A_1313 = arith.constant 3 : i32
      %get3A_1314 = arith.constant 0 : i32
      %get3A_1315 = arith.index_cast %get3A_1313 : i32 to index
      %get3A_1316 = arith.index_cast %scan3A_1215 : i32 to index
      %get3A_1317 = arith.index_cast %get3A_1314 : i32 to index
      %get3A_1318 = arith.constant 96 : index
      %get3A_1319 = tpu.vector_load %arg7[%get3A_1315, %get3A_1316, %get3A_1317, %get3A_1318] {strides = array<i32>} : memref<4x32x1x128xf32, #tpu.memory_space<vmem>>, vector<1x1x1x16xf32>,
      %get3A_1320 = vector.shape_cast %get3A_1319 : vector<1x1x1x16xf32> to vector<16xf32>
      %eq3A_1321 = arith.cmpf oeq, %get3A_1320, %select_n3A_733 : vector<16xf32>
      %add3A_1322 = arith.constant 96 : i32
      %add3A_1323 = vector.broadcast %add3A_1322 : i32 to vector<16xi32>
      %add3A_1324 = arith.addi %scan3A_1216, %add3A_1323 : vector<16xi32>
      %jit3A_1325 = arith.constant 2147483647 : i32
      %broadcast_in_dim3A_1326 = vector.broadcast %jit3A_1325 : i32 to vector<16xi32>
      %select_n3A_1327 = arith.select %eq3A_1321, %add3A_1324, %broadcast_in_dim3A_1326 : vector<16xi1>, vector<16xi32>
      %min3A_1328 = arith.minsi %min3A_1312, %select_n3A_1327 : vector<16xi32>
      %get3A_1329 = arith.constant 3 : i32
      %get3A_1330 = arith.constant 0 : i32
      %get3A_1331 = arith.index_cast %get3A_1329 : i32 to index
      %get3A_1332 = arith.index_cast %scan3A_1215 : i32 to index
      %get3A_1333 = arith.index_cast %get3A_1330 : i32 to index
      %get3A_1334 = arith.constant 112 : index
      %get3A_1335 = tpu.vector_load %arg7[%get3A_1331, %get3A_1332, %get3A_1333, %get3A_1334] {strides = array<i32>} : memref<4x32x1x128xf32, #tpu.memory_space<vmem>>, vector<1x1x1x16xf32>,
      %get3A_1336 = vector.shape_cast %get3A_1335 : vector<1x1x1x16xf32> to vector<16xf32>
      %eq3A_1337 = arith.cmpf oeq, %get3A_1336, %select_n3A_733 : vector<16xf32>
      %add3A_1338 = arith.constant 112 : i32
      %add3A_1339 = vector.broadcast %add3A_1338 : i32 to vector<16xi32>
      %add3A_1340 = arith.addi %scan3A_1216, %add3A_1339 : vector<16xi32>
      %jit3A_1341 = arith.constant 2147483647 : i32
      %broadcast_in_dim3A_1342 = vector.broadcast %jit3A_1341 : i32 to vector<16xi32>
      %select_n3A_1343 = arith.select %eq3A_1337, %add3A_1340, %broadcast_in_dim3A_1342 : vector<16xi1>, vector<16xi32>
      %min3A_1344 = arith.minsi %min3A_1328, %select_n3A_1343 : vector<16xi32>
      %add3A_1345 = arith.constant 128 : i32
      %add3A_1346 = vector.broadcast %add3A_1345 : i32 to vector<16xi32>
      %add3A_1347 = arith.addi %scan3A_1216, %add3A_1346 : vector<16xi32>
      scf.yield %add3A_1347, %min3A_1344 : vector<16xi32>, vector<16xi32>
    }
    %scan3A_1139 = arith.constant 32 : i32
    %xor3A_1140 = arith.constant 1 : i32
    %xor3A_1141 = vector.broadcast %xor3A_1140 : i32 to vector<16xi32>
    %xor3A_1142 = arith.xori %iota3A, %xor3A_1141 : vector<16xi32>
    %lt3A_1143 = arith.constant 0 : i32
    %lt3A_1144 = vector.broadcast %lt3A_1143 : i32 to vector<16xi32>
    %lt3A_1145 = arith.cmpi slt, %xor3A_1142, %lt3A_1144 : vector<16xi32>
    %add3A_1146 = arith.constant 16 : i32
    %add3A_1147 = vector.broadcast %add3A_1146 : i32 to vector<16xi32>
    %add3A_1148 = arith.addi %xor3A_1142, %add3A_1147 : vector<16xi32>
    %select_n3A_1149 = arith.select %lt3A_1145, %add3A_1148, %xor3A_1142 : vector<16xi1>, vector<16xi32>
    %broadcast_in_dim3A_1150 = vector.shape_cast %select_n3A_1149 : vector<16xi32> to vector<16x1xi32>
    %gather3A_1151 = vector.shape_cast %broadcast_in_dim3A_1150 : vector<16x1xi32> to vector<16xi32>
    %gather3A_1152 = tpu.dynamic_gather %scan3A_1138#1[%gather3A_1151] in [0] : vector<16xi32>, vector<16xi32> -> vector<16xi32>
    %min3A_1153 = arith.minsi %scan3A_1138#1, %gather3A_1152 : vector<16xi32>
    %xor3A_1154 = arith.constant 2 : i32
    %xor3A_1155 = vector.broadcast %xor3A_1154 : i32 to vector<16xi32>
    %xor3A_1156 = arith.xori %iota3A, %xor3A_1155 : vector<16xi32>
    %lt3A_1157 = arith.constant 0 : i32
    %lt3A_1158 = vector.broadcast %lt3A_1157 : i32 to vector<16xi32>
    %lt3A_1159 = arith.cmpi slt, %xor3A_1156, %lt3A_1158 : vector<16xi32>
    %add3A_1160 = arith.constant 16 : i32
    %add3A_1161 = vector.broadcast %add3A_1160 : i32 to vector<16xi32>
    %add3A_1162 = arith.addi %xor3A_1156, %add3A_1161 : vector<16xi32>
    %select_n3A_1163 = arith.select %lt3A_1159, %add3A_1162, %xor3A_1156 : vector<16xi1>, vector<16xi32>
    %broadcast_in_dim3A_1164 = vector.shape_cast %select_n3A_1163 : vector<16xi32> to vector<16x1xi32>
    %gather3A_1165 = vector.shape_cast %broadcast_in_dim3A_1164 : vector<16x1xi32> to vector<16xi32>
    %gather3A_1166 = tpu.dynamic_gather %min3A_1153[%gather3A_1165] in [0] : vector<16xi32>, vector<16xi32> -> vector<16xi32>
    %min3A_1167 = arith.minsi %min3A_1153, %gather3A_1166 : vector<16xi32>
    %xor3A_1168 = arith.constant 4 : i32
    %xor3A_1169 = vector.broadcast %xor3A_1168 : i32 to vector<16xi32>
    %xor3A_1170 = arith.xori %iota3A, %xor3A_1169 : vector<16xi32>
    %lt3A_1171 = arith.constant 0 : i32
    %lt3A_1172 = vector.broadcast %lt3A_1171 : i32 to vector<16xi32>
    %lt3A_1173 = arith.cmpi slt, %xor3A_1170, %lt3A_1172 : vector<16xi32>
    %add3A_1174 = arith.constant 16 : i32
    %add3A_1175 = vector.broadcast %add3A_1174 : i32 to vector<16xi32>
    %add3A_1176 = arith.addi %xor3A_1170, %add3A_1175 : vector<16xi32>
    %select_n3A_1177 = arith.select %lt3A_1173, %add3A_1176, %xor3A_1170 : vector<16xi1>, vector<16xi32>
    %broadcast_in_dim3A_1178 = vector.shape_cast %select_n3A_1177 : vector<16xi32> to vector<16x1xi32>
    %gather3A_1179 = vector.shape_cast %broadcast_in_dim3A_1178 : vector<16x1xi32> to vector<16xi32>
    %gather3A_1180 = tpu.dynamic_gather %min3A_1167[%gather3A_1179] in [0] : vector<16xi32>, vector<16xi32> -> vector<16xi32>
    %min3A_1181 = arith.minsi %min3A_1167, %gather3A_1180 : vector<16xi32>
    %xor3A_1182 = arith.constant 8 : i32
    %xor3A_1183 = vector.broadcast %xor3A_1182 : i32 to vector<16xi32>
    %xor3A_1184 = arith.xori %iota3A, %xor3A_1183 : vector<16xi32>
    %lt3A_1185 = arith.constant 0 : i32
    %lt3A_1186 = vector.broadcast %lt3A_1185 : i32 to vector<16xi32>
    %lt3A_1187 = arith.cmpi slt, %xor3A_1184, %lt3A_1186 : vector<16xi32>
    %add3A_1188 = arith.constant 16 : i32
    %add3A_1189 = vector.broadcast %add3A_1188 : i32 to vector<16xi32>
    %add3A_1190 = arith.addi %xor3A_1184, %add3A_1189 : vector<16xi32>
    %select_n3A_1191 = arith.select %lt3A_1187, %add3A_1190, %xor3A_1184 : vector<16xi1>, vector<16xi32>
    %broadcast_in_dim3A_1192 = vector.shape_cast %select_n3A_1191 : vector<16xi32> to vector<16x1xi32>
    %gather3A_1193 = vector.shape_cast %broadcast_in_dim3A_1192 : vector<16x1xi32> to vector<16xi32>
    %gather3A_1194 = tpu.dynamic_gather %min3A_1181[%gather3A_1193] in [0] : vector<16xi32>, vector<16xi32> -> vector<16xi32>
    %min3A_1195 = arith.minsi %min3A_1181, %gather3A_1194 : vector<16xi32>
    %eq3A_1196 = arith.constant 3 : i32
    %eq3A_1197 = vector.broadcast %eq3A_1196 : i32 to vector<16xi32>
    %eq3A_1198 = arith.cmpi eq, %iota3A, %eq3A_1197 : vector<16xi32>
    %select_n3A_1199 = arith.select %eq3A_1198, %select_n3A_733, %select_n3A_1106 : vector<16xi1>, vector<16xf32>
    %eq3A_1200 = arith.constant 3 : i32
    %eq3A_1201 = vector.broadcast %eq3A_1200 : i32 to vector<16xi32>
    %eq3A_1202 = arith.cmpi eq, %iota3A, %eq3A_1201 : vector<16xi32>
    %select_n3A_1203 = arith.select %eq3A_1202, %min3A_1195, %select_n3A_1110 : vector<16xi1>, vector<16xi32>
    %swap3A = arith.constant 0 : index
    %swap3A_1204 = tpu.vector_load %arg8[%swap3A] {strides = array<i32>} : memref<16xf32, #tpu.memory_space<vmem>>, vector<16xf32>,
    %swap3A_1205 = vector.shape_cast %swap3A_1204 : vector<16xf32> to vector<16xf32>
    %swap3A_1206 = vector.shape_cast %select_n3A_1199 : vector<16xf32> to vector<16xf32>
    tpu.vector_store %arg8[%swap3A], %swap3A_1206 {strides = array<i32>} : memref<16xf32, #tpu.memory_space<vmem>>, vector<16xf32>,
    %swap3A_1207 = arith.constant 0 : index
    %swap3A_1208 = tpu.vector_load %arg9[%swap3A_1207] {strides = array<i32>} : memref<16xi32, #tpu.memory_space<vmem>>, vector<16xi32>,
    %swap3A_1209 = vector.shape_cast %swap3A_1208 : vector<16xi32> to vector<16xi32>
    %swap3A_1210 = vector.shape_cast %select_n3A_1203 : vector<16xi32> to vector<16xi32>
    tpu.vector_store %arg9[%swap3A_1207], %swap3A_1210 {strides = array<i32>} : memref<16xi32, #tpu.memory_space<vmem>>, vector<16xi32>,
    %mul3A_1211 = arith.constant 16 : i32
    %mul3A_1212 = arith.muli %add3A, %mul3A_1211 : i32
    "tpu.region"() ({
      %run_scoped3A = tpu.sem_alloc : memref<!tpu.dma_semaphore, #tpu.memory_space<semaphore_mem>>
      %dma_start3A_1215 = tpu.memref_slice %arg3[%mul3A_1212] : memref<512xf32, #tpu.memory_space<hbm>> -> memref<16xf32, #tpu.memory_space<hbm>>
      %dma_start3A_1216 = tpu.memref_slice %arg3[%mul3A_1212] : memref<512xf32, #tpu.memory_space<hbm>> -> memref<16xf32, #tpu.memory_space<hbm>>
      tpu.enqueue_dma source(%arg8 : memref<16xf32, #tpu.memory_space<vmem>>) target(%dma_start3A_1216 : memref<16xf32, #tpu.memory_space<hbm>>) target_semaphore(%run_scoped3A : memref<!tpu.dma_semaphore, #tpu.memory_space<semaphore_mem>>)
      %dma_wait3A_1217 = tpu.memref_slice %arg3[%mul3A_1212] : memref<512xf32, #tpu.memory_space<hbm>> -> memref<16xf32, #tpu.memory_space<hbm>>
      %dma_wait3A_1218 = tpu.memref_slice %arg3[%mul3A_1212] : memref<512xf32, #tpu.memory_space<hbm>> -> memref<16xf32, #tpu.memory_space<hbm>>
      tpu.wait_dma2 semaphore(%run_scoped3A : memref<!tpu.dma_semaphore, #tpu.memory_space<semaphore_mem>>) src(%arg8 : memref<16xf32, #tpu.memory_space<vmem>>) dst(%dma_wait3A_1218 : memref<16xf32, #tpu.memory_space<hbm>>)
      tpu.yield
    }) : () -> ()
    %mul3A_1213 = arith.constant 16 : i32
    %mul3A_1214 = arith.muli %add3A, %mul3A_1213 : i32
    "tpu.region"() ({
      %run_scoped3A = tpu.sem_alloc : memref<!tpu.dma_semaphore, #tpu.memory_space<semaphore_mem>>
      %dma_start3A_1215 = tpu.memref_slice %arg4[%mul3A_1214] : memref<512xi32, #tpu.memory_space<hbm>> -> memref<16xi32, #tpu.memory_space<hbm>>
      %dma_start3A_1216 = tpu.memref_slice %arg4[%mul3A_1214] : memref<512xi32, #tpu.memory_space<hbm>> -> memref<16xi32, #tpu.memory_space<hbm>>
      tpu.enqueue_dma source(%arg9 : memref<16xi32, #tpu.memory_space<vmem>>) target(%dma_start3A_1216 : memref<16xi32, #tpu.memory_space<hbm>>) target_semaphore(%run_scoped3A : memref<!tpu.dma_semaphore, #tpu.memory_space<semaphore_mem>>)
      %dma_wait3A_1217 = tpu.memref_slice %arg4[%mul3A_1214] : memref<512xi32, #tpu.memory_space<hbm>> -> memref<16xi32, #tpu.memory_space<hbm>>
      %dma_wait3A_1218 = tpu.memref_slice %arg4[%mul3A_1214] : memref<512xi32, #tpu.memory_space<hbm>> -> memref<16xi32, #tpu.memory_space<hbm>>
      tpu.wait_dma2 semaphore(%run_scoped3A : memref<!tpu.dma_semaphore, #tpu.memory_space<semaphore_mem>>) src(%arg9 : memref<16xi32, #tpu.memory_space<vmem>>) dst(%dma_wait3A_1218 : memref<16xi32, #tpu.memory_space<hbm>>)
      tpu.yield
    }) : () -> ()
    return
  }
}

module attributes {stable_mosaic.version = 14 : i64} {
  func.func @_merge_body(%arg0: memref<128x1xf32, #tpu.memory_space<vmem>>, %arg1: memref<128x1xi32, #tpu.memory_space<vmem>>, %arg2: memref<128x1xf32, #tpu.memory_space<vmem>>, %arg3: memref<128x1xi32, #tpu.memory_space<vmem>>, %arg4: memref<128x1xf32, #tpu.memory_space<vmem>>, %arg5: memref<128x1xi32, #tpu.memory_space<vmem>>) attributes {dimension_semantics = [], scalar_prefetch = 0 : i64, scratch_operands = 0 : i64, tpu.core_type = #tpu.core_type<tc>} {
    %get3A = arith.constant 0 : index
    %get3A_0 = arith.constant 0 : index
    %get3A_1 = vector.load %arg0[%get3A, %get3A_0] : memref<128x1xf32, #tpu.memory_space<vmem>>, vector<128x1xf32>
    %get3A_2 = arith.constant 0 : index
    %get3A_3 = arith.constant 0 : index
    %get3A_4 = vector.load %arg1[%get3A_2, %get3A_3] : memref<128x1xi32, #tpu.memory_space<vmem>>, vector<128x1xi32>
    %get3A_5 = arith.constant 0 : index
    %get3A_6 = arith.constant 0 : index
    %get3A_7 = vector.load %arg2[%get3A_5, %get3A_6] : memref<128x1xf32, #tpu.memory_space<vmem>>, vector<128x1xf32>
    %get3A_8 = arith.constant 0 : index
    %get3A_9 = arith.constant 0 : index
    %get3A_10 = vector.load %arg3[%get3A_8, %get3A_9] : memref<128x1xi32, #tpu.memory_space<vmem>>, vector<128x1xi32>
    %gt3A = arith.cmpf ogt, %get3A_7, %get3A_1 : vector<128x1xf32>
    %eq3A = arith.cmpf oeq, %get3A_7, %get3A_1 : vector<128x1xf32>
    %lt3A = arith.cmpi slt, %get3A_10, %get3A_4 : vector<128x1xi32>
    %and3A = arith.andi %eq3A, %lt3A : vector<128x1xi1>
    %or3A = arith.ori %gt3A, %and3A : vector<128x1xi1>
    %select_n3A = arith.select %or3A, %get3A_7, %get3A_1 : vector<128x1xi1>, vector<128x1xf32>
    %select_n3A_11 = arith.select %or3A, %get3A_10, %get3A_4 : vector<128x1xi1>, vector<128x1xi32>
    %swap3A = arith.constant 0 : index
    %swap3A_12 = arith.constant 0 : index
    %swap3A_13 = vector.load %arg4[%swap3A, %swap3A_12] : memref<128x1xf32, #tpu.memory_space<vmem>>, vector<128x1xf32>
    tpu.vector_store %arg4[%swap3A, %swap3A_12], %select_n3A {strides = array<i32>} : memref<128x1xf32, #tpu.memory_space<vmem>>, vector<128x1xf32>,
    %swap3A_14 = arith.constant 0 : index
    %swap3A_15 = arith.constant 0 : index
    %swap3A_16 = vector.load %arg5[%swap3A_14, %swap3A_15] : memref<128x1xi32, #tpu.memory_space<vmem>>, vector<128x1xi32>
    tpu.vector_store %arg5[%swap3A_14, %swap3A_15], %select_n3A_11 {strides = array<i32>} : memref<128x1xi32, #tpu.memory_space<vmem>>, vector<128x1xi32>,
    return
  }
}

module attributes {stable_mosaic.version = 14 : i64} {
  func.func @_tc_half_body(%arg0: i32, %arg1: memref<128x1024xf32, #tpu.memory_space<vmem>>, %arg2: memref<128x1xf32, #tpu.memory_space<vmem>>, %arg3: memref<128x1xi32, #tpu.memory_space<vmem>>, %arg4: memref<128x1024xf32, #tpu.memory_space<vmem>>, %arg5: memref<128x1024xi32, #tpu.memory_space<vmem>>) attributes {dimension_semantics = [#tpu.dimension_semantics<arbitrary>], iteration_bounds = array<i64: 24>, scalar_prefetch = 0 : i64, scratch_operands = 2 : i64, tpu.core_type = #tpu.core_type<tc>, window_params = [{transform_indices = @transform_0, window_bounds = array<i64: 128, 1024>}, {pipeline_mode = #tpu.pipeline_mode<synchronous>, transform_indices = @transform_1, window_bounds = array<i64: 128, 1>}, {pipeline_mode = #tpu.pipeline_mode<synchronous>, transform_indices = @transform_2, window_bounds = array<i64: 128, 1>}]} {
    %get3A = arith.constant 0 : index
    %get3A_0 = arith.constant 0 : index
    %get3A_1 = vector.load %arg1[%get3A, %get3A_0] : memref<128x1024xf32, #tpu.memory_space<vmem>>, vector<128x1024xf32>
    %eq3A = arith.constant 0 : i32
    %eq3A_2 = arith.cmpi eq, %arg0, %eq3A : i32
    %convert_element_type3A = arith.extui %eq3A_2 : i1 to i32
    %cond3A = arith.constant 0 : i32
    %cond3A_3 = arith.cmpi ne, %convert_element_type3A, %cond3A : i32
    scf.if %cond3A_3 {
      %swap3A = arith.constant 0 : index
      %swap3A_13 = arith.constant 0 : index
      %swap3A_14 = vector.load %arg4[%swap3A, %swap3A_13] : memref<128x1024xf32, #tpu.memory_space<vmem>>, vector<128x1024xf32>
      tpu.vector_store %arg4[%swap3A, %swap3A_13], %get3A_1 {strides = array<i32>} : memref<128x1024xf32, #tpu.memory_space<vmem>>, vector<128x1024xf32>,
      %broadcast_in_dim3A = arith.constant 0 : i32
      %broadcast_in_dim3A_15 = vector.broadcast %broadcast_in_dim3A : i32 to vector<128x1024xi32>
      %swap3A_16 = arith.constant 0 : index
      %swap3A_17 = arith.constant 0 : index
      %swap3A_18 = vector.load %arg5[%swap3A_16, %swap3A_17] : memref<128x1024xi32, #tpu.memory_space<vmem>>, vector<128x1024xi32>
      tpu.vector_store %arg5[%swap3A_16, %swap3A_17], %broadcast_in_dim3A_15 {strides = array<i32>} : memref<128x1024xi32, #tpu.memory_space<vmem>>, vector<128x1024xi32>,
    } else {
    }
    %gt3A = arith.constant 0 : i32
    %gt3A_4 = arith.cmpi sgt, %arg0, %gt3A : i32
    %convert_element_type3A_5 = arith.extui %gt3A_4 : i1 to i32
    %cond3A_6 = arith.constant 0 : i32
    %cond3A_7 = arith.cmpi ne, %convert_element_type3A_5, %cond3A_6 : i32
    scf.if %cond3A_7 {
      %get3A_13 = arith.constant 0 : index
      %get3A_14 = arith.constant 0 : index
      %get3A_15 = vector.load %arg4[%get3A_13, %get3A_14] : memref<128x1024xf32, #tpu.memory_space<vmem>>, vector<128x1024xf32>
      %gt3A_16 = arith.cmpf ogt, %get3A_1, %get3A_15 : vector<128x1024xf32>
      %get3A_17 = arith.constant 0 : index
      %get3A_18 = arith.constant 0 : index
      %get3A_19 = vector.load %arg4[%get3A_17, %get3A_18] : memref<128x1024xf32, #tpu.memory_space<vmem>>, vector<128x1024xf32>
      %select_n3A = arith.select %gt3A_16, %get3A_1, %get3A_19 : vector<128x1024xi1>, vector<128x1024xf32>
      %swap3A = arith.constant 0 : index
      %swap3A_20 = arith.constant 0 : index
      %swap3A_21 = vector.load %arg4[%swap3A, %swap3A_20] : memref<128x1024xf32, #tpu.memory_space<vmem>>, vector<128x1024xf32>
      tpu.vector_store %arg4[%swap3A, %swap3A_20], %select_n3A {strides = array<i32>} : memref<128x1024xf32, #tpu.memory_space<vmem>>, vector<128x1024xf32>,
      %get3A_22 = arith.constant 0 : index
      %get3A_23 = arith.constant 0 : index
      %get3A_24 = vector.load %arg5[%get3A_22, %get3A_23] : memref<128x1024xi32, #tpu.memory_space<vmem>>, vector<128x1024xi32>
      %broadcast_in_dim3A = vector.broadcast %arg0 : i32 to vector<128x1024xi32>
      %select_n3A_25 = arith.select %gt3A_16, %broadcast_in_dim3A, %get3A_24 : vector<128x1024xi1>, vector<128x1024xi32>
      %swap3A_26 = arith.constant 0 : index
      %swap3A_27 = arith.constant 0 : index
      %swap3A_28 = vector.load %arg5[%swap3A_26, %swap3A_27] : memref<128x1024xi32, #tpu.memory_space<vmem>>, vector<128x1024xi32>
      tpu.vector_store %arg5[%swap3A_26, %swap3A_27], %select_n3A_25 {strides = array<i32>} : memref<128x1024xi32, #tpu.memory_space<vmem>>, vector<128x1024xi32>,
    } else {
    }
    %eq3A_8 = arith.constant 23 : i32
    %eq3A_9 = arith.cmpi eq, %arg0, %eq3A_8 : i32
    %convert_element_type3A_10 = arith.extui %eq3A_9 : i1 to i32
    %cond3A_11 = arith.constant 0 : i32
    %cond3A_12 = arith.cmpi ne, %convert_element_type3A_10, %cond3A_11 : i32
    scf.if %cond3A_12 {
      %get3A_13 = arith.constant 0 : index
      %get3A_14 = arith.constant 0 : index
      %get3A_15 = vector.load %arg4[%get3A_13, %get3A_14] : memref<128x1024xf32, #tpu.memory_space<vmem>>, vector<128x1024xf32>
      %reduce_max3A = arith.constant dense<0xFF800000> : vector<128xf32>
      %reduce_max3A_16 = vector.multi_reduction <maximumf>, %get3A_15, %reduce_max3A [1] : vector<128x1024xf32> to vector<128xf32>
      %broadcast_in_dim3A = vector.shape_cast %reduce_max3A_16 : vector<128xf32> to vector<128x1xf32>
      %iota3A = tpu.iota {dimensions = array<i32: 1>} : vector<128x1024xi32>
      %get3A_17 = arith.constant 0 : index
      %get3A_18 = arith.constant 0 : index
      %get3A_19 = vector.load %arg5[%get3A_17, %get3A_18] : memref<128x1024xi32, #tpu.memory_space<vmem>>, vector<128x1024xi32>
      %mul3A = arith.constant 1024 : i32
      %mul3A_20 = vector.broadcast %mul3A : i32 to vector<128x1024xi32>
      %mul3A_21 = arith.muli %get3A_19, %mul3A_20 : vector<128x1024xi32>
      %add3A = arith.addi %mul3A_21, %iota3A : vector<128x1024xi32>
      %add3A_22 = arith.constant 8192 : i32
      %add3A_23 = vector.broadcast %add3A_22 : i32 to vector<128x1024xi32>
      %add3A_24 = arith.addi %add3A, %add3A_23 : vector<128x1024xi32>
      %eq3A_25 = vector.broadcast %broadcast_in_dim3A : vector<128x1xf32> to vector<128x1024xf32>
      %eq3A_26 = arith.cmpf oeq, %get3A_15, %eq3A_25 : vector<128x1024xf32>
      %jit3A = arith.constant 2147483647 : i32
      %broadcast_in_dim3A_27 = vector.broadcast %jit3A : i32 to vector<128x1024xi32>
      %select_n3A = arith.select %eq3A_26, %add3A_24, %broadcast_in_dim3A_27 : vector<128x1024xi1>, vector<128x1024xi32>
      %swap3A = arith.constant 0 : index
      %swap3A_28 = arith.constant 0 : index
      %swap3A_29 = vector.load %arg2[%swap3A, %swap3A_28] : memref<128x1xf32, #tpu.memory_space<vmem>>, vector<128x1xf32>
      tpu.vector_store %arg2[%swap3A, %swap3A_28], %broadcast_in_dim3A {strides = array<i32>} : memref<128x1xf32, #tpu.memory_space<vmem>>, vector<128x1xf32>,
      %reduce_min3A = arith.constant dense<2147483647> : vector<128xi32>
      %reduce_min3A_30 = vector.multi_reduction <minsi>, %select_n3A, %reduce_min3A [1] : vector<128x1024xi32> to vector<128xi32>
      %broadcast_in_dim3A_31 = vector.shape_cast %reduce_min3A_30 : vector<128xi32> to vector<128x1xi32>
      %swap3A_32 = arith.constant 0 : index
      %swap3A_33 = arith.constant 0 : index
      %swap3A_34 = vector.load %arg3[%swap3A_32, %swap3A_33] : memref<128x1xi32, #tpu.memory_space<vmem>>, vector<128x1xi32>
      tpu.vector_store %arg3[%swap3A_32, %swap3A_33], %broadcast_in_dim3A_31 {strides = array<i32>} : memref<128x1xi32, #tpu.memory_space<vmem>>, vector<128x1xi32>,
    } else {
    }
    return
  }
  func.func @transform_0(%arg0: i32) -> (i32, i32) {
    %add3A = arith.constant 8 : i32
    %add3A_0 = arith.addi %add3A, %arg0 : i32
    %c0_i32 = arith.constant 0 : i32
    %c0_i32_1 = arith.constant 0 : i32
    return %c0_i32, %add3A_0 : i32, i32
  }
  func.func @transform_1(%arg0: i32) -> (i32, i32) {
    %c0_i32 = arith.constant 0 : i32
    %c0_i32_0 = arith.constant 0 : i32
    %c0_i32_1 = arith.constant 0 : i32
    return %c0_i32, %c0_i32_0 : i32, i32
  }
  func.func @transform_2(%arg0: i32) -> (i32, i32) {
    %c0_i32 = arith.constant 0 : i32
    %c0_i32_0 = arith.constant 0 : i32
    %c0_i32_1 = arith.constant 0 : i32
    return %c0_i32, %c0_i32_0 : i32, i32
  }
}

</mosaic_0001>

<sc_bundles>
// kernel: kernel.5.cloned.1.call-start
scs
__scs_entry_jumppad:
0x0: {  	(pc) =	sbr.rel $0x88, $3  }
0x1: {  	(tag) =	ssettag $0x0;
	lr =	simm.s32 $0x1  }
0x2: {  	[smem:$0x3FA0] =	sst lr;
	_ =	strace $0xD0000000  }
0x3: {  	_ = 	snop  }
0x4: {  	_ = 	snop  }
0x5: {  	_ = 	snop  }
0x6: {  	_ = 	snop  }
0x7: {  	_ = 	snop  }
__scs_overlays_trampoline_lowered:
0x8: {  	[smem:$0x3FAF] =	sst s0  }
0x9: {  	[smem:$0x3FB0] =	sst s1  }
0xa: {  	[smem:$0x3FB1] =	sst s2  }
0xb: {  	[smem:$0x3FB2] =	sst s3  }
0xc: {  	[smem:$0x3FB3] =	sst s4  }
0xd: {  	[smem:$0x3FB4] =	sst s5  }
0xe: {  	[smem:$0x3FB5] =	sst s6  }
0xf: {  	[smem:$0x3FB6] =	sst s7  }
0x10: {  	[smem:$0x3FB7] =	sst s8  }
0x11: {  	[smem:$0x3FB8] =	sst s9;
	s0 =	simm.s32 @!p0 $0x0  }
0x12: {  	s1 =	sld [smem:$0x3F9E];
	s0 =	simm.s32 @p0 $0x1  }
0x13: {  	[smem:$0x3FB9] =	sst s0;
	s0 =	simm.s32 @!p1 $0x0  }
0x14: {  	s2 =	sld [smem:$0x3F9D];
	s0 =	simm.s32 @p1 $0x1  }
0x15: {  	[smem:$0x3FBA] =	sst s0;
	s0 =	simm.s32 @!p2 $0x0  }
0x16: {  	s3 =	sld [smem:$0x3FDB];
	s0 =	simm.s32 @p2 $0x1  }
0x17: {  	s4 =	simm.s32 $0x1BF5;
	[smem:$0x3FBC] =	sst s0  }
0x18: {  	s0 =	sld [smem:$0x3F9F];
	_ =	swait.ge [sflag:s4], $0x0  }
0x19: {  	s7 =	sld [smem:$0x3FA0]  }
0x1a: {  	s8 =	sadd.s32 $0xFFFFE003, lr  }
0x1b: {  	s9 =	sadd.s32 $0xFFFFFEF7, lr;
	s5 =	simm.s32 $0xFFFFFFFF;
	p2 =	slt.u32 s8, $0xFFFFF086  }
0x1c: {  	p1 =	slt.u32 s9, $0xF7A;
	s5 =	simm.s32 @!p2 $0x0  }
0x1d: {  	s5 =	simm.s32 @p1 $0x1;
	p0 =	seq.s32 s7, s2  }
0x1e: {  	s7 =	smul.u32 @!p0 $0xF7A, s2;
	p2 =	seq.s32 @!p0 s5, $0x0  }
0x1f: {  	s9 =	smul.u32 $0xF7A, s1;
	s8 =	simm.s32 @!p0 $0x1BF5;
	p2 =	por !p2, p0  }
0x20: {  	[sflag:s8] =	ssyncset.s32 @!p0 $0xFFFFF086;
	s6 =	sadd.s32 @!p0 s3, s7;
	s7 =	simm.s32 @!p0 $0x108  }
0x21: {  	s3 =	sadd.s32 s3, s9;
	s6 =	sadd.s32 @!p0 $0x88, s6;
	s7 =	simm.s32 @p2 $0x1082  }
0x22: {  	[simem:s7], [sflag:s8] =	dma.local @!p0 [hbm:s6], $0xF7A  }
0x23: {  	s9 =	sor.u32 $0xD0000000, s2;
	s6 =	simm.s32 $0x108;
	_ =	swait.ge @!p0 [sflag:s8], $0x0  }
0x24: {  	s3 =	sadd.s32 $0x88, s3;
	s6 =	simm.s32 @!p1 $0x1082;
	[sflag:s4] =	ssyncset.s32 $0xFFFFF086  }
0x25: {  	[simem:s6], [sflag:s4] =	dma.local [hbm:s3], $0xF7A  }
0x26: {  	[smem:$0x3FA0] =	sst s1;
	(tag) =	ssettag s2;
	_ =	strace s9  }
0x27: {  	s1 =	sld [smem:$0x3FB0]  }
0x28: {  	s2 =	sld [smem:$0x3FB1]  }
0x29: {  	s4 =	sld [smem:$0x3FB3]  }
0x2a: {  	p0 =	seq.s32 s5, $0x0;
	s5 =	sld [smem:$0x3FB4]  }
0x2b: {  	s6 =	sld [smem:$0x3FB5]  }
0x2c: {  	s7 =	sld [smem:$0x3FB6]  }
0x2d: {  	s3 =	simm.s32 $0x108;
	s8 =	sld [smem:$0x3FB7]  }
0x2e: {  	s3 =	simm.s32 @!p0 $0x1082;
	s9 =	sld [smem:$0x3FB8]  }
0x2f: {  	lr =	sadd.s32 s0, s3;
	s0 =	sld [smem:$0x3FAF]  }
0x30: {  	s3 =	sld [smem:$0x3FB2]  }
0x31: {  	[smem:$0x3FBB] =	sst s10  }
0x32: {  	s10 =	sld [smem:$0x3FB9];
	_ =	sdelay $0x3  }
0x33: {  	p0 =	seq.s32 s10, $0x1;
	s10 =	sld [smem:$0x3FBB];
	_ =	sdelay $0x3  }
0x34: {  	[smem:$0x3FBB] =	sst s10  }
0x35: {  	s10 =	sld [smem:$0x3FBA];
	_ =	sdelay $0x3  }
0x36: {  	p1 =	seq.s32 s10, $0x1;
	s10 =	sld [smem:$0x3FBB];
	_ =	sdelay $0x3  }
0x37: {  	[smem:$0x3FBB] =	sst s10  }
0x38: {  	s10 =	sld [smem:$0x3FBC]  }
0x39: {  	_ = 	snop;
	(pc) =	sbr.ind lr, $3  }
0x3a: {  	_ = 	snop  }
0x3b: {  	_ = 	snop  }
0x3c: {  	p2 =	seq.s32 s10, $0x1;
	s10 =	sld [smem:$0x3FBB]  }
0x3d: {  	_ =	shalt  }
0x3e: {  	_ =	shalt  }
0x3f: {  	_ =	shalt  }
0x40: {  	_ =	shalt  }
0x41: {  	_ =	shalt  }
0x42: {  	_ =	shalt  }
0x43: {  	_ =	shalt  }
0x44: {  	_ =	shalt  }
0x45: {  	_ =	shalt  }
0x46: {  	_ =	shalt  }
0x47: {  	_ =	shalt  }
0x48: {  	_ =	shalt  }
0x49: {  	_ =	shalt  }
0x4a: {  	_ =	shalt  }
0x4b: {  	_ =	shalt  }
0x4c: {  	_ =	shalt  }
0x4d: {  	_ =	shalt  }
0x4e: {  	_ =	shalt  }
0x4f: {  	_ =	shalt  }
0x50: {  	_ =	shalt  }
0x51: {  	_ =	shalt  }
0x52: {  	_ =	shalt  }
0x53: {  	_ =	shalt  }
0x54: {  	_ =	shalt  }
0x55: {  	_ =	shalt  }
0x56: {  	_ =	shalt  }
0x57: {  	_ =	shalt  }
0x58: {  	_ =	shalt  }
0x59: {  	_ =	shalt  }
0x5a: {  	_ =	shalt  }
0x5b: {  	_ =	shalt  }
0x5c: {  	_ =	shalt  }
0x5d: {  	_ =	shalt  }
0x5e: {  	_ =	shalt  }
0x5f: {  	_ =	shalt  }
0x60: {  	_ =	shalt  }
0x61: {  	_ =	shalt  }
0x62: {  	_ =	shalt  }
0x63: {  	_ =	shalt  }
0x64: {  	_ =	shalt  }
0x65: {  	_ =	shalt  }
0x66: {  	_ =	shalt  }
0x67: {  	_ =	shalt  }
0x68: {  	_ =	shalt  }
0x69: {  	_ =	shalt  }
0x6a: {  	_ =	shalt  }
0x6b: {  	_ =	shalt  }
0x6c: {  	_ =	shalt  }
0x6d: {  	_ =	shalt  }
0x6e: {  	_ =	shalt  }
0x6f: {  	_ =	shalt  }
0x70: {  	_ =	shalt  }
0x71: {  	_ =	shalt  }
0x72: {  	_ =	shalt  }
0x73: {  	_ =	shalt  }
0x74: {  	_ =	shalt  }
0x75: {  	_ =	shalt  }
0x76: {  	_ =	shalt  }
0x77: {  	_ =	shalt  }
0x78: {  	_ =	shalt  }
0x79: {  	_ =	shalt  }
0x7a: {  	_ =	shalt  }
0x7b: {  	_ =	shalt  }
0x7c: {  	_ =	shalt  }
0x7d: {  	_ =	shalt  }
0x7e: {  	_ =	shalt  }
0x7f: {  	_ =	shalt  }
0x80: {  	_ =	shalt  }
0x81: {  	_ =	shalt  }
0x82: {  	_ =	shalt  }
0x83: {  	_ =	shalt  }
0x84: {  	_ =	shalt  }
0x85: {  	_ =	shalt  }
0x86: {  	_ =	shalt  }
0x87: {  	_ =	shalt  }
.Lfunc_end0:
.L_simem_size_0:
called_computation_lowered:
.L_overlay_start_0:
0x88: {  	s2 =	sld [smem:$0x3FD9]  }
0x89: {  	s3 =	sld [smem:$0x3FFE];
	_ =	sdelay $0x1  }
0x8a: {  	s1 =	srdreg.scid  }
0x8b: {  	s0 =	sand.u32 $0x1, s1  }
0x8c: {  	s17 =	sshll.u32 s0, $0xA;
	s2 =	sadd.s32 s3, s2  }
0x8d: {  	s2 =	sadd.s32 s2, s17  }
0x8e: {  	[smem:$0x3FC7] =	sst s2  }
0x8f: {  	_ = 	snop  }
0x90: {  	s2 =	sld [smem:$0x3FC9];
	(tm) =	ssettm $0x1  }
0x91: {  	s18 =	sld [smem:$0x3FFB];
	_ =	sdelay $0x3  }
0x92: {  	_ =	strace s18  }
0x93: {  	s3 =	sld [smem:$0x3FFC];
	_ =	sdelay $0x3  }
0x94: {  	_ =	strace s3  }
0x95: {  	s3 =	sld [smem:$0x3FFD];
	_ =	sdelay $0x3  }
0x96: {  	_ =	strace s3  }
0x97: {  	_ =	strace $0x8FFFFFFF  }
0x98: {  	s19 =	sld [smem:$0x3FDB];
	_ =	sdelay $0x1  }
0x99: {  	s4 =	simm.s32 $_scs_section_size  }
0x9a: {  	s5 =	simm.s32 $_size__tile_overlayer_lowered;
	s6 =	simm.s32 $_tile_overlayer_lowered  }
0x9b: {  	s22 =	simm.s32 $0x1BFF;
	s21 =	sshll.u32 s6, $0x1;
	s3 =	sadd.s32 s4, s19  }
0x9c: {  	s7 =	simm.s32 $0x0;
	s20 =	sshll.u32 s5, $0x1;
	s5 =	sadd.s32 s21, s3  }
0x9d: {  	[timem:s7], [sflag:s22] =	dma.local [hbm:s5], s20  }
0x9e: {  	_ =	swait.ge [sflag:s22], s20  }
0x9f: {  	s4 =	ssub.s32 $0x0, s20;
	[sflag:s22] =	ssyncset.done $0x0  }
0xa0: {  	[sflag:s22] =	ssyncadd.s32 s4;
	_ =	sdelay $0x1  }
0xa1: {  	s23 =	simm.s32 $0x1B8B  }
0xa2: {  	_ =	swait.ge [sflag:s23], $0x1  }
0xa3: {  	[sflag:s23] =	ssyncset.done $0x0  }
0xa4: {  	s25 =	simm.s32 $0x1B8E;
	s24 =	sld [smem:$0x3FFE];
	[sflag:s23] =	ssyncadd.s32 $0xFFFFFFFF  }
0xa5: {  	s26 =	simm.s32 $execute0_lowered;
	[smem:$0x3FD2] =	sst s25  }
0xa6: {  	s5 =	sshll.u32 s26, $0x1;
	_ =	strace $0x80000046;
	[dreg:$0x1] =	wrdreg $0xFFFFFFFF  }
0xa7: {  	s28 =	simm.s32 $_size_execute0_lowered;
	s3 =	sadd.s32 s3, s5;
	[dreg:$0x0] =	wrdreg $0x0  }
0xa8: {  	s5 =	sshll.u32 s28, $0x1;
	[dreg:$0x2] =	wrdreg s3  }
0xa9: {  	[dreg:$0x3] =	wrdreg s5  }
0xaa: {  	[dreg:$0x4] =	wrdreg $0xC0  }
0xab: {  	_ =	task [dreg:s7], $0x5FFFF  }
0xac: {  	[dreg:$0x1] =	wrdreg $0xFFFFFFFF  }
0xad: {  	[dreg:$0x0] =	wrdreg $0x60  }
0xae: {  	[dreg:$0x2] =	wrdreg s2  }
0xaf: {  	[dreg:$0x3] =	wrdreg s24  }
0xb0: {  	[dreg:$0x4] =	wrdreg $0x9  }
0xb1: {  	_ =	task.clear_ibuf [dreg:s7], $0x5FFFF;
	_ =	strace $0x90000046  }
0xb2: {  	s29 =	simm.s32 $0x9;
	_ =	strace $0x80000048  }
0xb3: {  	_ =	swait.ge [sflag:s29], $0x1  }
0xb4: {  	[sflag:s29] =	ssyncadd.s32 $0xFFFFFFFF  }
0xb5: {  	_ =	strace $0x90000048  }
0xb6: {  	_ =	sfence  }
0xb7: {  	s30 =	sld [smem:$0x0];
	_ =	sdelay $0x2  }
0xb8: {  	s31 =	sshll.u32 s1, $0xD;
	s1 =	sshrl.u32 s1, $0x2  }
0xb9: {  	s3 =	sand.u32 $0x4000, s31;
	s1 =	sadd.s32 s1, s30  }
0xba: {  	s0 =	sor.u32 s3, s0;
	s1 =	sshll.u32 s1, $0x11  }
0xbb: {  	s0 =	sor.u32 s1, s0  }
0xbc: {  	s0 =	sadd.s32 $0x8F2B, s0  }
0xbd: {  	[sflag:s0] =	ssyncadd.remote.s32 $0x1  }
0xbe: {  	_ =	sfence.sel $0xFFFF  }
0xbf: {  	[dreg:$0x0] =	wrdreg $0xFFFFFFFF;
	(pc) =	sbr.abs _section_cstart, $3  }
0xc0: {  	[dreg:$0x1] =	wrdreg $0xFFFFFFFF  }
0xc1: {  	_ =	task.clear_ibuf [dreg:s7], $0x2FFFF;
	_ =	strace $0x9FFFFFFF  }
0xc2: {  	(tm) =	ssettm $0x7FFFFFFF  }
0xc3: {  	_ =	shalt  }
tec
execute0_lowered:
.L_overlay_start_1:
0x0: {  	(tag) =	ssettag $0x1  }
0x1: {  	s0 =	srdreg.scid;
	s2 =	rddreg [dreg:$0x0]  }
0x2: {  	s7 =	stileid.u32;
	s5 =	rddreg [dreg:$0x1]  }
0x3: {  	s4 =	simm.s32 $0x1;
	v0 =	vimm.s32 $0xEFCDAB89;
	v1 =	vimm.s32 $0x67452301;
	s14 =	simm.s32 $0x200;
	s15 =	simm.s32 $0x400  }
0x4: {  	v2 =	vimm.s32 $0xDCFE98BA;
	v3 =	vimm.s32 $0x54761032;
	s16 =	simm.s32 $0x4000;
	s17 =	simm.s32 $0x2;
	s18 =	simm.s32 $0x80  }
0x5: {  	v4 =	vimm.s32 $0xBA98FEDC;
	s19 =	simm.s32 $0x8000;
	s20 =	simm.s32 $0x9000;
	s21 =	simm.s32 $0xA000  }
0x6: {  	v5 =	vimm.s32 $0x32107654;
	s22 =	simm.s32 $0xB000;
	s23 =	simm.s32 $0x3;
	s0 =	sand.u32 $0x1, s0;
	v0 =	vunpack.c.l.s4.s8 v0;
	v1 =	vunpack.c.l.s4.s8 v1  }
0x7: {  	s24 =	simm.s32 $0xC000;
	s25 =	simm.s32 $0x4;
	v2 =	vunpack.c.l.s4.s8 v2;
	v3 =	vunpack.c.l.s4.s8 v3;
	v4 =	vunpack.c.l.s4.s8 v4;
	s1 =	sshll.u32 s0, $0x4  }
0x8: {  	s26 =	simm.s32 $0xC080;
	s3 =	sand.u32 $0x1, s7;
	v5 =	vunpack.c.l.s4.s8 v5;
	s1 =	sor.u32 s7, s1;
	v0 =	vunpack.c.0.s8.s32 v0;
	v1 =	vunpack.c.0.s8.s32 v1  }
0x9: {  	v6 =	vimm.s32 $0xFEDCBA98;
	s28 =	simm.s32 $0x0;
	p1 =	seq.s32 s3, $0x1;
	v2 =	vunpack.c.0.s8.s32 v2;
	v3 =	vunpack.c.0.s8.s32 v3;
	p0 =	seq.s32 s1, $0x0  }
0xa: {  	s30 =	sshll.u32 s7, $0x9;
	s3 =	simm.s32 $0x0;
	v4 =	vunpack.c.0.s8.s32 v4;
	v5 =	vunpack.c.0.s8.s32 v5;
	p0 =	por !p0, !p1;
	v8 =	vcombine.low v1, v0  }
0xb: {  	v7 =	vimm.s32 $0x76543210;
	v6 =	vunpack.c.l.s4.s8 v6;
	s0 =	ssub.s32 $0x2, s0;
	[smem:$0x7FF] =	sst s3;
	v20 =	vcombine.low v3, v2;
	p0 =	por !p0, !p0  }
0xc: {  	v7 =	vunpack.c.l.s4.s8 v7;
	s6 =	sshrl.u32 s1, $0x1;
	_ =	strace $0x80000047;
	v21 =	vcombine.low v5, v4;
	s4 =	simm.s32 @!p0 $0x0;
	[tilespmem:$0x1FFC0] =	vst v8  }
0xd: {  	s31 =	sshrl.u32 s0, $0x1;
	v59 =	vunpack.c.0.s8.s32 v6;
	s1 =	sshll.u32 s1, $0x1;
	[tilespmem:$0x1FFD0] =	vst v20;
	s4 =	ssub.s32 s6, s4  }
0xe: {  	v60 =	vunpack.c.0.s8.s32 v7;
	s0 =	ssub.s32 s0, s31;
	v61 =	vand.u32 $0xF, v8;
	[tilespmem:$0x1FFE0] =	vst v21;
	s6 =	sand.u32 $0x200, s30;
	s4 =	sshll.u32 s4, $0x12  }
0xf: {  	s1 =	sadd.s32 s1, s5;
	s5 =	simm.s32 $0x1;
	v0 =	vand.u32 $0xF, v59;
	v62 =	vand.u32 $0xF, v20;
	[tilespmem:$0x1FF90] =	vst v61;
	s4 =	sor.u32 s6, s4  }
0x10: {  	s13 =	smax.u32 s0, $0x1;
	s11 =	sadd.s32 $0xE00, s1;
	v22 =	vcombine.low v0, v60;
	v63 =	vand.u32 $0xF, v21;
	[tilespmem:$0x1FFA0] =	vst v62;
	s6 =	sshrl.u32 s4, $0x3  }
0x11: {  	s12 =	sadd.s32 $0x1000, s1;
	[tilespmem:$0x1FFB0] =	vst v63;
	s8 =	sor.u32 $0x80, s4;
	s6 =	sadd.s32 s2, s6  }
0x12: {  	vm0 =	vcmask $0x310;
	vm1 =	vcmask $0x710;
	vm2 =	vcmask $0xB10;
	[tilespmem:$0x1FFF0] =	vst v22;
	s9 =	sor.u32 $0x100, s4;
	s10 =	sor.u32 $0x180, s4;
	s7 =	sadd.s32 $0x1000, s6  }
.LBB2_1:
0x13: {  	[tilespmem:s3], [sflag:$0x1] =	stream.strided.gather [hbm4b:s6+s14], $0x4000, s15, s14, $0x38;
	[tilespmem:$0xC100] =	vst v63  }
0x14: {  	_ = 	snop  }
0x15: {  	[tilespmem:s16], [sflag:$0x2] =	stream.strided.gather [hbm4b:s7+s14], $0x4000, s15, s14, $0x38;
	[tilespmem:$0xC100] =	vst v63  }
0x16: {  	_ =	swait.ge [sflag:s5], $0x4000  }
0x17: {  	[sflag:s5] =	ssyncset.done $0x0  }
0x18: {  	s29 =	simm.s32 $0x0;
	[sflag:s5] =	ssyncadd.s32 $0xFFFFC000  }
0x19: {  	v0 =	vld [tilespmem:s29+$0x260]  }
0x1a: {  	v1 =	vld [tilespmem:s29+$0x2E0]  }
0x1b: {  	v17 =	vld [tilespmem:s29+$0x360]  }
0x1c: {  	v21 =	vld [tilespmem:s29+$0x3E0]  }
0x1d: {  	v25 =	vld [tilespmem:s29+$0x270]  }
0x1e: {  	v12 =	vld [tilespmem:s29+$0x2F0]  }
0x1f: {  	v11 =	vld [tilespmem:s29+$0x370]  }
0x20: {  	v2 =	vld [tilespmem:s29+$0x240]  }
0x21: {  	v3 =	vld [tilespmem:s29+$0x2C0]  }
0x22: {  	v18 =	vld [tilespmem:s29+$0x340]  }
0x23: {  	v32 =	vld [tilespmem:s29+$0x3C0]  }
0x24: {  	v33 =	vld [tilespmem:s29+$0x250]  }
0x25: {  	v16 =	vld [tilespmem:s29+$0x2D0]  }
0x26: {  	v15 =	vld [tilespmem:s29+$0x350]  }
0x27: {  	v4 =	vld [tilespmem:s29+$0x220]  }
0x28: {  	v5 =	vld [tilespmem:s29+$0x2A0]  }
0x29: {  	v42 =	vld [tilespmem:s29+$0x320]  }
0x2a: {  	v43 =	vld [tilespmem:s29+$0x3A0]  }
0x2b: {  	v44 =	vld [tilespmem:s29+$0x230]  }
0x2c: {  	v22 =	vld [tilespmem:s29+$0x2B0]  }
0x2d: {  	v23 =	vld [tilespmem:s29+$0x330]  }
0x2e: {  	v8 =	vld [tilespmem:s29+$0x200]  }
0x2f: {  	v9 =	vld [tilespmem:s29+$0x280]  }
0x30: {  	v49 =	vld [tilespmem:s29+$0x300]  }
0x31: {  	v52 =	vld [tilespmem:s29+$0x380]  }
0x32: {  	v53 =	vld [tilespmem:s29+$0x210]  }
0x33: {  	v30 =	vld [tilespmem:s29+$0x290]  }
0x34: {  	v31 =	vld [tilespmem:s29+$0x310]  }
0x35: {  	v10 =	vld [tilespmem:s29+$0x60]  }
0x36: {  	v13 =	vld [tilespmem:s29+$0xE0]  }
0x37: {  	v45 =	vld [tilespmem:s29+$0x160]  }
0x38: {  	v57 =	vld [tilespmem:s29+$0x1E0]  }
0x39: {  	v58 =	vld [tilespmem:s29+$0x70]  }
0x3a: {  	v40 =	vld [tilespmem:s29+$0xF0]  }
0x3b: {  	v41 =	vld [tilespmem:s29+$0x170]  }
0x3c: {  	v14 =	vld [tilespmem:s29+$0x40]  }
0x3d: {  	v19 =	vld [tilespmem:s29+$0xC0]  }
0x3e: {  	v20 =	vld [tilespmem:s29+$0x140]  }
0x3f: {  	v24 =	vld [tilespmem:s29+$0x20]  }
0x40: {  	v26 =	vld [tilespmem:s29+$0x0]  }
0x41: {  	v27 =	vld [tilespmem:s29+$0x80]  }
0x42: {  	v28 =	vld [tilespmem:s29+$0xA0]  }
0x43: {  	v29 =	vld [tilespmem:s29+$0x1C0]  }
0x44: {  	v34 =	vld [tilespmem:s29+$0x50]  }
0x45: {  	v36 =	vimm.f32 $-Inf;
	v35 =	vld [tilespmem:s29+$0x120]  }
0x46: {  	v37 =	vld [tilespmem:s29+$0x1A0];
	v26 =	vmax.f32 v36, v26;
	v27 =	vmax.f32 v36, v27  }
0x47: {  	v24 =	vmax.f32 v26, v24;
	v26 =	vld [tilespmem:s29+$0x100];
	v27 =	vmax.f32 v27, v28  }
0x48: {  	v14 =	vmax.f32 v24, v14;
	v24 =	vld [tilespmem:s29+$0x180];
	v19 =	vmax.f32 v27, v19  }
0x49: {  	v10 =	vmax.f32 v14, v10;
	v14 =	vld [tilespmem:s29+$0x10];
	v13 =	vmax.f32 v19, v13  }
0x4a: {  	v19 =	vld [tilespmem:s29+$0x30];
	v8 =	vmax.f32 v10, v8;
	v9 =	vmax.f32 v13, v9  }
0x4b: {  	v62 =	vld [tilespmem:s29+$0xD0];
	v4 =	vmax.f32 v8, v4;
	v5 =	vmax.f32 v9, v5  }
0x4c: {  	v50 =	vimm.f32 $-Inf;
	v63 =	vld [tilespmem:s29+$0x150];
	v2 =	vmax.f32 v4, v2;
	v3 =	vmax.f32 v5, v3  }
0x4d: {  	v51 =	vimm.f32 $-Inf;
	v8 =	vld [tilespmem:s29+$0x130];
	v9 =	vmax.f32 v2, v0;
	v10 =	vmax.f32 v3, v1  }
0x4e: {  	v2 =	vld [tilespmem:s29+$0xB0];
	v0 =	vmax.f32 v36, v26;
	v1 =	vmax.f32 v36, v24;
	v3 =	vmax.f32 v36, v14  }
0x4f: {  	v4 =	vmax.f32 v0, v35;
	v1 =	vmax.f32 v1, v37;
	v0 =	vld [tilespmem:s29+$0x90];
	v5 =	vmax.f32 v3, v19  }
0x50: {  	s30 =	simm.s32 $0x1000;
	v4 =	vmax.f32 v4, v20;
	v3 =	vmax.f32 v1, v29;
	v1 =	vld [tilespmem:s29+$0x110];
	v5 =	vmax.f32 v5, v34  }
.LBB2_2:
0x51: {  	p0 =	sne.s32 s30, $0xF000;
	v20 =	vld [tilespmem:s29+$0x190];
	v4 =	vmax.f32 v4, v45;
	v3 =	vmax.f32 v3, v57;
	v5 =	vmax.f32 v5, v58  }
0x52: {  	v24 =	vld [tilespmem:s29+$0x1B0];
	v4 =	vmax.f32 v4, v49;
	v3 =	vmax.f32 v3, v52;
	v5 =	vmax.f32 v5, v53  }
0x53: {  	v26 =	vld [tilespmem:s29+$0x1D0];
	v4 =	vmax.f32 v4, v42;
	v3 =	vmax.f32 v3, v43;
	v5 =	vmax.f32 v5, v44  }
0x54: {  	v27 =	vld [tilespmem:s29+$0x1F0];
	v4 =	vmax.f32 v4, v18;
	v3 =	vmax.f32 v3, v32;
	v5 =	vmax.f32 v5, v33  }
0x55: {  	v18 =	vld [tilespmem:s29+$0x390];
	v13 =	vmax.f32 v4, v17;
	v14 =	vmax.f32 v3, v21;
	v19 =	vmax.f32 v5, v25  }
0x56: {  	v0 =	vmax.f32 v36, v0;
	v1 =	vmax.f32 v50, v1;
	v3 =	vmax.f32 v51, v20;
	v4 =	vld [tilespmem:s29+$0x3B0]  }
0x57: {  	v0 =	vmax.f32 v0, v2;
	v1 =	vmax.f32 v1, v8;
	v2 =	vmax.f32 v3, v24;
	v3 =	vld [tilespmem:s29+$0x3D0]  }
0x58: {  	v0 =	vmax.f32 v0, v62;
	v1 =	vmax.f32 v1, v63;
	v2 =	vmax.f32 v2, v26;
	v5 =	vld [tilespmem:s29+$0x3F0];
	s29 =	sshra.s32 s30, $0x2  }
0x59: {  	v0 =	vmax.f32 v0, v40;
	v1 =	vmax.f32 v1, v41;
	v20 =	vld [tilespmem:s29+$0x260];
	v2 =	vmax.f32 v2, v27  }
0x5a: {  	v0 =	vmax.f32 v0, v30;
	v1 =	vmax.f32 v1, v31;
	v8 =	vld [tilespmem:s29+$0x2E0];
	v2 =	vmax.f32 v2, v18  }
0x5b: {  	v0 =	vmax.f32 v0, v22;
	v1 =	vmax.f32 v1, v23;
	v17 =	vld [tilespmem:s29+$0x360];
	v2 =	vmax.f32 v2, v4  }
0x5c: {  	v0 =	vmax.f32 v0, v16;
	v1 =	vmax.f32 v1, v15;
	v21 =	vld [tilespmem:s29+$0x3E0];
	v2 =	vmax.f32 v2, v3  }
0x5d: {  	v36 =	vmax.f32 v0, v12;
	v50 =	vmax.f32 v1, v11;
	v25 =	vld [tilespmem:s29+$0x270];
	v51 =	vmax.f32 v2, v5  }
0x5e: {  	v12 =	vld [tilespmem:s29+$0x2F0]  }
0x5f: {  	v11 =	vld [tilespmem:s29+$0x370]  }
0x60: {  	v0 =	vld [tilespmem:s29+$0x240]  }
0x61: {  	v1 =	vld [tilespmem:s29+$0x2C0]  }
0x62: {  	v18 =	vld [tilespmem:s29+$0x340]  }
0x63: {  	v32 =	vld [tilespmem:s29+$0x3C0]  }
0x64: {  	v33 =	vld [tilespmem:s29+$0x250]  }
0x65: {  	v16 =	vld [tilespmem:s29+$0x2D0]  }
0x66: {  	v15 =	vld [tilespmem:s29+$0x350]  }
0x67: {  	v2 =	vld [tilespmem:s29+$0x220]  }
0x68: {  	v3 =	vld [tilespmem:s29+$0x2A0]  }
0x69: {  	v42 =	vld [tilespmem:s29+$0x320]  }
0x6a: {  	v43 =	vld [tilespmem:s29+$0x3A0]  }
0x6b: {  	v44 =	vld [tilespmem:s29+$0x230]  }
0x6c: {  	v22 =	vld [tilespmem:s29+$0x2B0]  }
0x6d: {  	v23 =	vld [tilespmem:s29+$0x330]  }
0x6e: {  	v4 =	vld [tilespmem:s29+$0x200]  }
0x6f: {  	v5 =	vld [tilespmem:s29+$0x280]  }
0x70: {  	v49 =	vld [tilespmem:s29+$0x300]  }
0x71: {  	v52 =	vld [tilespmem:s29+$0x380]  }
0x72: {  	v53 =	vld [tilespmem:s29+$0x210]  }
0x73: {  	v30 =	vld [tilespmem:s29+$0x290]  }
0x74: {  	v31 =	vld [tilespmem:s29+$0x310]  }
0x75: {  	v24 =	vld [tilespmem:s29+$0x60]  }
0x76: {  	v26 =	vld [tilespmem:s29+$0xE0]  }
0x77: {  	v45 =	vld [tilespmem:s29+$0x160]  }
0x78: {  	v57 =	vld [tilespmem:s29+$0x1E0]  }
0x79: {  	v58 =	vld [tilespmem:s29+$0x70]  }
0x7a: {  	v40 =	vld [tilespmem:s29+$0xF0]  }
0x7b: {  	v41 =	vld [tilespmem:s29+$0x170]  }
0x7c: {  	v27 =	vld [tilespmem:s29+$0x40]  }
0x7d: {  	v28 =	vld [tilespmem:s29+$0xC0]  }
0x7e: {  	v29 =	vld [tilespmem:s29+$0x140]  }
0x7f: {  	v34 =	vld [tilespmem:s29+$0x20]  }
0x80: {  	v35 =	vld [tilespmem:s29+$0x0]  }
0x81: {  	v37 =	vld [tilespmem:s29+$0x80]  }
0x82: {  	v38 =	vld [tilespmem:s29+$0xA0]  }
0x83: {  	v39 =	vld [tilespmem:s29+$0x1C0]  }
0x84: {  	v46 =	vld [tilespmem:s29+$0x50]  }
0x85: {  	v47 =	vld [tilespmem:s29+$0x120]  }
0x86: {  	v9 =	vmax.f32 v9, v35;
	v10 =	vmax.f32 v10, v37;
	v35 =	vld [tilespmem:s29+$0x1A0]  }
0x87: {  	v9 =	vmax.f32 v9, v34;
	v37 =	vld [tilespmem:s29+$0x100];
	v10 =	vmax.f32 v10, v38  }
0x88: {  	v9 =	vmax.f32 v9, v27;
	v34 =	vld [tilespmem:s29+$0x180];
	v10 =	vmax.f32 v10, v28  }
0x89: {  	v9 =	vmax.f32 v9, v24;
	v27 =	vld [tilespmem:s29+$0x10];
	v10 =	vmax.f32 v10, v26  }
0x8a: {  	v4 =	vmax.f32 v9, v4;
	v24 =	vld [tilespmem:s29+$0x30];
	v5 =	vmax.f32 v10, v5  }
0x8b: {  	v2 =	vmax.f32 v4, v2;
	v62 =	vld [tilespmem:s29+$0xD0];
	v3 =	vmax.f32 v5, v3  }
.Ltmp0:
0x8c: {  	v0 =	vmax.f32 v2, v0;
	v63 =	vld [tilespmem:s29+$0x150];
	v1 =	vmax.f32 v3, v1;
	(pc) =	sbr.rel @p0 .LBB2_2-.Ltmp0, $4  }
0x8d: {  	v9 =	vmax.f32 v0, v20;
	v2 =	vld [tilespmem:s29+$0xB0];
	v10 =	vmax.f32 v1, v8  }
0x8e: {  	v1 =	vmax.f32 v13, v37;
	v3 =	vmax.f32 v14, v34;
	v4 =	vmax.f32 v19, v27;
	v8 =	vld [tilespmem:s29+$0x130]  }
0x8f: {  	v5 =	vmax.f32 v1, v47;
	v3 =	vmax.f32 v3, v35;
	v0 =	vld [tilespmem:s29+$0x90];
	v13 =	vmax.f32 v4, v24  }
0x90: {  	s30 =	sadd.s32 $0x1000, s30;
	v4 =	vmax.f32 v5, v29;
	v3 =	vmax.f32 v3, v39;
	v1 =	vld [tilespmem:s29+$0x110];
	v5 =	vmax.f32 v13, v46  }
0x91: {  	v6 =	vld [tilespmem:s29+$0x190];
	_ =	sdelay $0x4  }
0x92: {  	[tilespmem:$0x1FE90] =	vst v6;
	v6 =	vld [tilespmem:s29+$0x1B0];
	_ =	sdelay $0x4  }
0x93: {  	[tilespmem:$0x1FEA0] =	vst v6;
	v6 =	vld [tilespmem:s29+$0x1D0];
	_ =	sdelay $0x4  }
0x94: {  	[tilespmem:$0x1FEB0] =	vst v6;
	v6 =	vld [tilespmem:s29+$0x1F0];
	_ =	sdelay $0x4  }
0x95: {  	[tilespmem:$0x1FEC0] =	vst v6;
	v6 =	vld [tilespmem:s29+$0x390];
	_ =	sdelay $0x4  }
0x96: {  	[tilespmem:$0x1FED0] =	vst v6;
	v6 =	vld [tilespmem:s29+$0x3B0];
	_ =	sdelay $0x4  }
0x97: {  	[tilespmem:$0x1FEE0] =	vst v6;
	v6 =	vld [tilespmem:s29+$0x3D0];
	_ =	sdelay $0x4  }
0x98: {  	[tilespmem:$0x1FEF0] =	vst v6;
	v6 =	vld [tilespmem:s29+$0x3F0];
	_ =	sdelay $0x4  }
0x99: {  	[tilespmem:$0x1FF50] =	vst v6  }
0x9a: {  	_ =	swait.ge [sflag:s17], $0x4000  }
0x9b: {  	v4 =	vmax.f32 v4, v45;
	[sflag:s17] =	ssyncset.done $0x0  }
0x9c: {  	v3 =	vmax.f32 v3, v57;
	v5 =	vmax.f32 v5, v58;
	v4 =	vmax.f32 v4, v49;
	s29 =	simm.s32 $0x0;
	[sflag:s17] =	ssyncadd.s32 $0xFFFFC000  }
0x9d: {  	v3 =	vmax.f32 v3, v52;
	v5 =	vmax.f32 v5, v53;
	v4 =	vmax.f32 v4, v42;
	v6 =	vld [tilespmem:s29+$0x4260]  }
0x9e: {  	v3 =	vmax.f32 v3, v43;
	v5 =	vmax.f32 v5, v44;
	v4 =	vmax.f32 v4, v18  }
0x9f: {  	v3 =	vmax.f32 v3, v32;
	v5 =	vmax.f32 v5, v33;
	v0 =	vmax.f32 v36, v0  }
0xa0: {  	v18 =	vmax.f32 v4, v17;
	v17 =	vmax.f32 v3, v21;
	v1 =	vmax.f32 v50, v1  }
0xa1: {  	v21 =	vmax.f32 v5, v25;
	v0 =	vmax.f32 v0, v2;
	v1 =	vmax.f32 v1, v8;
	v5 =	vld [tilespmem:$0x1FE90]  }
0xa2: {  	v0 =	vmax.f32 v0, v62;
	v1 =	vmax.f32 v1, v63;
	[tilespmem:$0x1FF70] =	vst v6;
	v6 =	vld [tilespmem:s29+$0x42E0]  }
0xa3: {  	v0 =	vmax.f32 v0, v40;
	v1 =	vmax.f32 v1, v41;
	v8 =	vld [tilespmem:$0x1FEA0]  }
0xa4: {  	v0 =	vmax.f32 v0, v30;
	v1 =	vmax.f32 v1, v31;
	v25 =	vld [tilespmem:$0x1FEB0]  }
0xa5: {  	v0 =	vmax.f32 v0, v22;
	v1 =	vmax.f32 v1, v23;
	v22 =	vld [tilespmem:$0x1FEE0]  }
0xa6: {  	v1 =	vmax.f32 v1, v15;
	v15 =	vld [tilespmem:$0x1FEF0]  }
0xa7: {  	[tilespmem:$0x1FF80] =	vst v6;
	v6 =	vld [tilespmem:s29+$0x4240]  }
0xa8: {  	v24 =	vld [tilespmem:s29+$0x4360]  }
0xa9: {  	v26 =	vld [tilespmem:s29+$0x43E0]  }
0xaa: {  	v27 =	vld [tilespmem:s29+$0x4270]  }
0xab: {  	v13 =	vld [tilespmem:s29+$0x42F0]  }
0xac: {  	[tilespmem:$0x1FF40] =	vst v6;
	v6 =	vld [tilespmem:s29+$0x42C0]  }
0xad: {  	v14 =	vld [tilespmem:s29+$0x4370]  }
0xae: {  	v37 =	vld [tilespmem:s29+$0x4340]  }
0xaf: {  	v38 =	vld [tilespmem:s29+$0x43C0]  }
0xb0: {  	v39 =	vld [tilespmem:s29+$0x4250]  }
0xb1: {  	[tilespmem:$0x1FF60] =	vst v6;
	v6 =	vld [tilespmem:s29+$0x4220]  }
0xb2: {  	v19 =	vld [tilespmem:s29+$0x42D0]  }
0xb3: {  	v20 =	vld [tilespmem:s29+$0x4350]  }
0xb4: {  	v46 =	vld [tilespmem:s29+$0x4320]  }
0xb5: {  	v47 =	vld [tilespmem:s29+$0x43A0]  }
0xb6: {  	[tilespmem:$0x1FF20] =	vst v6;
	v6 =	vld [tilespmem:s29+$0x42A0]  }
0xb7: {  	v48 =	vld [tilespmem:s29+$0x4230]  }
0xb8: {  	v28 =	vld [tilespmem:s29+$0x42B0];
	v5 =	vmax.f32 v51, v5  }
0xb9: {  	v29 =	vld [tilespmem:s29+$0x4330];
	v5 =	vmax.f32 v5, v8  }
0xba: {  	v5 =	vmax.f32 v5, v25;
	v25 =	vld [tilespmem:$0x1FEC0]  }
0xbb: {  	[tilespmem:$0x1FF30] =	vst v6;
	v6 =	vld [tilespmem:s29+$0x4200]  }
0xbc: {  	v54 =	vld [tilespmem:s29+$0x4300]  }
0xbd: {  	v55 =	vld [tilespmem:s29+$0x4380]  }
0xbe: {  	v7 =	vld [tilespmem:s29+$0x40E0]  }
0xbf: {  	v5 =	vmax.f32 v5, v25;
	v25 =	vld [tilespmem:$0x1FED0]  }
0xc0: {  	[tilespmem:$0x1FF00] =	vst v6;
	v6 =	vld [tilespmem:s29+$0x4280]  }
0xc1: {  	v53 =	vld [tilespmem:s29+$0x40C0]  }
0xc2: {  	v8 =	vld [tilespmem:s29+$0x4080]  }
0xc3: {  	v57 =	vld [tilespmem:s29+$0x40A0]  }
0xc4: {  	v3 =	vld [tilespmem:s29+$0x4020];
	v5 =	vmax.f32 v5, v25  }
0xc5: {  	v0 =	vmax.f32 v0, v16;
	v2 =	vld [tilespmem:s29+$0x4000];
	v5 =	vmax.f32 v5, v22;
	[tilespmem:$0x1FF10] =	vst v6  }
0xc6: {  	v25 =	vimm.f32 $-Inf;
	v5 =	vmax.f32 v5, v15;
	v15 =	vmax.f32 v0, v12;
	v0 =	vld [tilespmem:$0x1FF10]  }
0xc7: {  	v8 =	vmax.f32 v25, v8;
	v12 =	vmax.f32 v1, v11;
	v1 =	vld [tilespmem:$0x1FF30]  }
0xc8: {  	v52 =	vld [tilespmem:s29+$0x4040];
	v8 =	vmax.f32 v8, v57  }
0xc9: {  	v8 =	vmax.f32 v8, v53;
	v6 =	vld [tilespmem:s29+$0x4060]  }
0xca: {  	v7 =	vmax.f32 v8, v7;
	v8 =	vld [tilespmem:$0x1FF00]  }
0xcb: {  	v2 =	vmax.f32 v25, v2;
	v0 =	vmax.f32 v7, v0;
	v7 =	vld [tilespmem:$0x1FF20]  }
0xcc: {  	v2 =	vmax.f32 v2, v3;
	v1 =	vmax.f32 v0, v1;
	v0 =	vld [tilespmem:$0x1FF40]  }
0xcd: {  	v56 =	vld [tilespmem:s29+$0x4210];
	v2 =	vmax.f32 v2, v52  }
0xce: {  	v34 =	vld [tilespmem:s29+$0x4290];
	v2 =	vmax.f32 v2, v6  }
0xcf: {  	v35 =	vld [tilespmem:s29+$0x4310];
	v2 =	vmax.f32 v2, v8  }
0xd0: {  	v59 =	vld [tilespmem:s29+$0x4160];
	v2 =	vmax.f32 v2, v7  }
0xd1: {  	v2 =	vmax.f32 v2, v0;
	v0 =	vld [tilespmem:$0x1FF50]  }
0xd2: {  	v60 =	vld [tilespmem:s29+$0x41E0]  }
0xd3: {  	v61 =	vld [tilespmem:s29+$0x4070]  }
0xd4: {  	v45 =	vld [tilespmem:s29+$0x40F0]  }
0xd5: {  	v49 =	vld [tilespmem:s29+$0x4170]  }
0xd6: {  	v11 =	vmax.f32 v5, v0;
	v5 =	vld [tilespmem:$0x1FF60]  }
0xd7: {  	v4 =	vld [tilespmem:s29+$0x4140]  }
0xd8: {  	v30 =	vld [tilespmem:s29+$0x41C0]  }
0xd9: {  	v31 =	vld [tilespmem:s29+$0x4050]  }
0xda: {  	v58 =	vld [tilespmem:s29+$0x4100]  }
0xdb: {  	v5 =	vmax.f32 v1, v5;
	v1 =	vld [tilespmem:$0x1FF70]  }
0xdc: {  	v62 =	vld [tilespmem:s29+$0x4010]  }
0xdd: {  	v63 =	vld [tilespmem:s29+$0x4030]  }
0xde: {  	v6 =	vld [tilespmem:s29+$0x4180]  }
0xdf: {  	v3 =	vld [tilespmem:s29+$0x41A0]  }
0xe0: {  	v22 =	vmax.f32 v2, v1;
	v2 =	vld [tilespmem:$0x1FF80]  }
0xe1: {  	v23 =	vld [tilespmem:s29+$0x4120]  }
0xe2: {  	v36 =	vld [tilespmem:s29+$0x40D0]  }
0xe3: {  	v8 =	vld [tilespmem:s29+$0x4090];
	v6 =	vmax.f32 v25, v6  }
0xe4: {  	v7 =	vmax.f32 v25, v62;
	v3 =	vmax.f32 v6, v3;
	v0 =	vld [tilespmem:s29+$0x4150]  }
0xe5: {  	v6 =	vmax.f32 v7, v63;
	v1 =	vld [tilespmem:s29+$0x40B0];
	v16 =	vmax.f32 v5, v2;
	v5 =	vmax.f32 v25, v58  }
0xe6: {  	v31 =	vmax.f32 v6, v31;
	v2 =	vld [tilespmem:s29+$0x4130];
	v5 =	vmax.f32 v5, v23;
	v23 =	vimm.f32 $-Inf  }
0xe7: {  	s30 =	simm.s32 $0x1000;
	v4 =	vmax.f32 v5, v4;
	v5 =	vmax.f32 v3, v30;
	v3 =	vld [tilespmem:s29+$0x4110];
	v30 =	vimm.f32 $-Inf  }
.LBB2_4:
0xe8: {  	p0 =	sne.s32 s30, $0xF000;
	v6 =	vld [tilespmem:s29+$0x4190];
	v4 =	vmax.f32 v4, v59;
	v5 =	vmax.f32 v5, v60;
	v7 =	vmax.f32 v31, v61  }
0xe9: {  	v40 =	vld [tilespmem:s29+$0x41B0];
	v4 =	vmax.f32 v4, v54;
	v5 =	vmax.f32 v5, v55;
	v7 =	vmax.f32 v7, v56  }
0xea: {  	v41 =	vld [tilespmem:s29+$0x41D0];
	v4 =	vmax.f32 v4, v46;
	v5 =	vmax.f32 v5, v47;
	v7 =	vmax.f32 v7, v48  }
0xeb: {  	v42 =	vld [tilespmem:s29+$0x41F0];
	v4 =	vmax.f32 v4, v37;
	v5 =	vmax.f32 v5, v38;
	v7 =	vmax.f32 v7, v39  }
0xec: {  	v37 =	vld [tilespmem:s29+$0x4390];
	v31 =	vmax.f32 v4, v24;
	v32 =	vmax.f32 v5, v26;
	v33 =	vmax.f32 v7, v27  }
0xed: {  	v4 =	vmax.f32 v25, v8;
	v3 =	vmax.f32 v23, v3;
	v5 =	vmax.f32 v30, v6;
	v6 =	vld [tilespmem:s29+$0x43B0]  }
0xee: {  	v1 =	vmax.f32 v4, v1;
	v2 =	vmax.f32 v3, v2;
	v3 =	vmax.f32 v5, v40;
	v4 =	vld [tilespmem:s29+$0x43D0]  }
0xef: {  	v1 =	vmax.f32 v1, v36;
	v0 =	vmax.f32 v2, v0;
	v3 =	vmax.f32 v3, v41;
	v5 =	vld [tilespmem:s29+$0x43F0];
	s29 =	sshra.s32 s30, $0x2  }
0xf0: {  	v1 =	vmax.f32 v1, v45;
	v0 =	vmax.f32 v0, v49;
	v2 =	vld [tilespmem:s29+$0x4260];
	v3 =	vmax.f32 v3, v42  }
0xf1: {  	v1 =	vmax.f32 v1, v34;
	v0 =	vmax.f32 v0, v35;
	v8 =	vld [tilespmem:s29+$0x42E0];
	v3 =	vmax.f32 v3, v37  }
0xf2: {  	v1 =	vmax.f32 v1, v28;
	v0 =	vmax.f32 v0, v29;
	v24 =	vld [tilespmem:s29+$0x4360];
	v3 =	vmax.f32 v3, v6  }
0xf3: {  	v1 =	vmax.f32 v1, v19;
	v0 =	vmax.f32 v0, v20;
	v26 =	vld [tilespmem:s29+$0x43E0];
	v3 =	vmax.f32 v3, v4  }
0xf4: {  	v25 =	vmax.f32 v1, v13;
	v23 =	vmax.f32 v0, v14;
	v27 =	vld [tilespmem:s29+$0x4270];
	v30 =	vmax.f32 v3, v5  }
0xf5: {  	v13 =	vld [tilespmem:s29+$0x42F0]  }
0xf6: {  	v14 =	vld [tilespmem:s29+$0x4370]  }
0xf7: {  	v1 =	vld [tilespmem:s29+$0x4240]  }
0xf8: {  	v3 =	vld [tilespmem:s29+$0x42C0]  }
0xf9: {  	v37 =	vld [tilespmem:s29+$0x4340]  }
0xfa: {  	v38 =	vld [tilespmem:s29+$0x43C0]  }
0xfb: {  	v39 =	vld [tilespmem:s29+$0x4250]  }
0xfc: {  	v19 =	vld [tilespmem:s29+$0x42D0]  }
0xfd: {  	v20 =	vld [tilespmem:s29+$0x4350]  }
0xfe: {  	v0 =	vld [tilespmem:s29+$0x4220]  }
0xff: {  	v4 =	vld [tilespmem:s29+$0x42A0]  }
0x100: {  	v46 =	vld [tilespmem:s29+$0x4320]  }
0x101: {  	v47 =	vld [tilespmem:s29+$0x43A0]  }
0x102: {  	v48 =	vld [tilespmem:s29+$0x4230]  }
0x103: {  	v28 =	vld [tilespmem:s29+$0x42B0]  }
0x104: {  	v29 =	vld [tilespmem:s29+$0x4330]  }
0x105: {  	v5 =	vld [tilespmem:s29+$0x4200]  }
0x106: {  	v6 =	vld [tilespmem:s29+$0x4280]  }
0x107: {  	v54 =	vld [tilespmem:s29+$0x4300]  }
0x108: {  	v55 =	vld [tilespmem:s29+$0x4380]  }
0x109: {  	v56 =	vld [tilespmem:s29+$0x4210]  }
0x10a: {  	v34 =	vld [tilespmem:s29+$0x4290]  }
0x10b: {  	v35 =	vld [tilespmem:s29+$0x4310]  }
0x10c: {  	v7 =	vld [tilespmem:s29+$0x4060]  }
0x10d: {  	v36 =	vld [tilespmem:s29+$0x40E0]  }
0x10e: {  	v59 =	vld [tilespmem:s29+$0x4160]  }
0x10f: {  	v60 =	vld [tilespmem:s29+$0x41E0]  }
0x110: {  	v61 =	vld [tilespmem:s29+$0x4070]  }
0x111: {  	v45 =	vld [tilespmem:s29+$0x40F0]  }
0x112: {  	v49 =	vld [tilespmem:s29+$0x4170]  }
0x113: {  	v40 =	vld [tilespmem:s29+$0x4040]  }
0x114: {  	v41 =	vld [tilespmem:s29+$0x40C0]  }
0x115: {  	v42 =	vld [tilespmem:s29+$0x4140]  }
0x116: {  	v43 =	vld [tilespmem:s29+$0x4020]  }
0x117: {  	v44 =	vld [tilespmem:s29+$0x4000]  }
0x118: {  	v50 =	vld [tilespmem:s29+$0x4080]  }
0x119: {  	v51 =	vld [tilespmem:s29+$0x40A0]  }
0x11a: {  	v52 =	vld [tilespmem:s29+$0x41C0]  }
0x11b: {  	v53 =	vld [tilespmem:s29+$0x4050]  }
0x11c: {  	v57 =	vld [tilespmem:s29+$0x4120]  }
0x11d: {  	v22 =	vmax.f32 v22, v44;
	v16 =	vmax.f32 v16, v50;
	v44 =	vld [tilespmem:s29+$0x41A0]  }
0x11e: {  	v22 =	vmax.f32 v22, v43;
	v50 =	vld [tilespmem:s29+$0x4100];
	v16 =	vmax.f32 v16, v51  }
0x11f: {  	v22 =	vmax.f32 v22, v40;
	v43 =	vld [tilespmem:s29+$0x4180];
	v16 =	vmax.f32 v16, v41  }
0x120: {  	v7 =	vmax.f32 v22, v7;
	v40 =	vld [tilespmem:s29+$0x4010];
	v16 =	vmax.f32 v16, v36  }
0x121: {  	v5 =	vmax.f32 v7, v5;
	v41 =	vld [tilespmem:s29+$0x4030];
	v6 =	vmax.f32 v16, v6  }
0x122: {  	v5 =	vmax.f32 v5, v0;
	v36 =	vld [tilespmem:s29+$0x40D0];
	v4 =	vmax.f32 v6, v4  }
.Ltmp1:
0x123: {  	v5 =	vmax.f32 v5, v1;
	v0 =	vld [tilespmem:s29+$0x4150];
	v3 =	vmax.f32 v4, v3;
	(pc) =	sbr.rel @p0 .LBB2_4-.Ltmp1, $4  }
0x124: {  	v22 =	vmax.f32 v5, v2;
	v1 =	vld [tilespmem:s29+$0x40B0];
	v16 =	vmax.f32 v3, v8  }
0x125: {  	v3 =	vmax.f32 v31, v50;
	v4 =	vmax.f32 v32, v43;
	v5 =	vmax.f32 v33, v40;
	v2 =	vld [tilespmem:s29+$0x4130]  }
0x126: {  	v6 =	vmax.f32 v3, v57;
	v7 =	vmax.f32 v4, v44;
	v8 =	vld [tilespmem:s29+$0x4090];
	v31 =	vmax.f32 v5, v41  }
0x127: {  	s30 =	sadd.s32 $0x1000, s30;
	v4 =	vmax.f32 v6, v42;
	v5 =	vmax.f32 v7, v52;
	v3 =	vld [tilespmem:s29+$0x4110];
	v31 =	vmax.f32 v31, v53  }
0x128: {  	v4 =	vmax.f32 v4, v59  }
0x129: {  	v5 =	vmax.f32 v5, v60;
	v7 =	vmax.f32 v31, v61;
	vm3 =	vgt.f32 v9, $-Inf  }
0x12a: {  	vm4 =	vgt.f32 v21, $-Inf;
	vm5 =	vgt.f32 v10, $-Inf;
	vm8 =	vgt.f32 v11, $-Inf  }
0x12b: {  	v6 =	vld [tilespmem:s29+$0x4190];
	v4 =	vmax.f32 v4, v54;
	v5 =	vmax.f32 v5, v55;
	v7 =	vmax.f32 v7, v56  }
0x12c: {  	v62 =	vld [tilespmem:s29+$0x41B0];
	v11 =	vnsel vm8, $0xFF800000, v11;
	v4 =	vmax.f32 v4, v46;
	v5 =	vmax.f32 v5, v47  }
0x12d: {  	v32 =	vld [tilespmem:s29+$0x41D0];
	v7 =	vmax.f32 v7, v48;
	v4 =	vmax.f32 v4, v37;
	v5 =	vmax.f32 v5, v38  }
0x12e: {  	v33 =	vld [tilespmem:s29+$0x41F0];
	v7 =	vmax.f32 v7, v39;
	v8 =	vmax.f32 v25, v8;
	v4 =	vmax.f32 v4, v24  }
0x12f: {  	v63 =	vld [tilespmem:s29+$0x4390];
	v5 =	vmax.f32 v5, v26;
	v7 =	vmax.f32 v7, v27;
	v3 =	vmax.f32 v23, v3  }
0x130: {  	v23 =	vld [tilespmem:s29+$0x43B0];
	v1 =	vmax.f32 v8, v1;
	v8 =	vnsel vm5, $0xFF800000, v10;
	v6 =	vmax.f32 v30, v6  }
0x131: {  	v2 =	vmax.f32 v3, v2;
	v1 =	vmax.f32 v1, v36;
	v3 =	vmax.f32 v6, v62;
	v6 =	vld [tilespmem:s29+$0x43D0]  }
0x132: {  	v0 =	vmax.f32 v2, v0;
	v1 =	vmax.f32 v1, v45;
	v2 =	vmax.f32 v3, v32;
	v3 =	vld [tilespmem:s29+$0x43F0]  }
0x133: {  	v0 =	vmax.f32 v0, v49;
	v1 =	vmax.f32 v1, v34;
	v2 =	vmax.f32 v2, v33  }
0x134: {  	v0 =	vmax.f32 v0, v35;
	v1 =	vmax.f32 v1, v28;
	v2 =	vmax.f32 v2, v63  }
0x135: {  	v0 =	vmax.f32 v0, v29;
	v1 =	vmax.f32 v1, v19;
	v2 =	vmax.f32 v2, v23  }
0x136: {  	v0 =	vmax.f32 v0, v20;
	v1 =	vmax.f32 v1, v13;
	v2 =	vmax.f32 v2, v6  }
0x137: {  	v0 =	vmax.f32 v0, v14;
	v6 =	vnsel vm4, $0xFF800000, v21;
	v2 =	vmax.f32 v2, v3  }
0x138: {  	v3 =	vnsel vm3, $0xFF800000, v9;
	vm3 =	vgt.f32 v15, $-Inf;
	vm5 =	vgt.f32 v7, v6  }
0x139: {  	vm4 =	vgt.f32 v22, v3;
	v9 =	vnsel vm3, $0xFF800000, v15;
	v6 =	vsel vm5, v7, v6  }
0x13a: {  	vm3 =	vgt.f32 v18, $-Inf;
	vm6 =	vmneg vm5;
	v3 =	vsel vm4, v22, v3  }
0x13b: {  	v7 =	vnsel vm3, $0xFF800000, v18;
	vm3 =	vgt.f32 v12, $-Inf;
	vm7 =	veq.f32 v6, v3  }
0x13c: {  	vm8 =	vgt.f32 v1, v9;
	v10 =	vnsel vm3, $0xFF800000, v12;
	vm6 =	vmand vm7, vm6  }
0x13d: {  	vm3 =	vgt.f32 v6, v3;
	vm7 =	vgt.f32 v17, $-Inf;
	vm6 =	vmand vm4, vm6  }
0x13e: {  	vm9 =	vmneg vm8;
	v12 =	vnsel vm7, $0xFF800000, v17;
	v17 =	vld [tilespmem:$0x1FF90];
	vm3 =	vmor vm3, vm6  }
0x13f: {  	v1 =	vsel vm8, v1, v9;
	vm7 =	vgt.f32 v16, v8;
	vm6 =	vmneg vm3  }
0x140: {  	v8 =	vsel vm7, v16, v8;
	vm5 =	vmand vm3, vm5;
	vm4 =	vmand vm6, vm4  }
0x141: {  	v16 =	vimm.s32 $0x0;
	v3 =	vsel vm3, v6, v3;
	vm4 =	vmor vm5, vm4  }
0x142: {  	vm14 =	veq.f32 v1, v8;
	vm15 =	vgt.f32 v1, v8;
	v6 =	vsel vm4, $0x1, v16  }
0x143: {  	vm9 =	vmand vm14, vm9;
	v13 =	vperm.xlane v3, v17;
	v14 =	vperm.xlane v6, v17  }
0x144: {  	v18 =	vld [tilespmem:$0x1FFA0];
	vm5 =	vgt.f32 v0, v10;
	vm9 =	vmand vm7, vm9;
	vm4 =	vgt.f32 v4, v7  }
0x145: {  	vm9 =	vmor vm15, vm9;
	vm3 =	veq.f32 v13, v3;
	vm10 =	vlt.s32 v14, v6  }
0x146: {  	v4 =	vsel vm4, v4, v7;
	vm11 =	vgt.f32 v13, v3;
	vm3 =	vmand vm3, vm10  }
0x147: {  	vm8 =	vmand vm9, vm8;
	v1 =	vsel vm9, v1, v8;
	vm3 =	vmor vm11, vm3  }
0x148: {  	vm10 =	vmneg vm9;
	v3 =	vsel vm3, v13, v3;
	v6 =	vsel vm3, v14, v6  }
0x149: {  	vm7 =	vmand vm10, vm7;
	v7 =	vperm.xlane v3, v18;
	v9 =	vperm.xlane v6, v18  }
0x14a: {  	v19 =	vld [tilespmem:$0x1FFB0];
	v0 =	vsel vm5, v0, v10;
	v10 =	vperm.xlane v1, v17;
	vm7 =	vmor vm8, vm7  }
0x14b: {  	v8 =	vsel vm7, $0x1, v16;
	vm10 =	veq.f32 v7, v3;
	vm12 =	vlt.s32 v9, v6  }
0x14c: {  	v13 =	vperm.xlane v8, v17;
	vm11 =	vgt.f32 v7, v3;
	vm8 =	vmand vm10, vm12  }
0x14d: {  	vm6 =	vmneg vm5;
	vm13 =	vgt.f32 v10, v1;
	vm8 =	vmor vm11, vm8  }
0x14e: {  	vm3 =	vgt.f32 v5, v12;
	vm12 =	vlt.s32 v13, v8;
	v3 =	vsel vm8, v7, v3  }
0x14f: {  	v6 =	vsel vm8, v9, v6;
	vm8 =	veq.f32 v10, v1;
	v7 =	vperm.xlane v3, v19  }
0x150: {  	vm7 =	vgt.f32 v2, v11;
	v15 =	vperm.xlane v6, v19;
	vm8 =	vmand vm8, vm12  }
0x151: {  	v22 =	vld [tilespmem:$0x1FFF0];
	v5 =	vsel vm3, v5, v12;
	vm8 =	vmor vm13, vm8;
	vm14 =	vgt.f32 v7, v3  }
0x152: {  	vm15 =	veq.f32 v7, v3;
	vm12 =	vlt.s32 v15, v6;
	v1 =	vsel vm8, v10, v1  }
0x153: {  	v8 =	vsel vm8, v13, v8;
	vm10 =	vmand vm15, vm12;
	v10 =	vperm.xlane v1, v18  }
0x154: {  	v2 =	vsel vm7, v2, v11;
	v13 =	vperm.xlane v8, v18;
	vm9 =	vmor vm14, vm10  }
0x155: {  	vm8 =	vmneg vm7;
	v9 =	vsel vm9, v7, v3;
	vm10 =	veq.f32 v10, v1  }
0x156: {  	vm11 =	vlt.s32 v13, v8;
	v3 =	vsel vm9, v15, v6;
	v14 =	vperm.xlane v9, v22  }
0x157: {  	vm12 =	vgt.f32 v10, v1;
	vm10 =	vmand vm10, vm11;
	v6 =	vperm.xlane v3, v22  }
0x158: {  	vm13 =	vmor vm12, vm10;
	vm12 =	veq.f32 v0, v4;
	vm10 =	vgt.f32 v14, v9  }
0x159: {  	v1 =	vsel vm13, v10, v1;
	vm11 =	veq.f32 v14, v9;
	v7 =	vsel vm13, v13, v8  }
0x15a: {  	vm9 =	vlt.s32 v6, v3;
	v8 =	vperm.xlane v1, v19;
	v10 =	vperm.xlane v7, v19  }
0x15b: {  	vm6 =	vmand vm12, vm6;
	vm13 =	vgt.f32 v0, v4;
	vm9 =	vmand vm11, vm9  }
0x15c: {  	vm6 =	vmand vm4, vm6;
	vm11 =	veq.f32 v8, v1;
	vm12 =	vlt.s32 v10, v7  }
0x15d: {  	vm14 =	vgt.f32 v8, v1;
	vm11 =	vmand vm11, vm12;
	vm12 =	vmor vm13, vm6  }
0x15e: {  	vm6 =	vmor vm10, vm9;
	vm14 =	vmor vm14, vm11;
	vm15 =	vmneg vm12  }
0x15f: {  	vm5 =	vmand vm12, vm5;
	v0 =	vsel vm12, v0, v4;
	v3 =	vsel vm6, v6, v3  }
0x160: {  	vm12 =	veq.f32 v2, v5;
	v12 =	vsel vm14, v8, v1;
	vm4 =	vmand vm15, vm4  }
0x161: {  	v1 =	vsel vm14, v10, v7;
	v7 =	vperm.xlane v0, v17;
	vm4 =	vmor vm5, vm4  }
0x162: {  	vm8 =	vmand vm12, vm8;
	vm12 =	vgt.f32 v2, v5;
	v4 =	vsel vm4, $0x1, v16  }
0x163: {  	(v2sf) =	vpush v3, $0x0;
	v13 =	vperm.xlane v12, v22;
	v8 =	vperm.xlane v4, v17  }
0x164: {  	v6 =	vperm.xlane v1, v22;
	vm8 =	vmand vm3, vm8;
	vm5 =	vgt.f32 v7, v0  }
0x165: {  	vm13 =	veq.f32 v7, v0;
	vm8 =	vmor vm12, vm8;
	vm14 =	vlt.s32 v8, v4  }
0x166: {  	vm4 =	vgt.f32 v13, v12;
	v2 =	vsel vm8, v2, v5;
	vm15 =	vmand vm13, vm14  }
0x167: {  	vm7 =	vmand vm8, vm7;
	v10 =	vperm.xlane v2, v17;
	vm5 =	vmor vm5, vm15  }
0x168: {  	v0 =	vsel vm5, v7, v0;
	v4 =	vsel vm5, v8, v4;
	vm5 =	vmneg vm8  }
0x169: {  	v7 =	vperm.xlane v0, v18;
	vm3 =	vmand vm5, vm3;
	v8 =	vperm.xlane v4, v18  }
0x16a: {  	vm13 =	veq.f32 v13, v12;
	vm5 =	vlt.s32 v6, v1;
	vm3 =	vmor vm7, vm3  }
0x16b: {  	vm7 =	veq.f32 v7, v0;
	v5 =	vsel vm3, $0x1, v16;
	vm3 =	vlt.s32 v8, v4  }
0x16c: {  	vm8 =	vgt.f32 v7, v0;
	v11 =	vperm.xlane v5, v17;
	vm3 =	vmand vm7, vm3  }
0x16d: {  	vm14 =	vgt.f32 v10, v2;
	vm5 =	vmand vm13, vm5;
	vm3 =	vmor vm8, vm3  }
0x16e: {  	vm7 =	veq.f32 v10, v2;
	vm8 =	vlt.s32 v11, v5;
	v0 =	vsel vm3, v7, v0  }
0x16f: {  	v4 =	vsel vm3, v8, v4;
	vm7 =	vmand vm7, vm8;
	v7 =	vperm.xlane v0, v19  }
0x170: {  	vm5 =	vmor vm4, vm5;
	v8 =	vperm.xlane v4, v19;
	vm3 =	vmor vm14, vm7  }
0x171: {  	v2 =	vsel vm3, v10, v2;
	v5 =	vsel vm3, v11, v5;
	vm4 =	veq.f32 v7, v0  }
0x172: {  	vm7 =	vlt.s32 v8, v4;
	v10 =	vperm.xlane v2, v18;
	v11 =	vperm.xlane v5, v18  }
0x173: {  	v1 =	vsel vm5, v6, v1;
	vm3 =	vgt.f32 v7, v0;
	vm4 =	vmand vm4, vm7  }
0x174: {  	vm3 =	vmor vm3, vm4;
	vm7 =	veq.f32 v10, v2;
	vm8 =	vlt.s32 v11, v5  }
0x175: {  	vm4 =	vgt.f32 v10, v2;
	v15 =	vsel vm3, v7, v0;
	vm7 =	vmand vm7, vm8  }
0x176: {  	v3 =	vsel vm3, v8, v4;
	v16 =	vperm.xlane v15, v22;
	vm4 =	vmor vm4, vm7  }
0x177: {  	v6 =	vperm.xlane v3, v22;
	v0 =	vsel vm4, v10, v2;
	v2 =	vsel vm4, v11, v5  }
0x178: {  	(v2sf) =	vpush v1, $0x1;
	v4 =	vperm.xlane v0, v19;
	v5 =	vperm.xlane v2, v19  }
0x179: {  	vm3 =	veq.f32 v16, v15;
	vm8 =	vlt.s32 v6, v3  }
0x17a: {  	vm3 =	vmand vm3, vm8;
	vm4 =	veq.f32 v4, v0;
	vm7 =	vlt.s32 v5, v2  }
0x17b: {  	vm15 =	vgt.f32 v4, v0;
	vm4 =	vmand vm4, vm7;
	vm7 =	vgt.f32 v16, v15  }
0x17c: {  	vm8 =	vmor vm15, vm4;
	vm4 =	vmor vm7, vm3  }
0x17d: {  	v10 =	vsel vm8, v4, v0;
	v0 =	vsel vm8, v5, v2;
	v1 =	vsel vm4, v6, v3  }
0x17e: {  	v11 =	vperm.xlane v10, v22;
	v2 =	vperm.xlane v0, v22;
	(v2sf) =	vpush v1, $0x2;
	_ =	sdelay $0x1  }
0x17f: {  	vm3 =	veq.f32 v11, v10;
	vm7 =	vlt.s32 v2, v0  }
0x180: {  	s0 =	spop (v2sf);
	vm8 =	vgt.f32 v11, v10;
	vm3 =	vmand vm3, vm7  }
0x181: {  	s1 =	sshll.u32 s0, $0xF;
	vm3 =	vmor vm8, vm3  }
0x182: {  	s1 =	sadd.s32 s4, s1;
	v0 =	vsel vm3, v2, v0  }
0x183: {  	s1 =	sshrl.u32 s1, $0x3;
	(v2sf) =	vpush v0, $0x3  }
0x184: {  	s1 =	sadd.s32 s2, s1  }
0x185: {  	[tilespmem:s19], [sflag:$0x3] =	stream.strided.gather [hbm4b:s1+s18], $0x1000, s15, s18, $0x38;
	[tilespmem:$0xC100] =	vst v63  }
0x186: {  	s31 =	spop (v2sf)  }
0x187: {  	s1 =	sshll.u32 s31, $0xF  }
0x188: {  	s1 =	sadd.s32 s8, s1  }
0x189: {  	s1 =	sshrl.u32 s1, $0x3  }
0x18a: {  	s1 =	sadd.s32 s2, s1  }
0x18b: {  	[tilespmem:s20], [sflag:$0x3] =	stream.strided.gather [hbm4b:s1+s18], $0x1000, s15, s18, $0x38;
	[tilespmem:$0xC100] =	vst v63  }
0x18c: {  	s30 =	spop (v2sf)  }
0x18d: {  	s1 =	sshll.u32 s30, $0xF  }
0x18e: {  	s1 =	sadd.s32 s9, s1  }
0x18f: {  	s1 =	sshrl.u32 s1, $0x3  }
0x190: {  	s1 =	sadd.s32 s2, s1  }
0x191: {  	[tilespmem:s21], [sflag:$0x3] =	stream.strided.gather [hbm4b:s1+s18], $0x1000, s15, s18, $0x38;
	[tilespmem:$0xC100] =	vst v63  }
0x192: {  	s29 =	spop (v2sf)  }
0x193: {  	s1 =	sshll.u32 s29, $0xF  }
0x194: {  	s1 =	sadd.s32 s10, s1  }
0x195: {  	s1 =	sshrl.u32 s1, $0x3  }
0x196: {  	s1 =	sadd.s32 s2, s1  }
0x197: {  	[tilespmem:s22], [sflag:$0x3] =	stream.strided.gather [hbm4b:s1+s18], $0x1000, s15, s18, $0x38;
	[tilespmem:$0xC100] =	vst v63  }
0x198: {  	_ =	swait.ge [sflag:s23], $0x1000  }
0x199: {  	[sflag:s23] =	ssyncset.done $0x0  }
0x19a: {  	s1 =	simm.s32 $0x0;
	[sflag:s23] =	ssyncadd.s32 $0xFFFFF000  }
0x19b: {  	v0 =	vld [tilespmem:s1+$0x8000];
	_ =	sdelay $0x1  }
0x19c: {  	s0 =	sshll.u32 s0, $0xC;
	v7 =	vlaneseq.u32  }
0x19d: {  	v1 =	vimm.s32 $0x7FFFFFFF;
	v2 =	vor.u32 s0, v7;
	v3 =	vld [tilespmem:s1+$0x8010]  }
0x19e: {  	v9 =	vsel vm6, v14, v9;
	vm6 =	vlt.s32 v1, v2  }
0x19f: {  	vm7 =	veq.f32 v0, v9;
	v0 =	vsel vm6, v1, v2  }
0x1a0: {  	v4 =	vld [tilespmem:s1+$0x8020];
	v0 =	vsel vm7, v0, v1;
	v1 =	vadd.s32 $0x10, v2  }
0x1a1: {  	vm6 =	vlt.s32 v0, v1  }
0x1a2: {  	vm7 =	veq.f32 v3, v9;
	v1 =	vsel vm6, v0, v1  }
0x1a3: {  	v3 =	vld [tilespmem:s1+$0x8030];
	v0 =	vsel vm7, v1, v0;
	v1 =	vadd.s32 $0x20, v2  }
0x1a4: {  	vm6 =	vlt.s32 v0, v1  }
0x1a5: {  	vm7 =	veq.f32 v4, v9;
	v1 =	vsel vm6, v0, v1  }
0x1a6: {  	v4 =	vld [tilespmem:s1+$0x8040];
	v0 =	vsel vm7, v1, v0;
	v1 =	vadd.s32 $0x30, v2  }
0x1a7: {  	vm6 =	vlt.s32 v0, v1  }
0x1a8: {  	vm7 =	veq.f32 v3, v9;
	v1 =	vsel vm6, v0, v1  }
0x1a9: {  	v3 =	vld [tilespmem:s1+$0x8050];
	v0 =	vsel vm7, v1, v0;
	v1 =	vadd.s32 $0x40, v2  }
0x1aa: {  	vm6 =	vlt.s32 v0, v1  }
0x1ab: {  	vm7 =	veq.f32 v4, v9;
	v1 =	vsel vm6, v0, v1  }
0x1ac: {  	v4 =	vld [tilespmem:s1+$0x8060];
	v0 =	vsel vm7, v1, v0;
	v1 =	vadd.s32 $0x50, v2  }
0x1ad: {  	vm6 =	vlt.s32 v0, v1  }
0x1ae: {  	vm7 =	veq.f32 v3, v9;
	v1 =	vsel vm6, v0, v1  }
0x1af: {  	v3 =	vadd.s32 $0x60, v2;
	v1 =	vsel vm7, v1, v0;
	v0 =	vld [tilespmem:s1+$0x8070]  }
0x1b0: {  	vm7 =	vlt.s32 v1, v3  }
0x1b1: {  	s0 =	simm.s32 $0x400;
	vm6 =	veq.f32 v4, v9;
	s1 =	simm.s32 $0x80;
	v3 =	vsel vm7, v1, v3  }
.LBB2_6:
0x1b2: {  	p0 =	sne.s32 s0, $0x3E00;
	v4 =	vld [tilespmem:s1+$0x8000];
	v1 =	vsel vm6, v3, v1;
	v3 =	vadd.s32 $0x70, v2  }
0x1b3: {  	vm6 =	vlt.s32 v1, v3  }
0x1b4: {  	vm7 =	veq.f32 v0, v9;
	v0 =	vsel vm6, v1, v3  }
0x1b5: {  	v2 =	vadd.s32 $0x80, v2;
	v3 =	vld [tilespmem:s1+$0x8010];
	v0 =	vsel vm7, v0, v1  }
0x1b6: {  	vm6 =	vlt.s32 v0, v2  }
0x1b7: {  	vm7 =	veq.f32 v4, v9;
	v1 =	vsel vm6, v0, v2  }
0x1b8: {  	v0 =	vsel vm7, v1, v0;
	v1 =	vadd.s32 $0x10, v2;
	v4 =	vld [tilespmem:s1+$0x8020]  }
0x1b9: {  	vm6 =	vlt.s32 v0, v1  }
0x1ba: {  	vm7 =	veq.f32 v3, v9;
	v1 =	vsel vm6, v0, v1  }
0x1bb: {  	v0 =	vsel vm7, v1, v0;
	v1 =	vadd.s32 $0x20, v2;
	v3 =	vld [tilespmem:s1+$0x8030]  }
0x1bc: {  	vm6 =	vlt.s32 v0, v1  }
0x1bd: {  	vm7 =	veq.f32 v4, v9;
	v1 =	vsel vm6, v0, v1  }
0x1be: {  	v0 =	vsel vm7, v1, v0;
	v1 =	vadd.s32 $0x30, v2;
	v4 =	vld [tilespmem:s1+$0x8040]  }
0x1bf: {  	vm6 =	vlt.s32 v0, v1  }
0x1c0: {  	vm7 =	veq.f32 v3, v9;
	v1 =	vsel vm6, v0, v1  }
0x1c1: {  	v0 =	vsel vm7, v1, v0;
	v1 =	vadd.s32 $0x40, v2;
	v3 =	vld [tilespmem:s1+$0x8050]  }
0x1c2: {  	vm6 =	vlt.s32 v0, v1  }
0x1c3: {  	vm7 =	veq.f32 v4, v9;
	v1 =	vsel vm6, v0, v1  }
0x1c4: {  	v0 =	vsel vm7, v1, v0;
	v1 =	vadd.s32 $0x50, v2;
	v4 =	vld [tilespmem:s1+$0x8060]  }
.Ltmp2:
0x1c5: {  	vm6 =	vlt.s32 v0, v1;
	(pc) =	sbr.rel @p0 .LBB2_6-.Ltmp2, $4  }
0x1c6: {  	vm7 =	veq.f32 v3, v9;
	v1 =	vsel vm6, v0, v1  }
0x1c7: {  	v3 =	vadd.s32 $0x60, v2;
	v1 =	vsel vm7, v1, v0;
	v0 =	vld [tilespmem:s1+$0x8070]  }
0x1c8: {  	vm7 =	vlt.s32 v1, v3  }
0x1c9: {  	s1 =	sshra.s32 s0, $0x2;
	s0 =	sadd.s32 $0x200, s0;
	vm6 =	veq.f32 v4, v9;
	v3 =	vsel vm7, v1, v3  }
0x1ca: {  	v4 =	vld [tilespmem:s1+$0x8000];
	v1 =	vsel vm6, v3, v1;
	v3 =	vadd.s32 $0x70, v2  }
0x1cb: {  	vm6 =	vlt.s32 v1, v3  }
0x1cc: {  	vm7 =	veq.f32 v0, v9;
	v0 =	vsel vm6, v1, v3  }
0x1cd: {  	v3 =	vld [tilespmem:s1+$0x8010];
	v0 =	vsel vm7, v0, v1;
	v1 =	vadd.s32 $0x80, v2  }
0x1ce: {  	vm6 =	vlt.s32 v0, v1  }
0x1cf: {  	vm7 =	veq.f32 v4, v9;
	v2 =	vsel vm6, v0, v1  }
0x1d0: {  	v4 =	vld [tilespmem:s1+$0x8020];
	v0 =	vsel vm7, v2, v0;
	v2 =	vadd.s32 $0x10, v1  }
0x1d1: {  	vm6 =	vlt.s32 v0, v2  }
0x1d2: {  	vm7 =	veq.f32 v3, v9;
	v2 =	vsel vm6, v0, v2  }
0x1d3: {  	v3 =	vld [tilespmem:s1+$0x8030];
	v0 =	vsel vm7, v2, v0;
	v2 =	vadd.s32 $0x20, v1  }
0x1d4: {  	vm6 =	vlt.s32 v0, v2  }
0x1d5: {  	vm7 =	veq.f32 v4, v9;
	v2 =	vsel vm6, v0, v2  }
0x1d6: {  	v4 =	vld [tilespmem:s1+$0x8040];
	v0 =	vsel vm7, v2, v0;
	v2 =	vadd.s32 $0x30, v1  }
0x1d7: {  	v5 =	vld [tilespmem:s1+$0x8050];
	vm6 =	vlt.s32 v0, v2  }
0x1d8: {  	v6 =	vld [tilespmem:s1+$0x8070];
	vm7 =	veq.f32 v3, v9;
	v2 =	vsel vm6, v0, v2  }
0x1d9: {  	v3 =	vld [tilespmem:s1+$0x8060];
	_ =	swait.ge [sflag:s23], $0x1000;
	v0 =	vsel vm7, v2, v0;
	v2 =	vadd.s32 $0x40, v1  }
0x1da: {  	[sflag:s23] =	ssyncset.done $0x0;
	vm6 =	vlt.s32 v0, v2  }
0x1db: {  	s0 =	simm.s32 $0x0;
	[sflag:s23] =	ssyncadd.s32 $0xFFFFF000;
	vm7 =	veq.f32 v4, v9;
	v2 =	vsel vm6, v0, v2  }
0x1dc: {  	s31 =	sshll.u32 s31, $0xC;
	v4 =	vld [tilespmem:s0+$0x9000];
	v0 =	vsel vm7, v2, v0;
	v2 =	vadd.s32 $0x50, v1  }
0x1dd: {  	v17 =	vor.u32 s31, v7;
	vm6 =	vlt.s32 v0, v2  }
0x1de: {  	vm7 =	veq.f32 v5, v9;
	v5 =	vld [tilespmem:s0+$0x9010];
	v2 =	vsel vm6, v0, v2;
	vm6 =	veq.f32 v3, v9  }
0x1df: {  	v3 =	vimm.s32 $0x7FFFFFFF;
	v0 =	vsel vm7, v2, v0;
	v2 =	vadd.s32 $0x60, v1  }
0x1e0: {  	v12 =	vsel vm5, v13, v12;
	vm7 =	vlt.s32 v3, v17;
	vm5 =	vlt.s32 v0, v2  }
0x1e1: {  	v8 =	vld [tilespmem:$0x1FFC0];
	v2 =	vsel vm5, v0, v2;
	vm5 =	veq.f32 v4, v12;
	v4 =	vsel vm7, v3, v17  }
0x1e2: {  	v0 =	vsel vm6, v2, v0;
	v2 =	vsel vm5, v4, v3;
	v3 =	vadd.s32 $0x10, v17;
	v4 =	vld [tilespmem:s0+$0x9020]  }
0x1e3: {  	v1 =	vadd.s32 $0x70, v1;
	vm7 =	veq.f32 v5, v12;
	vm6 =	vlt.s32 v2, v3  }
0x1e4: {  	vm5 =	veq.f32 v6, v9;
	v3 =	vsel vm6, v2, v3;
	vm6 =	vlt.s32 v0, v1  }
0x1e5: {  	v5 =	vld [tilespmem:s0+$0x9030];
	v1 =	vsel vm6, v0, v1;
	v2 =	vsel vm7, v3, v2;
	v3 =	vadd.s32 $0x20, v17  }
0x1e6: {  	v20 =	vld [tilespmem:$0x1FFD0];
	v0 =	vsel vm5, v1, v0;
	vm5 =	vlt.s32 v2, v3  }
0x1e7: {  	v1 =	vperm.xlane v0, v8;
	vm6 =	veq.f32 v4, v12;
	v3 =	vsel vm5, v2, v3  }
0x1e8: {  	v2 =	vsel vm6, v3, v2;
	v3 =	vadd.s32 $0x30, v17  }
0x1e9: {  	v4 =	vld [tilespmem:s0+$0x9040];
	vm5 =	vlt.s32 v0, v1;
	vm6 =	vlt.s32 v2, v3  }
0x1ea: {  	v21 =	vld [tilespmem:$0x1FFE0];
	v0 =	vsel vm5, v0, v1;
	vm5 =	veq.f32 v5, v12;
	v1 =	vsel vm6, v2, v3  }
0x1eb: {  	v3 =	vperm.xlane v0, v20;
	v1 =	vsel vm5, v1, v2;
	v2 =	vadd.s32 $0x40, v17  }
0x1ec: {  	v5 =	vld [tilespmem:s0+$0x9050];
	vm5 =	vlt.s32 v1, v2  }
0x1ed: {  	v2 =	vsel vm5, v1, v2;
	vm5 =	vlt.s32 v0, v3  }
0x1ee: {  	vm6 =	veq.f32 v4, v12;
	v0 =	vsel vm5, v0, v3  }
0x1ef: {  	v1 =	vsel vm6, v2, v1;
	v2 =	vadd.s32 $0x50, v17;
	v3 =	vld [tilespmem:s0+$0x9060];
	v4 =	vperm.xlane v0, v21  }
0x1f0: {  	vm5 =	vlt.s32 v1, v2  }
0x1f1: {  	vm6 =	veq.f32 v5, v12;
	v2 =	vsel vm5, v1, v2;
	vm5 =	vlt.s32 v0, v4  }
0x1f2: {  	v1 =	vsel vm6, v2, v1;
	v2 =	vadd.s32 $0x60, v17;
	v13 =	vsel vm5, v0, v4;
	v0 =	vld [tilespmem:s0+$0x9070]  }
0x1f3: {  	vm6 =	vlt.s32 v1, v2  }
0x1f4: {  	s1 =	simm.s32 $0x80;
	s0 =	simm.s32 $0x400;
	v14 =	vperm.xlane v13, v22;
	vm5 =	veq.f32 v3, v12;
	v2 =	vsel vm6, v1, v2  }
.LBB2_8:
0x1f5: {  	p0 =	sne.s32 s0, $0x3E00;
	v3 =	vld [tilespmem:s1+$0x9000];
	v1 =	vsel vm5, v2, v1;
	v2 =	vadd.s32 $0x70, v17  }
0x1f6: {  	vm5 =	vlt.s32 v1, v2  }
0x1f7: {  	vm6 =	veq.f32 v0, v12;
	v0 =	vsel vm5, v1, v2  }
0x1f8: {  	v17 =	vadd.s32 $0x80, v17;
	v2 =	vld [tilespmem:s1+$0x9010];
	v0 =	vsel vm6, v0, v1  }
0x1f9: {  	vm5 =	vlt.s32 v0, v17  }
0x1fa: {  	vm6 =	veq.f32 v3, v12;
	v1 =	vsel vm5, v0, v17  }
0x1fb: {  	v0 =	vsel vm6, v1, v0;
	v1 =	vadd.s32 $0x10, v17;
	v3 =	vld [tilespmem:s1+$0x9020]  }
0x1fc: {  	vm5 =	vlt.s32 v0, v1  }
0x1fd: {  	vm6 =	veq.f32 v2, v12;
	v1 =	vsel vm5, v0, v1  }
0x1fe: {  	v0 =	vsel vm6, v1, v0;
	v1 =	vadd.s32 $0x20, v17;
	v2 =	vld [tilespmem:s1+$0x9030]  }
0x1ff: {  	vm5 =	vlt.s32 v0, v1  }
0x200: {  	vm6 =	veq.f32 v3, v12;
	v1 =	vsel vm5, v0, v1  }
0x201: {  	v0 =	vsel vm6, v1, v0;
	v1 =	vadd.s32 $0x30, v17;
	v3 =	vld [tilespmem:s1+$0x9040]  }
0x202: {  	vm5 =	vlt.s32 v0, v1  }
0x203: {  	vm6 =	veq.f32 v2, v12;
	v1 =	vsel vm5, v0, v1  }
0x204: {  	v0 =	vsel vm6, v1, v0;
	v1 =	vadd.s32 $0x40, v17;
	v2 =	vld [tilespmem:s1+$0x9050]  }
0x205: {  	vm5 =	vlt.s32 v0, v1  }
0x206: {  	vm6 =	veq.f32 v3, v12;
	v1 =	vsel vm5, v0, v1  }
0x207: {  	v0 =	vsel vm6, v1, v0;
	v1 =	vadd.s32 $0x50, v17;
	v3 =	vld [tilespmem:s1+$0x9060]  }
.Ltmp3:
0x208: {  	vm5 =	vlt.s32 v0, v1;
	(pc) =	sbr.rel @p0 .LBB2_8-.Ltmp3, $4  }
0x209: {  	vm6 =	veq.f32 v2, v12;
	v1 =	vsel vm5, v0, v1  }
0x20a: {  	v2 =	vadd.s32 $0x60, v17;
	v1 =	vsel vm6, v1, v0;
	v0 =	vld [tilespmem:s1+$0x9070]  }
0x20b: {  	vm6 =	vlt.s32 v1, v2  }
0x20c: {  	s1 =	sshra.s32 s0, $0x2;
	s0 =	sadd.s32 $0x200, s0;
	vm5 =	veq.f32 v3, v12;
	v2 =	vsel vm6, v1, v2  }
0x20d: {  	v3 =	vld [tilespmem:s1+$0x9000];
	v1 =	vsel vm5, v2, v1;
	v2 =	vadd.s32 $0x70, v17  }
0x20e: {  	vm5 =	vlt.s32 v1, v2  }
0x20f: {  	vm6 =	veq.f32 v0, v12;
	v0 =	vsel vm5, v1, v2  }
0x210: {  	v2 =	vld [tilespmem:s1+$0x9010];
	v0 =	vsel vm6, v0, v1;
	v1 =	vadd.s32 $0x80, v17  }
0x211: {  	vm5 =	vlt.s32 v0, v1  }
0x212: {  	vm6 =	veq.f32 v3, v12;
	v3 =	vsel vm5, v0, v1  }
0x213: {  	v4 =	vld [tilespmem:s1+$0x9020];
	v0 =	vsel vm6, v3, v0;
	v3 =	vadd.s32 $0x10, v1  }
0x214: {  	vm5 =	vlt.s32 v0, v3  }
0x215: {  	vm6 =	veq.f32 v2, v12;
	v2 =	vsel vm5, v0, v3  }
0x216: {  	v3 =	vld [tilespmem:s1+$0x9030];
	v0 =	vsel vm6, v2, v0;
	v2 =	vadd.s32 $0x20, v1  }
0x217: {  	vm5 =	vlt.s32 v0, v2  }
0x218: {  	vm6 =	veq.f32 v4, v12;
	v2 =	vsel vm5, v0, v2  }
0x219: {  	v4 =	vld [tilespmem:s1+$0x9040];
	v0 =	vsel vm6, v2, v0;
	v2 =	vadd.s32 $0x30, v1  }
0x21a: {  	v5 =	vld [tilespmem:s1+$0x9050];
	vm5 =	vlt.s32 v0, v2  }
0x21b: {  	v6 =	vld [tilespmem:s1+$0x9070];
	vm6 =	veq.f32 v3, v12;
	v2 =	vsel vm5, v0, v2  }
0x21c: {  	v3 =	vld [tilespmem:s1+$0x9060];
	_ =	swait.ge [sflag:s23], $0x1000;
	v0 =	vsel vm6, v2, v0;
	v2 =	vadd.s32 $0x40, v1  }
0x21d: {  	[sflag:s23] =	ssyncset.done $0x0;
	vm5 =	vlt.s32 v0, v2  }
0x21e: {  	s0 =	simm.s32 $0x0;
	vm6 =	veq.f32 v4, v12;
	[sflag:s23] =	ssyncadd.s32 $0xFFFFF000;
	v2 =	vsel vm5, v0, v2  }
0x21f: {  	s31 =	sshll.u32 s30, $0xC;
	v4 =	vld [tilespmem:s0+$0xA000];
	v0 =	vsel vm6, v2, v0;
	v2 =	vadd.s32 $0x50, v1  }
0x220: {  	v18 =	vor.u32 s31, v7;
	vm5 =	vlt.s32 v0, v2  }
0x221: {  	vm6 =	veq.f32 v5, v12;
	v5 =	vld [tilespmem:s0+$0xA010];
	v2 =	vsel vm5, v0, v2;
	vm5 =	veq.f32 v3, v12  }
0x222: {  	v3 =	vimm.s32 $0x7FFFFFFF;
	v0 =	vsel vm6, v2, v0;
	v2 =	vadd.s32 $0x60, v1  }
0x223: {  	v15 =	vsel vm4, v16, v15;
	vm6 =	vlt.s32 v3, v18;
	vm4 =	vlt.s32 v0, v2  }
0x224: {  	v2 =	vsel vm4, v0, v2;
	vm4 =	veq.f32 v4, v15;
	v4 =	vsel vm6, v3, v18  }
0x225: {  	v0 =	vsel vm5, v2, v0;
	v2 =	vsel vm4, v4, v3;
	v3 =	vadd.s32 $0x10, v18;
	v4 =	vld [tilespmem:s0+$0xA020]  }
0x226: {  	v1 =	vadd.s32 $0x70, v1;
	vm6 =	veq.f32 v5, v15;
	vm5 =	vlt.s32 v2, v3  }
0x227: {  	vm4 =	veq.f32 v6, v12;
	v3 =	vsel vm5, v2, v3;
	vm5 =	vlt.s32 v0, v1  }
0x228: {  	v5 =	vld [tilespmem:s0+$0xA030];
	v1 =	vsel vm5, v0, v1;
	v2 =	vsel vm6, v3, v2;
	v3 =	vadd.s32 $0x20, v18  }
0x229: {  	v0 =	vsel vm4, v1, v0;
	vm4 =	vlt.s32 v2, v3  }
0x22a: {  	v1 =	vperm.xlane v0, v8;
	vm5 =	veq.f32 v4, v15;
	v3 =	vsel vm4, v2, v3  }
0x22b: {  	v2 =	vsel vm5, v3, v2;
	v3 =	vadd.s32 $0x30, v18  }
0x22c: {  	v4 =	vld [tilespmem:s0+$0xA040];
	vm4 =	vlt.s32 v0, v1;
	vm5 =	vlt.s32 v2, v3  }
0x22d: {  	v0 =	vsel vm4, v0, v1;
	vm4 =	veq.f32 v5, v15;
	v1 =	vsel vm5, v2, v3  }
0x22e: {  	v3 =	vperm.xlane v0, v20;
	v1 =	vsel vm4, v1, v2;
	v2 =	vadd.s32 $0x40, v18  }
0x22f: {  	v5 =	vld [tilespmem:s0+$0xA050];
	vm4 =	vlt.s32 v1, v2  }
0x230: {  	v2 =	vsel vm4, v1, v2;
	vm4 =	vlt.s32 v0, v3  }
0x231: {  	vm5 =	veq.f32 v4, v15;
	v0 =	vsel vm4, v0, v3  }
0x232: {  	v1 =	vsel vm5, v2, v1;
	v2 =	vadd.s32 $0x50, v18;
	v3 =	vld [tilespmem:s0+$0xA060];
	v4 =	vperm.xlane v0, v21  }
0x233: {  	vm4 =	vlt.s32 v1, v2  }
0x234: {  	vm5 =	veq.f32 v5, v15;
	v2 =	vsel vm4, v1, v2;
	vm4 =	vlt.s32 v0, v4  }
0x235: {  	v1 =	vsel vm5, v2, v1;
	v2 =	vadd.s32 $0x60, v18;
	v16 =	vsel vm4, v0, v4;
	v0 =	vld [tilespmem:s0+$0xA070]  }
0x236: {  	vm5 =	vlt.s32 v1, v2  }
0x237: {  	s1 =	simm.s32 $0x80;
	s0 =	simm.s32 $0x400;
	v17 =	vperm.xlane v16, v22;
	vm4 =	veq.f32 v3, v15;
	v2 =	vsel vm5, v1, v2  }
.LBB2_10:
0x238: {  	p0 =	sne.s32 s0, $0x3E00;
	v3 =	vld [tilespmem:s1+$0xA000];
	v1 =	vsel vm4, v2, v1;
	v2 =	vadd.s32 $0x70, v18  }
0x239: {  	vm4 =	vlt.s32 v1, v2  }
0x23a: {  	vm5 =	veq.f32 v0, v15;
	v0 =	vsel vm4, v1, v2  }
0x23b: {  	v18 =	vadd.s32 $0x80, v18;
	v2 =	vld [tilespmem:s1+$0xA010];
	v0 =	vsel vm5, v0, v1  }
0x23c: {  	vm4 =	vlt.s32 v0, v18  }
0x23d: {  	vm5 =	veq.f32 v3, v15;
	v1 =	vsel vm4, v0, v18  }
0x23e: {  	v0 =	vsel vm5, v1, v0;
	v1 =	vadd.s32 $0x10, v18;
	v3 =	vld [tilespmem:s1+$0xA020]  }
0x23f: {  	vm4 =	vlt.s32 v0, v1  }
0x240: {  	vm5 =	veq.f32 v2, v15;
	v1 =	vsel vm4, v0, v1  }
0x241: {  	v0 =	vsel vm5, v1, v0;
	v1 =	vadd.s32 $0x20, v18;
	v2 =	vld [tilespmem:s1+$0xA030]  }
0x242: {  	vm4 =	vlt.s32 v0, v1  }
0x243: {  	vm5 =	veq.f32 v3, v15;
	v1 =	vsel vm4, v0, v1  }
0x244: {  	v0 =	vsel vm5, v1, v0;
	v1 =	vadd.s32 $0x30, v18;
	v3 =	vld [tilespmem:s1+$0xA040]  }
0x245: {  	vm4 =	vlt.s32 v0, v1  }
0x246: {  	vm5 =	veq.f32 v2, v15;
	v1 =	vsel vm4, v0, v1  }
0x247: {  	v0 =	vsel vm5, v1, v0;
	v1 =	vadd.s32 $0x40, v18;
	v2 =	vld [tilespmem:s1+$0xA050]  }
0x248: {  	vm4 =	vlt.s32 v0, v1  }
0x249: {  	vm5 =	veq.f32 v3, v15;
	v1 =	vsel vm4, v0, v1  }
0x24a: {  	v0 =	vsel vm5, v1, v0;
	v1 =	vadd.s32 $0x50, v18;
	v3 =	vld [tilespmem:s1+$0xA060]  }
.Ltmp4:
0x24b: {  	vm4 =	vlt.s32 v0, v1;
	(pc) =	sbr.rel @p0 .LBB2_10-.Ltmp4, $4  }
0x24c: {  	vm5 =	veq.f32 v2, v15;
	v1 =	vsel vm4, v0, v1  }
0x24d: {  	v2 =	vadd.s32 $0x60, v18;
	v1 =	vsel vm5, v1, v0;
	v0 =	vld [tilespmem:s1+$0xA070]  }
0x24e: {  	vm5 =	vlt.s32 v1, v2  }
0x24f: {  	s1 =	sshra.s32 s0, $0x2;
	s0 =	sadd.s32 $0x200, s0;
	vm4 =	veq.f32 v3, v15;
	v2 =	vsel vm5, v1, v2  }
0x250: {  	v3 =	vld [tilespmem:s1+$0xA000];
	v1 =	vsel vm4, v2, v1;
	v2 =	vadd.s32 $0x70, v18  }
0x251: {  	vm4 =	vlt.s32 v1, v2  }
0x252: {  	vm5 =	veq.f32 v0, v15;
	v0 =	vsel vm4, v1, v2  }
0x253: {  	v2 =	vld [tilespmem:s1+$0xA010];
	v0 =	vsel vm5, v0, v1;
	v1 =	vadd.s32 $0x80, v18  }
0x254: {  	vm4 =	vlt.s32 v0, v1  }
0x255: {  	vm5 =	veq.f32 v3, v15;
	v3 =	vsel vm4, v0, v1  }
0x256: {  	v4 =	vld [tilespmem:s1+$0xA020];
	v0 =	vsel vm5, v3, v0;
	v3 =	vadd.s32 $0x10, v1  }
0x257: {  	vm4 =	vlt.s32 v0, v3  }
0x258: {  	vm5 =	veq.f32 v2, v15;
	v2 =	vsel vm4, v0, v3  }
0x259: {  	v3 =	vld [tilespmem:s1+$0xA030];
	v0 =	vsel vm5, v2, v0;
	v2 =	vadd.s32 $0x20, v1  }
0x25a: {  	vm4 =	vlt.s32 v0, v2  }
0x25b: {  	vm5 =	veq.f32 v4, v15;
	v2 =	vsel vm4, v0, v2  }
0x25c: {  	v55 =	vld [tilespmem:s1+$0xA040];
	v0 =	vsel vm5, v2, v0;
	v2 =	vadd.s32 $0x30, v1  }
0x25d: {  	v5 =	vld [tilespmem:s1+$0xA050];
	vm4 =	vlt.s32 v0, v2  }
0x25e: {  	v6 =	vld [tilespmem:s1+$0xA070];
	vm5 =	veq.f32 v3, v15;
	v2 =	vsel vm4, v0, v2  }
0x25f: {  	v3 =	vld [tilespmem:s1+$0xA060];
	_ =	swait.ge [sflag:s23], $0x1000;
	v0 =	vsel vm5, v2, v0;
	v2 =	vadd.s32 $0x40, v1  }
0x260: {  	[sflag:s23] =	ssyncset.done $0x0;
	vm4 =	vlt.s32 v0, v2  }
0x261: {  	s0 =	simm.s32 $0x0;
	vm5 =	veq.f32 v55, v15;
	[sflag:s23] =	ssyncadd.s32 $0xFFFFF000;
	v2 =	vsel vm4, v0, v2  }
0x262: {  	s31 =	sshll.u32 s29, $0xC;
	v56 =	vld [tilespmem:s0+$0xB000];
	v0 =	vsel vm5, v2, v0;
	v2 =	vadd.s32 $0x50, v1  }
0x263: {  	v19 =	vor.u32 s31, v7;
	vm4 =	vlt.s32 v0, v2  }
0x264: {  	v57 =	vld [tilespmem:s0+$0xB010];
	vm5 =	veq.f32 v5, v15;
	v2 =	vsel vm4, v0, v2;
	vm4 =	veq.f32 v3, v15  }
0x265: {  	v3 =	vimm.s32 $0x7FFFFFFF;
	v0 =	vsel vm5, v2, v0;
	v2 =	vadd.s32 $0x60, v1  }
0x266: {  	v10 =	vsel vm3, v11, v10;
	vm5 =	vlt.s32 v3, v19;
	vm3 =	vlt.s32 v0, v2  }
0x267: {  	v58 =	vsel vm5, v3, v19;
	v2 =	vsel vm3, v0, v2;
	vm3 =	veq.f32 v56, v10  }
0x268: {  	v59 =	vld [tilespmem:s0+$0xB020];
	v0 =	vsel vm4, v2, v0;
	v2 =	vsel vm3, v58, v3;
	v3 =	vadd.s32 $0x10, v19  }
0x269: {  	v1 =	vadd.s32 $0x70, v1;
	vm5 =	veq.f32 v57, v10;
	vm4 =	vlt.s32 v2, v3  }
0x26a: {  	vm3 =	veq.f32 v6, v15;
	v3 =	vsel vm4, v2, v3;
	vm4 =	vlt.s32 v0, v1  }
0x26b: {  	v60 =	vld [tilespmem:s0+$0xB030];
	v1 =	vsel vm4, v0, v1;
	v2 =	vsel vm5, v3, v2;
	v3 =	vadd.s32 $0x20, v19  }
0x26c: {  	v0 =	vsel vm3, v1, v0;
	vm3 =	vlt.s32 v2, v3  }
0x26d: {  	vm4 =	veq.f32 v59, v10;
	v1 =	vperm.xlane v0, v8;
	v3 =	vsel vm3, v2, v3  }
0x26e: {  	v2 =	vsel vm4, v3, v2;
	v3 =	vadd.s32 $0x30, v19  }
0x26f: {  	v61 =	vld [tilespmem:s0+$0xB040];
	vm3 =	vlt.s32 v0, v1;
	vm4 =	vlt.s32 v2, v3  }
0x270: {  	v0 =	vsel vm3, v0, v1;
	vm3 =	veq.f32 v60, v10;
	v1 =	vsel vm4, v2, v3  }
0x271: {  	v3 =	vperm.xlane v0, v20;
	v1 =	vsel vm3, v1, v2;
	v2 =	vadd.s32 $0x40, v19  }
0x272: {  	v62 =	vld [tilespmem:s0+$0xB050];
	vm3 =	vlt.s32 v1, v2  }
0x273: {  	v2 =	vsel vm3, v1, v2;
	vm3 =	vlt.s32 v0, v3  }
0x274: {  	vm4 =	veq.f32 v61, v10;
	v0 =	vsel vm3, v0, v3  }
0x275: {  	v1 =	vsel vm4, v2, v1;
	v2 =	vadd.s32 $0x50, v19;
	v3 =	vld [tilespmem:s0+$0xB060];
	v63 =	vperm.xlane v0, v21  }
0x276: {  	vm3 =	vlt.s32 v1, v2  }
0x277: {  	vm4 =	veq.f32 v62, v10;
	v2 =	vsel vm3, v1, v2;
	vm3 =	vlt.s32 v0, v63  }
0x278: {  	v1 =	vsel vm4, v2, v1;
	v2 =	vadd.s32 $0x60, v19;
	v11 =	vsel vm3, v0, v63;
	v0 =	vld [tilespmem:s0+$0xB070]  }
0x279: {  	vm4 =	vlt.s32 v1, v2  }
0x27a: {  	s29 =	simm.s32 $0x80;
	s0 =	simm.s32 $0x400;
	v18 =	vperm.xlane v11, v22;
	vm3 =	veq.f32 v3, v10;
	v2 =	vsel vm4, v1, v2  }
.LBB2_12:
0x27b: {  	p0 =	sne.s32 s0, $0x3E00;
	v3 =	vld [tilespmem:s29+$0xB000];
	v1 =	vsel vm3, v2, v1;
	v2 =	vadd.s32 $0x70, v19  }
0x27c: {  	vm3 =	vlt.s32 v1, v2  }
0x27d: {  	vm4 =	veq.f32 v0, v10;
	v0 =	vsel vm3, v1, v2  }
0x27e: {  	v19 =	vadd.s32 $0x80, v19;
	v2 =	vld [tilespmem:s29+$0xB010];
	v0 =	vsel vm4, v0, v1  }
0x27f: {  	vm3 =	vlt.s32 v0, v19  }
0x280: {  	vm4 =	veq.f32 v3, v10;
	v1 =	vsel vm3, v0, v19  }
0x281: {  	v0 =	vsel vm4, v1, v0;
	v1 =	vadd.s32 $0x10, v19;
	v3 =	vld [tilespmem:s29+$0xB020]  }
0x282: {  	vm3 =	vlt.s32 v0, v1  }
0x283: {  	vm4 =	veq.f32 v2, v10;
	v1 =	vsel vm3, v0, v1  }
0x284: {  	v0 =	vsel vm4, v1, v0;
	v1 =	vadd.s32 $0x20, v19;
	v2 =	vld [tilespmem:s29+$0xB030]  }
0x285: {  	vm3 =	vlt.s32 v0, v1  }
0x286: {  	vm4 =	veq.f32 v3, v10;
	v1 =	vsel vm3, v0, v1  }
0x287: {  	v0 =	vsel vm4, v1, v0;
	v1 =	vadd.s32 $0x30, v19;
	v3 =	vld [tilespmem:s29+$0xB040]  }
0x288: {  	vm3 =	vlt.s32 v0, v1  }
0x289: {  	vm4 =	veq.f32 v2, v10;
	v1 =	vsel vm3, v0, v1  }
0x28a: {  	v0 =	vsel vm4, v1, v0;
	v1 =	vadd.s32 $0x40, v19;
	v2 =	vld [tilespmem:s29+$0xB050]  }
0x28b: {  	vm3 =	vlt.s32 v0, v1  }
0x28c: {  	vm4 =	veq.f32 v3, v10;
	v1 =	vsel vm3, v0, v1  }
0x28d: {  	v0 =	vsel vm4, v1, v0;
	v1 =	vadd.s32 $0x50, v19;
	v3 =	vld [tilespmem:s29+$0xB060]  }
.Ltmp5:
0x28e: {  	vm3 =	vlt.s32 v0, v1;
	(pc) =	sbr.rel @p0 .LBB2_12-.Ltmp5, $4  }
0x28f: {  	vm4 =	veq.f32 v2, v10;
	v1 =	vsel vm3, v0, v1  }
0x290: {  	v2 =	vadd.s32 $0x60, v19;
	v1 =	vsel vm4, v1, v0;
	v0 =	vld [tilespmem:s29+$0xB070]  }
0x291: {  	vm4 =	vlt.s32 v1, v2  }
0x292: {  	s29 =	sshra.s32 s0, $0x2;
	s0 =	sadd.s32 $0x200, s0;
	vm3 =	veq.f32 v3, v10;
	v2 =	vsel vm4, v1, v2  }
0x293: {  	v3 =	vld [tilespmem:s29+$0xB000];
	v1 =	vsel vm3, v2, v1;
	v40 =	vadd.s32 $0x70, v19  }
0x294: {  	vm3 =	vlt.s32 v1, v40  }
0x295: {  	vm4 =	veq.f32 v0, v10;
	v41 =	vsel vm3, v1, v40  }
0x296: {  	v42 =	vld [tilespmem:s29+$0xB010];
	v43 =	vadd.s32 $0x80, v19;
	v0 =	vsel vm4, v41, v1  }
0x297: {  	vm3 =	vlt.s32 v0, v43  }
0x298: {  	vm14 =	veq.f32 v3, v10;
	v44 =	vsel vm3, v0, v43  }
0x299: {  	v4 =	vld [tilespmem:s29+$0xB020];
	v45 =	vadd.s32 $0x10, v43;
	v0 =	vsel vm14, v44, v0  }
0x29a: {  	vm3 =	vlt.s32 v0, v45  }
0x29b: {  	vm15 =	veq.f32 v42, v10;
	v46 =	vsel vm3, v0, v45  }
0x29c: {  	v48 =	vld [tilespmem:s29+$0xB030];
	v47 =	vadd.s32 $0x20, v43;
	v0 =	vsel vm15, v46, v0  }
0x29d: {  	vm3 =	vlt.s32 v0, v47  }
0x29e: {  	vm8 =	veq.f32 v4, v10;
	v2 =	vsel vm3, v0, v47  }
0x29f: {  	v50 =	vld [tilespmem:s29+$0xB040];
	v49 =	vadd.s32 $0x30, v43;
	v0 =	vsel vm8, v2, v0  }
0x2a0: {  	vm3 =	vlt.s32 v0, v49  }
0x2a1: {  	vm9 =	veq.f32 v48, v10;
	v2 =	vsel vm3, v0, v49  }
0x2a2: {  	v52 =	vld [tilespmem:s29+$0xB050];
	v51 =	vadd.s32 $0x40, v43;
	v0 =	vsel vm9, v2, v0  }
0x2a3: {  	vm3 =	vlt.s32 v0, v51  }
0x2a4: {  	vm10 =	veq.f32 v50, v10;
	v2 =	vsel vm3, v0, v51  }
0x2a5: {  	v54 =	vld [tilespmem:s29+$0xB060];
	v53 =	vadd.s32 $0x50, v43;
	v0 =	vsel vm10, v2, v0  }
0x2a6: {  	vm3 =	vlt.s32 v0, v53  }
0x2a7: {  	vm11 =	veq.f32 v52, v10;
	v2 =	vsel vm3, v0, v53  }
0x2a8: {  	v56 =	vld [tilespmem:s29+$0xB070];
	v55 =	vadd.s32 $0x60, v43;
	v0 =	vsel vm11, v2, v0  }
0x2a9: {  	vm3 =	vlt.s32 v0, v55  }
0x2aa: {  	vm12 =	veq.f32 v54, v10;
	v2 =	vsel vm3, v0, v55  }
0x2ab: {  	v1 =	vadd.s32 $0x70, v43;
	v0 =	vsel vm12, v2, v0  }
0x2ac: {  	vm3 =	vlt.s32 v0, v1  }
0x2ad: {  	vm13 =	veq.f32 v56, v10;
	v1 =	vsel vm3, v0, v1  }
0x2ae: {  	v0 =	vsel vm13, v1, v0  }
0x2af: {  	v1 =	vperm.xlane v0, v8;
	_ =	sdelay $0x1  }
0x2b0: {  	vm3 =	vlt.s32 v0, v1  }
0x2b1: {  	v0 =	vsel vm3, v0, v1  }
0x2b2: {  	v1 =	vperm.xlane v0, v20;
	_ =	sdelay $0x1  }
0x2b3: {  	vm3 =	vlt.s32 v0, v1  }
0x2b4: {  	v0 =	vsel vm3, v0, v1  }
0x2b5: {  	v1 =	vperm.xlane v0, v21  }
0x2b6: {  	vm3 =	vlt.s32 v13, v14  }
0x2b7: {  	v57 =	vsel vm3, v13, v14;
	vm3 =	vmmov $0x1;
	vm14 =	vlt.s32 v0, v1  }
0x2b8: {  	vm15 =	vlt.s32 v16, v17;
	v58 =	vnsel vm3, $0x0, v9;
	v0 =	vsel vm14, v0, v1  }
0x2b9: {  	v59 =	vnsel vm3, $0x0, v57;
	vm3 =	vlt.s32 v11, v18;
	v61 =	vperm.xlane v0, v22  }
0x2ba: {  	v60 =	vsel vm15, v16, v17;
	v3 =	vsel vm0, v58, v12;
	v62 =	vsel vm3, v11, v18  }
0x2bb: {  	v1 =	vsel vm0, v59, v60;
	v3 =	vsel vm1, v3, v15;
	vm3 =	vlt.s32 v0, v61  }
0x2bc: {  	v1 =	vsel vm1, v1, v62;
	v63 =	vsel vm2, v3, v10;
	v0 =	vsel vm3, v0, v61  }
0x2bd: {  	[tilespmem:$0xC000] =	vst v63;
	v0 =	vsel vm2, v1, v0  }
0x2be: {  	[tilespmem:$0xC080] =	vst v0  }
0x2bf: {  	[hbm4b:s11+s3] =	stream.linear.scatter [tilespmem:s24], [sflag:$0x4], $0x10, $0x38;
	[tilespmem:$0xC100] =	vst v63  }
0x2c0: {  	s28 =	sadd.s32 $0x1, s28;
	_ =	swait.ge [sflag:s25], $0x10  }
0x2c1: {  	p0 =	sne.s32 s28, s13;
	[sflag:s25] =	ssyncset.done $0x0  }
.Ltmp6:
0x2c2: {  	[sflag:s25] =	ssyncadd.s32 $0xFFFFFFF0;
	(pc) =	sbr.rel @p0 .LBB2_1-.Ltmp6, $4  }
0x2c3: {  	[hbm4b:s12+s3] =	stream.linear.scatter [tilespmem:s26], [sflag:$0x4], $0x10, $0x38;
	[tilespmem:$0xC100] =	vst v63  }
0x2c4: {  	_ =	swait.ge [sflag:s25], $0x10  }
0x2c5: {  	[sflag:s25] =	ssyncset.done $0x0  }
0x2c6: {  	[sflag:s25] =	ssyncadd.s32 $0xFFFFFFF0  }
0x2c7: {  	_ =	sfence.sel $0x180000  }
0x2c8: {  	[bflag:$0x0] =	sbarrier.arrive $0xFFFF  }
0x2c9: {  	_ =	strace $0x90000047  }
0x2ca: {  	s0 =	stileid.u32;
	[bflag:$0x2] =	sbarrier.arrive $0xFFFF  }
0x2cb: {  	p0 =	sne.s32 s0, $0x0;
	s0 =	rddreg [dreg:$0x2]  }
0x2cc: {  	s0 =	sadd.s32 @!p0 $0x100000, s0  }
0x2cd: {  	[sflag:s0] =	ssyncadd.tile.s32 @!p0 $0x1;
	_ =	shalt  }
.Lfunc_end2:
_tile_overlayer_lowered:
.L_overlay_start_2:
0x2ce: {  	(tag) =	ssettag $0x2  }
0x2cf: {  	s0 =	rddreg [dreg:$0x0];
	s2 =	stileid.u32  }
0x2d0: {  	s1 =	rddreg [dreg:$0x1];
	p0 =	sne.s32 s2, $0x0  }
0x2d1: {  	s3 =	rddreg [dreg:$0x2];
	[bflag:$0x3] =	sbarrier.arrive $0xFFFF;
	s2 =	simm.s32 @!p0 $0x1C04  }
0x2d2: {  	[timem:s3], [sflag:s2] =	dma.local @!p0 [hbm:s0], s1  }
0x2d3: {  	s0 =	simm.s32 @!p0 $0x4  }
0x2d4: {  	_ =	swait.ge @!p0 [sflag:s0], s1  }
0x2d5: {  	s1 =	ssub.s32 @!p0 $0x0, s1;
	[sflag:s0] =	ssyncset.done @!p0 $0x0  }
0x2d6: {  	[sflag:s0] =	ssyncadd.s32 @!p0 s1  }
0x2d7: {  	[bflag:$0x3] =	sbarrier.arrive $0xFFFF  }
0x2d8: {  	_ =	shalt  }

</sc_bundles>
